<compile_context>
chip_gen: v7x
topology: tpu7x:2x2x1
jax: 0.10.2.dev20260603
libtpu: 0.0.44.dev20260713+nightly
codegen_flags: <defaults>
</compile_context>

<pallas_src>
import jax
import jax.numpy as jnp
from jax import lax
from jax.experimental import pallas as pl
from jax.experimental.pallas import tpu as pltpu
from jax.experimental.pallas import tpu_sc as plsc

B = 16384
H = 50
D = 32
NC, NS = 2, 16
NW = NC * NS
BPW = B // NW
CB = 16
NCH = BPW // CB
HALF = D // 2
HP = 56


UNIT = 512
V_ROWS = 1000000
NUF = V_ROWS // UNIT
TAIL = V_ROWS - NUF * UNIT
KMAX = (NUF + NW - 1) // NW
MPITCH = D + 1


def _tp_body(utv_h, ut16_h, uout_h, win, mid, obuf):
    wid = lax.axis_index("s") * NC + lax.axis_index("c")
    lane = lax.iota(jnp.int32, HALF)

    def do_unit(col0, r0):
        pltpu.sync_copy(utv_h.at[:, pl.ds(col0, UNIT)], win)

        def d_body(d, _):
            for k2 in range(UNIT // HALF):
                vals = win[d, pl.ds(k2 * HALF, HALF)]
                idx = (lane + k2 * HALF) * MPITCH + d
                plsc.store_scatter(mid, [idx], vals)
            return 0

        lax.fori_loop(0, D, d_body, 0)

        def r_body(r, _):
            rb = r * (4 * MPITCH)
            for a in range(4):
                ob = a * D
                obuf[r, pl.ds(ob, HALF)] = mid[pl.ds(rb + a * MPITCH, HALF)]
                obuf[r, pl.ds(ob + HALF, HALF)] = (
                    mid[pl.ds(rb + a * MPITCH + HALF, HALF)])
            return 0

        lax.fori_loop(0, UNIT // 4, r_body, 0)
        pltpu.sync_copy(obuf, uout_h.at[pl.ds(r0, UNIT * D // 128), :])

    def unit_body(k, _):
        u = wid + k * NW

        @pl.when(u < NUF)
        def _():
            do_unit(u * UNIT, u * (UNIT * D // 128))
        return 0

    lax.fori_loop(0, KMAX, unit_body, 0)

    @pl.when(wid == 0)
    def _():
        tr = TAIL * D // 128
        r0 = NUF * (UNIT * D // 128)
        pltpu.sync_copy(ut16_h, obuf.at[pl.ds(0, tr), :])
        pltpu.sync_copy(obuf.at[pl.ds(0, tr), :], uout_h.at[pl.ds(r0, tr), :])


def _transpose_user(utv, ut16):
    mesh = plsc.VectorSubcoreMesh(core_axis_name="c", subcore_axis_name="s",
                                  num_cores=NC, num_subcores=NS)
    f = pl.kernel(
        _tp_body,
        out_type=jax.ShapeDtypeStruct((V_ROWS // 4, 128), jnp.float32),
        mesh=mesh,
        scratch_types=[
            pltpu.VMEM((D, UNIT), jnp.float32),
            pltpu.VMEM((UNIT * MPITCH,), jnp.float32),
            pltpu.VMEM((UNIT * D // 128, 128), jnp.float32),
        ],
        compiler_params=pltpu.CompilerParams(use_tc_tiling_on_sc=True,
                                             needs_layout_passes=False,
                                             disable_bounds_checks=True),
    )
    return f(utv, ut16)


def _sc_body(users_h, seqs_h, pos_h, neg_h, uw_h, iw_h, out_h,
             score_p, score_n,
             s_idx_a, s_idx_b, s_rows_a, s_rows_b,
             u_idx_a, u_idx_b, p_idx_a, p_idx_b, n_idx_a, n_idx_b,
             u_rows_a, u_rows_b, p_rows_a, p_rows_b, n_rows_a, n_rows_b,
             sem_a, sem_b):
    wid = lax.axis_index("s") * NC + lax.axis_index("c")
    base_w = wid * BPW
    lane = lax.iota(jnp.int32, HALF)

    bufs = ((s_idx_a, s_rows_a, u_idx_a, u_rows_a, p_idx_a, p_rows_a,
             n_idx_a, n_rows_a, sem_a),
            (s_idx_b, s_rows_b, u_idx_b, u_rows_b, p_idx_b, p_rows_b,
             n_idx_b, n_rows_b, sem_b))

    def fire(c, buf):
        s_idx, s_rows, u_idx, u_rows, p_idx, p_rows, n_idx, n_rows, sem = buf
        cbase = base_w + c * CB
        pltpu.sync_copy(seqs_h.at[pl.ds(cbase * HP, CB * HP)], s_idx)
        pltpu.sync_copy(users_h.at[pl.ds(cbase, CB)], u_idx)
        pltpu.sync_copy(pos_h.at[pl.ds(cbase, CB)], p_idx)
        pltpu.sync_copy(neg_h.at[pl.ds(cbase, CB)], n_idx)
        pltpu.async_copy(uw_h.at[u_idx], u_rows, sem)
        pltpu.async_copy(iw_h.at[p_idx], p_rows, sem)
        pltpu.async_copy(iw_h.at[n_idx], n_rows, sem)
        for e in range(CB):
            pltpu.async_copy(iw_h.at[s_idx.at[pl.ds(e * HP, H)]],
                             s_rows.at[pl.ds(e * H, H), :], sem)

    def drain(buf):
        s_idx, s_rows, u_idx, u_rows, p_idx, p_rows, n_idx, n_rows, sem = buf
        pltpu.make_async_copy(uw_h.at[u_idx], u_rows, sem).wait()
        pltpu.make_async_copy(iw_h.at[p_idx], p_rows, sem).wait()
        pltpu.make_async_copy(iw_h.at[n_idx], n_rows, sem).wait()
        for e in range(CB):
            pltpu.make_async_copy(iw_h.at[s_idx.at[pl.ds(e * HP, H)]],
                                  s_rows.at[pl.ds(e * H, H), :], sem).wait()

    def compute(c, buf):
        s_idx, s_rows, u_idx, u_rows, p_idx, p_rows, n_idx, n_rows, sem = buf

        def elem_body(l, carry):
            pos_vec, neg_vec = carry
            eb = l * H
            acc0 = s_rows[eb, pl.ds(0, HALF)]
            acc1 = s_rows[eb, pl.ds(HALF, HALF)]
            for j in range(1, H):
                acc0 = acc0 + s_rows[eb + j, pl.ds(0, HALF)]
                acc1 = acc1 + s_rows[eb + j, pl.ds(HALF, HALF)]
            f0 = u_rows[l, pl.ds(0, HALF)] + acc0 * (1.0 / H)
            f1 = u_rows[l, pl.ds(HALF, HALF)] + acc1 * (1.0 / H)
            ps = jnp.sum(f0 * p_rows[l, pl.ds(0, HALF)]
                         + f1 * p_rows[l, pl.ds(HALF, HALF)])
            ns = jnp.sum(f0 * n_rows[l, pl.ds(0, HALF)]
                         + f1 * n_rows[l, pl.ds(HALF, HALF)])
            pos_vec = jnp.where(lane == l, ps, pos_vec)
            neg_vec = jnp.where(lane == l, ns, neg_vec)
            return pos_vec, neg_vec

        z = jnp.zeros((HALF,), jnp.float32)
        pos_vec, neg_vec = lax.fori_loop(0, CB, elem_body, (z, z))
        score_p[pl.ds(c * CB, CB)] = pos_vec
        score_n[pl.ds(c * CB, CB)] = neg_vec

    fire(0, bufs[0])

    def pair_body(cp, _):
        for p in (0, 1):
            c = cp * 2 + p
            cn = lax.rem(c + 1, NCH)
            fire(cn, bufs[1 - p])
            drain(bufs[p])
            compute(c, bufs[p])
        return 0

    lax.fori_loop(0, NCH // 2, pair_body, 0)
    drain(bufs[0])

    pltpu.sync_copy(score_p, out_h.at[0, pl.ds(base_w, BPW)])
    pltpu.sync_copy(score_n, out_h.at[1, pl.ds(base_w, BPW)])


@jax.jit
def _run(users, seqs, posItems, negItems, utv, ut16, emb_item_w):
    emb_user_w = _transpose_user(utv, ut16).reshape(1000000, D)
    mesh = plsc.VectorSubcoreMesh(core_axis_name="c", subcore_axis_name="s",
                                  num_cores=NC, num_subcores=NS)
    f = pl.kernel(
        _sc_body,
        out_type=jax.ShapeDtypeStruct((2, B), jnp.float32),
        mesh=mesh,
        scratch_types=[
            pltpu.VMEM((BPW,), jnp.float32),
            pltpu.VMEM((BPW,), jnp.float32),
            pltpu.VMEM((CB * HP,), jnp.int32),
            pltpu.VMEM((CB * HP,), jnp.int32),
            pltpu.VMEM((CB * H, D), jnp.float32),
            pltpu.VMEM((CB * H, D), jnp.float32),
            pltpu.VMEM((CB,), jnp.int32),
            pltpu.VMEM((CB,), jnp.int32),
            pltpu.VMEM((CB,), jnp.int32),
            pltpu.VMEM((CB,), jnp.int32),
            pltpu.VMEM((CB,), jnp.int32),
            pltpu.VMEM((CB,), jnp.int32),
            pltpu.VMEM((CB, D), jnp.float32),
            pltpu.VMEM((CB, D), jnp.float32),
            pltpu.VMEM((CB, D), jnp.float32),
            pltpu.VMEM((CB, D), jnp.float32),
            pltpu.VMEM((CB, D), jnp.float32),
            pltpu.VMEM((CB, D), jnp.float32),
            pltpu.SemaphoreType.DMA,
            pltpu.SemaphoreType.DMA,
        ],
        compiler_params=pltpu.CompilerParams(use_tc_tiling_on_sc=False,
                                             needs_layout_passes=False),
    )
    return f(users, seqs, posItems, negItems, emb_user_w, emb_item_w)


def kernel(users, seqs, posItems, negItems, emb_user_w, emb_item_w):
    seqs_flat = jnp.pad(seqs, ((0, 0), (0, HP - H))).reshape(-1)
    return _run(users, seqs_flat, posItems, negItems,
                emb_user_w.T,
                emb_user_w[1000000 - TAIL:, :].reshape(TAIL * D // 128, 128),
                emb_item_w)

# --- scband reference (transcript-rebuilt; emitter-appended) ---
"""Pipeline reference for scband-basic-model-14525579395744 (READ-ONLY COPY).

The authoritative reference and input builder live on the scoring server;
editing this copy changes nothing except your own understanding.
"""

import jax, jax.numpy as jnp
import numpy as np

USER_COUNT = 1000000
ITEM_COUNT = 1000000
EMB_SIZE = 32
BATCH = 16384
HIST = 50

def setup_inputs(seed: int = 0) -> dict:
    key = jax.random.key(seed)
    ks = jax.random.split(key, 6)
    users = jax.random.randint(ks[0], (BATCH,), 0, USER_COUNT, dtype=jnp.int64 if jax.config.jax_enable_x64 else jnp.int32).astype(jnp.int32)
    seqs = jax.random.randint(ks[1], (BATCH, HIST), 0, ITEM_COUNT).astype(jnp.int32)
    posItems = jax.random.randint(ks[2], (BATCH,), 0, ITEM_COUNT).astype(jnp.int32)
    negItems = jax.random.randint(ks[3], (BATCH,), 0, ITEM_COUNT).astype(jnp.int32)
    emb_user_w = jax.random.normal(ks[4], (USER_COUNT, EMB_SIZE), dtype=jnp.float32) * 0.1
    emb_item_w = jax.random.normal(ks[5], (ITEM_COUNT, EMB_SIZE), dtype=jnp.float32) * 0.1
    return {"users": users, "seqs": seqs, "posItems": posItems, "negItems": negItems,
            "emb_user_w": emb_user_w, "emb_item_w": emb_item_w}

def reference(users, seqs, posItems, negItems, emb_user_w, emb_item_w):
    # BPR-style forward for the sequential recommender base model:
    # gather user embedding, enrich with mean of history-item embeddings,
    # then score positive and negative items via dot product.
    u = jnp.take(emb_user_w, users, axis=0)                 # [B, D]
    seq_e = jnp.take(emb_item_w, seqs, axis=0)              # [B, L, D]
    u_final = u + seq_e.mean(axis=1)                        # [B, D]
    pos_e = jnp.take(emb_item_w, posItems, axis=0)          # [B, D]
    neg_e = jnp.take(emb_item_w, negItems, axis=0)          # [B, D]
    pos_scores = jnp.sum(u_final * pos_e, axis=-1)          # [B]
    neg_scores = jnp.sum(u_final * neg_e, axis=-1)          # [B]
    return jnp.stack([pos_scores, neg_scores], axis=0)      # [2, B]

if __name__ == "__main__":
    import jax
    _d = setup_inputs()
    print(jax.jit(kernel)(*tuple(_d.values())))

</pallas_src>

<mosaic_0001>
#map = affine_map<(d0, d1) -> (0, 0)>
module attributes {stable_mosaic.version = 14 : i64} {
  func.func @_tp_body(%arg0: i32, %arg1: i32, %arg2: memref<32x1000000xf32, #tpu.memory_space<hbm>>, %arg3: memref<16x128xf32, #tpu.memory_space<hbm>>, %arg4: memref<250000x128xf32, #tpu.memory_space<hbm>>, %arg5: memref<32x512xf32, #tpu.memory_space<vmem>>, %arg6: memref<16896xf32, #tpu.memory_space<vmem>>, %arg7: memref<128x128xf32, #tpu.memory_space<vmem>>) attributes {dimension_semantics = [#tpu.dimension_semantics<core_parallel>, #tpu.dimension_semantics<subcore_parallel>], iteration_bounds = array<i64: 2, 16>, scalar_prefetch = 0 : i64, scratch_operands = 3 : i64, tpu.core_type = #tpu.core_type<sc_vector_subcore>, window_params = [{transform_indices = #map}, {transform_indices = #map}, {transform_indices = #map}]} {
    %mul3A = arith.constant 2 : i32
    %mul3A_0 = arith.muli %arg1, %mul3A : i32
    %add3A = arith.addi %mul3A_0, %arg0 : i32
    %iota3A = tpu.iota {dimensions = array<i32: 0>} : vector<16xi32>
    %scan3A = arith.constant 0 : i32
    %scan3A_1 = arith.constant 0 : i32
    %scan3A_2 = arith.constant 62 : i32
    %scan3A_3 = arith.addi %scan3A_1, %scan3A_2 : i32
    %scan3A_4 = arith.constant 1 : i32
    %scan3A_5 = scf.for %scan3A_9 = %scan3A_1 to %scan3A_3 step %scan3A_4 iter_args(%scan3A_10 = %scan3A) -> (i32)  : i32 {
      %mul3A_11 = arith.constant 32 : i32
      %mul3A_12 = arith.muli %scan3A_9, %mul3A_11 : i32
      %add3A_13 = arith.addi %add3A, %mul3A_12 : i32
      %lt3A = arith.constant 1953 : i32
      %lt3A_14 = arith.cmpi slt, %add3A_13, %lt3A : i32
      %convert_element_type3A_15 = arith.extui %lt3A_14 : i1 to i32
      %cond3A_16 = arith.constant 0 : i32
      %cond3A_17 = arith.cmpi ne, %convert_element_type3A_15, %cond3A_16 : i32
      scf.if %cond3A_17 {
        %mul3A_19 = arith.constant 512 : i32
        %mul3A_20 = arith.muli %add3A_13, %mul3A_19 : i32
        %mul3A_21 = arith.constant 128 : i32
        %mul3A_22 = arith.muli %add3A_13, %mul3A_21 : i32
        "tpu.region"() ({
          %run_scoped3A = tpu.sem_alloc : memref<!tpu.dma_semaphore, #tpu.memory_space<semaphore_mem>>
          %dma_start3A = arith.constant 0 : i32
          %dma_start3A_37 = tpu.memref_slice %arg2[%dma_start3A, %mul3A_20] : memref<32x1000000xf32, #tpu.memory_space<hbm>> -> memref<32x512xf32, #tpu.memory_space<hbm>>
          %dma_start3A_38 = arith.constant 0 : i32
          %dma_start3A_39 = tpu.memref_slice %arg2[%dma_start3A_38, %mul3A_20] : memref<32x1000000xf32, #tpu.memory_space<hbm>> -> memref<32x512xf32, #tpu.memory_space<hbm>>
          tpu.enqueue_dma source(%dma_start3A_39 : memref<32x512xf32, #tpu.memory_space<hbm>>) target(%arg5 : memref<32x512xf32, #tpu.memory_space<vmem>>) target_semaphore(%run_scoped3A : memref<!tpu.dma_semaphore, #tpu.memory_space<semaphore_mem>>)
          %dma_wait3A = arith.constant 0 : i32
          %dma_wait3A_40 = tpu.memref_slice %arg2[%dma_wait3A, %mul3A_20] : memref<32x1000000xf32, #tpu.memory_space<hbm>> -> memref<32x512xf32, #tpu.memory_space<hbm>>
          %dma_wait3A_41 = arith.constant 0 : i32
          %dma_wait3A_42 = tpu.memref_slice %arg2[%dma_wait3A_41, %mul3A_20] : memref<32x1000000xf32, #tpu.memory_space<hbm>> -> memref<32x512xf32, #tpu.memory_space<hbm>>
          tpu.wait_dma2 semaphore(%run_scoped3A : memref<!tpu.dma_semaphore, #tpu.memory_space<semaphore_mem>>) src(%dma_wait3A_42 : memref<32x512xf32, #tpu.memory_space<hbm>>) dst(%arg5 : memref<32x512xf32, #tpu.memory_space<vmem>>)
          tpu.yield
        }) : () -> ()
        %scan3A_23 = arith.constant 0 : i32
        %scan3A_24 = arith.constant 0 : i32
        %scan3A_25 = arith.constant 32 : i32
        %scan3A_26 = arith.addi %scan3A_24, %scan3A_25 : i32
        %scan3A_27 = arith.constant 1 : i32
        %scan3A_28 = scf.for %scan3A_37 = %scan3A_24 to %scan3A_26 step %scan3A_27 iter_args(%scan3A_38 = %scan3A_23) -> (i32)  : i32 {
          %get3A = arith.index_cast %scan3A_37 : i32 to index
          %get3A_39 = arith.constant 0 : index
          %get3A_40 = tpu.vector_load %arg5[%get3A, %get3A_39] {strides = array<i32>} : memref<32x512xf32, #tpu.memory_space<vmem>>, vector<16xf32>,
          %add3A_41 = arith.constant 0 : i32
          %add3A_42 = vector.broadcast %add3A_41 : i32 to vector<16xi32>
          %add3A_43 = arith.addi %iota3A, %add3A_42 : vector<16xi32>
          %mul3A_44 = arith.constant 33 : i32
          %mul3A_45 = vector.broadcast %mul3A_44 : i32 to vector<16xi32>
          %mul3A_46 = arith.muli %add3A_43, %mul3A_45 : vector<16xi32>
          %add3A_47 = vector.broadcast %scan3A_37 : i32 to vector<16xi32>
          %add3A_48 = arith.addi %mul3A_46, %add3A_47 : vector<16xi32>
          tpu.vector_store_idx %arg6[%add3A_48], %get3A_40 : memref<16896xf32, #tpu.memory_space<vmem>>[vector<16xi32>], vector<16xf32>,
          %get3A_49 = arith.index_cast %scan3A_37 : i32 to index
          %get3A_50 = arith.constant 16 : index
          %get3A_51 = tpu.vector_load %arg5[%get3A_49, %get3A_50] {strides = array<i32>} : memref<32x512xf32, #tpu.memory_space<vmem>>, vector<16xf32>,
          %add3A_52 = arith.constant 16 : i32
          %add3A_53 = vector.broadcast %add3A_52 : i32 to vector<16xi32>
          %add3A_54 = arith.addi %iota3A, %add3A_53 : vector<16xi32>
          %mul3A_55 = arith.constant 33 : i32
          %mul3A_56 = vector.broadcast %mul3A_55 : i32 to vector<16xi32>
          %mul3A_57 = arith.muli %add3A_54, %mul3A_56 : vector<16xi32>
          %add3A_58 = vector.broadcast %scan3A_37 : i32 to vector<16xi32>
          %add3A_59 = arith.addi %mul3A_57, %add3A_58 : vector<16xi32>
          tpu.vector_store_idx %arg6[%add3A_59], %get3A_51 : memref<16896xf32, #tpu.memory_space<vmem>>[vector<16xi32>], vector<16xf32>,
          %get3A_60 = arith.index_cast %scan3A_37 : i32 to index
          %get3A_61 = arith.constant 32 : index
          %get3A_62 = tpu.vector_load %arg5[%get3A_60, %get3A_61] {strides = array<i32>} : memref<32x512xf32, #tpu.memory_space<vmem>>, vector<16xf32>,
          %add3A_63 = arith.constant 32 : i32
          %add3A_64 = vector.broadcast %add3A_63 : i32 to vector<16xi32>
          %add3A_65 = arith.addi %iota3A, %add3A_64 : vector<16xi32>
          %mul3A_66 = arith.constant 33 : i32
          %mul3A_67 = vector.broadcast %mul3A_66 : i32 to vector<16xi32>
          %mul3A_68 = arith.muli %add3A_65, %mul3A_67 : vector<16xi32>
          %add3A_69 = vector.broadcast %scan3A_37 : i32 to vector<16xi32>
          %add3A_70 = arith.addi %mul3A_68, %add3A_69 : vector<16xi32>
          tpu.vector_store_idx %arg6[%add3A_70], %get3A_62 : memref<16896xf32, #tpu.memory_space<vmem>>[vector<16xi32>], vector<16xf32>,
          %get3A_71 = arith.index_cast %scan3A_37 : i32 to index
          %get3A_72 = arith.constant 48 : index
          %get3A_73 = tpu.vector_load %arg5[%get3A_71, %get3A_72] {strides = array<i32>} : memref<32x512xf32, #tpu.memory_space<vmem>>, vector<16xf32>,
          %add3A_74 = arith.constant 48 : i32
          %add3A_75 = vector.broadcast %add3A_74 : i32 to vector<16xi32>
          %add3A_76 = arith.addi %iota3A, %add3A_75 : vector<16xi32>
          %mul3A_77 = arith.constant 33 : i32
          %mul3A_78 = vector.broadcast %mul3A_77 : i32 to vector<16xi32>
          %mul3A_79 = arith.muli %add3A_76, %mul3A_78 : vector<16xi32>
          %add3A_80 = vector.broadcast %scan3A_37 : i32 to vector<16xi32>
          %add3A_81 = arith.addi %mul3A_79, %add3A_80 : vector<16xi32>
          tpu.vector_store_idx %arg6[%add3A_81], %get3A_73 : memref<16896xf32, #tpu.memory_space<vmem>>[vector<16xi32>], vector<16xf32>,
          %get3A_82 = arith.index_cast %scan3A_37 : i32 to index
          %get3A_83 = arith.constant 64 : index
          %get3A_84 = tpu.vector_load %arg5[%get3A_82, %get3A_83] {strides = array<i32>} : memref<32x512xf32, #tpu.memory_space<vmem>>, vector<16xf32>,
          %add3A_85 = arith.constant 64 : i32
          %add3A_86 = vector.broadcast %add3A_85 : i32 to vector<16xi32>
          %add3A_87 = arith.addi %iota3A, %add3A_86 : vector<16xi32>
          %mul3A_88 = arith.constant 33 : i32
          %mul3A_89 = vector.broadcast %mul3A_88 : i32 to vector<16xi32>
          %mul3A_90 = arith.muli %add3A_87, %mul3A_89 : vector<16xi32>
          %add3A_91 = vector.broadcast %scan3A_37 : i32 to vector<16xi32>
          %add3A_92 = arith.addi %mul3A_90, %add3A_91 : vector<16xi32>
          tpu.vector_store_idx %arg6[%add3A_92], %get3A_84 : memref<16896xf32, #tpu.memory_space<vmem>>[vector<16xi32>], vector<16xf32>,
          %get3A_93 = arith.index_cast %scan3A_37 : i32 to index
          %get3A_94 = arith.constant 80 : index
          %get3A_95 = tpu.vector_load %arg5[%get3A_93, %get3A_94] {strides = array<i32>} : memref<32x512xf32, #tpu.memory_space<vmem>>, vector<16xf32>,
          %add3A_96 = arith.constant 80 : i32
          %add3A_97 = vector.broadcast %add3A_96 : i32 to vector<16xi32>
          %add3A_98 = arith.addi %iota3A, %add3A_97 : vector<16xi32>
          %mul3A_99 = arith.constant 33 : i32
          %mul3A_100 = vector.broadcast %mul3A_99 : i32 to vector<16xi32>
          %mul3A_101 = arith.muli %add3A_98, %mul3A_100 : vector<16xi32>
          %add3A_102 = vector.broadcast %scan3A_37 : i32 to vector<16xi32>
          %add3A_103 = arith.addi %mul3A_101, %add3A_102 : vector<16xi32>
          tpu.vector_store_idx %arg6[%add3A_103], %get3A_95 : memref<16896xf32, #tpu.memory_space<vmem>>[vector<16xi32>], vector<16xf32>,
          %get3A_104 = arith.index_cast %scan3A_37 : i32 to index
          %get3A_105 = arith.constant 96 : index
          %get3A_106 = tpu.vector_load %arg5[%get3A_104, %get3A_105] {strides = array<i32>} : memref<32x512xf32, #tpu.memory_space<vmem>>, vector<16xf32>,
          %add3A_107 = arith.constant 96 : i32
          %add3A_108 = vector.broadcast %add3A_107 : i32 to vector<16xi32>
          %add3A_109 = arith.addi %iota3A, %add3A_108 : vector<16xi32>
          %mul3A_110 = arith.constant 33 : i32
          %mul3A_111 = vector.broadcast %mul3A_110 : i32 to vector<16xi32>
          %mul3A_112 = arith.muli %add3A_109, %mul3A_111 : vector<16xi32>
          %add3A_113 = vector.broadcast %scan3A_37 : i32 to vector<16xi32>
          %add3A_114 = arith.addi %mul3A_112, %add3A_113 : vector<16xi32>
          tpu.vector_store_idx %arg6[%add3A_114], %get3A_106 : memref<16896xf32, #tpu.memory_space<vmem>>[vector<16xi32>], vector<16xf32>,
          %get3A_115 = arith.index_cast %scan3A_37 : i32 to index
          %get3A_116 = arith.constant 112 : index
          %get3A_117 = tpu.vector_load %arg5[%get3A_115, %get3A_116] {strides = array<i32>} : memref<32x512xf32, #tpu.memory_space<vmem>>, vector<16xf32>,
          %add3A_118 = arith.constant 112 : i32
          %add3A_119 = vector.broadcast %add3A_118 : i32 to vector<16xi32>
          %add3A_120 = arith.addi %iota3A, %add3A_119 : vector<16xi32>
          %mul3A_121 = arith.constant 33 : i32
          %mul3A_122 = vector.broadcast %mul3A_121 : i32 to vector<16xi32>
          %mul3A_123 = arith.muli %add3A_120, %mul3A_122 : vector<16xi32>
          %add3A_124 = vector.broadcast %scan3A_37 : i32 to vector<16xi32>
          %add3A_125 = arith.addi %mul3A_123, %add3A_124 : vector<16xi32>
          tpu.vector_store_idx %arg6[%add3A_125], %get3A_117 : memref<16896xf32, #tpu.memory_space<vmem>>[vector<16xi32>], vector<16xf32>,
          %get3A_126 = arith.index_cast %scan3A_37 : i32 to index
          %get3A_127 = arith.constant 128 : index
          %get3A_128 = tpu.vector_load %arg5[%get3A_126, %get3A_127] {strides = array<i32>} : memref<32x512xf32, #tpu.memory_space<vmem>>, vector<16xf32>,
          %add3A_129 = arith.constant 128 : i32
          %add3A_130 = vector.broadcast %add3A_129 : i32 to vector<16xi32>
          %add3A_131 = arith.addi %iota3A, %add3A_130 : vector<16xi32>
          %mul3A_132 = arith.constant 33 : i32
          %mul3A_133 = vector.broadcast %mul3A_132 : i32 to vector<16xi32>
          %mul3A_134 = arith.muli %add3A_131, %mul3A_133 : vector<16xi32>
          %add3A_135 = vector.broadcast %scan3A_37 : i32 to vector<16xi32>
          %add3A_136 = arith.addi %mul3A_134, %add3A_135 : vector<16xi32>
          tpu.vector_store_idx %arg6[%add3A_136], %get3A_128 : memref<16896xf32, #tpu.memory_space<vmem>>[vector<16xi32>], vector<16xf32>,
          %get3A_137 = arith.index_cast %scan3A_37 : i32 to index
          %get3A_138 = arith.constant 144 : index
          %get3A_139 = tpu.vector_load %arg5[%get3A_137, %get3A_138] {strides = array<i32>} : memref<32x512xf32, #tpu.memory_space<vmem>>, vector<16xf32>,
          %add3A_140 = arith.constant 144 : i32
          %add3A_141 = vector.broadcast %add3A_140 : i32 to vector<16xi32>
          %add3A_142 = arith.addi %iota3A, %add3A_141 : vector<16xi32>
          %mul3A_143 = arith.constant 33 : i32
          %mul3A_144 = vector.broadcast %mul3A_143 : i32 to vector<16xi32>
          %mul3A_145 = arith.muli %add3A_142, %mul3A_144 : vector<16xi32>
          %add3A_146 = vector.broadcast %scan3A_37 : i32 to vector<16xi32>
          %add3A_147 = arith.addi %mul3A_145, %add3A_146 : vector<16xi32>
          tpu.vector_store_idx %arg6[%add3A_147], %get3A_139 : memref<16896xf32, #tpu.memory_space<vmem>>[vector<16xi32>], vector<16xf32>,
          %get3A_148 = arith.index_cast %scan3A_37 : i32 to index
          %get3A_149 = arith.constant 160 : index
          %get3A_150 = tpu.vector_load %arg5[%get3A_148, %get3A_149] {strides = array<i32>} : memref<32x512xf32, #tpu.memory_space<vmem>>, vector<16xf32>,
          %add3A_151 = arith.constant 160 : i32
          %add3A_152 = vector.broadcast %add3A_151 : i32 to vector<16xi32>
          %add3A_153 = arith.addi %iota3A, %add3A_152 : vector<16xi32>
          %mul3A_154 = arith.constant 33 : i32
          %mul3A_155 = vector.broadcast %mul3A_154 : i32 to vector<16xi32>
          %mul3A_156 = arith.muli %add3A_153, %mul3A_155 : vector<16xi32>
          %add3A_157 = vector.broadcast %scan3A_37 : i32 to vector<16xi32>
          %add3A_158 = arith.addi %mul3A_156, %add3A_157 : vector<16xi32>
          tpu.vector_store_idx %arg6[%add3A_158], %get3A_150 : memref<16896xf32, #tpu.memory_space<vmem>>[vector<16xi32>], vector<16xf32>,
          %get3A_159 = arith.index_cast %scan3A_37 : i32 to index
          %get3A_160 = arith.constant 176 : index
          %get3A_161 = tpu.vector_load %arg5[%get3A_159, %get3A_160] {strides = array<i32>} : memref<32x512xf32, #tpu.memory_space<vmem>>, vector<16xf32>,
          %add3A_162 = arith.constant 176 : i32
          %add3A_163 = vector.broadcast %add3A_162 : i32 to vector<16xi32>
          %add3A_164 = arith.addi %iota3A, %add3A_163 : vector<16xi32>
          %mul3A_165 = arith.constant 33 : i32
          %mul3A_166 = vector.broadcast %mul3A_165 : i32 to vector<16xi32>
          %mul3A_167 = arith.muli %add3A_164, %mul3A_166 : vector<16xi32>
          %add3A_168 = vector.broadcast %scan3A_37 : i32 to vector<16xi32>
          %add3A_169 = arith.addi %mul3A_167, %add3A_168 : vector<16xi32>
          tpu.vector_store_idx %arg6[%add3A_169], %get3A_161 : memref<16896xf32, #tpu.memory_space<vmem>>[vector<16xi32>], vector<16xf32>,
          %get3A_170 = arith.index_cast %scan3A_37 : i32 to index
          %get3A_171 = arith.constant 192 : index
          %get3A_172 = tpu.vector_load %arg5[%get3A_170, %get3A_171] {strides = array<i32>} : memref<32x512xf32, #tpu.memory_space<vmem>>, vector<16xf32>,
          %add3A_173 = arith.constant 192 : i32
          %add3A_174 = vector.broadcast %add3A_173 : i32 to vector<16xi32>
          %add3A_175 = arith.addi %iota3A, %add3A_174 : vector<16xi32>
          %mul3A_176 = arith.constant 33 : i32
          %mul3A_177 = vector.broadcast %mul3A_176 : i32 to vector<16xi32>
          %mul3A_178 = arith.muli %add3A_175, %mul3A_177 : vector<16xi32>
          %add3A_179 = vector.broadcast %scan3A_37 : i32 to vector<16xi32>
          %add3A_180 = arith.addi %mul3A_178, %add3A_179 : vector<16xi32>
          tpu.vector_store_idx %arg6[%add3A_180], %get3A_172 : memref<16896xf32, #tpu.memory_space<vmem>>[vector<16xi32>], vector<16xf32>,
          %get3A_181 = arith.index_cast %scan3A_37 : i32 to index
          %get3A_182 = arith.constant 208 : index
          %get3A_183 = tpu.vector_load %arg5[%get3A_181, %get3A_182] {strides = array<i32>} : memref<32x512xf32, #tpu.memory_space<vmem>>, vector<16xf32>,
          %add3A_184 = arith.constant 208 : i32
          %add3A_185 = vector.broadcast %add3A_184 : i32 to vector<16xi32>
          %add3A_186 = arith.addi %iota3A, %add3A_185 : vector<16xi32>
          %mul3A_187 = arith.constant 33 : i32
          %mul3A_188 = vector.broadcast %mul3A_187 : i32 to vector<16xi32>
          %mul3A_189 = arith.muli %add3A_186, %mul3A_188 : vector<16xi32>
          %add3A_190 = vector.broadcast %scan3A_37 : i32 to vector<16xi32>
          %add3A_191 = arith.addi %mul3A_189, %add3A_190 : vector<16xi32>
          tpu.vector_store_idx %arg6[%add3A_191], %get3A_183 : memref<16896xf32, #tpu.memory_space<vmem>>[vector<16xi32>], vector<16xf32>,
          %get3A_192 = arith.index_cast %scan3A_37 : i32 to index
          %get3A_193 = arith.constant 224 : index
          %get3A_194 = tpu.vector_load %arg5[%get3A_192, %get3A_193] {strides = array<i32>} : memref<32x512xf32, #tpu.memory_space<vmem>>, vector<16xf32>,
          %add3A_195 = arith.constant 224 : i32
          %add3A_196 = vector.broadcast %add3A_195 : i32 to vector<16xi32>
          %add3A_197 = arith.addi %iota3A, %add3A_196 : vector<16xi32>
          %mul3A_198 = arith.constant 33 : i32
          %mul3A_199 = vector.broadcast %mul3A_198 : i32 to vector<16xi32>
          %mul3A_200 = arith.muli %add3A_197, %mul3A_199 : vector<16xi32>
          %add3A_201 = vector.broadcast %scan3A_37 : i32 to vector<16xi32>
          %add3A_202 = arith.addi %mul3A_200, %add3A_201 : vector<16xi32>
          tpu.vector_store_idx %arg6[%add3A_202], %get3A_194 : memref<16896xf32, #tpu.memory_space<vmem>>[vector<16xi32>], vector<16xf32>,
          %get3A_203 = arith.index_cast %scan3A_37 : i32 to index
          %get3A_204 = arith.constant 240 : index
          %get3A_205 = tpu.vector_load %arg5[%get3A_203, %get3A_204] {strides = array<i32>} : memref<32x512xf32, #tpu.memory_space<vmem>>, vector<16xf32>,
          %add3A_206 = arith.constant 240 : i32
          %add3A_207 = vector.broadcast %add3A_206 : i32 to vector<16xi32>
          %add3A_208 = arith.addi %iota3A, %add3A_207 : vector<16xi32>
          %mul3A_209 = arith.constant 33 : i32
          %mul3A_210 = vector.broadcast %mul3A_209 : i32 to vector<16xi32>
          %mul3A_211 = arith.muli %add3A_208, %mul3A_210 : vector<16xi32>
          %add3A_212 = vector.broadcast %scan3A_37 : i32 to vector<16xi32>
          %add3A_213 = arith.addi %mul3A_211, %add3A_212 : vector<16xi32>
          tpu.vector_store_idx %arg6[%add3A_213], %get3A_205 : memref<16896xf32, #tpu.memory_space<vmem>>[vector<16xi32>], vector<16xf32>,
          %get3A_214 = arith.index_cast %scan3A_37 : i32 to index
          %get3A_215 = arith.constant 256 : index
          %get3A_216 = tpu.vector_load %arg5[%get3A_214, %get3A_215] {strides = array<i32>} : memref<32x512xf32, #tpu.memory_space<vmem>>, vector<16xf32>,
          %add3A_217 = arith.constant 256 : i32
          %add3A_218 = vector.broadcast %add3A_217 : i32 to vector<16xi32>
          %add3A_219 = arith.addi %iota3A, %add3A_218 : vector<16xi32>
          %mul3A_220 = arith.constant 33 : i32
          %mul3A_221 = vector.broadcast %mul3A_220 : i32 to vector<16xi32>
          %mul3A_222 = arith.muli %add3A_219, %mul3A_221 : vector<16xi32>
          %add3A_223 = vector.broadcast %scan3A_37 : i32 to vector<16xi32>
          %add3A_224 = arith.addi %mul3A_222, %add3A_223 : vector<16xi32>
          tpu.vector_store_idx %arg6[%add3A_224], %get3A_216 : memref<16896xf32, #tpu.memory_space<vmem>>[vector<16xi32>], vector<16xf32>,
          %get3A_225 = arith.index_cast %scan3A_37 : i32 to index
          %get3A_226 = arith.constant 272 : index
          %get3A_227 = tpu.vector_load %arg5[%get3A_225, %get3A_226] {strides = array<i32>} : memref<32x512xf32, #tpu.memory_space<vmem>>, vector<16xf32>,
          %add3A_228 = arith.constant 272 : i32
          %add3A_229 = vector.broadcast %add3A_228 : i32 to vector<16xi32>
          %add3A_230 = arith.addi %iota3A, %add3A_229 : vector<16xi32>
          %mul3A_231 = arith.constant 33 : i32
          %mul3A_232 = vector.broadcast %mul3A_231 : i32 to vector<16xi32>
          %mul3A_233 = arith.muli %add3A_230, %mul3A_232 : vector<16xi32>
          %add3A_234 = vector.broadcast %scan3A_37 : i32 to vector<16xi32>
          %add3A_235 = arith.addi %mul3A_233, %add3A_234 : vector<16xi32>
          tpu.vector_store_idx %arg6[%add3A_235], %get3A_227 : memref<16896xf32, #tpu.memory_space<vmem>>[vector<16xi32>], vector<16xf32>,
          %get3A_236 = arith.index_cast %scan3A_37 : i32 to index
          %get3A_237 = arith.constant 288 : index
          %get3A_238 = tpu.vector_load %arg5[%get3A_236, %get3A_237] {strides = array<i32>} : memref<32x512xf32, #tpu.memory_space<vmem>>, vector<16xf32>,
          %add3A_239 = arith.constant 288 : i32
          %add3A_240 = vector.broadcast %add3A_239 : i32 to vector<16xi32>
          %add3A_241 = arith.addi %iota3A, %add3A_240 : vector<16xi32>
          %mul3A_242 = arith.constant 33 : i32
          %mul3A_243 = vector.broadcast %mul3A_242 : i32 to vector<16xi32>
          %mul3A_244 = arith.muli %add3A_241, %mul3A_243 : vector<16xi32>
          %add3A_245 = vector.broadcast %scan3A_37 : i32 to vector<16xi32>
          %add3A_246 = arith.addi %mul3A_244, %add3A_245 : vector<16xi32>
          tpu.vector_store_idx %arg6[%add3A_246], %get3A_238 : memref<16896xf32, #tpu.memory_space<vmem>>[vector<16xi32>], vector<16xf32>,
          %get3A_247 = arith.index_cast %scan3A_37 : i32 to index
          %get3A_248 = arith.constant 304 : index
          %get3A_249 = tpu.vector_load %arg5[%get3A_247, %get3A_248] {strides = array<i32>} : memref<32x512xf32, #tpu.memory_space<vmem>>, vector<16xf32>,
          %add3A_250 = arith.constant 304 : i32
          %add3A_251 = vector.broadcast %add3A_250 : i32 to vector<16xi32>
          %add3A_252 = arith.addi %iota3A, %add3A_251 : vector<16xi32>
          %mul3A_253 = arith.constant 33 : i32
          %mul3A_254 = vector.broadcast %mul3A_253 : i32 to vector<16xi32>
          %mul3A_255 = arith.muli %add3A_252, %mul3A_254 : vector<16xi32>
          %add3A_256 = vector.broadcast %scan3A_37 : i32 to vector<16xi32>
          %add3A_257 = arith.addi %mul3A_255, %add3A_256 : vector<16xi32>
          tpu.vector_store_idx %arg6[%add3A_257], %get3A_249 : memref<16896xf32, #tpu.memory_space<vmem>>[vector<16xi32>], vector<16xf32>,
          %get3A_258 = arith.index_cast %scan3A_37 : i32 to index
          %get3A_259 = arith.constant 320 : index
          %get3A_260 = tpu.vector_load %arg5[%get3A_258, %get3A_259] {strides = array<i32>} : memref<32x512xf32, #tpu.memory_space<vmem>>, vector<16xf32>,
          %add3A_261 = arith.constant 320 : i32
          %add3A_262 = vector.broadcast %add3A_261 : i32 to vector<16xi32>
          %add3A_263 = arith.addi %iota3A, %add3A_262 : vector<16xi32>
          %mul3A_264 = arith.constant 33 : i32
          %mul3A_265 = vector.broadcast %mul3A_264 : i32 to vector<16xi32>
          %mul3A_266 = arith.muli %add3A_263, %mul3A_265 : vector<16xi32>
          %add3A_267 = vector.broadcast %scan3A_37 : i32 to vector<16xi32>
          %add3A_268 = arith.addi %mul3A_266, %add3A_267 : vector<16xi32>
          tpu.vector_store_idx %arg6[%add3A_268], %get3A_260 : memref<16896xf32, #tpu.memory_space<vmem>>[vector<16xi32>], vector<16xf32>,
          %get3A_269 = arith.index_cast %scan3A_37 : i32 to index
          %get3A_270 = arith.constant 336 : index
          %get3A_271 = tpu.vector_load %arg5[%get3A_269, %get3A_270] {strides = array<i32>} : memref<32x512xf32, #tpu.memory_space<vmem>>, vector<16xf32>,
          %add3A_272 = arith.constant 336 : i32
          %add3A_273 = vector.broadcast %add3A_272 : i32 to vector<16xi32>
          %add3A_274 = arith.addi %iota3A, %add3A_273 : vector<16xi32>
          %mul3A_275 = arith.constant 33 : i32
          %mul3A_276 = vector.broadcast %mul3A_275 : i32 to vector<16xi32>
          %mul3A_277 = arith.muli %add3A_274, %mul3A_276 : vector<16xi32>
          %add3A_278 = vector.broadcast %scan3A_37 : i32 to vector<16xi32>
          %add3A_279 = arith.addi %mul3A_277, %add3A_278 : vector<16xi32>
          tpu.vector_store_idx %arg6[%add3A_279], %get3A_271 : memref<16896xf32, #tpu.memory_space<vmem>>[vector<16xi32>], vector<16xf32>,
          %get3A_280 = arith.index_cast %scan3A_37 : i32 to index
          %get3A_281 = arith.constant 352 : index
          %get3A_282 = tpu.vector_load %arg5[%get3A_280, %get3A_281] {strides = array<i32>} : memref<32x512xf32, #tpu.memory_space<vmem>>, vector<16xf32>,
          %add3A_283 = arith.constant 352 : i32
          %add3A_284 = vector.broadcast %add3A_283 : i32 to vector<16xi32>
          %add3A_285 = arith.addi %iota3A, %add3A_284 : vector<16xi32>
          %mul3A_286 = arith.constant 33 : i32
          %mul3A_287 = vector.broadcast %mul3A_286 : i32 to vector<16xi32>
          %mul3A_288 = arith.muli %add3A_285, %mul3A_287 : vector<16xi32>
          %add3A_289 = vector.broadcast %scan3A_37 : i32 to vector<16xi32>
          %add3A_290 = arith.addi %mul3A_288, %add3A_289 : vector<16xi32>
          tpu.vector_store_idx %arg6[%add3A_290], %get3A_282 : memref<16896xf32, #tpu.memory_space<vmem>>[vector<16xi32>], vector<16xf32>,
          %get3A_291 = arith.index_cast %scan3A_37 : i32 to index
          %get3A_292 = arith.constant 368 : index
          %get3A_293 = tpu.vector_load %arg5[%get3A_291, %get3A_292] {strides = array<i32>} : memref<32x512xf32, #tpu.memory_space<vmem>>, vector<16xf32>,
          %add3A_294 = arith.constant 368 : i32
          %add3A_295 = vector.broadcast %add3A_294 : i32 to vector<16xi32>
          %add3A_296 = arith.addi %iota3A, %add3A_295 : vector<16xi32>
          %mul3A_297 = arith.constant 33 : i32
          %mul3A_298 = vector.broadcast %mul3A_297 : i32 to vector<16xi32>
          %mul3A_299 = arith.muli %add3A_296, %mul3A_298 : vector<16xi32>
          %add3A_300 = vector.broadcast %scan3A_37 : i32 to vector<16xi32>
          %add3A_301 = arith.addi %mul3A_299, %add3A_300 : vector<16xi32>
          tpu.vector_store_idx %arg6[%add3A_301], %get3A_293 : memref<16896xf32, #tpu.memory_space<vmem>>[vector<16xi32>], vector<16xf32>,
          %get3A_302 = arith.index_cast %scan3A_37 : i32 to index
          %get3A_303 = arith.constant 384 : index
          %get3A_304 = tpu.vector_load %arg5[%get3A_302, %get3A_303] {strides = array<i32>} : memref<32x512xf32, #tpu.memory_space<vmem>>, vector<16xf32>,
          %add3A_305 = arith.constant 384 : i32
          %add3A_306 = vector.broadcast %add3A_305 : i32 to vector<16xi32>
          %add3A_307 = arith.addi %iota3A, %add3A_306 : vector<16xi32>
          %mul3A_308 = arith.constant 33 : i32
          %mul3A_309 = vector.broadcast %mul3A_308 : i32 to vector<16xi32>
          %mul3A_310 = arith.muli %add3A_307, %mul3A_309 : vector<16xi32>
          %add3A_311 = vector.broadcast %scan3A_37 : i32 to vector<16xi32>
          %add3A_312 = arith.addi %mul3A_310, %add3A_311 : vector<16xi32>
          tpu.vector_store_idx %arg6[%add3A_312], %get3A_304 : memref<16896xf32, #tpu.memory_space<vmem>>[vector<16xi32>], vector<16xf32>,
          %get3A_313 = arith.index_cast %scan3A_37 : i32 to index
          %get3A_314 = arith.constant 400 : index
          %get3A_315 = tpu.vector_load %arg5[%get3A_313, %get3A_314] {strides = array<i32>} : memref<32x512xf32, #tpu.memory_space<vmem>>, vector<16xf32>,
          %add3A_316 = arith.constant 400 : i32
          %add3A_317 = vector.broadcast %add3A_316 : i32 to vector<16xi32>
          %add3A_318 = arith.addi %iota3A, %add3A_317 : vector<16xi32>
          %mul3A_319 = arith.constant 33 : i32
          %mul3A_320 = vector.broadcast %mul3A_319 : i32 to vector<16xi32>
          %mul3A_321 = arith.muli %add3A_318, %mul3A_320 : vector<16xi32>
          %add3A_322 = vector.broadcast %scan3A_37 : i32 to vector<16xi32>
          %add3A_323 = arith.addi %mul3A_321, %add3A_322 : vector<16xi32>
          tpu.vector_store_idx %arg6[%add3A_323], %get3A_315 : memref<16896xf32, #tpu.memory_space<vmem>>[vector<16xi32>], vector<16xf32>,
          %get3A_324 = arith.index_cast %scan3A_37 : i32 to index
          %get3A_325 = arith.constant 416 : index
          %get3A_326 = tpu.vector_load %arg5[%get3A_324, %get3A_325] {strides = array<i32>} : memref<32x512xf32, #tpu.memory_space<vmem>>, vector<16xf32>,
          %add3A_327 = arith.constant 416 : i32
          %add3A_328 = vector.broadcast %add3A_327 : i32 to vector<16xi32>
          %add3A_329 = arith.addi %iota3A, %add3A_328 : vector<16xi32>
          %mul3A_330 = arith.constant 33 : i32
          %mul3A_331 = vector.broadcast %mul3A_330 : i32 to vector<16xi32>
          %mul3A_332 = arith.muli %add3A_329, %mul3A_331 : vector<16xi32>
          %add3A_333 = vector.broadcast %scan3A_37 : i32 to vector<16xi32>
          %add3A_334 = arith.addi %mul3A_332, %add3A_333 : vector<16xi32>
          tpu.vector_store_idx %arg6[%add3A_334], %get3A_326 : memref<16896xf32, #tpu.memory_space<vmem>>[vector<16xi32>], vector<16xf32>,
          %get3A_335 = arith.index_cast %scan3A_37 : i32 to index
          %get3A_336 = arith.constant 432 : index
          %get3A_337 = tpu.vector_load %arg5[%get3A_335, %get3A_336] {strides = array<i32>} : memref<32x512xf32, #tpu.memory_space<vmem>>, vector<16xf32>,
          %add3A_338 = arith.constant 432 : i32
          %add3A_339 = vector.broadcast %add3A_338 : i32 to vector<16xi32>
          %add3A_340 = arith.addi %iota3A, %add3A_339 : vector<16xi32>
          %mul3A_341 = arith.constant 33 : i32
          %mul3A_342 = vector.broadcast %mul3A_341 : i32 to vector<16xi32>
          %mul3A_343 = arith.muli %add3A_340, %mul3A_342 : vector<16xi32>
          %add3A_344 = vector.broadcast %scan3A_37 : i32 to vector<16xi32>
          %add3A_345 = arith.addi %mul3A_343, %add3A_344 : vector<16xi32>
          tpu.vector_store_idx %arg6[%add3A_345], %get3A_337 : memref<16896xf32, #tpu.memory_space<vmem>>[vector<16xi32>], vector<16xf32>,
          %get3A_346 = arith.index_cast %scan3A_37 : i32 to index
          %get3A_347 = arith.constant 448 : index
          %get3A_348 = tpu.vector_load %arg5[%get3A_346, %get3A_347] {strides = array<i32>} : memref<32x512xf32, #tpu.memory_space<vmem>>, vector<16xf32>,
          %add3A_349 = arith.constant 448 : i32
          %add3A_350 = vector.broadcast %add3A_349 : i32 to vector<16xi32>
          %add3A_351 = arith.addi %iota3A, %add3A_350 : vector<16xi32>
          %mul3A_352 = arith.constant 33 : i32
          %mul3A_353 = vector.broadcast %mul3A_352 : i32 to vector<16xi32>
          %mul3A_354 = arith.muli %add3A_351, %mul3A_353 : vector<16xi32>
          %add3A_355 = vector.broadcast %scan3A_37 : i32 to vector<16xi32>
          %add3A_356 = arith.addi %mul3A_354, %add3A_355 : vector<16xi32>
          tpu.vector_store_idx %arg6[%add3A_356], %get3A_348 : memref<16896xf32, #tpu.memory_space<vmem>>[vector<16xi32>], vector<16xf32>,
          %get3A_357 = arith.index_cast %scan3A_37 : i32 to index
          %get3A_358 = arith.constant 464 : index
          %get3A_359 = tpu.vector_load %arg5[%get3A_357, %get3A_358] {strides = array<i32>} : memref<32x512xf32, #tpu.memory_space<vmem>>, vector<16xf32>,
          %add3A_360 = arith.constant 464 : i32
          %add3A_361 = vector.broadcast %add3A_360 : i32 to vector<16xi32>
          %add3A_362 = arith.addi %iota3A, %add3A_361 : vector<16xi32>
          %mul3A_363 = arith.constant 33 : i32
          %mul3A_364 = vector.broadcast %mul3A_363 : i32 to vector<16xi32>
          %mul3A_365 = arith.muli %add3A_362, %mul3A_364 : vector<16xi32>
          %add3A_366 = vector.broadcast %scan3A_37 : i32 to vector<16xi32>
          %add3A_367 = arith.addi %mul3A_365, %add3A_366 : vector<16xi32>
          tpu.vector_store_idx %arg6[%add3A_367], %get3A_359 : memref<16896xf32, #tpu.memory_space<vmem>>[vector<16xi32>], vector<16xf32>,
          %get3A_368 = arith.index_cast %scan3A_37 : i32 to index
          %get3A_369 = arith.constant 480 : index
          %get3A_370 = tpu.vector_load %arg5[%get3A_368, %get3A_369] {strides = array<i32>} : memref<32x512xf32, #tpu.memory_space<vmem>>, vector<16xf32>,
          %add3A_371 = arith.constant 480 : i32
          %add3A_372 = vector.broadcast %add3A_371 : i32 to vector<16xi32>
          %add3A_373 = arith.addi %iota3A, %add3A_372 : vector<16xi32>
          %mul3A_374 = arith.constant 33 : i32
          %mul3A_375 = vector.broadcast %mul3A_374 : i32 to vector<16xi32>
          %mul3A_376 = arith.muli %add3A_373, %mul3A_375 : vector<16xi32>
          %add3A_377 = vector.broadcast %scan3A_37 : i32 to vector<16xi32>
          %add3A_378 = arith.addi %mul3A_376, %add3A_377 : vector<16xi32>
          tpu.vector_store_idx %arg6[%add3A_378], %get3A_370 : memref<16896xf32, #tpu.memory_space<vmem>>[vector<16xi32>], vector<16xf32>,
          %get3A_379 = arith.index_cast %scan3A_37 : i32 to index
          %get3A_380 = arith.constant 496 : index
          %get3A_381 = tpu.vector_load %arg5[%get3A_379, %get3A_380] {strides = array<i32>} : memref<32x512xf32, #tpu.memory_space<vmem>>, vector<16xf32>,
          %add3A_382 = arith.constant 496 : i32
          %add3A_383 = vector.broadcast %add3A_382 : i32 to vector<16xi32>
          %add3A_384 = arith.addi %iota3A, %add3A_383 : vector<16xi32>
          %mul3A_385 = arith.constant 33 : i32
          %mul3A_386 = vector.broadcast %mul3A_385 : i32 to vector<16xi32>
          %mul3A_387 = arith.muli %add3A_384, %mul3A_386 : vector<16xi32>
          %add3A_388 = vector.broadcast %scan3A_37 : i32 to vector<16xi32>
          %add3A_389 = arith.addi %mul3A_387, %add3A_388 : vector<16xi32>
          tpu.vector_store_idx %arg6[%add3A_389], %get3A_381 : memref<16896xf32, #tpu.memory_space<vmem>>[vector<16xi32>], vector<16xf32>,
          %scan3A_390 = arith.constant 0 : i32
          scf.yield %scan3A_390 : i32
        }
        %scan3A_29 = arith.constant 32 : i32
        %scan3A_30 = arith.constant 0 : i32
        %scan3A_31 = arith.constant 0 : i32
        %scan3A_32 = arith.constant 128 : i32
        %scan3A_33 = arith.addi %scan3A_31, %scan3A_32 : i32
        %scan3A_34 = arith.constant 1 : i32
        %scan3A_35 = scf.for %scan3A_37 = %scan3A_31 to %scan3A_33 step %scan3A_34 iter_args(%scan3A_38 = %scan3A_30) -> (i32)  : i32 {
          %mul3A_39 = arith.constant 132 : i32
          %mul3A_40 = arith.muli %scan3A_37, %mul3A_39 : i32
          %add3A_41 = arith.constant 0 : i32
          %add3A_42 = arith.addi %mul3A_40, %add3A_41 : i32
          %get3A = arith.index_cast %add3A_42 : i32 to index
          %get3A_43 = tpu.vector_load %arg6[%get3A] {strides = array<i32>} : memref<16896xf32, #tpu.memory_space<vmem>>, vector<16xf32>,
          %swap3A = arith.index_cast %scan3A_37 : i32 to index
          %swap3A_44 = arith.constant 0 : index
          %swap3A_45 = tpu.vector_load %arg7[%swap3A, %swap3A_44] {strides = array<i32>} : memref<128x128xf32, #tpu.memory_space<vmem>>, vector<16xf32>,
          tpu.vector_store %arg7[%swap3A, %swap3A_44], %get3A_43 {strides = array<i32>} : memref<128x128xf32, #tpu.memory_space<vmem>>, vector<16xf32>,
          %add3A_46 = arith.constant 0 : i32
          %add3A_47 = arith.addi %mul3A_40, %add3A_46 : i32
          %add3A_48 = arith.constant 16 : i32
          %add3A_49 = arith.addi %add3A_47, %add3A_48 : i32
          %get3A_50 = arith.index_cast %add3A_49 : i32 to index
          %get3A_51 = tpu.vector_load %arg6[%get3A_50] {strides = array<i32>} : memref<16896xf32, #tpu.memory_space<vmem>>, vector<16xf32>,
          %swap3A_52 = arith.index_cast %scan3A_37 : i32 to index
          %swap3A_53 = arith.constant 16 : index
          %swap3A_54 = tpu.vector_load %arg7[%swap3A_52, %swap3A_53] {strides = array<i32>} : memref<128x128xf32, #tpu.memory_space<vmem>>, vector<16xf32>,
          tpu.vector_store %arg7[%swap3A_52, %swap3A_53], %get3A_51 {strides = array<i32>} : memref<128x128xf32, #tpu.memory_space<vmem>>, vector<16xf32>,
          %add3A_55 = arith.constant 33 : i32
          %add3A_56 = arith.addi %mul3A_40, %add3A_55 : i32
          %get3A_57 = arith.index_cast %add3A_56 : i32 to index
          %get3A_58 = tpu.vector_load %arg6[%get3A_57] {strides = array<i32>} : memref<16896xf32, #tpu.memory_space<vmem>>, vector<16xf32>,
          %swap3A_59 = arith.index_cast %scan3A_37 : i32 to index
          %swap3A_60 = arith.constant 32 : index
          %swap3A_61 = tpu.vector_load %arg7[%swap3A_59, %swap3A_60] {strides = array<i32>} : memref<128x128xf32, #tpu.memory_space<vmem>>, vector<16xf32>,
          tpu.vector_store %arg7[%swap3A_59, %swap3A_60], %get3A_58 {strides = array<i32>} : memref<128x128xf32, #tpu.memory_space<vmem>>, vector<16xf32>,
          %add3A_62 = arith.constant 33 : i32
          %add3A_63 = arith.addi %mul3A_40, %add3A_62 : i32
          %add3A_64 = arith.constant 16 : i32
          %add3A_65 = arith.addi %add3A_63, %add3A_64 : i32
          %get3A_66 = arith.index_cast %add3A_65 : i32 to index
          %get3A_67 = tpu.vector_load %arg6[%get3A_66] {strides = array<i32>} : memref<16896xf32, #tpu.memory_space<vmem>>, vector<16xf32>,
          %swap3A_68 = arith.index_cast %scan3A_37 : i32 to index
          %swap3A_69 = arith.constant 48 : index
          %swap3A_70 = tpu.vector_load %arg7[%swap3A_68, %swap3A_69] {strides = array<i32>} : memref<128x128xf32, #tpu.memory_space<vmem>>, vector<16xf32>,
          tpu.vector_store %arg7[%swap3A_68, %swap3A_69], %get3A_67 {strides = array<i32>} : memref<128x128xf32, #tpu.memory_space<vmem>>, vector<16xf32>,
          %add3A_71 = arith.constant 66 : i32
          %add3A_72 = arith.addi %mul3A_40, %add3A_71 : i32
          %get3A_73 = arith.index_cast %add3A_72 : i32 to index
          %get3A_74 = tpu.vector_load %arg6[%get3A_73] {strides = array<i32>} : memref<16896xf32, #tpu.memory_space<vmem>>, vector<16xf32>,
          %swap3A_75 = arith.index_cast %scan3A_37 : i32 to index
          %swap3A_76 = arith.constant 64 : index
          %swap3A_77 = tpu.vector_load %arg7[%swap3A_75, %swap3A_76] {strides = array<i32>} : memref<128x128xf32, #tpu.memory_space<vmem>>, vector<16xf32>,
          tpu.vector_store %arg7[%swap3A_75, %swap3A_76], %get3A_74 {strides = array<i32>} : memref<128x128xf32, #tpu.memory_space<vmem>>, vector<16xf32>,
          %add3A_78 = arith.constant 66 : i32
          %add3A_79 = arith.addi %mul3A_40, %add3A_78 : i32
          %add3A_80 = arith.constant 16 : i32
          %add3A_81 = arith.addi %add3A_79, %add3A_80 : i32
          %get3A_82 = arith.index_cast %add3A_81 : i32 to index
          %get3A_83 = tpu.vector_load %arg6[%get3A_82] {strides = array<i32>} : memref<16896xf32, #tpu.memory_space<vmem>>, vector<16xf32>,
          %swap3A_84 = arith.index_cast %scan3A_37 : i32 to index
          %swap3A_85 = arith.constant 80 : index
          %swap3A_86 = tpu.vector_load %arg7[%swap3A_84, %swap3A_85] {strides = array<i32>} : memref<128x128xf32, #tpu.memory_space<vmem>>, vector<16xf32>,
          tpu.vector_store %arg7[%swap3A_84, %swap3A_85], %get3A_83 {strides = array<i32>} : memref<128x128xf32, #tpu.memory_space<vmem>>, vector<16xf32>,
          %add3A_87 = arith.constant 99 : i32
          %add3A_88 = arith.addi %mul3A_40, %add3A_87 : i32
          %get3A_89 = arith.index_cast %add3A_88 : i32 to index
          %get3A_90 = tpu.vector_load %arg6[%get3A_89] {strides = array<i32>} : memref<16896xf32, #tpu.memory_space<vmem>>, vector<16xf32>,
          %swap3A_91 = arith.index_cast %scan3A_37 : i32 to index
          %swap3A_92 = arith.constant 96 : index
          %swap3A_93 = tpu.vector_load %arg7[%swap3A_91, %swap3A_92] {strides = array<i32>} : memref<128x128xf32, #tpu.memory_space<vmem>>, vector<16xf32>,
          tpu.vector_store %arg7[%swap3A_91, %swap3A_92], %get3A_90 {strides = array<i32>} : memref<128x128xf32, #tpu.memory_space<vmem>>, vector<16xf32>,
          %add3A_94 = arith.constant 99 : i32
          %add3A_95 = arith.addi %mul3A_40, %add3A_94 : i32
          %add3A_96 = arith.constant 16 : i32
          %add3A_97 = arith.addi %add3A_95, %add3A_96 : i32
          %get3A_98 = arith.index_cast %add3A_97 : i32 to index
          %get3A_99 = tpu.vector_load %arg6[%get3A_98] {strides = array<i32>} : memref<16896xf32, #tpu.memory_space<vmem>>, vector<16xf32>,
          %swap3A_100 = arith.index_cast %scan3A_37 : i32 to index
          %swap3A_101 = arith.constant 112 : index
          %swap3A_102 = tpu.vector_load %arg7[%swap3A_100, %swap3A_101] {strides = array<i32>} : memref<128x128xf32, #tpu.memory_space<vmem>>, vector<16xf32>,
          tpu.vector_store %arg7[%swap3A_100, %swap3A_101], %get3A_99 {strides = array<i32>} : memref<128x128xf32, #tpu.memory_space<vmem>>, vector<16xf32>,
          %scan3A_103 = arith.constant 0 : i32
          scf.yield %scan3A_103 : i32
        }
        %scan3A_36 = arith.constant 128 : i32
        "tpu.region"() ({
          %run_scoped3A = tpu.sem_alloc : memref<!tpu.dma_semaphore, #tpu.memory_space<semaphore_mem>>
          %dma_start3A = arith.constant 0 : i32
          %dma_start3A_37 = tpu.memref_slice %arg4[%mul3A_22, %dma_start3A] : memref<250000x128xf32, #tpu.memory_space<hbm>> -> memref<128x128xf32, #tpu.memory_space<hbm>>
          %dma_start3A_38 = arith.constant 0 : i32
          %dma_start3A_39 = tpu.memref_slice %arg4[%mul3A_22, %dma_start3A_38] : memref<250000x128xf32, #tpu.memory_space<hbm>> -> memref<128x128xf32, #tpu.memory_space<hbm>>
          tpu.enqueue_dma source(%arg7 : memref<128x128xf32, #tpu.memory_space<vmem>>) target(%dma_start3A_39 : memref<128x128xf32, #tpu.memory_space<hbm>>) target_semaphore(%run_scoped3A : memref<!tpu.dma_semaphore, #tpu.memory_space<semaphore_mem>>)
          %dma_wait3A = arith.constant 0 : i32
          %dma_wait3A_40 = tpu.memref_slice %arg4[%mul3A_22, %dma_wait3A] : memref<250000x128xf32, #tpu.memory_space<hbm>> -> memref<128x128xf32, #tpu.memory_space<hbm>>
          %dma_wait3A_41 = arith.constant 0 : i32
          %dma_wait3A_42 = tpu.memref_slice %arg4[%mul3A_22, %dma_wait3A_41] : memref<250000x128xf32, #tpu.memory_space<hbm>> -> memref<128x128xf32, #tpu.memory_space<hbm>>
          tpu.wait_dma2 semaphore(%run_scoped3A : memref<!tpu.dma_semaphore, #tpu.memory_space<semaphore_mem>>) src(%arg7 : memref<128x128xf32, #tpu.memory_space<vmem>>) dst(%dma_wait3A_42 : memref<128x128xf32, #tpu.memory_space<hbm>>)
          tpu.yield
        }) : () -> ()
      } else {
      }
      %scan3A_18 = arith.constant 0 : i32
      scf.yield %scan3A_18 : i32
    }
    %scan3A_6 = arith.constant 62 : i32
    %eq3A = arith.constant 0 : i32
    %eq3A_7 = arith.cmpi eq, %add3A, %eq3A : i32
    %convert_element_type3A = arith.extui %eq3A_7 : i1 to i32
    %cond3A = arith.constant 0 : i32
    %cond3A_8 = arith.cmpi ne, %convert_element_type3A, %cond3A : i32
    scf.if %cond3A_8 {
      "tpu.region"() ({
        %run_scoped3A = tpu.sem_alloc : memref<!tpu.dma_semaphore, #tpu.memory_space<semaphore_mem>>
        %dma_start3A = arith.constant 0 : i32
        %dma_start3A_9 = arith.constant 0 : i32
        %dma_start3A_10 = tpu.memref_slice %arg7[%dma_start3A, %dma_start3A_9] : memref<128x128xf32, #tpu.memory_space<vmem>> -> memref<16x128xf32, #tpu.memory_space<vmem>>
        %dma_start3A_11 = arith.constant 0 : i32
        %dma_start3A_12 = arith.constant 0 : i32
        %dma_start3A_13 = tpu.memref_slice %arg7[%dma_start3A_11, %dma_start3A_12] : memref<128x128xf32, #tpu.memory_space<vmem>> -> memref<16x128xf32, #tpu.memory_space<vmem>>
        tpu.enqueue_dma source(%arg3 : memref<16x128xf32, #tpu.memory_space<hbm>>) target(%dma_start3A_13 : memref<16x128xf32, #tpu.memory_space<vmem>>) target_semaphore(%run_scoped3A : memref<!tpu.dma_semaphore, #tpu.memory_space<semaphore_mem>>)
        %dma_wait3A = arith.constant 0 : i32
        %dma_wait3A_14 = arith.constant 0 : i32
        %dma_wait3A_15 = tpu.memref_slice %arg7[%dma_wait3A, %dma_wait3A_14] : memref<128x128xf32, #tpu.memory_space<vmem>> -> memref<16x128xf32, #tpu.memory_space<vmem>>
        %dma_wait3A_16 = arith.constant 0 : i32
        %dma_wait3A_17 = arith.constant 0 : i32
        %dma_wait3A_18 = tpu.memref_slice %arg7[%dma_wait3A_16, %dma_wait3A_17] : memref<128x128xf32, #tpu.memory_space<vmem>> -> memref<16x128xf32, #tpu.memory_space<vmem>>
        tpu.wait_dma2 semaphore(%run_scoped3A : memref<!tpu.dma_semaphore, #tpu.memory_space<semaphore_mem>>) src(%arg3 : memref<16x128xf32, #tpu.memory_space<hbm>>) dst(%dma_wait3A_18 : memref<16x128xf32, #tpu.memory_space<vmem>>)
        tpu.yield
      }) : () -> ()
      "tpu.region"() ({
        %run_scoped3A = tpu.sem_alloc : memref<!tpu.dma_semaphore, #tpu.memory_space<semaphore_mem>>
        %dma_start3A = arith.constant 0 : i32
        %dma_start3A_9 = arith.constant 0 : i32
        %dma_start3A_10 = tpu.memref_slice %arg7[%dma_start3A, %dma_start3A_9] : memref<128x128xf32, #tpu.memory_space<vmem>> -> memref<16x128xf32, #tpu.memory_space<vmem>>
        %dma_start3A_11 = arith.constant 249984 : i32
        %dma_start3A_12 = arith.constant 0 : i32
        %dma_start3A_13 = tpu.memref_slice %arg4[%dma_start3A_11, %dma_start3A_12] : memref<250000x128xf32, #tpu.memory_space<hbm>> -> memref<16x128xf32, #tpu.memory_space<hbm>>
        %dma_start3A_14 = arith.constant 249984 : i32
        %dma_start3A_15 = arith.constant 0 : i32
        %dma_start3A_16 = tpu.memref_slice %arg4[%dma_start3A_14, %dma_start3A_15] : memref<250000x128xf32, #tpu.memory_space<hbm>> -> memref<16x128xf32, #tpu.memory_space<hbm>>
        %dma_start3A_17 = arith.constant 0 : i32
        %dma_start3A_18 = arith.constant 0 : i32
        %dma_start3A_19 = tpu.memref_slice %arg7[%dma_start3A_17, %dma_start3A_18] : memref<128x128xf32, #tpu.memory_space<vmem>> -> memref<16x128xf32, #tpu.memory_space<vmem>>
        tpu.enqueue_dma source(%dma_start3A_19 : memref<16x128xf32, #tpu.memory_space<vmem>>) target(%dma_start3A_16 : memref<16x128xf32, #tpu.memory_space<hbm>>) target_semaphore(%run_scoped3A : memref<!tpu.dma_semaphore, #tpu.memory_space<semaphore_mem>>)
        %dma_wait3A = arith.constant 0 : i32
        %dma_wait3A_20 = arith.constant 0 : i32
        %dma_wait3A_21 = tpu.memref_slice %arg7[%dma_wait3A, %dma_wait3A_20] : memref<128x128xf32, #tpu.memory_space<vmem>> -> memref<16x128xf32, #tpu.memory_space<vmem>>
        %dma_wait3A_22 = arith.constant 249984 : i32
        %dma_wait3A_23 = arith.constant 0 : i32
        %dma_wait3A_24 = tpu.memref_slice %arg4[%dma_wait3A_22, %dma_wait3A_23] : memref<250000x128xf32, #tpu.memory_space<hbm>> -> memref<16x128xf32, #tpu.memory_space<hbm>>
        %dma_wait3A_25 = arith.constant 249984 : i32
        %dma_wait3A_26 = arith.constant 0 : i32
        %dma_wait3A_27 = tpu.memref_slice %arg4[%dma_wait3A_25, %dma_wait3A_26] : memref<250000x128xf32, #tpu.memory_space<hbm>> -> memref<16x128xf32, #tpu.memory_space<hbm>>
        %dma_wait3A_28 = arith.constant 0 : i32
        %dma_wait3A_29 = arith.constant 0 : i32
        %dma_wait3A_30 = tpu.memref_slice %arg7[%dma_wait3A_28, %dma_wait3A_29] : memref<128x128xf32, #tpu.memory_space<vmem>> -> memref<16x128xf32, #tpu.memory_space<vmem>>
        tpu.wait_dma2 semaphore(%run_scoped3A : memref<!tpu.dma_semaphore, #tpu.memory_space<semaphore_mem>>) src(%dma_wait3A_30 : memref<16x128xf32, #tpu.memory_space<vmem>>) dst(%dma_wait3A_27 : memref<16x128xf32, #tpu.memory_space<hbm>>)
        tpu.yield
      }) : () -> ()
    } else {
    }
    return
  }
}

#map = affine_map<(d0, d1) -> (0)>
#map1 = affine_map<(d0, d1) -> (0, 0)>
module attributes {stable_mosaic.version = 14 : i64} {
  func.func @_sc_body(%arg0: i32, %arg1: i32, %arg2: memref<16384xi32, #tpu.memory_space<hbm>>, %arg3: memref<917504xi32, #tpu.memory_space<hbm>>, %arg4: memref<16384xi32, #tpu.memory_space<hbm>>, %arg5: memref<16384xi32, #tpu.memory_space<hbm>>, %arg6: memref<1000000x32xf32, #tpu.memory_space<hbm>>, %arg7: memref<1000000x32xf32, #tpu.memory_space<hbm>>, %arg8: memref<2x16384xf32, #tpu.memory_space<hbm>>, %arg9: memref<512xf32, #tpu.memory_space<vmem>>, %arg10: memref<512xf32, #tpu.memory_space<vmem>>, %arg11: memref<896xi32, #tpu.memory_space<vmem>>, %arg12: memref<896xi32, #tpu.memory_space<vmem>>, %arg13: memref<800x32xf32, #tpu.memory_space<vmem>>, %arg14: memref<800x32xf32, #tpu.memory_space<vmem>>, %arg15: memref<16xi32, #tpu.memory_space<vmem>>, %arg16: memref<16xi32, #tpu.memory_space<vmem>>, %arg17: memref<16xi32, #tpu.memory_space<vmem>>, %arg18: memref<16xi32, #tpu.memory_space<vmem>>, %arg19: memref<16xi32, #tpu.memory_space<vmem>>, %arg20: memref<16xi32, #tpu.memory_space<vmem>>, %arg21: memref<16x32xf32, #tpu.memory_space<vmem>>, %arg22: memref<16x32xf32, #tpu.memory_space<vmem>>, %arg23: memref<16x32xf32, #tpu.memory_space<vmem>>, %arg24: memref<16x32xf32, #tpu.memory_space<vmem>>, %arg25: memref<16x32xf32, #tpu.memory_space<vmem>>, %arg26: memref<16x32xf32, #tpu.memory_space<vmem>>, %arg27: memref<!tpu.dma_semaphore, #tpu.memory_space<semaphore_mem>>, %arg28: memref<!tpu.dma_semaphore, #tpu.memory_space<semaphore_mem>>) attributes {dimension_semantics = [#tpu.dimension_semantics<core_parallel>, #tpu.dimension_semantics<subcore_parallel>], iteration_bounds = array<i64: 2, 16>, scalar_prefetch = 0 : i64, scratch_operands = 20 : i64, tpu.core_type = #tpu.core_type<sc_vector_subcore>, window_params = [{transform_indices = #map}, {transform_indices = #map}, {transform_indices = #map}, {transform_indices = #map}, {transform_indices = #map1}, {transform_indices = #map1}, {transform_indices = #map1}]} {
    %mul3A = arith.constant 2 : i32
    %mul3A_0 = arith.muli %arg1, %mul3A : i32
    %add3A = arith.addi %mul3A_0, %arg0 : i32
    %mul3A_1 = arith.constant 512 : i32
    %mul3A_2 = arith.muli %add3A, %mul3A_1 : i32
    %iota3A = tpu.iota {dimensions = array<i32: 0>} : vector<16xi32>
    %add3A_3 = arith.constant 0 : i32
    %add3A_4 = arith.addi %mul3A_2, %add3A_3 : i32
    %mul3A_5 = arith.constant 56 : i32
    %mul3A_6 = arith.muli %add3A_4, %mul3A_5 : i32
    "tpu.region"() ({
      %run_scoped3A_286 = tpu.sem_alloc : memref<!tpu.dma_semaphore, #tpu.memory_space<semaphore_mem>>
      %dma_start3A_287 = tpu.memref_slice %arg3[%mul3A_6] : memref<917504xi32, #tpu.memory_space<hbm>> -> memref<896xi32, #tpu.memory_space<hbm>>
      %dma_start3A_288 = tpu.memref_slice %arg3[%mul3A_6] : memref<917504xi32, #tpu.memory_space<hbm>> -> memref<896xi32, #tpu.memory_space<hbm>>
      tpu.enqueue_dma source(%dma_start3A_288 : memref<896xi32, #tpu.memory_space<hbm>>) target(%arg11 : memref<896xi32, #tpu.memory_space<vmem>>) target_semaphore(%run_scoped3A_286 : memref<!tpu.dma_semaphore, #tpu.memory_space<semaphore_mem>>)
      %dma_wait3A_289 = tpu.memref_slice %arg3[%mul3A_6] : memref<917504xi32, #tpu.memory_space<hbm>> -> memref<896xi32, #tpu.memory_space<hbm>>
      %dma_wait3A_290 = tpu.memref_slice %arg3[%mul3A_6] : memref<917504xi32, #tpu.memory_space<hbm>> -> memref<896xi32, #tpu.memory_space<hbm>>
      tpu.wait_dma2 semaphore(%run_scoped3A_286 : memref<!tpu.dma_semaphore, #tpu.memory_space<semaphore_mem>>) src(%dma_wait3A_290 : memref<896xi32, #tpu.memory_space<hbm>>) dst(%arg11 : memref<896xi32, #tpu.memory_space<vmem>>)
      tpu.yield
    }) : () -> ()
    "tpu.region"() ({
      %run_scoped3A_286 = tpu.sem_alloc : memref<!tpu.dma_semaphore, #tpu.memory_space<semaphore_mem>>
      %dma_start3A_287 = tpu.memref_slice %arg2[%add3A_4] : memref<16384xi32, #tpu.memory_space<hbm>> -> memref<16xi32, #tpu.memory_space<hbm>>
      %dma_start3A_288 = tpu.memref_slice %arg2[%add3A_4] : memref<16384xi32, #tpu.memory_space<hbm>> -> memref<16xi32, #tpu.memory_space<hbm>>
      tpu.enqueue_dma source(%dma_start3A_288 : memref<16xi32, #tpu.memory_space<hbm>>) target(%arg15 : memref<16xi32, #tpu.memory_space<vmem>>) target_semaphore(%run_scoped3A_286 : memref<!tpu.dma_semaphore, #tpu.memory_space<semaphore_mem>>)
      %dma_wait3A_289 = tpu.memref_slice %arg2[%add3A_4] : memref<16384xi32, #tpu.memory_space<hbm>> -> memref<16xi32, #tpu.memory_space<hbm>>
      %dma_wait3A_290 = tpu.memref_slice %arg2[%add3A_4] : memref<16384xi32, #tpu.memory_space<hbm>> -> memref<16xi32, #tpu.memory_space<hbm>>
      tpu.wait_dma2 semaphore(%run_scoped3A_286 : memref<!tpu.dma_semaphore, #tpu.memory_space<semaphore_mem>>) src(%dma_wait3A_290 : memref<16xi32, #tpu.memory_space<hbm>>) dst(%arg15 : memref<16xi32, #tpu.memory_space<vmem>>)
      tpu.yield
    }) : () -> ()
    "tpu.region"() ({
      %run_scoped3A_286 = tpu.sem_alloc : memref<!tpu.dma_semaphore, #tpu.memory_space<semaphore_mem>>
      %dma_start3A_287 = tpu.memref_slice %arg4[%add3A_4] : memref<16384xi32, #tpu.memory_space<hbm>> -> memref<16xi32, #tpu.memory_space<hbm>>
      %dma_start3A_288 = tpu.memref_slice %arg4[%add3A_4] : memref<16384xi32, #tpu.memory_space<hbm>> -> memref<16xi32, #tpu.memory_space<hbm>>
      tpu.enqueue_dma source(%dma_start3A_288 : memref<16xi32, #tpu.memory_space<hbm>>) target(%arg17 : memref<16xi32, #tpu.memory_space<vmem>>) target_semaphore(%run_scoped3A_286 : memref<!tpu.dma_semaphore, #tpu.memory_space<semaphore_mem>>)
      %dma_wait3A_289 = tpu.memref_slice %arg4[%add3A_4] : memref<16384xi32, #tpu.memory_space<hbm>> -> memref<16xi32, #tpu.memory_space<hbm>>
      %dma_wait3A_290 = tpu.memref_slice %arg4[%add3A_4] : memref<16384xi32, #tpu.memory_space<hbm>> -> memref<16xi32, #tpu.memory_space<hbm>>
      tpu.wait_dma2 semaphore(%run_scoped3A_286 : memref<!tpu.dma_semaphore, #tpu.memory_space<semaphore_mem>>) src(%dma_wait3A_290 : memref<16xi32, #tpu.memory_space<hbm>>) dst(%arg17 : memref<16xi32, #tpu.memory_space<vmem>>)
      tpu.yield
    }) : () -> ()
    "tpu.region"() ({
      %run_scoped3A_286 = tpu.sem_alloc : memref<!tpu.dma_semaphore, #tpu.memory_space<semaphore_mem>>
      %dma_start3A_287 = tpu.memref_slice %arg5[%add3A_4] : memref<16384xi32, #tpu.memory_space<hbm>> -> memref<16xi32, #tpu.memory_space<hbm>>
      %dma_start3A_288 = tpu.memref_slice %arg5[%add3A_4] : memref<16384xi32, #tpu.memory_space<hbm>> -> memref<16xi32, #tpu.memory_space<hbm>>
      tpu.enqueue_dma source(%dma_start3A_288 : memref<16xi32, #tpu.memory_space<hbm>>) target(%arg19 : memref<16xi32, #tpu.memory_space<vmem>>) target_semaphore(%run_scoped3A_286 : memref<!tpu.dma_semaphore, #tpu.memory_space<semaphore_mem>>)
      %dma_wait3A_289 = tpu.memref_slice %arg5[%add3A_4] : memref<16384xi32, #tpu.memory_space<hbm>> -> memref<16xi32, #tpu.memory_space<hbm>>
      %dma_wait3A_290 = tpu.memref_slice %arg5[%add3A_4] : memref<16384xi32, #tpu.memory_space<hbm>> -> memref<16xi32, #tpu.memory_space<hbm>>
      tpu.wait_dma2 semaphore(%run_scoped3A_286 : memref<!tpu.dma_semaphore, #tpu.memory_space<semaphore_mem>>) src(%dma_wait3A_290 : memref<16xi32, #tpu.memory_space<hbm>>) dst(%arg19 : memref<16xi32, #tpu.memory_space<vmem>>)
      tpu.yield
    }) : () -> ()
    %dma_start3A = arith.constant 0 : i32
    %dma_start3A_7 = arith.constant 0 : i32
    %dma_start3A_8 = tpu.memref_slice %arg6[%dma_start3A, %dma_start3A_7] : memref<1000000x32xf32, #tpu.memory_space<hbm>> -> memref<1000000x32xf32, #tpu.memory_space<hbm>>
    tpu.enqueue_indirect_dma source(%dma_start3A_8 : memref<1000000x32xf32, #tpu.memory_space<hbm>>) target(%arg21 : memref<16x32xf32, #tpu.memory_space<vmem>>) offsets(%arg15 : memref<16xi32, #tpu.memory_space<vmem>>) semaphore(%arg27 : memref<!tpu.dma_semaphore, #tpu.memory_space<semaphore_mem>>)
    %dma_start3A_9 = arith.constant 0 : i32
    %dma_start3A_10 = arith.constant 0 : i32
    %dma_start3A_11 = tpu.memref_slice %arg7[%dma_start3A_9, %dma_start3A_10] : memref<1000000x32xf32, #tpu.memory_space<hbm>> -> memref<1000000x32xf32, #tpu.memory_space<hbm>>
    tpu.enqueue_indirect_dma source(%dma_start3A_11 : memref<1000000x32xf32, #tpu.memory_space<hbm>>) target(%arg23 : memref<16x32xf32, #tpu.memory_space<vmem>>) offsets(%arg17 : memref<16xi32, #tpu.memory_space<vmem>>) semaphore(%arg27 : memref<!tpu.dma_semaphore, #tpu.memory_space<semaphore_mem>>)
    %dma_start3A_12 = arith.constant 0 : i32
    %dma_start3A_13 = arith.constant 0 : i32
    %dma_start3A_14 = tpu.memref_slice %arg7[%dma_start3A_12, %dma_start3A_13] : memref<1000000x32xf32, #tpu.memory_space<hbm>> -> memref<1000000x32xf32, #tpu.memory_space<hbm>>
    tpu.enqueue_indirect_dma source(%dma_start3A_14 : memref<1000000x32xf32, #tpu.memory_space<hbm>>) target(%arg25 : memref<16x32xf32, #tpu.memory_space<vmem>>) offsets(%arg19 : memref<16xi32, #tpu.memory_space<vmem>>) semaphore(%arg27 : memref<!tpu.dma_semaphore, #tpu.memory_space<semaphore_mem>>)
    %dma_start3A_15 = arith.constant 0 : i32
    %dma_start3A_16 = arith.constant 0 : i32
    %dma_start3A_17 = tpu.memref_slice %arg13[%dma_start3A_15, %dma_start3A_16] : memref<800x32xf32, #tpu.memory_space<vmem>> -> memref<50x32xf32, #tpu.memory_space<vmem>>
    %dma_start3A_18 = arith.constant 0 : i32
    %dma_start3A_19 = tpu.memref_slice %arg11[%dma_start3A_18] : memref<896xi32, #tpu.memory_space<vmem>> -> memref<50xi32, #tpu.memory_space<vmem>>
    %dma_start3A_20 = arith.constant 0 : i32
    %dma_start3A_21 = arith.constant 0 : i32
    %dma_start3A_22 = tpu.memref_slice %arg7[%dma_start3A_20, %dma_start3A_21] : memref<1000000x32xf32, #tpu.memory_space<hbm>> -> memref<1000000x32xf32, #tpu.memory_space<hbm>>
    tpu.enqueue_indirect_dma source(%dma_start3A_22 : memref<1000000x32xf32, #tpu.memory_space<hbm>>) target(%dma_start3A_17 : memref<50x32xf32, #tpu.memory_space<vmem>>) offsets(%dma_start3A_19 : memref<50xi32, #tpu.memory_space<vmem>>) semaphore(%arg27 : memref<!tpu.dma_semaphore, #tpu.memory_space<semaphore_mem>>)
    %dma_start3A_23 = arith.constant 50 : i32
    %dma_start3A_24 = arith.constant 0 : i32
    %dma_start3A_25 = tpu.memref_slice %arg13[%dma_start3A_23, %dma_start3A_24] : memref<800x32xf32, #tpu.memory_space<vmem>> -> memref<50x32xf32, #tpu.memory_space<vmem>>
    %dma_start3A_26 = arith.constant 56 : i32
    %dma_start3A_27 = tpu.memref_slice %arg11[%dma_start3A_26] : memref<896xi32, #tpu.memory_space<vmem>> -> memref<50xi32, #tpu.memory_space<vmem>>
    %dma_start3A_28 = arith.constant 0 : i32
    %dma_start3A_29 = arith.constant 0 : i32
    %dma_start3A_30 = tpu.memref_slice %arg7[%dma_start3A_28, %dma_start3A_29] : memref<1000000x32xf32, #tpu.memory_space<hbm>> -> memref<1000000x32xf32, #tpu.memory_space<hbm>>
    tpu.enqueue_indirect_dma source(%dma_start3A_30 : memref<1000000x32xf32, #tpu.memory_space<hbm>>) target(%dma_start3A_25 : memref<50x32xf32, #tpu.memory_space<vmem>>) offsets(%dma_start3A_27 : memref<50xi32, #tpu.memory_space<vmem>>) semaphore(%arg27 : memref<!tpu.dma_semaphore, #tpu.memory_space<semaphore_mem>>)
    %dma_start3A_31 = arith.constant 100 : i32
    %dma_start3A_32 = arith.constant 0 : i32
    %dma_start3A_33 = tpu.memref_slice %arg13[%dma_start3A_31, %dma_start3A_32] : memref<800x32xf32, #tpu.memory_space<vmem>> -> memref<50x32xf32, #tpu.memory_space<vmem>>
    %dma_start3A_34 = arith.constant 112 : i32
    %dma_start3A_35 = tpu.memref_slice %arg11[%dma_start3A_34] : memref<896xi32, #tpu.memory_space<vmem>> -> memref<50xi32, #tpu.memory_space<vmem>>
    %dma_start3A_36 = arith.constant 0 : i32
    %dma_start3A_37 = arith.constant 0 : i32
    %dma_start3A_38 = tpu.memref_slice %arg7[%dma_start3A_36, %dma_start3A_37] : memref<1000000x32xf32, #tpu.memory_space<hbm>> -> memref<1000000x32xf32, #tpu.memory_space<hbm>>
    tpu.enqueue_indirect_dma source(%dma_start3A_38 : memref<1000000x32xf32, #tpu.memory_space<hbm>>) target(%dma_start3A_33 : memref<50x32xf32, #tpu.memory_space<vmem>>) offsets(%dma_start3A_35 : memref<50xi32, #tpu.memory_space<vmem>>) semaphore(%arg27 : memref<!tpu.dma_semaphore, #tpu.memory_space<semaphore_mem>>)
    %dma_start3A_39 = arith.constant 150 : i32
    %dma_start3A_40 = arith.constant 0 : i32
    %dma_start3A_41 = tpu.memref_slice %arg13[%dma_start3A_39, %dma_start3A_40] : memref<800x32xf32, #tpu.memory_space<vmem>> -> memref<50x32xf32, #tpu.memory_space<vmem>>
    %dma_start3A_42 = arith.constant 168 : i32
    %dma_start3A_43 = tpu.memref_slice %arg11[%dma_start3A_42] : memref<896xi32, #tpu.memory_space<vmem>> -> memref<50xi32, #tpu.memory_space<vmem>>
    %dma_start3A_44 = arith.constant 0 : i32
    %dma_start3A_45 = arith.constant 0 : i32
    %dma_start3A_46 = tpu.memref_slice %arg7[%dma_start3A_44, %dma_start3A_45] : memref<1000000x32xf32, #tpu.memory_space<hbm>> -> memref<1000000x32xf32, #tpu.memory_space<hbm>>
    tpu.enqueue_indirect_dma source(%dma_start3A_46 : memref<1000000x32xf32, #tpu.memory_space<hbm>>) target(%dma_start3A_41 : memref<50x32xf32, #tpu.memory_space<vmem>>) offsets(%dma_start3A_43 : memref<50xi32, #tpu.memory_space<vmem>>) semaphore(%arg27 : memref<!tpu.dma_semaphore, #tpu.memory_space<semaphore_mem>>)
    %dma_start3A_47 = arith.constant 200 : i32
    %dma_start3A_48 = arith.constant 0 : i32
    %dma_start3A_49 = tpu.memref_slice %arg13[%dma_start3A_47, %dma_start3A_48] : memref<800x32xf32, #tpu.memory_space<vmem>> -> memref<50x32xf32, #tpu.memory_space<vmem>>
    %dma_start3A_50 = arith.constant 224 : i32
    %dma_start3A_51 = tpu.memref_slice %arg11[%dma_start3A_50] : memref<896xi32, #tpu.memory_space<vmem>> -> memref<50xi32, #tpu.memory_space<vmem>>
    %dma_start3A_52 = arith.constant 0 : i32
    %dma_start3A_53 = arith.constant 0 : i32
    %dma_start3A_54 = tpu.memref_slice %arg7[%dma_start3A_52, %dma_start3A_53] : memref<1000000x32xf32, #tpu.memory_space<hbm>> -> memref<1000000x32xf32, #tpu.memory_space<hbm>>
    tpu.enqueue_indirect_dma source(%dma_start3A_54 : memref<1000000x32xf32, #tpu.memory_space<hbm>>) target(%dma_start3A_49 : memref<50x32xf32, #tpu.memory_space<vmem>>) offsets(%dma_start3A_51 : memref<50xi32, #tpu.memory_space<vmem>>) semaphore(%arg27 : memref<!tpu.dma_semaphore, #tpu.memory_space<semaphore_mem>>)
    %dma_start3A_55 = arith.constant 250 : i32
    %dma_start3A_56 = arith.constant 0 : i32
    %dma_start3A_57 = tpu.memref_slice %arg13[%dma_start3A_55, %dma_start3A_56] : memref<800x32xf32, #tpu.memory_space<vmem>> -> memref<50x32xf32, #tpu.memory_space<vmem>>
    %dma_start3A_58 = arith.constant 280 : i32
    %dma_start3A_59 = tpu.memref_slice %arg11[%dma_start3A_58] : memref<896xi32, #tpu.memory_space<vmem>> -> memref<50xi32, #tpu.memory_space<vmem>>
    %dma_start3A_60 = arith.constant 0 : i32
    %dma_start3A_61 = arith.constant 0 : i32
    %dma_start3A_62 = tpu.memref_slice %arg7[%dma_start3A_60, %dma_start3A_61] : memref<1000000x32xf32, #tpu.memory_space<hbm>> -> memref<1000000x32xf32, #tpu.memory_space<hbm>>
    tpu.enqueue_indirect_dma source(%dma_start3A_62 : memref<1000000x32xf32, #tpu.memory_space<hbm>>) target(%dma_start3A_57 : memref<50x32xf32, #tpu.memory_space<vmem>>) offsets(%dma_start3A_59 : memref<50xi32, #tpu.memory_space<vmem>>) semaphore(%arg27 : memref<!tpu.dma_semaphore, #tpu.memory_space<semaphore_mem>>)
    %dma_start3A_63 = arith.constant 300 : i32
    %dma_start3A_64 = arith.constant 0 : i32
    %dma_start3A_65 = tpu.memref_slice %arg13[%dma_start3A_63, %dma_start3A_64] : memref<800x32xf32, #tpu.memory_space<vmem>> -> memref<50x32xf32, #tpu.memory_space<vmem>>
    %dma_start3A_66 = arith.constant 336 : i32
    %dma_start3A_67 = tpu.memref_slice %arg11[%dma_start3A_66] : memref<896xi32, #tpu.memory_space<vmem>> -> memref<50xi32, #tpu.memory_space<vmem>>
    %dma_start3A_68 = arith.constant 0 : i32
    %dma_start3A_69 = arith.constant 0 : i32
    %dma_start3A_70 = tpu.memref_slice %arg7[%dma_start3A_68, %dma_start3A_69] : memref<1000000x32xf32, #tpu.memory_space<hbm>> -> memref<1000000x32xf32, #tpu.memory_space<hbm>>
    tpu.enqueue_indirect_dma source(%dma_start3A_70 : memref<1000000x32xf32, #tpu.memory_space<hbm>>) target(%dma_start3A_65 : memref<50x32xf32, #tpu.memory_space<vmem>>) offsets(%dma_start3A_67 : memref<50xi32, #tpu.memory_space<vmem>>) semaphore(%arg27 : memref<!tpu.dma_semaphore, #tpu.memory_space<semaphore_mem>>)
    %dma_start3A_71 = arith.constant 350 : i32
    %dma_start3A_72 = arith.constant 0 : i32
    %dma_start3A_73 = tpu.memref_slice %arg13[%dma_start3A_71, %dma_start3A_72] : memref<800x32xf32, #tpu.memory_space<vmem>> -> memref<50x32xf32, #tpu.memory_space<vmem>>
    %dma_start3A_74 = arith.constant 392 : i32
    %dma_start3A_75 = tpu.memref_slice %arg11[%dma_start3A_74] : memref<896xi32, #tpu.memory_space<vmem>> -> memref<50xi32, #tpu.memory_space<vmem>>
    %dma_start3A_76 = arith.constant 0 : i32
    %dma_start3A_77 = arith.constant 0 : i32
    %dma_start3A_78 = tpu.memref_slice %arg7[%dma_start3A_76, %dma_start3A_77] : memref<1000000x32xf32, #tpu.memory_space<hbm>> -> memref<1000000x32xf32, #tpu.memory_space<hbm>>
    tpu.enqueue_indirect_dma source(%dma_start3A_78 : memref<1000000x32xf32, #tpu.memory_space<hbm>>) target(%dma_start3A_73 : memref<50x32xf32, #tpu.memory_space<vmem>>) offsets(%dma_start3A_75 : memref<50xi32, #tpu.memory_space<vmem>>) semaphore(%arg27 : memref<!tpu.dma_semaphore, #tpu.memory_space<semaphore_mem>>)
    %dma_start3A_79 = arith.constant 400 : i32
    %dma_start3A_80 = arith.constant 0 : i32
    %dma_start3A_81 = tpu.memref_slice %arg13[%dma_start3A_79, %dma_start3A_80] : memref<800x32xf32, #tpu.memory_space<vmem>> -> memref<50x32xf32, #tpu.memory_space<vmem>>
    %dma_start3A_82 = arith.constant 448 : i32
    %dma_start3A_83 = tpu.memref_slice %arg11[%dma_start3A_82] : memref<896xi32, #tpu.memory_space<vmem>> -> memref<50xi32, #tpu.memory_space<vmem>>
    %dma_start3A_84 = arith.constant 0 : i32
    %dma_start3A_85 = arith.constant 0 : i32
    %dma_start3A_86 = tpu.memref_slice %arg7[%dma_start3A_84, %dma_start3A_85] : memref<1000000x32xf32, #tpu.memory_space<hbm>> -> memref<1000000x32xf32, #tpu.memory_space<hbm>>
    tpu.enqueue_indirect_dma source(%dma_start3A_86 : memref<1000000x32xf32, #tpu.memory_space<hbm>>) target(%dma_start3A_81 : memref<50x32xf32, #tpu.memory_space<vmem>>) offsets(%dma_start3A_83 : memref<50xi32, #tpu.memory_space<vmem>>) semaphore(%arg27 : memref<!tpu.dma_semaphore, #tpu.memory_space<semaphore_mem>>)
    %dma_start3A_87 = arith.constant 450 : i32
    %dma_start3A_88 = arith.constant 0 : i32
    %dma_start3A_89 = tpu.memref_slice %arg13[%dma_start3A_87, %dma_start3A_88] : memref<800x32xf32, #tpu.memory_space<vmem>> -> memref<50x32xf32, #tpu.memory_space<vmem>>
    %dma_start3A_90 = arith.constant 504 : i32
    %dma_start3A_91 = tpu.memref_slice %arg11[%dma_start3A_90] : memref<896xi32, #tpu.memory_space<vmem>> -> memref<50xi32, #tpu.memory_space<vmem>>
    %dma_start3A_92 = arith.constant 0 : i32
    %dma_start3A_93 = arith.constant 0 : i32
    %dma_start3A_94 = tpu.memref_slice %arg7[%dma_start3A_92, %dma_start3A_93] : memref<1000000x32xf32, #tpu.memory_space<hbm>> -> memref<1000000x32xf32, #tpu.memory_space<hbm>>
    tpu.enqueue_indirect_dma source(%dma_start3A_94 : memref<1000000x32xf32, #tpu.memory_space<hbm>>) target(%dma_start3A_89 : memref<50x32xf32, #tpu.memory_space<vmem>>) offsets(%dma_start3A_91 : memref<50xi32, #tpu.memory_space<vmem>>) semaphore(%arg27 : memref<!tpu.dma_semaphore, #tpu.memory_space<semaphore_mem>>)
    %dma_start3A_95 = arith.constant 500 : i32
    %dma_start3A_96 = arith.constant 0 : i32
    %dma_start3A_97 = tpu.memref_slice %arg13[%dma_start3A_95, %dma_start3A_96] : memref<800x32xf32, #tpu.memory_space<vmem>> -> memref<50x32xf32, #tpu.memory_space<vmem>>
    %dma_start3A_98 = arith.constant 560 : i32
    %dma_start3A_99 = tpu.memref_slice %arg11[%dma_start3A_98] : memref<896xi32, #tpu.memory_space<vmem>> -> memref<50xi32, #tpu.memory_space<vmem>>
    %dma_start3A_100 = arith.constant 0 : i32
    %dma_start3A_101 = arith.constant 0 : i32
    %dma_start3A_102 = tpu.memref_slice %arg7[%dma_start3A_100, %dma_start3A_101] : memref<1000000x32xf32, #tpu.memory_space<hbm>> -> memref<1000000x32xf32, #tpu.memory_space<hbm>>
    tpu.enqueue_indirect_dma source(%dma_start3A_102 : memref<1000000x32xf32, #tpu.memory_space<hbm>>) target(%dma_start3A_97 : memref<50x32xf32, #tpu.memory_space<vmem>>) offsets(%dma_start3A_99 : memref<50xi32, #tpu.memory_space<vmem>>) semaphore(%arg27 : memref<!tpu.dma_semaphore, #tpu.memory_space<semaphore_mem>>)
    %dma_start3A_103 = arith.constant 550 : i32
    %dma_start3A_104 = arith.constant 0 : i32
    %dma_start3A_105 = tpu.memref_slice %arg13[%dma_start3A_103, %dma_start3A_104] : memref<800x32xf32, #tpu.memory_space<vmem>> -> memref<50x32xf32, #tpu.memory_space<vmem>>
    %dma_start3A_106 = arith.constant 616 : i32
    %dma_start3A_107 = tpu.memref_slice %arg11[%dma_start3A_106] : memref<896xi32, #tpu.memory_space<vmem>> -> memref<50xi32, #tpu.memory_space<vmem>>
    %dma_start3A_108 = arith.constant 0 : i32
    %dma_start3A_109 = arith.constant 0 : i32
    %dma_start3A_110 = tpu.memref_slice %arg7[%dma_start3A_108, %dma_start3A_109] : memref<1000000x32xf32, #tpu.memory_space<hbm>> -> memref<1000000x32xf32, #tpu.memory_space<hbm>>
    tpu.enqueue_indirect_dma source(%dma_start3A_110 : memref<1000000x32xf32, #tpu.memory_space<hbm>>) target(%dma_start3A_105 : memref<50x32xf32, #tpu.memory_space<vmem>>) offsets(%dma_start3A_107 : memref<50xi32, #tpu.memory_space<vmem>>) semaphore(%arg27 : memref<!tpu.dma_semaphore, #tpu.memory_space<semaphore_mem>>)
    %dma_start3A_111 = arith.constant 600 : i32
    %dma_start3A_112 = arith.constant 0 : i32
    %dma_start3A_113 = tpu.memref_slice %arg13[%dma_start3A_111, %dma_start3A_112] : memref<800x32xf32, #tpu.memory_space<vmem>> -> memref<50x32xf32, #tpu.memory_space<vmem>>
    %dma_start3A_114 = arith.constant 672 : i32
    %dma_start3A_115 = tpu.memref_slice %arg11[%dma_start3A_114] : memref<896xi32, #tpu.memory_space<vmem>> -> memref<50xi32, #tpu.memory_space<vmem>>
    %dma_start3A_116 = arith.constant 0 : i32
    %dma_start3A_117 = arith.constant 0 : i32
    %dma_start3A_118 = tpu.memref_slice %arg7[%dma_start3A_116, %dma_start3A_117] : memref<1000000x32xf32, #tpu.memory_space<hbm>> -> memref<1000000x32xf32, #tpu.memory_space<hbm>>
    tpu.enqueue_indirect_dma source(%dma_start3A_118 : memref<1000000x32xf32, #tpu.memory_space<hbm>>) target(%dma_start3A_113 : memref<50x32xf32, #tpu.memory_space<vmem>>) offsets(%dma_start3A_115 : memref<50xi32, #tpu.memory_space<vmem>>) semaphore(%arg27 : memref<!tpu.dma_semaphore, #tpu.memory_space<semaphore_mem>>)
    %dma_start3A_119 = arith.constant 650 : i32
    %dma_start3A_120 = arith.constant 0 : i32
    %dma_start3A_121 = tpu.memref_slice %arg13[%dma_start3A_119, %dma_start3A_120] : memref<800x32xf32, #tpu.memory_space<vmem>> -> memref<50x32xf32, #tpu.memory_space<vmem>>
    %dma_start3A_122 = arith.constant 728 : i32
    %dma_start3A_123 = tpu.memref_slice %arg11[%dma_start3A_122] : memref<896xi32, #tpu.memory_space<vmem>> -> memref<50xi32, #tpu.memory_space<vmem>>
    %dma_start3A_124 = arith.constant 0 : i32
    %dma_start3A_125 = arith.constant 0 : i32
    %dma_start3A_126 = tpu.memref_slice %arg7[%dma_start3A_124, %dma_start3A_125] : memref<1000000x32xf32, #tpu.memory_space<hbm>> -> memref<1000000x32xf32, #tpu.memory_space<hbm>>
    tpu.enqueue_indirect_dma source(%dma_start3A_126 : memref<1000000x32xf32, #tpu.memory_space<hbm>>) target(%dma_start3A_121 : memref<50x32xf32, #tpu.memory_space<vmem>>) offsets(%dma_start3A_123 : memref<50xi32, #tpu.memory_space<vmem>>) semaphore(%arg27 : memref<!tpu.dma_semaphore, #tpu.memory_space<semaphore_mem>>)
    %dma_start3A_127 = arith.constant 700 : i32
    %dma_start3A_128 = arith.constant 0 : i32
    %dma_start3A_129 = tpu.memref_slice %arg13[%dma_start3A_127, %dma_start3A_128] : memref<800x32xf32, #tpu.memory_space<vmem>> -> memref<50x32xf32, #tpu.memory_space<vmem>>
    %dma_start3A_130 = arith.constant 784 : i32
    %dma_start3A_131 = tpu.memref_slice %arg11[%dma_start3A_130] : memref<896xi32, #tpu.memory_space<vmem>> -> memref<50xi32, #tpu.memory_space<vmem>>
    %dma_start3A_132 = arith.constant 0 : i32
    %dma_start3A_133 = arith.constant 0 : i32
    %dma_start3A_134 = tpu.memref_slice %arg7[%dma_start3A_132, %dma_start3A_133] : memref<1000000x32xf32, #tpu.memory_space<hbm>> -> memref<1000000x32xf32, #tpu.memory_space<hbm>>
    tpu.enqueue_indirect_dma source(%dma_start3A_134 : memref<1000000x32xf32, #tpu.memory_space<hbm>>) target(%dma_start3A_129 : memref<50x32xf32, #tpu.memory_space<vmem>>) offsets(%dma_start3A_131 : memref<50xi32, #tpu.memory_space<vmem>>) semaphore(%arg27 : memref<!tpu.dma_semaphore, #tpu.memory_space<semaphore_mem>>)
    %dma_start3A_135 = arith.constant 750 : i32
    %dma_start3A_136 = arith.constant 0 : i32
    %dma_start3A_137 = tpu.memref_slice %arg13[%dma_start3A_135, %dma_start3A_136] : memref<800x32xf32, #tpu.memory_space<vmem>> -> memref<50x32xf32, #tpu.memory_space<vmem>>
    %dma_start3A_138 = arith.constant 840 : i32
    %dma_start3A_139 = tpu.memref_slice %arg11[%dma_start3A_138] : memref<896xi32, #tpu.memory_space<vmem>> -> memref<50xi32, #tpu.memory_space<vmem>>
    %dma_start3A_140 = arith.constant 0 : i32
    %dma_start3A_141 = arith.constant 0 : i32
    %dma_start3A_142 = tpu.memref_slice %arg7[%dma_start3A_140, %dma_start3A_141] : memref<1000000x32xf32, #tpu.memory_space<hbm>> -> memref<1000000x32xf32, #tpu.memory_space<hbm>>
    tpu.enqueue_indirect_dma source(%dma_start3A_142 : memref<1000000x32xf32, #tpu.memory_space<hbm>>) target(%dma_start3A_137 : memref<50x32xf32, #tpu.memory_space<vmem>>) offsets(%dma_start3A_139 : memref<50xi32, #tpu.memory_space<vmem>>) semaphore(%arg27 : memref<!tpu.dma_semaphore, #tpu.memory_space<semaphore_mem>>)
    %scan3A = arith.constant 0 : i32
    %scan3A_143 = arith.constant 0 : i32
    %scan3A_144 = arith.constant 16 : i32
    %scan3A_145 = arith.addi %scan3A_143, %scan3A_144 : i32
    %scan3A_146 = arith.constant 1 : i32
    %scan3A_147 = scf.for %scan3A_286 = %scan3A_143 to %scan3A_145 step %scan3A_146 iter_args(%scan3A_287 = %scan3A) -> (i32)  : i32 {
      %mul3A_288 = arith.constant 2 : i32
      %mul3A_289 = arith.muli %scan3A_286, %mul3A_288 : i32
      %add3A_290 = arith.constant 0 : i32
      %add3A_291 = arith.addi %mul3A_289, %add3A_290 : i32
      %add3A_292 = arith.constant 1 : i32
      %add3A_293 = arith.addi %add3A_291, %add3A_292 : i32
      %rem3A = arith.constant 32 : i32
      %rem3A_294 = arith.remsi %add3A_293, %rem3A : i32
      %mul3A_295 = arith.constant 16 : i32
      %mul3A_296 = arith.muli %rem3A_294, %mul3A_295 : i32
      %add3A_297 = arith.addi %mul3A_2, %mul3A_296 : i32
      %mul3A_298 = arith.constant 56 : i32
      %mul3A_299 = arith.muli %add3A_297, %mul3A_298 : i32
      "tpu.region"() ({
        %run_scoped3A_892 = tpu.sem_alloc : memref<!tpu.dma_semaphore, #tpu.memory_space<semaphore_mem>>
        %dma_start3A_893 = tpu.memref_slice %arg3[%mul3A_299] : memref<917504xi32, #tpu.memory_space<hbm>> -> memref<896xi32, #tpu.memory_space<hbm>>
        %dma_start3A_894 = tpu.memref_slice %arg3[%mul3A_299] : memref<917504xi32, #tpu.memory_space<hbm>> -> memref<896xi32, #tpu.memory_space<hbm>>
        tpu.enqueue_dma source(%dma_start3A_894 : memref<896xi32, #tpu.memory_space<hbm>>) target(%arg12 : memref<896xi32, #tpu.memory_space<vmem>>) target_semaphore(%run_scoped3A_892 : memref<!tpu.dma_semaphore, #tpu.memory_space<semaphore_mem>>)
        %dma_wait3A_895 = tpu.memref_slice %arg3[%mul3A_299] : memref<917504xi32, #tpu.memory_space<hbm>> -> memref<896xi32, #tpu.memory_space<hbm>>
        %dma_wait3A_896 = tpu.memref_slice %arg3[%mul3A_299] : memref<917504xi32, #tpu.memory_space<hbm>> -> memref<896xi32, #tpu.memory_space<hbm>>
        tpu.wait_dma2 semaphore(%run_scoped3A_892 : memref<!tpu.dma_semaphore, #tpu.memory_space<semaphore_mem>>) src(%dma_wait3A_896 : memref<896xi32, #tpu.memory_space<hbm>>) dst(%arg12 : memref<896xi32, #tpu.memory_space<vmem>>)
        tpu.yield
      }) : () -> ()
      "tpu.region"() ({
        %run_scoped3A_892 = tpu.sem_alloc : memref<!tpu.dma_semaphore, #tpu.memory_space<semaphore_mem>>
        %dma_start3A_893 = tpu.memref_slice %arg2[%add3A_297] : memref<16384xi32, #tpu.memory_space<hbm>> -> memref<16xi32, #tpu.memory_space<hbm>>
        %dma_start3A_894 = tpu.memref_slice %arg2[%add3A_297] : memref<16384xi32, #tpu.memory_space<hbm>> -> memref<16xi32, #tpu.memory_space<hbm>>
        tpu.enqueue_dma source(%dma_start3A_894 : memref<16xi32, #tpu.memory_space<hbm>>) target(%arg16 : memref<16xi32, #tpu.memory_space<vmem>>) target_semaphore(%run_scoped3A_892 : memref<!tpu.dma_semaphore, #tpu.memory_space<semaphore_mem>>)
        %dma_wait3A_895 = tpu.memref_slice %arg2[%add3A_297] : memref<16384xi32, #tpu.memory_space<hbm>> -> memref<16xi32, #tpu.memory_space<hbm>>
        %dma_wait3A_896 = tpu.memref_slice %arg2[%add3A_297] : memref<16384xi32, #tpu.memory_space<hbm>> -> memref<16xi32, #tpu.memory_space<hbm>>
        tpu.wait_dma2 semaphore(%run_scoped3A_892 : memref<!tpu.dma_semaphore, #tpu.memory_space<semaphore_mem>>) src(%dma_wait3A_896 : memref<16xi32, #tpu.memory_space<hbm>>) dst(%arg16 : memref<16xi32, #tpu.memory_space<vmem>>)
        tpu.yield
      }) : () -> ()
      "tpu.region"() ({
        %run_scoped3A_892 = tpu.sem_alloc : memref<!tpu.dma_semaphore, #tpu.memory_space<semaphore_mem>>
        %dma_start3A_893 = tpu.memref_slice %arg4[%add3A_297] : memref<16384xi32, #tpu.memory_space<hbm>> -> memref<16xi32, #tpu.memory_space<hbm>>
        %dma_start3A_894 = tpu.memref_slice %arg4[%add3A_297] : memref<16384xi32, #tpu.memory_space<hbm>> -> memref<16xi32, #tpu.memory_space<hbm>>
        tpu.enqueue_dma source(%dma_start3A_894 : memref<16xi32, #tpu.memory_space<hbm>>) target(%arg18 : memref<16xi32, #tpu.memory_space<vmem>>) target_semaphore(%run_scoped3A_892 : memref<!tpu.dma_semaphore, #tpu.memory_space<semaphore_mem>>)
        %dma_wait3A_895 = tpu.memref_slice %arg4[%add3A_297] : memref<16384xi32, #tpu.memory_space<hbm>> -> memref<16xi32, #tpu.memory_space<hbm>>
        %dma_wait3A_896 = tpu.memref_slice %arg4[%add3A_297] : memref<16384xi32, #tpu.memory_space<hbm>> -> memref<16xi32, #tpu.memory_space<hbm>>
        tpu.wait_dma2 semaphore(%run_scoped3A_892 : memref<!tpu.dma_semaphore, #tpu.memory_space<semaphore_mem>>) src(%dma_wait3A_896 : memref<16xi32, #tpu.memory_space<hbm>>) dst(%arg18 : memref<16xi32, #tpu.memory_space<vmem>>)
        tpu.yield
      }) : () -> ()
      "tpu.region"() ({
        %run_scoped3A_892 = tpu.sem_alloc : memref<!tpu.dma_semaphore, #tpu.memory_space<semaphore_mem>>
        %dma_start3A_893 = tpu.memref_slice %arg5[%add3A_297] : memref<16384xi32, #tpu.memory_space<hbm>> -> memref<16xi32, #tpu.memory_space<hbm>>
        %dma_start3A_894 = tpu.memref_slice %arg5[%add3A_297] : memref<16384xi32, #tpu.memory_space<hbm>> -> memref<16xi32, #tpu.memory_space<hbm>>
        tpu.enqueue_dma source(%dma_start3A_894 : memref<16xi32, #tpu.memory_space<hbm>>) target(%arg20 : memref<16xi32, #tpu.memory_space<vmem>>) target_semaphore(%run_scoped3A_892 : memref<!tpu.dma_semaphore, #tpu.memory_space<semaphore_mem>>)
        %dma_wait3A_895 = tpu.memref_slice %arg5[%add3A_297] : memref<16384xi32, #tpu.memory_space<hbm>> -> memref<16xi32, #tpu.memory_space<hbm>>
        %dma_wait3A_896 = tpu.memref_slice %arg5[%add3A_297] : memref<16384xi32, #tpu.memory_space<hbm>> -> memref<16xi32, #tpu.memory_space<hbm>>
        tpu.wait_dma2 semaphore(%run_scoped3A_892 : memref<!tpu.dma_semaphore, #tpu.memory_space<semaphore_mem>>) src(%dma_wait3A_896 : memref<16xi32, #tpu.memory_space<hbm>>) dst(%arg20 : memref<16xi32, #tpu.memory_space<vmem>>)
        tpu.yield
      }) : () -> ()
      %dma_start3A_300 = arith.constant 0 : i32
      %dma_start3A_301 = arith.constant 0 : i32
      %dma_start3A_302 = tpu.memref_slice %arg6[%dma_start3A_300, %dma_start3A_301] : memref<1000000x32xf32, #tpu.memory_space<hbm>> -> memref<1000000x32xf32, #tpu.memory_space<hbm>>
      tpu.enqueue_indirect_dma source(%dma_start3A_302 : memref<1000000x32xf32, #tpu.memory_space<hbm>>) target(%arg22 : memref<16x32xf32, #tpu.memory_space<vmem>>) offsets(%arg16 : memref<16xi32, #tpu.memory_space<vmem>>) semaphore(%arg28 : memref<!tpu.dma_semaphore, #tpu.memory_space<semaphore_mem>>)
      %dma_start3A_303 = arith.constant 0 : i32
      %dma_start3A_304 = arith.constant 0 : i32
      %dma_start3A_305 = tpu.memref_slice %arg7[%dma_start3A_303, %dma_start3A_304] : memref<1000000x32xf32, #tpu.memory_space<hbm>> -> memref<1000000x32xf32, #tpu.memory_space<hbm>>
      tpu.enqueue_indirect_dma source(%dma_start3A_305 : memref<1000000x32xf32, #tpu.memory_space<hbm>>) target(%arg24 : memref<16x32xf32, #tpu.memory_space<vmem>>) offsets(%arg18 : memref<16xi32, #tpu.memory_space<vmem>>) semaphore(%arg28 : memref<!tpu.dma_semaphore, #tpu.memory_space<semaphore_mem>>)
      %dma_start3A_306 = arith.constant 0 : i32
      %dma_start3A_307 = arith.constant 0 : i32
      %dma_start3A_308 = tpu.memref_slice %arg7[%dma_start3A_306, %dma_start3A_307] : memref<1000000x32xf32, #tpu.memory_space<hbm>> -> memref<1000000x32xf32, #tpu.memory_space<hbm>>
      tpu.enqueue_indirect_dma source(%dma_start3A_308 : memref<1000000x32xf32, #tpu.memory_space<hbm>>) target(%arg26 : memref<16x32xf32, #tpu.memory_space<vmem>>) offsets(%arg20 : memref<16xi32, #tpu.memory_space<vmem>>) semaphore(%arg28 : memref<!tpu.dma_semaphore, #tpu.memory_space<semaphore_mem>>)
      %dma_start3A_309 = arith.constant 0 : i32
      %dma_start3A_310 = arith.constant 0 : i32
      %dma_start3A_311 = tpu.memref_slice %arg14[%dma_start3A_309, %dma_start3A_310] : memref<800x32xf32, #tpu.memory_space<vmem>> -> memref<50x32xf32, #tpu.memory_space<vmem>>
      %dma_start3A_312 = arith.constant 0 : i32
      %dma_start3A_313 = tpu.memref_slice %arg12[%dma_start3A_312] : memref<896xi32, #tpu.memory_space<vmem>> -> memref<50xi32, #tpu.memory_space<vmem>>
      %dma_start3A_314 = arith.constant 0 : i32
      %dma_start3A_315 = arith.constant 0 : i32
      %dma_start3A_316 = tpu.memref_slice %arg7[%dma_start3A_314, %dma_start3A_315] : memref<1000000x32xf32, #tpu.memory_space<hbm>> -> memref<1000000x32xf32, #tpu.memory_space<hbm>>
      tpu.enqueue_indirect_dma source(%dma_start3A_316 : memref<1000000x32xf32, #tpu.memory_space<hbm>>) target(%dma_start3A_311 : memref<50x32xf32, #tpu.memory_space<vmem>>) offsets(%dma_start3A_313 : memref<50xi32, #tpu.memory_space<vmem>>) semaphore(%arg28 : memref<!tpu.dma_semaphore, #tpu.memory_space<semaphore_mem>>)
      %dma_start3A_317 = arith.constant 50 : i32
      %dma_start3A_318 = arith.constant 0 : i32
      %dma_start3A_319 = tpu.memref_slice %arg14[%dma_start3A_317, %dma_start3A_318] : memref<800x32xf32, #tpu.memory_space<vmem>> -> memref<50x32xf32, #tpu.memory_space<vmem>>
      %dma_start3A_320 = arith.constant 56 : i32
      %dma_start3A_321 = tpu.memref_slice %arg12[%dma_start3A_320] : memref<896xi32, #tpu.memory_space<vmem>> -> memref<50xi32, #tpu.memory_space<vmem>>
      %dma_start3A_322 = arith.constant 0 : i32
      %dma_start3A_323 = arith.constant 0 : i32
      %dma_start3A_324 = tpu.memref_slice %arg7[%dma_start3A_322, %dma_start3A_323] : memref<1000000x32xf32, #tpu.memory_space<hbm>> -> memref<1000000x32xf32, #tpu.memory_space<hbm>>
      tpu.enqueue_indirect_dma source(%dma_start3A_324 : memref<1000000x32xf32, #tpu.memory_space<hbm>>) target(%dma_start3A_319 : memref<50x32xf32, #tpu.memory_space<vmem>>) offsets(%dma_start3A_321 : memref<50xi32, #tpu.memory_space<vmem>>) semaphore(%arg28 : memref<!tpu.dma_semaphore, #tpu.memory_space<semaphore_mem>>)
      %dma_start3A_325 = arith.constant 100 : i32
      %dma_start3A_326 = arith.constant 0 : i32
      %dma_start3A_327 = tpu.memref_slice %arg14[%dma_start3A_325, %dma_start3A_326] : memref<800x32xf32, #tpu.memory_space<vmem>> -> memref<50x32xf32, #tpu.memory_space<vmem>>
      %dma_start3A_328 = arith.constant 112 : i32
      %dma_start3A_329 = tpu.memref_slice %arg12[%dma_start3A_328] : memref<896xi32, #tpu.memory_space<vmem>> -> memref<50xi32, #tpu.memory_space<vmem>>
      %dma_start3A_330 = arith.constant 0 : i32
      %dma_start3A_331 = arith.constant 0 : i32
      %dma_start3A_332 = tpu.memref_slice %arg7[%dma_start3A_330, %dma_start3A_331] : memref<1000000x32xf32, #tpu.memory_space<hbm>> -> memref<1000000x32xf32, #tpu.memory_space<hbm>>
      tpu.enqueue_indirect_dma source(%dma_start3A_332 : memref<1000000x32xf32, #tpu.memory_space<hbm>>) target(%dma_start3A_327 : memref<50x32xf32, #tpu.memory_space<vmem>>) offsets(%dma_start3A_329 : memref<50xi32, #tpu.memory_space<vmem>>) semaphore(%arg28 : memref<!tpu.dma_semaphore, #tpu.memory_space<semaphore_mem>>)
      %dma_start3A_333 = arith.constant 150 : i32
      %dma_start3A_334 = arith.constant 0 : i32
      %dma_start3A_335 = tpu.memref_slice %arg14[%dma_start3A_333, %dma_start3A_334] : memref<800x32xf32, #tpu.memory_space<vmem>> -> memref<50x32xf32, #tpu.memory_space<vmem>>
      %dma_start3A_336 = arith.constant 168 : i32
      %dma_start3A_337 = tpu.memref_slice %arg12[%dma_start3A_336] : memref<896xi32, #tpu.memory_space<vmem>> -> memref<50xi32, #tpu.memory_space<vmem>>
      %dma_start3A_338 = arith.constant 0 : i32
      %dma_start3A_339 = arith.constant 0 : i32
      %dma_start3A_340 = tpu.memref_slice %arg7[%dma_start3A_338, %dma_start3A_339] : memref<1000000x32xf32, #tpu.memory_space<hbm>> -> memref<1000000x32xf32, #tpu.memory_space<hbm>>
      tpu.enqueue_indirect_dma source(%dma_start3A_340 : memref<1000000x32xf32, #tpu.memory_space<hbm>>) target(%dma_start3A_335 : memref<50x32xf32, #tpu.memory_space<vmem>>) offsets(%dma_start3A_337 : memref<50xi32, #tpu.memory_space<vmem>>) semaphore(%arg28 : memref<!tpu.dma_semaphore, #tpu.memory_space<semaphore_mem>>)
      %dma_start3A_341 = arith.constant 200 : i32
      %dma_start3A_342 = arith.constant 0 : i32
      %dma_start3A_343 = tpu.memref_slice %arg14[%dma_start3A_341, %dma_start3A_342] : memref<800x32xf32, #tpu.memory_space<vmem>> -> memref<50x32xf32, #tpu.memory_space<vmem>>
      %dma_start3A_344 = arith.constant 224 : i32
      %dma_start3A_345 = tpu.memref_slice %arg12[%dma_start3A_344] : memref<896xi32, #tpu.memory_space<vmem>> -> memref<50xi32, #tpu.memory_space<vmem>>
      %dma_start3A_346 = arith.constant 0 : i32
      %dma_start3A_347 = arith.constant 0 : i32
      %dma_start3A_348 = tpu.memref_slice %arg7[%dma_start3A_346, %dma_start3A_347] : memref<1000000x32xf32, #tpu.memory_space<hbm>> -> memref<1000000x32xf32, #tpu.memory_space<hbm>>
      tpu.enqueue_indirect_dma source(%dma_start3A_348 : memref<1000000x32xf32, #tpu.memory_space<hbm>>) target(%dma_start3A_343 : memref<50x32xf32, #tpu.memory_space<vmem>>) offsets(%dma_start3A_345 : memref<50xi32, #tpu.memory_space<vmem>>) semaphore(%arg28 : memref<!tpu.dma_semaphore, #tpu.memory_space<semaphore_mem>>)
      %dma_start3A_349 = arith.constant 250 : i32
      %dma_start3A_350 = arith.constant 0 : i32
      %dma_start3A_351 = tpu.memref_slice %arg14[%dma_start3A_349, %dma_start3A_350] : memref<800x32xf32, #tpu.memory_space<vmem>> -> memref<50x32xf32, #tpu.memory_space<vmem>>
      %dma_start3A_352 = arith.constant 280 : i32
      %dma_start3A_353 = tpu.memref_slice %arg12[%dma_start3A_352] : memref<896xi32, #tpu.memory_space<vmem>> -> memref<50xi32, #tpu.memory_space<vmem>>
      %dma_start3A_354 = arith.constant 0 : i32
      %dma_start3A_355 = arith.constant 0 : i32
      %dma_start3A_356 = tpu.memref_slice %arg7[%dma_start3A_354, %dma_start3A_355] : memref<1000000x32xf32, #tpu.memory_space<hbm>> -> memref<1000000x32xf32, #tpu.memory_space<hbm>>
      tpu.enqueue_indirect_dma source(%dma_start3A_356 : memref<1000000x32xf32, #tpu.memory_space<hbm>>) target(%dma_start3A_351 : memref<50x32xf32, #tpu.memory_space<vmem>>) offsets(%dma_start3A_353 : memref<50xi32, #tpu.memory_space<vmem>>) semaphore(%arg28 : memref<!tpu.dma_semaphore, #tpu.memory_space<semaphore_mem>>)
      %dma_start3A_357 = arith.constant 300 : i32
      %dma_start3A_358 = arith.constant 0 : i32
      %dma_start3A_359 = tpu.memref_slice %arg14[%dma_start3A_357, %dma_start3A_358] : memref<800x32xf32, #tpu.memory_space<vmem>> -> memref<50x32xf32, #tpu.memory_space<vmem>>
      %dma_start3A_360 = arith.constant 336 : i32
      %dma_start3A_361 = tpu.memref_slice %arg12[%dma_start3A_360] : memref<896xi32, #tpu.memory_space<vmem>> -> memref<50xi32, #tpu.memory_space<vmem>>
      %dma_start3A_362 = arith.constant 0 : i32
      %dma_start3A_363 = arith.constant 0 : i32
      %dma_start3A_364 = tpu.memref_slice %arg7[%dma_start3A_362, %dma_start3A_363] : memref<1000000x32xf32, #tpu.memory_space<hbm>> -> memref<1000000x32xf32, #tpu.memory_space<hbm>>
      tpu.enqueue_indirect_dma source(%dma_start3A_364 : memref<1000000x32xf32, #tpu.memory_space<hbm>>) target(%dma_start3A_359 : memref<50x32xf32, #tpu.memory_space<vmem>>) offsets(%dma_start3A_361 : memref<50xi32, #tpu.memory_space<vmem>>) semaphore(%arg28 : memref<!tpu.dma_semaphore, #tpu.memory_space<semaphore_mem>>)
      %dma_start3A_365 = arith.constant 350 : i32
      %dma_start3A_366 = arith.constant 0 : i32
      %dma_start3A_367 = tpu.memref_slice %arg14[%dma_start3A_365, %dma_start3A_366] : memref<800x32xf32, #tpu.memory_space<vmem>> -> memref<50x32xf32, #tpu.memory_space<vmem>>
      %dma_start3A_368 = arith.constant 392 : i32
      %dma_start3A_369 = tpu.memref_slice %arg12[%dma_start3A_368] : memref<896xi32, #tpu.memory_space<vmem>> -> memref<50xi32, #tpu.memory_space<vmem>>
      %dma_start3A_370 = arith.constant 0 : i32
      %dma_start3A_371 = arith.constant 0 : i32
      %dma_start3A_372 = tpu.memref_slice %arg7[%dma_start3A_370, %dma_start3A_371] : memref<1000000x32xf32, #tpu.memory_space<hbm>> -> memref<1000000x32xf32, #tpu.memory_space<hbm>>
      tpu.enqueue_indirect_dma source(%dma_start3A_372 : memref<1000000x32xf32, #tpu.memory_space<hbm>>) target(%dma_start3A_367 : memref<50x32xf32, #tpu.memory_space<vmem>>) offsets(%dma_start3A_369 : memref<50xi32, #tpu.memory_space<vmem>>) semaphore(%arg28 : memref<!tpu.dma_semaphore, #tpu.memory_space<semaphore_mem>>)
      %dma_start3A_373 = arith.constant 400 : i32
      %dma_start3A_374 = arith.constant 0 : i32
      %dma_start3A_375 = tpu.memref_slice %arg14[%dma_start3A_373, %dma_start3A_374] : memref<800x32xf32, #tpu.memory_space<vmem>> -> memref<50x32xf32, #tpu.memory_space<vmem>>
      %dma_start3A_376 = arith.constant 448 : i32
      %dma_start3A_377 = tpu.memref_slice %arg12[%dma_start3A_376] : memref<896xi32, #tpu.memory_space<vmem>> -> memref<50xi32, #tpu.memory_space<vmem>>
      %dma_start3A_378 = arith.constant 0 : i32
      %dma_start3A_379 = arith.constant 0 : i32
      %dma_start3A_380 = tpu.memref_slice %arg7[%dma_start3A_378, %dma_start3A_379] : memref<1000000x32xf32, #tpu.memory_space<hbm>> -> memref<1000000x32xf32, #tpu.memory_space<hbm>>
      tpu.enqueue_indirect_dma source(%dma_start3A_380 : memref<1000000x32xf32, #tpu.memory_space<hbm>>) target(%dma_start3A_375 : memref<50x32xf32, #tpu.memory_space<vmem>>) offsets(%dma_start3A_377 : memref<50xi32, #tpu.memory_space<vmem>>) semaphore(%arg28 : memref<!tpu.dma_semaphore, #tpu.memory_space<semaphore_mem>>)
      %dma_start3A_381 = arith.constant 450 : i32
      %dma_start3A_382 = arith.constant 0 : i32
      %dma_start3A_383 = tpu.memref_slice %arg14[%dma_start3A_381, %dma_start3A_382] : memref<800x32xf32, #tpu.memory_space<vmem>> -> memref<50x32xf32, #tpu.memory_space<vmem>>
      %dma_start3A_384 = arith.constant 504 : i32
      %dma_start3A_385 = tpu.memref_slice %arg12[%dma_start3A_384] : memref<896xi32, #tpu.memory_space<vmem>> -> memref<50xi32, #tpu.memory_space<vmem>>
      %dma_start3A_386 = arith.constant 0 : i32
      %dma_start3A_387 = arith.constant 0 : i32
      %dma_start3A_388 = tpu.memref_slice %arg7[%dma_start3A_386, %dma_start3A_387] : memref<1000000x32xf32, #tpu.memory_space<hbm>> -> memref<1000000x32xf32, #tpu.memory_space<hbm>>
      tpu.enqueue_indirect_dma source(%dma_start3A_388 : memref<1000000x32xf32, #tpu.memory_space<hbm>>) target(%dma_start3A_383 : memref<50x32xf32, #tpu.memory_space<vmem>>) offsets(%dma_start3A_385 : memref<50xi32, #tpu.memory_space<vmem>>) semaphore(%arg28 : memref<!tpu.dma_semaphore, #tpu.memory_space<semaphore_mem>>)
      %dma_start3A_389 = arith.constant 500 : i32
      %dma_start3A_390 = arith.constant 0 : i32
      %dma_start3A_391 = tpu.memref_slice %arg14[%dma_start3A_389, %dma_start3A_390] : memref<800x32xf32, #tpu.memory_space<vmem>> -> memref<50x32xf32, #tpu.memory_space<vmem>>
      %dma_start3A_392 = arith.constant 560 : i32
      %dma_start3A_393 = tpu.memref_slice %arg12[%dma_start3A_392] : memref<896xi32, #tpu.memory_space<vmem>> -> memref<50xi32, #tpu.memory_space<vmem>>
      %dma_start3A_394 = arith.constant 0 : i32
      %dma_start3A_395 = arith.constant 0 : i32
      %dma_start3A_396 = tpu.memref_slice %arg7[%dma_start3A_394, %dma_start3A_395] : memref<1000000x32xf32, #tpu.memory_space<hbm>> -> memref<1000000x32xf32, #tpu.memory_space<hbm>>
      tpu.enqueue_indirect_dma source(%dma_start3A_396 : memref<1000000x32xf32, #tpu.memory_space<hbm>>) target(%dma_start3A_391 : memref<50x32xf32, #tpu.memory_space<vmem>>) offsets(%dma_start3A_393 : memref<50xi32, #tpu.memory_space<vmem>>) semaphore(%arg28 : memref<!tpu.dma_semaphore, #tpu.memory_space<semaphore_mem>>)
      %dma_start3A_397 = arith.constant 550 : i32
      %dma_start3A_398 = arith.constant 0 : i32
      %dma_start3A_399 = tpu.memref_slice %arg14[%dma_start3A_397, %dma_start3A_398] : memref<800x32xf32, #tpu.memory_space<vmem>> -> memref<50x32xf32, #tpu.memory_space<vmem>>
      %dma_start3A_400 = arith.constant 616 : i32
      %dma_start3A_401 = tpu.memref_slice %arg12[%dma_start3A_400] : memref<896xi32, #tpu.memory_space<vmem>> -> memref<50xi32, #tpu.memory_space<vmem>>
      %dma_start3A_402 = arith.constant 0 : i32
      %dma_start3A_403 = arith.constant 0 : i32
      %dma_start3A_404 = tpu.memref_slice %arg7[%dma_start3A_402, %dma_start3A_403] : memref<1000000x32xf32, #tpu.memory_space<hbm>> -> memref<1000000x32xf32, #tpu.memory_space<hbm>>
      tpu.enqueue_indirect_dma source(%dma_start3A_404 : memref<1000000x32xf32, #tpu.memory_space<hbm>>) target(%dma_start3A_399 : memref<50x32xf32, #tpu.memory_space<vmem>>) offsets(%dma_start3A_401 : memref<50xi32, #tpu.memory_space<vmem>>) semaphore(%arg28 : memref<!tpu.dma_semaphore, #tpu.memory_space<semaphore_mem>>)
      %dma_start3A_405 = arith.constant 600 : i32
      %dma_start3A_406 = arith.constant 0 : i32
      %dma_start3A_407 = tpu.memref_slice %arg14[%dma_start3A_405, %dma_start3A_406] : memref<800x32xf32, #tpu.memory_space<vmem>> -> memref<50x32xf32, #tpu.memory_space<vmem>>
      %dma_start3A_408 = arith.constant 672 : i32
      %dma_start3A_409 = tpu.memref_slice %arg12[%dma_start3A_408] : memref<896xi32, #tpu.memory_space<vmem>> -> memref<50xi32, #tpu.memory_space<vmem>>
      %dma_start3A_410 = arith.constant 0 : i32
      %dma_start3A_411 = arith.constant 0 : i32
      %dma_start3A_412 = tpu.memref_slice %arg7[%dma_start3A_410, %dma_start3A_411] : memref<1000000x32xf32, #tpu.memory_space<hbm>> -> memref<1000000x32xf32, #tpu.memory_space<hbm>>
      tpu.enqueue_indirect_dma source(%dma_start3A_412 : memref<1000000x32xf32, #tpu.memory_space<hbm>>) target(%dma_start3A_407 : memref<50x32xf32, #tpu.memory_space<vmem>>) offsets(%dma_start3A_409 : memref<50xi32, #tpu.memory_space<vmem>>) semaphore(%arg28 : memref<!tpu.dma_semaphore, #tpu.memory_space<semaphore_mem>>)
      %dma_start3A_413 = arith.constant 650 : i32
      %dma_start3A_414 = arith.constant 0 : i32
      %dma_start3A_415 = tpu.memref_slice %arg14[%dma_start3A_413, %dma_start3A_414] : memref<800x32xf32, #tpu.memory_space<vmem>> -> memref<50x32xf32, #tpu.memory_space<vmem>>
      %dma_start3A_416 = arith.constant 728 : i32
      %dma_start3A_417 = tpu.memref_slice %arg12[%dma_start3A_416] : memref<896xi32, #tpu.memory_space<vmem>> -> memref<50xi32, #tpu.memory_space<vmem>>
      %dma_start3A_418 = arith.constant 0 : i32
      %dma_start3A_419 = arith.constant 0 : i32
      %dma_start3A_420 = tpu.memref_slice %arg7[%dma_start3A_418, %dma_start3A_419] : memref<1000000x32xf32, #tpu.memory_space<hbm>> -> memref<1000000x32xf32, #tpu.memory_space<hbm>>
      tpu.enqueue_indirect_dma source(%dma_start3A_420 : memref<1000000x32xf32, #tpu.memory_space<hbm>>) target(%dma_start3A_415 : memref<50x32xf32, #tpu.memory_space<vmem>>) offsets(%dma_start3A_417 : memref<50xi32, #tpu.memory_space<vmem>>) semaphore(%arg28 : memref<!tpu.dma_semaphore, #tpu.memory_space<semaphore_mem>>)
      %dma_start3A_421 = arith.constant 700 : i32
      %dma_start3A_422 = arith.constant 0 : i32
      %dma_start3A_423 = tpu.memref_slice %arg14[%dma_start3A_421, %dma_start3A_422] : memref<800x32xf32, #tpu.memory_space<vmem>> -> memref<50x32xf32, #tpu.memory_space<vmem>>
      %dma_start3A_424 = arith.constant 784 : i32
      %dma_start3A_425 = tpu.memref_slice %arg12[%dma_start3A_424] : memref<896xi32, #tpu.memory_space<vmem>> -> memref<50xi32, #tpu.memory_space<vmem>>
      %dma_start3A_426 = arith.constant 0 : i32
      %dma_start3A_427 = arith.constant 0 : i32
      %dma_start3A_428 = tpu.memref_slice %arg7[%dma_start3A_426, %dma_start3A_427] : memref<1000000x32xf32, #tpu.memory_space<hbm>> -> memref<1000000x32xf32, #tpu.memory_space<hbm>>
      tpu.enqueue_indirect_dma source(%dma_start3A_428 : memref<1000000x32xf32, #tpu.memory_space<hbm>>) target(%dma_start3A_423 : memref<50x32xf32, #tpu.memory_space<vmem>>) offsets(%dma_start3A_425 : memref<50xi32, #tpu.memory_space<vmem>>) semaphore(%arg28 : memref<!tpu.dma_semaphore, #tpu.memory_space<semaphore_mem>>)
      %dma_start3A_429 = arith.constant 750 : i32
      %dma_start3A_430 = arith.constant 0 : i32
      %dma_start3A_431 = tpu.memref_slice %arg14[%dma_start3A_429, %dma_start3A_430] : memref<800x32xf32, #tpu.memory_space<vmem>> -> memref<50x32xf32, #tpu.memory_space<vmem>>
      %dma_start3A_432 = arith.constant 840 : i32
      %dma_start3A_433 = tpu.memref_slice %arg12[%dma_start3A_432] : memref<896xi32, #tpu.memory_space<vmem>> -> memref<50xi32, #tpu.memory_space<vmem>>
      %dma_start3A_434 = arith.constant 0 : i32
      %dma_start3A_435 = arith.constant 0 : i32
      %dma_start3A_436 = tpu.memref_slice %arg7[%dma_start3A_434, %dma_start3A_435] : memref<1000000x32xf32, #tpu.memory_space<hbm>> -> memref<1000000x32xf32, #tpu.memory_space<hbm>>
      tpu.enqueue_indirect_dma source(%dma_start3A_436 : memref<1000000x32xf32, #tpu.memory_space<hbm>>) target(%dma_start3A_431 : memref<50x32xf32, #tpu.memory_space<vmem>>) offsets(%dma_start3A_433 : memref<50xi32, #tpu.memory_space<vmem>>) semaphore(%arg28 : memref<!tpu.dma_semaphore, #tpu.memory_space<semaphore_mem>>)
      %dma_wait3A_437 = arith.constant 0 : i32
      %dma_wait3A_438 = arith.constant 0 : i32
      %dma_wait3A_439 = tpu.memref_slice %arg6[%dma_wait3A_437, %dma_wait3A_438] : memref<1000000x32xf32, #tpu.memory_space<hbm>> -> memref<1000000x32xf32, #tpu.memory_space<hbm>>
      tpu.wait_indirect_dma semaphore(%arg27 : memref<!tpu.dma_semaphore, #tpu.memory_space<semaphore_mem>>) src(%dma_wait3A_439 : memref<1000000x32xf32, #tpu.memory_space<hbm>>) dst(%arg21 : memref<16x32xf32, #tpu.memory_space<vmem>>)
      %dma_wait3A_440 = arith.constant 0 : i32
      %dma_wait3A_441 = arith.constant 0 : i32
      %dma_wait3A_442 = tpu.memref_slice %arg7[%dma_wait3A_440, %dma_wait3A_441] : memref<1000000x32xf32, #tpu.memory_space<hbm>> -> memref<1000000x32xf32, #tpu.memory_space<hbm>>
      tpu.wait_indirect_dma semaphore(%arg27 : memref<!tpu.dma_semaphore, #tpu.memory_space<semaphore_mem>>) src(%dma_wait3A_442 : memref<1000000x32xf32, #tpu.memory_space<hbm>>) dst(%arg23 : memref<16x32xf32, #tpu.memory_space<vmem>>)
      %dma_wait3A_443 = arith.constant 0 : i32
      %dma_wait3A_444 = arith.constant 0 : i32
      %dma_wait3A_445 = tpu.memref_slice %arg7[%dma_wait3A_443, %dma_wait3A_444] : memref<1000000x32xf32, #tpu.memory_space<hbm>> -> memref<1000000x32xf32, #tpu.memory_space<hbm>>
      tpu.wait_indirect_dma semaphore(%arg27 : memref<!tpu.dma_semaphore, #tpu.memory_space<semaphore_mem>>) src(%dma_wait3A_445 : memref<1000000x32xf32, #tpu.memory_space<hbm>>) dst(%arg25 : memref<16x32xf32, #tpu.memory_space<vmem>>)
      %dma_wait3A_446 = arith.constant 0 : i32
      %dma_wait3A_447 = arith.constant 0 : i32
      %dma_wait3A_448 = tpu.memref_slice %arg13[%dma_wait3A_446, %dma_wait3A_447] : memref<800x32xf32, #tpu.memory_space<vmem>> -> memref<50x32xf32, #tpu.memory_space<vmem>>
      %dma_wait3A_449 = arith.constant 0 : i32
      %dma_wait3A_450 = tpu.memref_slice %arg11[%dma_wait3A_449] : memref<896xi32, #tpu.memory_space<vmem>> -> memref<50xi32, #tpu.memory_space<vmem>>
      %dma_wait3A_451 = arith.constant 0 : i32
      %dma_wait3A_452 = arith.constant 0 : i32
      %dma_wait3A_453 = tpu.memref_slice %arg7[%dma_wait3A_451, %dma_wait3A_452] : memref<1000000x32xf32, #tpu.memory_space<hbm>> -> memref<1000000x32xf32, #tpu.memory_space<hbm>>
      tpu.wait_indirect_dma semaphore(%arg27 : memref<!tpu.dma_semaphore, #tpu.memory_space<semaphore_mem>>) src(%dma_wait3A_453 : memref<1000000x32xf32, #tpu.memory_space<hbm>>) dst(%dma_wait3A_448 : memref<50x32xf32, #tpu.memory_space<vmem>>)
      %dma_wait3A_454 = arith.constant 50 : i32
      %dma_wait3A_455 = arith.constant 0 : i32
      %dma_wait3A_456 = tpu.memref_slice %arg13[%dma_wait3A_454, %dma_wait3A_455] : memref<800x32xf32, #tpu.memory_space<vmem>> -> memref<50x32xf32, #tpu.memory_space<vmem>>
      %dma_wait3A_457 = arith.constant 56 : i32
      %dma_wait3A_458 = tpu.memref_slice %arg11[%dma_wait3A_457] : memref<896xi32, #tpu.memory_space<vmem>> -> memref<50xi32, #tpu.memory_space<vmem>>
      %dma_wait3A_459 = arith.constant 0 : i32
      %dma_wait3A_460 = arith.constant 0 : i32
      %dma_wait3A_461 = tpu.memref_slice %arg7[%dma_wait3A_459, %dma_wait3A_460] : memref<1000000x32xf32, #tpu.memory_space<hbm>> -> memref<1000000x32xf32, #tpu.memory_space<hbm>>
      tpu.wait_indirect_dma semaphore(%arg27 : memref<!tpu.dma_semaphore, #tpu.memory_space<semaphore_mem>>) src(%dma_wait3A_461 : memref<1000000x32xf32, #tpu.memory_space<hbm>>) dst(%dma_wait3A_456 : memref<50x32xf32, #tpu.memory_space<vmem>>)
      %dma_wait3A_462 = arith.constant 100 : i32
      %dma_wait3A_463 = arith.constant 0 : i32
      %dma_wait3A_464 = tpu.memref_slice %arg13[%dma_wait3A_462, %dma_wait3A_463] : memref<800x32xf32, #tpu.memory_space<vmem>> -> memref<50x32xf32, #tpu.memory_space<vmem>>
      %dma_wait3A_465 = arith.constant 112 : i32
      %dma_wait3A_466 = tpu.memref_slice %arg11[%dma_wait3A_465] : memref<896xi32, #tpu.memory_space<vmem>> -> memref<50xi32, #tpu.memory_space<vmem>>
      %dma_wait3A_467 = arith.constant 0 : i32
      %dma_wait3A_468 = arith.constant 0 : i32
      %dma_wait3A_469 = tpu.memref_slice %arg7[%dma_wait3A_467, %dma_wait3A_468] : memref<1000000x32xf32, #tpu.memory_space<hbm>> -> memref<1000000x32xf32, #tpu.memory_space<hbm>>
      tpu.wait_indirect_dma semaphore(%arg27 : memref<!tpu.dma_semaphore, #tpu.memory_space<semaphore_mem>>) src(%dma_wait3A_469 : memref<1000000x32xf32, #tpu.memory_space<hbm>>) dst(%dma_wait3A_464 : memref<50x32xf32, #tpu.memory_space<vmem>>)
      %dma_wait3A_470 = arith.constant 150 : i32
      %dma_wait3A_471 = arith.constant 0 : i32
      %dma_wait3A_472 = tpu.memref_slice %arg13[%dma_wait3A_470, %dma_wait3A_471] : memref<800x32xf32, #tpu.memory_space<vmem>> -> memref<50x32xf32, #tpu.memory_space<vmem>>
      %dma_wait3A_473 = arith.constant 168 : i32
      %dma_wait3A_474 = tpu.memref_slice %arg11[%dma_wait3A_473] : memref<896xi32, #tpu.memory_space<vmem>> -> memref<50xi32, #tpu.memory_space<vmem>>
      %dma_wait3A_475 = arith.constant 0 : i32
      %dma_wait3A_476 = arith.constant 0 : i32
      %dma_wait3A_477 = tpu.memref_slice %arg7[%dma_wait3A_475, %dma_wait3A_476] : memref<1000000x32xf32, #tpu.memory_space<hbm>> -> memref<1000000x32xf32, #tpu.memory_space<hbm>>
      tpu.wait_indirect_dma semaphore(%arg27 : memref<!tpu.dma_semaphore, #tpu.memory_space<semaphore_mem>>) src(%dma_wait3A_477 : memref<1000000x32xf32, #tpu.memory_space<hbm>>) dst(%dma_wait3A_472 : memref<50x32xf32, #tpu.memory_space<vmem>>)
      %dma_wait3A_478 = arith.constant 200 : i32
      %dma_wait3A_479 = arith.constant 0 : i32
      %dma_wait3A_480 = tpu.memref_slice %arg13[%dma_wait3A_478, %dma_wait3A_479] : memref<800x32xf32, #tpu.memory_space<vmem>> -> memref<50x32xf32, #tpu.memory_space<vmem>>
      %dma_wait3A_481 = arith.constant 224 : i32
      %dma_wait3A_482 = tpu.memref_slice %arg11[%dma_wait3A_481] : memref<896xi32, #tpu.memory_space<vmem>> -> memref<50xi32, #tpu.memory_space<vmem>>
      %dma_wait3A_483 = arith.constant 0 : i32
      %dma_wait3A_484 = arith.constant 0 : i32
      %dma_wait3A_485 = tpu.memref_slice %arg7[%dma_wait3A_483, %dma_wait3A_484] : memref<1000000x32xf32, #tpu.memory_space<hbm>> -> memref<1000000x32xf32, #tpu.memory_space<hbm>>
      tpu.wait_indirect_dma semaphore(%arg27 : memref<!tpu.dma_semaphore, #tpu.memory_space<semaphore_mem>>) src(%dma_wait3A_485 : memref<1000000x32xf32, #tpu.memory_space<hbm>>) dst(%dma_wait3A_480 : memref<50x32xf32, #tpu.memory_space<vmem>>)
      %dma_wait3A_486 = arith.constant 250 : i32
      %dma_wait3A_487 = arith.constant 0 : i32
      %dma_wait3A_488 = tpu.memref_slice %arg13[%dma_wait3A_486, %dma_wait3A_487] : memref<800x32xf32, #tpu.memory_space<vmem>> -> memref<50x32xf32, #tpu.memory_space<vmem>>
      %dma_wait3A_489 = arith.constant 280 : i32
      %dma_wait3A_490 = tpu.memref_slice %arg11[%dma_wait3A_489] : memref<896xi32, #tpu.memory_space<vmem>> -> memref<50xi32, #tpu.memory_space<vmem>>
      %dma_wait3A_491 = arith.constant 0 : i32
      %dma_wait3A_492 = arith.constant 0 : i32
      %dma_wait3A_493 = tpu.memref_slice %arg7[%dma_wait3A_491, %dma_wait3A_492] : memref<1000000x32xf32, #tpu.memory_space<hbm>> -> memref<1000000x32xf32, #tpu.memory_space<hbm>>
      tpu.wait_indirect_dma semaphore(%arg27 : memref<!tpu.dma_semaphore, #tpu.memory_space<semaphore_mem>>) src(%dma_wait3A_493 : memref<1000000x32xf32, #tpu.memory_space<hbm>>) dst(%dma_wait3A_488 : memref<50x32xf32, #tpu.memory_space<vmem>>)
      %dma_wait3A_494 = arith.constant 300 : i32
      %dma_wait3A_495 = arith.constant 0 : i32
      %dma_wait3A_496 = tpu.memref_slice %arg13[%dma_wait3A_494, %dma_wait3A_495] : memref<800x32xf32, #tpu.memory_space<vmem>> -> memref<50x32xf32, #tpu.memory_space<vmem>>
      %dma_wait3A_497 = arith.constant 336 : i32
      %dma_wait3A_498 = tpu.memref_slice %arg11[%dma_wait3A_497] : memref<896xi32, #tpu.memory_space<vmem>> -> memref<50xi32, #tpu.memory_space<vmem>>
      %dma_wait3A_499 = arith.constant 0 : i32
      %dma_wait3A_500 = arith.constant 0 : i32
      %dma_wait3A_501 = tpu.memref_slice %arg7[%dma_wait3A_499, %dma_wait3A_500] : memref<1000000x32xf32, #tpu.memory_space<hbm>> -> memref<1000000x32xf32, #tpu.memory_space<hbm>>
      tpu.wait_indirect_dma semaphore(%arg27 : memref<!tpu.dma_semaphore, #tpu.memory_space<semaphore_mem>>) src(%dma_wait3A_501 : memref<1000000x32xf32, #tpu.memory_space<hbm>>) dst(%dma_wait3A_496 : memref<50x32xf32, #tpu.memory_space<vmem>>)
      %dma_wait3A_502 = arith.constant 350 : i32
      %dma_wait3A_503 = arith.constant 0 : i32
      %dma_wait3A_504 = tpu.memref_slice %arg13[%dma_wait3A_502, %dma_wait3A_503] : memref<800x32xf32, #tpu.memory_space<vmem>> -> memref<50x32xf32, #tpu.memory_space<vmem>>
      %dma_wait3A_505 = arith.constant 392 : i32
      %dma_wait3A_506 = tpu.memref_slice %arg11[%dma_wait3A_505] : memref<896xi32, #tpu.memory_space<vmem>> -> memref<50xi32, #tpu.memory_space<vmem>>
      %dma_wait3A_507 = arith.constant 0 : i32
      %dma_wait3A_508 = arith.constant 0 : i32
      %dma_wait3A_509 = tpu.memref_slice %arg7[%dma_wait3A_507, %dma_wait3A_508] : memref<1000000x32xf32, #tpu.memory_space<hbm>> -> memref<1000000x32xf32, #tpu.memory_space<hbm>>
      tpu.wait_indirect_dma semaphore(%arg27 : memref<!tpu.dma_semaphore, #tpu.memory_space<semaphore_mem>>) src(%dma_wait3A_509 : memref<1000000x32xf32, #tpu.memory_space<hbm>>) dst(%dma_wait3A_504 : memref<50x32xf32, #tpu.memory_space<vmem>>)
      %dma_wait3A_510 = arith.constant 400 : i32
      %dma_wait3A_511 = arith.constant 0 : i32
      %dma_wait3A_512 = tpu.memref_slice %arg13[%dma_wait3A_510, %dma_wait3A_511] : memref<800x32xf32, #tpu.memory_space<vmem>> -> memref<50x32xf32, #tpu.memory_space<vmem>>
      %dma_wait3A_513 = arith.constant 448 : i32
      %dma_wait3A_514 = tpu.memref_slice %arg11[%dma_wait3A_513] : memref<896xi32, #tpu.memory_space<vmem>> -> memref<50xi32, #tpu.memory_space<vmem>>
      %dma_wait3A_515 = arith.constant 0 : i32
      %dma_wait3A_516 = arith.constant 0 : i32
      %dma_wait3A_517 = tpu.memref_slice %arg7[%dma_wait3A_515, %dma_wait3A_516] : memref<1000000x32xf32, #tpu.memory_space<hbm>> -> memref<1000000x32xf32, #tpu.memory_space<hbm>>
      tpu.wait_indirect_dma semaphore(%arg27 : memref<!tpu.dma_semaphore, #tpu.memory_space<semaphore_mem>>) src(%dma_wait3A_517 : memref<1000000x32xf32, #tpu.memory_space<hbm>>) dst(%dma_wait3A_512 : memref<50x32xf32, #tpu.memory_space<vmem>>)
      %dma_wait3A_518 = arith.constant 450 : i32
      %dma_wait3A_519 = arith.constant 0 : i32
      %dma_wait3A_520 = tpu.memref_slice %arg13[%dma_wait3A_518, %dma_wait3A_519] : memref<800x32xf32, #tpu.memory_space<vmem>> -> memref<50x32xf32, #tpu.memory_space<vmem>>
      %dma_wait3A_521 = arith.constant 504 : i32
      %dma_wait3A_522 = tpu.memref_slice %arg11[%dma_wait3A_521] : memref<896xi32, #tpu.memory_space<vmem>> -> memref<50xi32, #tpu.memory_space<vmem>>
      %dma_wait3A_523 = arith.constant 0 : i32
      %dma_wait3A_524 = arith.constant 0 : i32
      %dma_wait3A_525 = tpu.memref_slice %arg7[%dma_wait3A_523, %dma_wait3A_524] : memref<1000000x32xf32, #tpu.memory_space<hbm>> -> memref<1000000x32xf32, #tpu.memory_space<hbm>>
      tpu.wait_indirect_dma semaphore(%arg27 : memref<!tpu.dma_semaphore, #tpu.memory_space<semaphore_mem>>) src(%dma_wait3A_525 : memref<1000000x32xf32, #tpu.memory_space<hbm>>) dst(%dma_wait3A_520 : memref<50x32xf32, #tpu.memory_space<vmem>>)
      %dma_wait3A_526 = arith.constant 500 : i32
      %dma_wait3A_527 = arith.constant 0 : i32
      %dma_wait3A_528 = tpu.memref_slice %arg13[%dma_wait3A_526, %dma_wait3A_527] : memref<800x32xf32, #tpu.memory_space<vmem>> -> memref<50x32xf32, #tpu.memory_space<vmem>>
      %dma_wait3A_529 = arith.constant 560 : i32
      %dma_wait3A_530 = tpu.memref_slice %arg11[%dma_wait3A_529] : memref<896xi32, #tpu.memory_space<vmem>> -> memref<50xi32, #tpu.memory_space<vmem>>
      %dma_wait3A_531 = arith.constant 0 : i32
      %dma_wait3A_532 = arith.constant 0 : i32
      %dma_wait3A_533 = tpu.memref_slice %arg7[%dma_wait3A_531, %dma_wait3A_532] : memref<1000000x32xf32, #tpu.memory_space<hbm>> -> memref<1000000x32xf32, #tpu.memory_space<hbm>>
      tpu.wait_indirect_dma semaphore(%arg27 : memref<!tpu.dma_semaphore, #tpu.memory_space<semaphore_mem>>) src(%dma_wait3A_533 : memref<1000000x32xf32, #tpu.memory_space<hbm>>) dst(%dma_wait3A_528 : memref<50x32xf32, #tpu.memory_space<vmem>>)
      %dma_wait3A_534 = arith.constant 550 : i32
      %dma_wait3A_535 = arith.constant 0 : i32
      %dma_wait3A_536 = tpu.memref_slice %arg13[%dma_wait3A_534, %dma_wait3A_535] : memref<800x32xf32, #tpu.memory_space<vmem>> -> memref<50x32xf32, #tpu.memory_space<vmem>>
      %dma_wait3A_537 = arith.constant 616 : i32
      %dma_wait3A_538 = tpu.memref_slice %arg11[%dma_wait3A_537] : memref<896xi32, #tpu.memory_space<vmem>> -> memref<50xi32, #tpu.memory_space<vmem>>
      %dma_wait3A_539 = arith.constant 0 : i32
      %dma_wait3A_540 = arith.constant 0 : i32
      %dma_wait3A_541 = tpu.memref_slice %arg7[%dma_wait3A_539, %dma_wait3A_540] : memref<1000000x32xf32, #tpu.memory_space<hbm>> -> memref<1000000x32xf32, #tpu.memory_space<hbm>>
      tpu.wait_indirect_dma semaphore(%arg27 : memref<!tpu.dma_semaphore, #tpu.memory_space<semaphore_mem>>) src(%dma_wait3A_541 : memref<1000000x32xf32, #tpu.memory_space<hbm>>) dst(%dma_wait3A_536 : memref<50x32xf32, #tpu.memory_space<vmem>>)
      %dma_wait3A_542 = arith.constant 600 : i32
      %dma_wait3A_543 = arith.constant 0 : i32
      %dma_wait3A_544 = tpu.memref_slice %arg13[%dma_wait3A_542, %dma_wait3A_543] : memref<800x32xf32, #tpu.memory_space<vmem>> -> memref<50x32xf32, #tpu.memory_space<vmem>>
      %dma_wait3A_545 = arith.constant 672 : i32
      %dma_wait3A_546 = tpu.memref_slice %arg11[%dma_wait3A_545] : memref<896xi32, #tpu.memory_space<vmem>> -> memref<50xi32, #tpu.memory_space<vmem>>
      %dma_wait3A_547 = arith.constant 0 : i32
      %dma_wait3A_548 = arith.constant 0 : i32
      %dma_wait3A_549 = tpu.memref_slice %arg7[%dma_wait3A_547, %dma_wait3A_548] : memref<1000000x32xf32, #tpu.memory_space<hbm>> -> memref<1000000x32xf32, #tpu.memory_space<hbm>>
      tpu.wait_indirect_dma semaphore(%arg27 : memref<!tpu.dma_semaphore, #tpu.memory_space<semaphore_mem>>) src(%dma_wait3A_549 : memref<1000000x32xf32, #tpu.memory_space<hbm>>) dst(%dma_wait3A_544 : memref<50x32xf32, #tpu.memory_space<vmem>>)
      %dma_wait3A_550 = arith.constant 650 : i32
      %dma_wait3A_551 = arith.constant 0 : i32
      %dma_wait3A_552 = tpu.memref_slice %arg13[%dma_wait3A_550, %dma_wait3A_551] : memref<800x32xf32, #tpu.memory_space<vmem>> -> memref<50x32xf32, #tpu.memory_space<vmem>>
      %dma_wait3A_553 = arith.constant 728 : i32
      %dma_wait3A_554 = tpu.memref_slice %arg11[%dma_wait3A_553] : memref<896xi32, #tpu.memory_space<vmem>> -> memref<50xi32, #tpu.memory_space<vmem>>
      %dma_wait3A_555 = arith.constant 0 : i32
      %dma_wait3A_556 = arith.constant 0 : i32
      %dma_wait3A_557 = tpu.memref_slice %arg7[%dma_wait3A_555, %dma_wait3A_556] : memref<1000000x32xf32, #tpu.memory_space<hbm>> -> memref<1000000x32xf32, #tpu.memory_space<hbm>>
      tpu.wait_indirect_dma semaphore(%arg27 : memref<!tpu.dma_semaphore, #tpu.memory_space<semaphore_mem>>) src(%dma_wait3A_557 : memref<1000000x32xf32, #tpu.memory_space<hbm>>) dst(%dma_wait3A_552 : memref<50x32xf32, #tpu.memory_space<vmem>>)
      %dma_wait3A_558 = arith.constant 700 : i32
      %dma_wait3A_559 = arith.constant 0 : i32
      %dma_wait3A_560 = tpu.memref_slice %arg13[%dma_wait3A_558, %dma_wait3A_559] : memref<800x32xf32, #tpu.memory_space<vmem>> -> memref<50x32xf32, #tpu.memory_space<vmem>>
      %dma_wait3A_561 = arith.constant 784 : i32
      %dma_wait3A_562 = tpu.memref_slice %arg11[%dma_wait3A_561] : memref<896xi32, #tpu.memory_space<vmem>> -> memref<50xi32, #tpu.memory_space<vmem>>
      %dma_wait3A_563 = arith.constant 0 : i32
      %dma_wait3A_564 = arith.constant 0 : i32
      %dma_wait3A_565 = tpu.memref_slice %arg7[%dma_wait3A_563, %dma_wait3A_564] : memref<1000000x32xf32, #tpu.memory_space<hbm>> -> memref<1000000x32xf32, #tpu.memory_space<hbm>>
      tpu.wait_indirect_dma semaphore(%arg27 : memref<!tpu.dma_semaphore, #tpu.memory_space<semaphore_mem>>) src(%dma_wait3A_565 : memref<1000000x32xf32, #tpu.memory_space<hbm>>) dst(%dma_wait3A_560 : memref<50x32xf32, #tpu.memory_space<vmem>>)
      %dma_wait3A_566 = arith.constant 750 : i32
      %dma_wait3A_567 = arith.constant 0 : i32
      %dma_wait3A_568 = tpu.memref_slice %arg13[%dma_wait3A_566, %dma_wait3A_567] : memref<800x32xf32, #tpu.memory_space<vmem>> -> memref<50x32xf32, #tpu.memory_space<vmem>>
      %dma_wait3A_569 = arith.constant 840 : i32
      %dma_wait3A_570 = tpu.memref_slice %arg11[%dma_wait3A_569] : memref<896xi32, #tpu.memory_space<vmem>> -> memref<50xi32, #tpu.memory_space<vmem>>
      %dma_wait3A_571 = arith.constant 0 : i32
      %dma_wait3A_572 = arith.constant 0 : i32
      %dma_wait3A_573 = tpu.memref_slice %arg7[%dma_wait3A_571, %dma_wait3A_572] : memref<1000000x32xf32, #tpu.memory_space<hbm>> -> memref<1000000x32xf32, #tpu.memory_space<hbm>>
      tpu.wait_indirect_dma semaphore(%arg27 : memref<!tpu.dma_semaphore, #tpu.memory_space<semaphore_mem>>) src(%dma_wait3A_573 : memref<1000000x32xf32, #tpu.memory_space<hbm>>) dst(%dma_wait3A_568 : memref<50x32xf32, #tpu.memory_space<vmem>>)
      %broadcast_in_dim3A = arith.constant 0.000000e+00 : f32
      %broadcast_in_dim3A_574 = vector.broadcast %broadcast_in_dim3A : f32 to vector<16xf32>
      %scan3A_575 = arith.constant 0 : i32
      %scan3A_576 = arith.constant 16 : i32
      %scan3A_577 = arith.addi %scan3A_575, %scan3A_576 : i32
      %scan3A_578 = arith.constant 1 : i32
      %scan3A_579:2 = scf.for %scan3A_892 = %scan3A_575 to %scan3A_577 step %scan3A_578 iter_args(%scan3A_893 = %broadcast_in_dim3A_574, %scan3A_894 = %broadcast_in_dim3A_574) -> (vector<16xf32>, vector<16xf32>)  : i32 {
        %mul3A_895 = arith.constant 50 : i32
        %mul3A_896 = arith.muli %scan3A_892, %mul3A_895 : i32
        %get3A = arith.index_cast %mul3A_896 : i32 to index
        %get3A_897 = arith.constant 0 : index
        %get3A_898 = tpu.vector_load %arg13[%get3A, %get3A_897] {strides = array<i32>} : memref<800x32xf32, #tpu.memory_space<vmem>>, vector<16xf32>,
        %get3A_899 = arith.index_cast %mul3A_896 : i32 to index
        %get3A_900 = arith.constant 16 : index
        %get3A_901 = tpu.vector_load %arg13[%get3A_899, %get3A_900] {strides = array<i32>} : memref<800x32xf32, #tpu.memory_space<vmem>>, vector<16xf32>,
        %add3A_902 = arith.constant 1 : i32
        %add3A_903 = arith.addi %mul3A_896, %add3A_902 : i32
        %get3A_904 = arith.index_cast %add3A_903 : i32 to index
        %get3A_905 = arith.constant 0 : index
        %get3A_906 = tpu.vector_load %arg13[%get3A_904, %get3A_905] {strides = array<i32>} : memref<800x32xf32, #tpu.memory_space<vmem>>, vector<16xf32>,
        %add3A_907 = arith.addf %get3A_898, %get3A_906 : vector<16xf32>
        %add3A_908 = arith.constant 1 : i32
        %add3A_909 = arith.addi %mul3A_896, %add3A_908 : i32
        %get3A_910 = arith.index_cast %add3A_909 : i32 to index
        %get3A_911 = arith.constant 16 : index
        %get3A_912 = tpu.vector_load %arg13[%get3A_910, %get3A_911] {strides = array<i32>} : memref<800x32xf32, #tpu.memory_space<vmem>>, vector<16xf32>,
        %add3A_913 = arith.addf %get3A_901, %get3A_912 : vector<16xf32>
        %add3A_914 = arith.constant 2 : i32
        %add3A_915 = arith.addi %mul3A_896, %add3A_914 : i32
        %get3A_916 = arith.index_cast %add3A_915 : i32 to index
        %get3A_917 = arith.constant 0 : index
        %get3A_918 = tpu.vector_load %arg13[%get3A_916, %get3A_917] {strides = array<i32>} : memref<800x32xf32, #tpu.memory_space<vmem>>, vector<16xf32>,
        %add3A_919 = arith.addf %add3A_907, %get3A_918 : vector<16xf32>
        %add3A_920 = arith.constant 2 : i32
        %add3A_921 = arith.addi %mul3A_896, %add3A_920 : i32
        %get3A_922 = arith.index_cast %add3A_921 : i32 to index
        %get3A_923 = arith.constant 16 : index
        %get3A_924 = tpu.vector_load %arg13[%get3A_922, %get3A_923] {strides = array<i32>} : memref<800x32xf32, #tpu.memory_space<vmem>>, vector<16xf32>,
        %add3A_925 = arith.addf %add3A_913, %get3A_924 : vector<16xf32>
        %add3A_926 = arith.constant 3 : i32
        %add3A_927 = arith.addi %mul3A_896, %add3A_926 : i32
        %get3A_928 = arith.index_cast %add3A_927 : i32 to index
        %get3A_929 = arith.constant 0 : index
        %get3A_930 = tpu.vector_load %arg13[%get3A_928, %get3A_929] {strides = array<i32>} : memref<800x32xf32, #tpu.memory_space<vmem>>, vector<16xf32>,
        %add3A_931 = arith.addf %add3A_919, %get3A_930 : vector<16xf32>
        %add3A_932 = arith.constant 3 : i32
        %add3A_933 = arith.addi %mul3A_896, %add3A_932 : i32
        %get3A_934 = arith.index_cast %add3A_933 : i32 to index
        %get3A_935 = arith.constant 16 : index
        %get3A_936 = tpu.vector_load %arg13[%get3A_934, %get3A_935] {strides = array<i32>} : memref<800x32xf32, #tpu.memory_space<vmem>>, vector<16xf32>,
        %add3A_937 = arith.addf %add3A_925, %get3A_936 : vector<16xf32>
        %add3A_938 = arith.constant 4 : i32
        %add3A_939 = arith.addi %mul3A_896, %add3A_938 : i32
        %get3A_940 = arith.index_cast %add3A_939 : i32 to index
        %get3A_941 = arith.constant 0 : index
        %get3A_942 = tpu.vector_load %arg13[%get3A_940, %get3A_941] {strides = array<i32>} : memref<800x32xf32, #tpu.memory_space<vmem>>, vector<16xf32>,
        %add3A_943 = arith.addf %add3A_931, %get3A_942 : vector<16xf32>
        %add3A_944 = arith.constant 4 : i32
        %add3A_945 = arith.addi %mul3A_896, %add3A_944 : i32
        %get3A_946 = arith.index_cast %add3A_945 : i32 to index
        %get3A_947 = arith.constant 16 : index
        %get3A_948 = tpu.vector_load %arg13[%get3A_946, %get3A_947] {strides = array<i32>} : memref<800x32xf32, #tpu.memory_space<vmem>>, vector<16xf32>,
        %add3A_949 = arith.addf %add3A_937, %get3A_948 : vector<16xf32>
        %add3A_950 = arith.constant 5 : i32
        %add3A_951 = arith.addi %mul3A_896, %add3A_950 : i32
        %get3A_952 = arith.index_cast %add3A_951 : i32 to index
        %get3A_953 = arith.constant 0 : index
        %get3A_954 = tpu.vector_load %arg13[%get3A_952, %get3A_953] {strides = array<i32>} : memref<800x32xf32, #tpu.memory_space<vmem>>, vector<16xf32>,
        %add3A_955 = arith.addf %add3A_943, %get3A_954 : vector<16xf32>
        %add3A_956 = arith.constant 5 : i32
        %add3A_957 = arith.addi %mul3A_896, %add3A_956 : i32
        %get3A_958 = arith.index_cast %add3A_957 : i32 to index
        %get3A_959 = arith.constant 16 : index
        %get3A_960 = tpu.vector_load %arg13[%get3A_958, %get3A_959] {strides = array<i32>} : memref<800x32xf32, #tpu.memory_space<vmem>>, vector<16xf32>,
        %add3A_961 = arith.addf %add3A_949, %get3A_960 : vector<16xf32>
        %add3A_962 = arith.constant 6 : i32
        %add3A_963 = arith.addi %mul3A_896, %add3A_962 : i32
        %get3A_964 = arith.index_cast %add3A_963 : i32 to index
        %get3A_965 = arith.constant 0 : index
        %get3A_966 = tpu.vector_load %arg13[%get3A_964, %get3A_965] {strides = array<i32>} : memref<800x32xf32, #tpu.memory_space<vmem>>, vector<16xf32>,
        %add3A_967 = arith.addf %add3A_955, %get3A_966 : vector<16xf32>
        %add3A_968 = arith.constant 6 : i32
        %add3A_969 = arith.addi %mul3A_896, %add3A_968 : i32
        %get3A_970 = arith.index_cast %add3A_969 : i32 to index
        %get3A_971 = arith.constant 16 : index
        %get3A_972 = tpu.vector_load %arg13[%get3A_970, %get3A_971] {strides = array<i32>} : memref<800x32xf32, #tpu.memory_space<vmem>>, vector<16xf32>,
        %add3A_973 = arith.addf %add3A_961, %get3A_972 : vector<16xf32>
        %add3A_974 = arith.constant 7 : i32
        %add3A_975 = arith.addi %mul3A_896, %add3A_974 : i32
        %get3A_976 = arith.index_cast %add3A_975 : i32 to index
        %get3A_977 = arith.constant 0 : index
        %get3A_978 = tpu.vector_load %arg13[%get3A_976, %get3A_977] {strides = array<i32>} : memref<800x32xf32, #tpu.memory_space<vmem>>, vector<16xf32>,
        %add3A_979 = arith.addf %add3A_967, %get3A_978 : vector<16xf32>
        %add3A_980 = arith.constant 7 : i32
        %add3A_981 = arith.addi %mul3A_896, %add3A_980 : i32
        %get3A_982 = arith.index_cast %add3A_981 : i32 to index
        %get3A_983 = arith.constant 16 : index
        %get3A_984 = tpu.vector_load %arg13[%get3A_982, %get3A_983] {strides = array<i32>} : memref<800x32xf32, #tpu.memory_space<vmem>>, vector<16xf32>,
        %add3A_985 = arith.addf %add3A_973, %get3A_984 : vector<16xf32>
        %add3A_986 = arith.constant 8 : i32
        %add3A_987 = arith.addi %mul3A_896, %add3A_986 : i32
        %get3A_988 = arith.index_cast %add3A_987 : i32 to index
        %get3A_989 = arith.constant 0 : index
        %get3A_990 = tpu.vector_load %arg13[%get3A_988, %get3A_989] {strides = array<i32>} : memref<800x32xf32, #tpu.memory_space<vmem>>, vector<16xf32>,
        %add3A_991 = arith.addf %add3A_979, %get3A_990 : vector<16xf32>
        %add3A_992 = arith.constant 8 : i32
        %add3A_993 = arith.addi %mul3A_896, %add3A_992 : i32
        %get3A_994 = arith.index_cast %add3A_993 : i32 to index
        %get3A_995 = arith.constant 16 : index
        %get3A_996 = tpu.vector_load %arg13[%get3A_994, %get3A_995] {strides = array<i32>} : memref<800x32xf32, #tpu.memory_space<vmem>>, vector<16xf32>,
        %add3A_997 = arith.addf %add3A_985, %get3A_996 : vector<16xf32>
        %add3A_998 = arith.constant 9 : i32
        %add3A_999 = arith.addi %mul3A_896, %add3A_998 : i32
        %get3A_1000 = arith.index_cast %add3A_999 : i32 to index
        %get3A_1001 = arith.constant 0 : index
        %get3A_1002 = tpu.vector_load %arg13[%get3A_1000, %get3A_1001] {strides = array<i32>} : memref<800x32xf32, #tpu.memory_space<vmem>>, vector<16xf32>,
        %add3A_1003 = arith.addf %add3A_991, %get3A_1002 : vector<16xf32>
        %add3A_1004 = arith.constant 9 : i32
        %add3A_1005 = arith.addi %mul3A_896, %add3A_1004 : i32
        %get3A_1006 = arith.index_cast %add3A_1005 : i32 to index
        %get3A_1007 = arith.constant 16 : index
        %get3A_1008 = tpu.vector_load %arg13[%get3A_1006, %get3A_1007] {strides = array<i32>} : memref<800x32xf32, #tpu.memory_space<vmem>>, vector<16xf32>,
        %add3A_1009 = arith.addf %add3A_997, %get3A_1008 : vector<16xf32>
        %add3A_1010 = arith.constant 10 : i32
        %add3A_1011 = arith.addi %mul3A_896, %add3A_1010 : i32
        %get3A_1012 = arith.index_cast %add3A_1011 : i32 to index
        %get3A_1013 = arith.constant 0 : index
        %get3A_1014 = tpu.vector_load %arg13[%get3A_1012, %get3A_1013] {strides = array<i32>} : memref<800x32xf32, #tpu.memory_space<vmem>>, vector<16xf32>,
        %add3A_1015 = arith.addf %add3A_1003, %get3A_1014 : vector<16xf32>
        %add3A_1016 = arith.constant 10 : i32
        %add3A_1017 = arith.addi %mul3A_896, %add3A_1016 : i32
        %get3A_1018 = arith.index_cast %add3A_1017 : i32 to index
        %get3A_1019 = arith.constant 16 : index
        %get3A_1020 = tpu.vector_load %arg13[%get3A_1018, %get3A_1019] {strides = array<i32>} : memref<800x32xf32, #tpu.memory_space<vmem>>, vector<16xf32>,
        %add3A_1021 = arith.addf %add3A_1009, %get3A_1020 : vector<16xf32>
        %add3A_1022 = arith.constant 11 : i32
        %add3A_1023 = arith.addi %mul3A_896, %add3A_1022 : i32
        %get3A_1024 = arith.index_cast %add3A_1023 : i32 to index
        %get3A_1025 = arith.constant 0 : index
        %get3A_1026 = tpu.vector_load %arg13[%get3A_1024, %get3A_1025] {strides = array<i32>} : memref<800x32xf32, #tpu.memory_space<vmem>>, vector<16xf32>,
        %add3A_1027 = arith.addf %add3A_1015, %get3A_1026 : vector<16xf32>
        %add3A_1028 = arith.constant 11 : i32
        %add3A_1029 = arith.addi %mul3A_896, %add3A_1028 : i32
        %get3A_1030 = arith.index_cast %add3A_1029 : i32 to index
        %get3A_1031 = arith.constant 16 : index
        %get3A_1032 = tpu.vector_load %arg13[%get3A_1030, %get3A_1031] {strides = array<i32>} : memref<800x32xf32, #tpu.memory_space<vmem>>, vector<16xf32>,
        %add3A_1033 = arith.addf %add3A_1021, %get3A_1032 : vector<16xf32>
        %add3A_1034 = arith.constant 12 : i32
        %add3A_1035 = arith.addi %mul3A_896, %add3A_1034 : i32
        %get3A_1036 = arith.index_cast %add3A_1035 : i32 to index
        %get3A_1037 = arith.constant 0 : index
        %get3A_1038 = tpu.vector_load %arg13[%get3A_1036, %get3A_1037] {strides = array<i32>} : memref<800x32xf32, #tpu.memory_space<vmem>>, vector<16xf32>,
        %add3A_1039 = arith.addf %add3A_1027, %get3A_1038 : vector<16xf32>
        %add3A_1040 = arith.constant 12 : i32
        %add3A_1041 = arith.addi %mul3A_896, %add3A_1040 : i32
        %get3A_1042 = arith.index_cast %add3A_1041 : i32 to index
        %get3A_1043 = arith.constant 16 : index
        %get3A_1044 = tpu.vector_load %arg13[%get3A_1042, %get3A_1043] {strides = array<i32>} : memref<800x32xf32, #tpu.memory_space<vmem>>, vector<16xf32>,
        %add3A_1045 = arith.addf %add3A_1033, %get3A_1044 : vector<16xf32>
        %add3A_1046 = arith.constant 13 : i32
        %add3A_1047 = arith.addi %mul3A_896, %add3A_1046 : i32
        %get3A_1048 = arith.index_cast %add3A_1047 : i32 to index
        %get3A_1049 = arith.constant 0 : index
        %get3A_1050 = tpu.vector_load %arg13[%get3A_1048, %get3A_1049] {strides = array<i32>} : memref<800x32xf32, #tpu.memory_space<vmem>>, vector<16xf32>,
        %add3A_1051 = arith.addf %add3A_1039, %get3A_1050 : vector<16xf32>
        %add3A_1052 = arith.constant 13 : i32
        %add3A_1053 = arith.addi %mul3A_896, %add3A_1052 : i32
        %get3A_1054 = arith.index_cast %add3A_1053 : i32 to index
        %get3A_1055 = arith.constant 16 : index
        %get3A_1056 = tpu.vector_load %arg13[%get3A_1054, %get3A_1055] {strides = array<i32>} : memref<800x32xf32, #tpu.memory_space<vmem>>, vector<16xf32>,
        %add3A_1057 = arith.addf %add3A_1045, %get3A_1056 : vector<16xf32>
        %add3A_1058 = arith.constant 14 : i32
        %add3A_1059 = arith.addi %mul3A_896, %add3A_1058 : i32
        %get3A_1060 = arith.index_cast %add3A_1059 : i32 to index
        %get3A_1061 = arith.constant 0 : index
        %get3A_1062 = tpu.vector_load %arg13[%get3A_1060, %get3A_1061] {strides = array<i32>} : memref<800x32xf32, #tpu.memory_space<vmem>>, vector<16xf32>,
        %add3A_1063 = arith.addf %add3A_1051, %get3A_1062 : vector<16xf32>
        %add3A_1064 = arith.constant 14 : i32
        %add3A_1065 = arith.addi %mul3A_896, %add3A_1064 : i32
        %get3A_1066 = arith.index_cast %add3A_1065 : i32 to index
        %get3A_1067 = arith.constant 16 : index
        %get3A_1068 = tpu.vector_load %arg13[%get3A_1066, %get3A_1067] {strides = array<i32>} : memref<800x32xf32, #tpu.memory_space<vmem>>, vector<16xf32>,
        %add3A_1069 = arith.addf %add3A_1057, %get3A_1068 : vector<16xf32>
        %add3A_1070 = arith.constant 15 : i32
        %add3A_1071 = arith.addi %mul3A_896, %add3A_1070 : i32
        %get3A_1072 = arith.index_cast %add3A_1071 : i32 to index
        %get3A_1073 = arith.constant 0 : index
        %get3A_1074 = tpu.vector_load %arg13[%get3A_1072, %get3A_1073] {strides = array<i32>} : memref<800x32xf32, #tpu.memory_space<vmem>>, vector<16xf32>,
        %add3A_1075 = arith.addf %add3A_1063, %get3A_1074 : vector<16xf32>
        %add3A_1076 = arith.constant 15 : i32
        %add3A_1077 = arith.addi %mul3A_896, %add3A_1076 : i32
        %get3A_1078 = arith.index_cast %add3A_1077 : i32 to index
        %get3A_1079 = arith.constant 16 : index
        %get3A_1080 = tpu.vector_load %arg13[%get3A_1078, %get3A_1079] {strides = array<i32>} : memref<800x32xf32, #tpu.memory_space<vmem>>, vector<16xf32>,
        %add3A_1081 = arith.addf %add3A_1069, %get3A_1080 : vector<16xf32>
        %add3A_1082 = arith.constant 16 : i32
        %add3A_1083 = arith.addi %mul3A_896, %add3A_1082 : i32
        %get3A_1084 = arith.index_cast %add3A_1083 : i32 to index
        %get3A_1085 = arith.constant 0 : index
        %get3A_1086 = tpu.vector_load %arg13[%get3A_1084, %get3A_1085] {strides = array<i32>} : memref<800x32xf32, #tpu.memory_space<vmem>>, vector<16xf32>,
        %add3A_1087 = arith.addf %add3A_1075, %get3A_1086 : vector<16xf32>
        %add3A_1088 = arith.constant 16 : i32
        %add3A_1089 = arith.addi %mul3A_896, %add3A_1088 : i32
        %get3A_1090 = arith.index_cast %add3A_1089 : i32 to index
        %get3A_1091 = arith.constant 16 : index
        %get3A_1092 = tpu.vector_load %arg13[%get3A_1090, %get3A_1091] {strides = array<i32>} : memref<800x32xf32, #tpu.memory_space<vmem>>, vector<16xf32>,
        %add3A_1093 = arith.addf %add3A_1081, %get3A_1092 : vector<16xf32>
        %add3A_1094 = arith.constant 17 : i32
        %add3A_1095 = arith.addi %mul3A_896, %add3A_1094 : i32
        %get3A_1096 = arith.index_cast %add3A_1095 : i32 to index
        %get3A_1097 = arith.constant 0 : index
        %get3A_1098 = tpu.vector_load %arg13[%get3A_1096, %get3A_1097] {strides = array<i32>} : memref<800x32xf32, #tpu.memory_space<vmem>>, vector<16xf32>,
        %add3A_1099 = arith.addf %add3A_1087, %get3A_1098 : vector<16xf32>
        %add3A_1100 = arith.constant 17 : i32
        %add3A_1101 = arith.addi %mul3A_896, %add3A_1100 : i32
        %get3A_1102 = arith.index_cast %add3A_1101 : i32 to index
        %get3A_1103 = arith.constant 16 : index
        %get3A_1104 = tpu.vector_load %arg13[%get3A_1102, %get3A_1103] {strides = array<i32>} : memref<800x32xf32, #tpu.memory_space<vmem>>, vector<16xf32>,
        %add3A_1105 = arith.addf %add3A_1093, %get3A_1104 : vector<16xf32>
        %add3A_1106 = arith.constant 18 : i32
        %add3A_1107 = arith.addi %mul3A_896, %add3A_1106 : i32
        %get3A_1108 = arith.index_cast %add3A_1107 : i32 to index
        %get3A_1109 = arith.constant 0 : index
        %get3A_1110 = tpu.vector_load %arg13[%get3A_1108, %get3A_1109] {strides = array<i32>} : memref<800x32xf32, #tpu.memory_space<vmem>>, vector<16xf32>,
        %add3A_1111 = arith.addf %add3A_1099, %get3A_1110 : vector<16xf32>
        %add3A_1112 = arith.constant 18 : i32
        %add3A_1113 = arith.addi %mul3A_896, %add3A_1112 : i32
        %get3A_1114 = arith.index_cast %add3A_1113 : i32 to index
        %get3A_1115 = arith.constant 16 : index
        %get3A_1116 = tpu.vector_load %arg13[%get3A_1114, %get3A_1115] {strides = array<i32>} : memref<800x32xf32, #tpu.memory_space<vmem>>, vector<16xf32>,
        %add3A_1117 = arith.addf %add3A_1105, %get3A_1116 : vector<16xf32>
        %add3A_1118 = arith.constant 19 : i32
        %add3A_1119 = arith.addi %mul3A_896, %add3A_1118 : i32
        %get3A_1120 = arith.index_cast %add3A_1119 : i32 to index
        %get3A_1121 = arith.constant 0 : index
        %get3A_1122 = tpu.vector_load %arg13[%get3A_1120, %get3A_1121] {strides = array<i32>} : memref<800x32xf32, #tpu.memory_space<vmem>>, vector<16xf32>,
        %add3A_1123 = arith.addf %add3A_1111, %get3A_1122 : vector<16xf32>
        %add3A_1124 = arith.constant 19 : i32
        %add3A_1125 = arith.addi %mul3A_896, %add3A_1124 : i32
        %get3A_1126 = arith.index_cast %add3A_1125 : i32 to index
        %get3A_1127 = arith.constant 16 : index
        %get3A_1128 = tpu.vector_load %arg13[%get3A_1126, %get3A_1127] {strides = array<i32>} : memref<800x32xf32, #tpu.memory_space<vmem>>, vector<16xf32>,
        %add3A_1129 = arith.addf %add3A_1117, %get3A_1128 : vector<16xf32>
        %add3A_1130 = arith.constant 20 : i32
        %add3A_1131 = arith.addi %mul3A_896, %add3A_1130 : i32
        %get3A_1132 = arith.index_cast %add3A_1131 : i32 to index
        %get3A_1133 = arith.constant 0 : index
        %get3A_1134 = tpu.vector_load %arg13[%get3A_1132, %get3A_1133] {strides = array<i32>} : memref<800x32xf32, #tpu.memory_space<vmem>>, vector<16xf32>,
        %add3A_1135 = arith.addf %add3A_1123, %get3A_1134 : vector<16xf32>
        %add3A_1136 = arith.constant 20 : i32
        %add3A_1137 = arith.addi %mul3A_896, %add3A_1136 : i32
        %get3A_1138 = arith.index_cast %add3A_1137 : i32 to index
        %get3A_1139 = arith.constant 16 : index
        %get3A_1140 = tpu.vector_load %arg13[%get3A_1138, %get3A_1139] {strides = array<i32>} : memref<800x32xf32, #tpu.memory_space<vmem>>, vector<16xf32>,
        %add3A_1141 = arith.addf %add3A_1129, %get3A_1140 : vector<16xf32>
        %add3A_1142 = arith.constant 21 : i32
        %add3A_1143 = arith.addi %mul3A_896, %add3A_1142 : i32
        %get3A_1144 = arith.index_cast %add3A_1143 : i32 to index
        %get3A_1145 = arith.constant 0 : index
        %get3A_1146 = tpu.vector_load %arg13[%get3A_1144, %get3A_1145] {strides = array<i32>} : memref<800x32xf32, #tpu.memory_space<vmem>>, vector<16xf32>,
        %add3A_1147 = arith.addf %add3A_1135, %get3A_1146 : vector<16xf32>
        %add3A_1148 = arith.constant 21 : i32
        %add3A_1149 = arith.addi %mul3A_896, %add3A_1148 : i32
        %get3A_1150 = arith.index_cast %add3A_1149 : i32 to index
        %get3A_1151 = arith.constant 16 : index
        %get3A_1152 = tpu.vector_load %arg13[%get3A_1150, %get3A_1151] {strides = array<i32>} : memref<800x32xf32, #tpu.memory_space<vmem>>, vector<16xf32>,
        %add3A_1153 = arith.addf %add3A_1141, %get3A_1152 : vector<16xf32>
        %add3A_1154 = arith.constant 22 : i32
        %add3A_1155 = arith.addi %mul3A_896, %add3A_1154 : i32
        %get3A_1156 = arith.index_cast %add3A_1155 : i32 to index
        %get3A_1157 = arith.constant 0 : index
        %get3A_1158 = tpu.vector_load %arg13[%get3A_1156, %get3A_1157] {strides = array<i32>} : memref<800x32xf32, #tpu.memory_space<vmem>>, vector<16xf32>,
        %add3A_1159 = arith.addf %add3A_1147, %get3A_1158 : vector<16xf32>
        %add3A_1160 = arith.constant 22 : i32
        %add3A_1161 = arith.addi %mul3A_896, %add3A_1160 : i32
        %get3A_1162 = arith.index_cast %add3A_1161 : i32 to index
        %get3A_1163 = arith.constant 16 : index
        %get3A_1164 = tpu.vector_load %arg13[%get3A_1162, %get3A_1163] {strides = array<i32>} : memref<800x32xf32, #tpu.memory_space<vmem>>, vector<16xf32>,
        %add3A_1165 = arith.addf %add3A_1153, %get3A_1164 : vector<16xf32>
        %add3A_1166 = arith.constant 23 : i32
        %add3A_1167 = arith.addi %mul3A_896, %add3A_1166 : i32
        %get3A_1168 = arith.index_cast %add3A_1167 : i32 to index
        %get3A_1169 = arith.constant 0 : index
        %get3A_1170 = tpu.vector_load %arg13[%get3A_1168, %get3A_1169] {strides = array<i32>} : memref<800x32xf32, #tpu.memory_space<vmem>>, vector<16xf32>,
        %add3A_1171 = arith.addf %add3A_1159, %get3A_1170 : vector<16xf32>
        %add3A_1172 = arith.constant 23 : i32
        %add3A_1173 = arith.addi %mul3A_896, %add3A_1172 : i32
        %get3A_1174 = arith.index_cast %add3A_1173 : i32 to index
        %get3A_1175 = arith.constant 16 : index
        %get3A_1176 = tpu.vector_load %arg13[%get3A_1174, %get3A_1175] {strides = array<i32>} : memref<800x32xf32, #tpu.memory_space<vmem>>, vector<16xf32>,
        %add3A_1177 = arith.addf %add3A_1165, %get3A_1176 : vector<16xf32>
        %add3A_1178 = arith.constant 24 : i32
        %add3A_1179 = arith.addi %mul3A_896, %add3A_1178 : i32
        %get3A_1180 = arith.index_cast %add3A_1179 : i32 to index
        %get3A_1181 = arith.constant 0 : index
        %get3A_1182 = tpu.vector_load %arg13[%get3A_1180, %get3A_1181] {strides = array<i32>} : memref<800x32xf32, #tpu.memory_space<vmem>>, vector<16xf32>,
        %add3A_1183 = arith.addf %add3A_1171, %get3A_1182 : vector<16xf32>
        %add3A_1184 = arith.constant 24 : i32
        %add3A_1185 = arith.addi %mul3A_896, %add3A_1184 : i32
        %get3A_1186 = arith.index_cast %add3A_1185 : i32 to index
        %get3A_1187 = arith.constant 16 : index
        %get3A_1188 = tpu.vector_load %arg13[%get3A_1186, %get3A_1187] {strides = array<i32>} : memref<800x32xf32, #tpu.memory_space<vmem>>, vector<16xf32>,
        %add3A_1189 = arith.addf %add3A_1177, %get3A_1188 : vector<16xf32>
        %add3A_1190 = arith.constant 25 : i32
        %add3A_1191 = arith.addi %mul3A_896, %add3A_1190 : i32
        %get3A_1192 = arith.index_cast %add3A_1191 : i32 to index
        %get3A_1193 = arith.constant 0 : index
        %get3A_1194 = tpu.vector_load %arg13[%get3A_1192, %get3A_1193] {strides = array<i32>} : memref<800x32xf32, #tpu.memory_space<vmem>>, vector<16xf32>,
        %add3A_1195 = arith.addf %add3A_1183, %get3A_1194 : vector<16xf32>
        %add3A_1196 = arith.constant 25 : i32
        %add3A_1197 = arith.addi %mul3A_896, %add3A_1196 : i32
        %get3A_1198 = arith.index_cast %add3A_1197 : i32 to index
        %get3A_1199 = arith.constant 16 : index
        %get3A_1200 = tpu.vector_load %arg13[%get3A_1198, %get3A_1199] {strides = array<i32>} : memref<800x32xf32, #tpu.memory_space<vmem>>, vector<16xf32>,
        %add3A_1201 = arith.addf %add3A_1189, %get3A_1200 : vector<16xf32>
        %add3A_1202 = arith.constant 26 : i32
        %add3A_1203 = arith.addi %mul3A_896, %add3A_1202 : i32
        %get3A_1204 = arith.index_cast %add3A_1203 : i32 to index
        %get3A_1205 = arith.constant 0 : index
        %get3A_1206 = tpu.vector_load %arg13[%get3A_1204, %get3A_1205] {strides = array<i32>} : memref<800x32xf32, #tpu.memory_space<vmem>>, vector<16xf32>,
        %add3A_1207 = arith.addf %add3A_1195, %get3A_1206 : vector<16xf32>
        %add3A_1208 = arith.constant 26 : i32
        %add3A_1209 = arith.addi %mul3A_896, %add3A_1208 : i32
        %get3A_1210 = arith.index_cast %add3A_1209 : i32 to index
        %get3A_1211 = arith.constant 16 : index
        %get3A_1212 = tpu.vector_load %arg13[%get3A_1210, %get3A_1211] {strides = array<i32>} : memref<800x32xf32, #tpu.memory_space<vmem>>, vector<16xf32>,
        %add3A_1213 = arith.addf %add3A_1201, %get3A_1212 : vector<16xf32>
        %add3A_1214 = arith.constant 27 : i32
        %add3A_1215 = arith.addi %mul3A_896, %add3A_1214 : i32
        %get3A_1216 = arith.index_cast %add3A_1215 : i32 to index
        %get3A_1217 = arith.constant 0 : index
        %get3A_1218 = tpu.vector_load %arg13[%get3A_1216, %get3A_1217] {strides = array<i32>} : memref<800x32xf32, #tpu.memory_space<vmem>>, vector<16xf32>,
        %add3A_1219 = arith.addf %add3A_1207, %get3A_1218 : vector<16xf32>
        %add3A_1220 = arith.constant 27 : i32
        %add3A_1221 = arith.addi %mul3A_896, %add3A_1220 : i32
        %get3A_1222 = arith.index_cast %add3A_1221 : i32 to index
        %get3A_1223 = arith.constant 16 : index
        %get3A_1224 = tpu.vector_load %arg13[%get3A_1222, %get3A_1223] {strides = array<i32>} : memref<800x32xf32, #tpu.memory_space<vmem>>, vector<16xf32>,
        %add3A_1225 = arith.addf %add3A_1213, %get3A_1224 : vector<16xf32>
        %add3A_1226 = arith.constant 28 : i32
        %add3A_1227 = arith.addi %mul3A_896, %add3A_1226 : i32
        %get3A_1228 = arith.index_cast %add3A_1227 : i32 to index
        %get3A_1229 = arith.constant 0 : index
        %get3A_1230 = tpu.vector_load %arg13[%get3A_1228, %get3A_1229] {strides = array<i32>} : memref<800x32xf32, #tpu.memory_space<vmem>>, vector<16xf32>,
        %add3A_1231 = arith.addf %add3A_1219, %get3A_1230 : vector<16xf32>
        %add3A_1232 = arith.constant 28 : i32
        %add3A_1233 = arith.addi %mul3A_896, %add3A_1232 : i32
        %get3A_1234 = arith.index_cast %add3A_1233 : i32 to index
        %get3A_1235 = arith.constant 16 : index
        %get3A_1236 = tpu.vector_load %arg13[%get3A_1234, %get3A_1235] {strides = array<i32>} : memref<800x32xf32, #tpu.memory_space<vmem>>, vector<16xf32>,
        %add3A_1237 = arith.addf %add3A_1225, %get3A_1236 : vector<16xf32>
        %add3A_1238 = arith.constant 29 : i32
        %add3A_1239 = arith.addi %mul3A_896, %add3A_1238 : i32
        %get3A_1240 = arith.index_cast %add3A_1239 : i32 to index
        %get3A_1241 = arith.constant 0 : index
        %get3A_1242 = tpu.vector_load %arg13[%get3A_1240, %get3A_1241] {strides = array<i32>} : memref<800x32xf32, #tpu.memory_space<vmem>>, vector<16xf32>,
        %add3A_1243 = arith.addf %add3A_1231, %get3A_1242 : vector<16xf32>
        %add3A_1244 = arith.constant 29 : i32
        %add3A_1245 = arith.addi %mul3A_896, %add3A_1244 : i32
        %get3A_1246 = arith.index_cast %add3A_1245 : i32 to index
        %get3A_1247 = arith.constant 16 : index
        %get3A_1248 = tpu.vector_load %arg13[%get3A_1246, %get3A_1247] {strides = array<i32>} : memref<800x32xf32, #tpu.memory_space<vmem>>, vector<16xf32>,
        %add3A_1249 = arith.addf %add3A_1237, %get3A_1248 : vector<16xf32>
        %add3A_1250 = arith.constant 30 : i32
        %add3A_1251 = arith.addi %mul3A_896, %add3A_1250 : i32
        %get3A_1252 = arith.index_cast %add3A_1251 : i32 to index
        %get3A_1253 = arith.constant 0 : index
        %get3A_1254 = tpu.vector_load %arg13[%get3A_1252, %get3A_1253] {strides = array<i32>} : memref<800x32xf32, #tpu.memory_space<vmem>>, vector<16xf32>,
        %add3A_1255 = arith.addf %add3A_1243, %get3A_1254 : vector<16xf32>
        %add3A_1256 = arith.constant 30 : i32
        %add3A_1257 = arith.addi %mul3A_896, %add3A_1256 : i32
        %get3A_1258 = arith.index_cast %add3A_1257 : i32 to index
        %get3A_1259 = arith.constant 16 : index
        %get3A_1260 = tpu.vector_load %arg13[%get3A_1258, %get3A_1259] {strides = array<i32>} : memref<800x32xf32, #tpu.memory_space<vmem>>, vector<16xf32>,
        %add3A_1261 = arith.addf %add3A_1249, %get3A_1260 : vector<16xf32>
        %add3A_1262 = arith.constant 31 : i32
        %add3A_1263 = arith.addi %mul3A_896, %add3A_1262 : i32
        %get3A_1264 = arith.index_cast %add3A_1263 : i32 to index
        %get3A_1265 = arith.constant 0 : index
        %get3A_1266 = tpu.vector_load %arg13[%get3A_1264, %get3A_1265] {strides = array<i32>} : memref<800x32xf32, #tpu.memory_space<vmem>>, vector<16xf32>,
        %add3A_1267 = arith.addf %add3A_1255, %get3A_1266 : vector<16xf32>
        %add3A_1268 = arith.constant 31 : i32
        %add3A_1269 = arith.addi %mul3A_896, %add3A_1268 : i32
        %get3A_1270 = arith.index_cast %add3A_1269 : i32 to index
        %get3A_1271 = arith.constant 16 : index
        %get3A_1272 = tpu.vector_load %arg13[%get3A_1270, %get3A_1271] {strides = array<i32>} : memref<800x32xf32, #tpu.memory_space<vmem>>, vector<16xf32>,
        %add3A_1273 = arith.addf %add3A_1261, %get3A_1272 : vector<16xf32>
        %add3A_1274 = arith.constant 32 : i32
        %add3A_1275 = arith.addi %mul3A_896, %add3A_1274 : i32
        %get3A_1276 = arith.index_cast %add3A_1275 : i32 to index
        %get3A_1277 = arith.constant 0 : index
        %get3A_1278 = tpu.vector_load %arg13[%get3A_1276, %get3A_1277] {strides = array<i32>} : memref<800x32xf32, #tpu.memory_space<vmem>>, vector<16xf32>,
        %add3A_1279 = arith.addf %add3A_1267, %get3A_1278 : vector<16xf32>
        %add3A_1280 = arith.constant 32 : i32
        %add3A_1281 = arith.addi %mul3A_896, %add3A_1280 : i32
        %get3A_1282 = arith.index_cast %add3A_1281 : i32 to index
        %get3A_1283 = arith.constant 16 : index
        %get3A_1284 = tpu.vector_load %arg13[%get3A_1282, %get3A_1283] {strides = array<i32>} : memref<800x32xf32, #tpu.memory_space<vmem>>, vector<16xf32>,
        %add3A_1285 = arith.addf %add3A_1273, %get3A_1284 : vector<16xf32>
        %add3A_1286 = arith.constant 33 : i32
        %add3A_1287 = arith.addi %mul3A_896, %add3A_1286 : i32
        %get3A_1288 = arith.index_cast %add3A_1287 : i32 to index
        %get3A_1289 = arith.constant 0 : index
        %get3A_1290 = tpu.vector_load %arg13[%get3A_1288, %get3A_1289] {strides = array<i32>} : memref<800x32xf32, #tpu.memory_space<vmem>>, vector<16xf32>,
        %add3A_1291 = arith.addf %add3A_1279, %get3A_1290 : vector<16xf32>
        %add3A_1292 = arith.constant 33 : i32
        %add3A_1293 = arith.addi %mul3A_896, %add3A_1292 : i32
        %get3A_1294 = arith.index_cast %add3A_1293 : i32 to index
        %get3A_1295 = arith.constant 16 : index
        %get3A_1296 = tpu.vector_load %arg13[%get3A_1294, %get3A_1295] {strides = array<i32>} : memref<800x32xf32, #tpu.memory_space<vmem>>, vector<16xf32>,
        %add3A_1297 = arith.addf %add3A_1285, %get3A_1296 : vector<16xf32>
        %add3A_1298 = arith.constant 34 : i32
        %add3A_1299 = arith.addi %mul3A_896, %add3A_1298 : i32
        %get3A_1300 = arith.index_cast %add3A_1299 : i32 to index
        %get3A_1301 = arith.constant 0 : index
        %get3A_1302 = tpu.vector_load %arg13[%get3A_1300, %get3A_1301] {strides = array<i32>} : memref<800x32xf32, #tpu.memory_space<vmem>>, vector<16xf32>,
        %add3A_1303 = arith.addf %add3A_1291, %get3A_1302 : vector<16xf32>
        %add3A_1304 = arith.constant 34 : i32
        %add3A_1305 = arith.addi %mul3A_896, %add3A_1304 : i32
        %get3A_1306 = arith.index_cast %add3A_1305 : i32 to index
        %get3A_1307 = arith.constant 16 : index
        %get3A_1308 = tpu.vector_load %arg13[%get3A_1306, %get3A_1307] {strides = array<i32>} : memref<800x32xf32, #tpu.memory_space<vmem>>, vector<16xf32>,
        %add3A_1309 = arith.addf %add3A_1297, %get3A_1308 : vector<16xf32>
        %add3A_1310 = arith.constant 35 : i32
        %add3A_1311 = arith.addi %mul3A_896, %add3A_1310 : i32
        %get3A_1312 = arith.index_cast %add3A_1311 : i32 to index
        %get3A_1313 = arith.constant 0 : index
        %get3A_1314 = tpu.vector_load %arg13[%get3A_1312, %get3A_1313] {strides = array<i32>} : memref<800x32xf32, #tpu.memory_space<vmem>>, vector<16xf32>,
        %add3A_1315 = arith.addf %add3A_1303, %get3A_1314 : vector<16xf32>
        %add3A_1316 = arith.constant 35 : i32
        %add3A_1317 = arith.addi %mul3A_896, %add3A_1316 : i32
        %get3A_1318 = arith.index_cast %add3A_1317 : i32 to index
        %get3A_1319 = arith.constant 16 : index
        %get3A_1320 = tpu.vector_load %arg13[%get3A_1318, %get3A_1319] {strides = array<i32>} : memref<800x32xf32, #tpu.memory_space<vmem>>, vector<16xf32>,
        %add3A_1321 = arith.addf %add3A_1309, %get3A_1320 : vector<16xf32>
        %add3A_1322 = arith.constant 36 : i32
        %add3A_1323 = arith.addi %mul3A_896, %add3A_1322 : i32
        %get3A_1324 = arith.index_cast %add3A_1323 : i32 to index
        %get3A_1325 = arith.constant 0 : index
        %get3A_1326 = tpu.vector_load %arg13[%get3A_1324, %get3A_1325] {strides = array<i32>} : memref<800x32xf32, #tpu.memory_space<vmem>>, vector<16xf32>,
        %add3A_1327 = arith.addf %add3A_1315, %get3A_1326 : vector<16xf32>
        %add3A_1328 = arith.constant 36 : i32
        %add3A_1329 = arith.addi %mul3A_896, %add3A_1328 : i32
        %get3A_1330 = arith.index_cast %add3A_1329 : i32 to index
        %get3A_1331 = arith.constant 16 : index
        %get3A_1332 = tpu.vector_load %arg13[%get3A_1330, %get3A_1331] {strides = array<i32>} : memref<800x32xf32, #tpu.memory_space<vmem>>, vector<16xf32>,
        %add3A_1333 = arith.addf %add3A_1321, %get3A_1332 : vector<16xf32>
        %add3A_1334 = arith.constant 37 : i32
        %add3A_1335 = arith.addi %mul3A_896, %add3A_1334 : i32
        %get3A_1336 = arith.index_cast %add3A_1335 : i32 to index
        %get3A_1337 = arith.constant 0 : index
        %get3A_1338 = tpu.vector_load %arg13[%get3A_1336, %get3A_1337] {strides = array<i32>} : memref<800x32xf32, #tpu.memory_space<vmem>>, vector<16xf32>,
        %add3A_1339 = arith.addf %add3A_1327, %get3A_1338 : vector<16xf32>
        %add3A_1340 = arith.constant 37 : i32
        %add3A_1341 = arith.addi %mul3A_896, %add3A_1340 : i32
        %get3A_1342 = arith.index_cast %add3A_1341 : i32 to index
        %get3A_1343 = arith.constant 16 : index
        %get3A_1344 = tpu.vector_load %arg13[%get3A_1342, %get3A_1343] {strides = array<i32>} : memref<800x32xf32, #tpu.memory_space<vmem>>, vector<16xf32>,
        %add3A_1345 = arith.addf %add3A_1333, %get3A_1344 : vector<16xf32>
        %add3A_1346 = arith.constant 38 : i32
        %add3A_1347 = arith.addi %mul3A_896, %add3A_1346 : i32
        %get3A_1348 = arith.index_cast %add3A_1347 : i32 to index
        %get3A_1349 = arith.constant 0 : index
        %get3A_1350 = tpu.vector_load %arg13[%get3A_1348, %get3A_1349] {strides = array<i32>} : memref<800x32xf32, #tpu.memory_space<vmem>>, vector<16xf32>,
        %add3A_1351 = arith.addf %add3A_1339, %get3A_1350 : vector<16xf32>
        %add3A_1352 = arith.constant 38 : i32
        %add3A_1353 = arith.addi %mul3A_896, %add3A_1352 : i32
        %get3A_1354 = arith.index_cast %add3A_1353 : i32 to index
        %get3A_1355 = arith.constant 16 : index
        %get3A_1356 = tpu.vector_load %arg13[%get3A_1354, %get3A_1355] {strides = array<i32>} : memref<800x32xf32, #tpu.memory_space<vmem>>, vector<16xf32>,
        %add3A_1357 = arith.addf %add3A_1345, %get3A_1356 : vector<16xf32>
        %add3A_1358 = arith.constant 39 : i32
        %add3A_1359 = arith.addi %mul3A_896, %add3A_1358 : i32
        %get3A_1360 = arith.index_cast %add3A_1359 : i32 to index
        %get3A_1361 = arith.constant 0 : index
        %get3A_1362 = tpu.vector_load %arg13[%get3A_1360, %get3A_1361] {strides = array<i32>} : memref<800x32xf32, #tpu.memory_space<vmem>>, vector<16xf32>,
        %add3A_1363 = arith.addf %add3A_1351, %get3A_1362 : vector<16xf32>
        %add3A_1364 = arith.constant 39 : i32
        %add3A_1365 = arith.addi %mul3A_896, %add3A_1364 : i32
        %get3A_1366 = arith.index_cast %add3A_1365 : i32 to index
        %get3A_1367 = arith.constant 16 : index
        %get3A_1368 = tpu.vector_load %arg13[%get3A_1366, %get3A_1367] {strides = array<i32>} : memref<800x32xf32, #tpu.memory_space<vmem>>, vector<16xf32>,
        %add3A_1369 = arith.addf %add3A_1357, %get3A_1368 : vector<16xf32>
        %add3A_1370 = arith.constant 40 : i32
        %add3A_1371 = arith.addi %mul3A_896, %add3A_1370 : i32
        %get3A_1372 = arith.index_cast %add3A_1371 : i32 to index
        %get3A_1373 = arith.constant 0 : index
        %get3A_1374 = tpu.vector_load %arg13[%get3A_1372, %get3A_1373] {strides = array<i32>} : memref<800x32xf32, #tpu.memory_space<vmem>>, vector<16xf32>,
        %add3A_1375 = arith.addf %add3A_1363, %get3A_1374 : vector<16xf32>
        %add3A_1376 = arith.constant 40 : i32
        %add3A_1377 = arith.addi %mul3A_896, %add3A_1376 : i32
        %get3A_1378 = arith.index_cast %add3A_1377 : i32 to index
        %get3A_1379 = arith.constant 16 : index
        %get3A_1380 = tpu.vector_load %arg13[%get3A_1378, %get3A_1379] {strides = array<i32>} : memref<800x32xf32, #tpu.memory_space<vmem>>, vector<16xf32>,
        %add3A_1381 = arith.addf %add3A_1369, %get3A_1380 : vector<16xf32>
        %add3A_1382 = arith.constant 41 : i32
        %add3A_1383 = arith.addi %mul3A_896, %add3A_1382 : i32
        %get3A_1384 = arith.index_cast %add3A_1383 : i32 to index
        %get3A_1385 = arith.constant 0 : index
        %get3A_1386 = tpu.vector_load %arg13[%get3A_1384, %get3A_1385] {strides = array<i32>} : memref<800x32xf32, #tpu.memory_space<vmem>>, vector<16xf32>,
        %add3A_1387 = arith.addf %add3A_1375, %get3A_1386 : vector<16xf32>
        %add3A_1388 = arith.constant 41 : i32
        %add3A_1389 = arith.addi %mul3A_896, %add3A_1388 : i32
        %get3A_1390 = arith.index_cast %add3A_1389 : i32 to index
        %get3A_1391 = arith.constant 16 : index
        %get3A_1392 = tpu.vector_load %arg13[%get3A_1390, %get3A_1391] {strides = array<i32>} : memref<800x32xf32, #tpu.memory_space<vmem>>, vector<16xf32>,
        %add3A_1393 = arith.addf %add3A_1381, %get3A_1392 : vector<16xf32>
        %add3A_1394 = arith.constant 42 : i32
        %add3A_1395 = arith.addi %mul3A_896, %add3A_1394 : i32
        %get3A_1396 = arith.index_cast %add3A_1395 : i32 to index
        %get3A_1397 = arith.constant 0 : index
        %get3A_1398 = tpu.vector_load %arg13[%get3A_1396, %get3A_1397] {strides = array<i32>} : memref<800x32xf32, #tpu.memory_space<vmem>>, vector<16xf32>,
        %add3A_1399 = arith.addf %add3A_1387, %get3A_1398 : vector<16xf32>
        %add3A_1400 = arith.constant 42 : i32
        %add3A_1401 = arith.addi %mul3A_896, %add3A_1400 : i32
        %get3A_1402 = arith.index_cast %add3A_1401 : i32 to index
        %get3A_1403 = arith.constant 16 : index
        %get3A_1404 = tpu.vector_load %arg13[%get3A_1402, %get3A_1403] {strides = array<i32>} : memref<800x32xf32, #tpu.memory_space<vmem>>, vector<16xf32>,
        %add3A_1405 = arith.addf %add3A_1393, %get3A_1404 : vector<16xf32>
        %add3A_1406 = arith.constant 43 : i32
        %add3A_1407 = arith.addi %mul3A_896, %add3A_1406 : i32
        %get3A_1408 = arith.index_cast %add3A_1407 : i32 to index
        %get3A_1409 = arith.constant 0 : index
        %get3A_1410 = tpu.vector_load %arg13[%get3A_1408, %get3A_1409] {strides = array<i32>} : memref<800x32xf32, #tpu.memory_space<vmem>>, vector<16xf32>,
        %add3A_1411 = arith.addf %add3A_1399, %get3A_1410 : vector<16xf32>
        %add3A_1412 = arith.constant 43 : i32
        %add3A_1413 = arith.addi %mul3A_896, %add3A_1412 : i32
        %get3A_1414 = arith.index_cast %add3A_1413 : i32 to index
        %get3A_1415 = arith.constant 16 : index
        %get3A_1416 = tpu.vector_load %arg13[%get3A_1414, %get3A_1415] {strides = array<i32>} : memref<800x32xf32, #tpu.memory_space<vmem>>, vector<16xf32>,
        %add3A_1417 = arith.addf %add3A_1405, %get3A_1416 : vector<16xf32>
        %add3A_1418 = arith.constant 44 : i32
        %add3A_1419 = arith.addi %mul3A_896, %add3A_1418 : i32
        %get3A_1420 = arith.index_cast %add3A_1419 : i32 to index
        %get3A_1421 = arith.constant 0 : index
        %get3A_1422 = tpu.vector_load %arg13[%get3A_1420, %get3A_1421] {strides = array<i32>} : memref<800x32xf32, #tpu.memory_space<vmem>>, vector<16xf32>,
        %add3A_1423 = arith.addf %add3A_1411, %get3A_1422 : vector<16xf32>
        %add3A_1424 = arith.constant 44 : i32
        %add3A_1425 = arith.addi %mul3A_896, %add3A_1424 : i32
        %get3A_1426 = arith.index_cast %add3A_1425 : i32 to index
        %get3A_1427 = arith.constant 16 : index
        %get3A_1428 = tpu.vector_load %arg13[%get3A_1426, %get3A_1427] {strides = array<i32>} : memref<800x32xf32, #tpu.memory_space<vmem>>, vector<16xf32>,
        %add3A_1429 = arith.addf %add3A_1417, %get3A_1428 : vector<16xf32>
        %add3A_1430 = arith.constant 45 : i32
        %add3A_1431 = arith.addi %mul3A_896, %add3A_1430 : i32
        %get3A_1432 = arith.index_cast %add3A_1431 : i32 to index
        %get3A_1433 = arith.constant 0 : index
        %get3A_1434 = tpu.vector_load %arg13[%get3A_1432, %get3A_1433] {strides = array<i32>} : memref<800x32xf32, #tpu.memory_space<vmem>>, vector<16xf32>,
        %add3A_1435 = arith.addf %add3A_1423, %get3A_1434 : vector<16xf32>
        %add3A_1436 = arith.constant 45 : i32
        %add3A_1437 = arith.addi %mul3A_896, %add3A_1436 : i32
        %get3A_1438 = arith.index_cast %add3A_1437 : i32 to index
        %get3A_1439 = arith.constant 16 : index
        %get3A_1440 = tpu.vector_load %arg13[%get3A_1438, %get3A_1439] {strides = array<i32>} : memref<800x32xf32, #tpu.memory_space<vmem>>, vector<16xf32>,
        %add3A_1441 = arith.addf %add3A_1429, %get3A_1440 : vector<16xf32>
        %add3A_1442 = arith.constant 46 : i32
        %add3A_1443 = arith.addi %mul3A_896, %add3A_1442 : i32
        %get3A_1444 = arith.index_cast %add3A_1443 : i32 to index
        %get3A_1445 = arith.constant 0 : index
        %get3A_1446 = tpu.vector_load %arg13[%get3A_1444, %get3A_1445] {strides = array<i32>} : memref<800x32xf32, #tpu.memory_space<vmem>>, vector<16xf32>,
        %add3A_1447 = arith.addf %add3A_1435, %get3A_1446 : vector<16xf32>
        %add3A_1448 = arith.constant 46 : i32
        %add3A_1449 = arith.addi %mul3A_896, %add3A_1448 : i32
        %get3A_1450 = arith.index_cast %add3A_1449 : i32 to index
        %get3A_1451 = arith.constant 16 : index
        %get3A_1452 = tpu.vector_load %arg13[%get3A_1450, %get3A_1451] {strides = array<i32>} : memref<800x32xf32, #tpu.memory_space<vmem>>, vector<16xf32>,
        %add3A_1453 = arith.addf %add3A_1441, %get3A_1452 : vector<16xf32>
        %add3A_1454 = arith.constant 47 : i32
        %add3A_1455 = arith.addi %mul3A_896, %add3A_1454 : i32
        %get3A_1456 = arith.index_cast %add3A_1455 : i32 to index
        %get3A_1457 = arith.constant 0 : index
        %get3A_1458 = tpu.vector_load %arg13[%get3A_1456, %get3A_1457] {strides = array<i32>} : memref<800x32xf32, #tpu.memory_space<vmem>>, vector<16xf32>,
        %add3A_1459 = arith.addf %add3A_1447, %get3A_1458 : vector<16xf32>
        %add3A_1460 = arith.constant 47 : i32
        %add3A_1461 = arith.addi %mul3A_896, %add3A_1460 : i32
        %get3A_1462 = arith.index_cast %add3A_1461 : i32 to index
        %get3A_1463 = arith.constant 16 : index
        %get3A_1464 = tpu.vector_load %arg13[%get3A_1462, %get3A_1463] {strides = array<i32>} : memref<800x32xf32, #tpu.memory_space<vmem>>, vector<16xf32>,
        %add3A_1465 = arith.addf %add3A_1453, %get3A_1464 : vector<16xf32>
        %add3A_1466 = arith.constant 48 : i32
        %add3A_1467 = arith.addi %mul3A_896, %add3A_1466 : i32
        %get3A_1468 = arith.index_cast %add3A_1467 : i32 to index
        %get3A_1469 = arith.constant 0 : index
        %get3A_1470 = tpu.vector_load %arg13[%get3A_1468, %get3A_1469] {strides = array<i32>} : memref<800x32xf32, #tpu.memory_space<vmem>>, vector<16xf32>,
        %add3A_1471 = arith.addf %add3A_1459, %get3A_1470 : vector<16xf32>
        %add3A_1472 = arith.constant 48 : i32
        %add3A_1473 = arith.addi %mul3A_896, %add3A_1472 : i32
        %get3A_1474 = arith.index_cast %add3A_1473 : i32 to index
        %get3A_1475 = arith.constant 16 : index
        %get3A_1476 = tpu.vector_load %arg13[%get3A_1474, %get3A_1475] {strides = array<i32>} : memref<800x32xf32, #tpu.memory_space<vmem>>, vector<16xf32>,
        %add3A_1477 = arith.addf %add3A_1465, %get3A_1476 : vector<16xf32>
        %add3A_1478 = arith.constant 49 : i32
        %add3A_1479 = arith.addi %mul3A_896, %add3A_1478 : i32
        %get3A_1480 = arith.index_cast %add3A_1479 : i32 to index
        %get3A_1481 = arith.constant 0 : index
        %get3A_1482 = tpu.vector_load %arg13[%get3A_1480, %get3A_1481] {strides = array<i32>} : memref<800x32xf32, #tpu.memory_space<vmem>>, vector<16xf32>,
        %add3A_1483 = arith.addf %add3A_1471, %get3A_1482 : vector<16xf32>
        %add3A_1484 = arith.constant 49 : i32
        %add3A_1485 = arith.addi %mul3A_896, %add3A_1484 : i32
        %get3A_1486 = arith.index_cast %add3A_1485 : i32 to index
        %get3A_1487 = arith.constant 16 : index
        %get3A_1488 = tpu.vector_load %arg13[%get3A_1486, %get3A_1487] {strides = array<i32>} : memref<800x32xf32, #tpu.memory_space<vmem>>, vector<16xf32>,
        %add3A_1489 = arith.addf %add3A_1477, %get3A_1488 : vector<16xf32>
        %get3A_1490 = arith.index_cast %scan3A_892 : i32 to index
        %get3A_1491 = arith.constant 0 : index
        %get3A_1492 = tpu.vector_load %arg21[%get3A_1490, %get3A_1491] {strides = array<i32>} : memref<16x32xf32, #tpu.memory_space<vmem>>, vector<16xf32>,
        %mul3A_1493 = arith.constant 2.000000e-02 : f32
        %mul3A_1494 = vector.broadcast %mul3A_1493 : f32 to vector<16xf32>
        %mul3A_1495 = arith.mulf %add3A_1483, %mul3A_1494 : vector<16xf32>
        %add3A_1496 = arith.addf %get3A_1492, %mul3A_1495 : vector<16xf32>
        %get3A_1497 = arith.index_cast %scan3A_892 : i32 to index
        %get3A_1498 = arith.constant 16 : index
        %get3A_1499 = tpu.vector_load %arg21[%get3A_1497, %get3A_1498] {strides = array<i32>} : memref<16x32xf32, #tpu.memory_space<vmem>>, vector<16xf32>,
        %mul3A_1500 = arith.constant 2.000000e-02 : f32
        %mul3A_1501 = vector.broadcast %mul3A_1500 : f32 to vector<16xf32>
        %mul3A_1502 = arith.mulf %add3A_1489, %mul3A_1501 : vector<16xf32>
        %add3A_1503 = arith.addf %get3A_1499, %mul3A_1502 : vector<16xf32>
        %get3A_1504 = arith.index_cast %scan3A_892 : i32 to index
        %get3A_1505 = arith.constant 0 : index
        %get3A_1506 = tpu.vector_load %arg23[%get3A_1504, %get3A_1505] {strides = array<i32>} : memref<16x32xf32, #tpu.memory_space<vmem>>, vector<16xf32>,
        %mul3A_1507 = arith.mulf %add3A_1496, %get3A_1506 : vector<16xf32>
        %get3A_1508 = arith.index_cast %scan3A_892 : i32 to index
        %get3A_1509 = arith.constant 16 : index
        %get3A_1510 = tpu.vector_load %arg23[%get3A_1508, %get3A_1509] {strides = array<i32>} : memref<16x32xf32, #tpu.memory_space<vmem>>, vector<16xf32>,
        %mul3A_1511 = arith.mulf %add3A_1503, %get3A_1510 : vector<16xf32>
        %add3A_1512 = arith.addf %mul3A_1507, %mul3A_1511 : vector<16xf32>
        %reduce_sum3A = arith.constant true
        %reduce_sum3A_1513 = vector.broadcast %reduce_sum3A : i1 to vector<16xi1>
        %reduce_sum3A_1514 = tpu.scan <sum>, %add3A_1512 masked %reduce_sum3A_1513 : vector<16xf32>, vector<16xi1> -> vector<16xf32>
        %reduce_sum3A_1515 = vector.extract %reduce_sum3A_1514[15] : f32 from vector<16xf32>
        %get3A_1516 = arith.index_cast %scan3A_892 : i32 to index
        %get3A_1517 = arith.constant 0 : index
        %get3A_1518 = tpu.vector_load %arg25[%get3A_1516, %get3A_1517] {strides = array<i32>} : memref<16x32xf32, #tpu.memory_space<vmem>>, vector<16xf32>,
        %mul3A_1519 = arith.mulf %add3A_1496, %get3A_1518 : vector<16xf32>
        %get3A_1520 = arith.index_cast %scan3A_892 : i32 to index
        %get3A_1521 = arith.constant 16 : index
        %get3A_1522 = tpu.vector_load %arg25[%get3A_1520, %get3A_1521] {strides = array<i32>} : memref<16x32xf32, #tpu.memory_space<vmem>>, vector<16xf32>,
        %mul3A_1523 = arith.mulf %add3A_1503, %get3A_1522 : vector<16xf32>
        %add3A_1524 = arith.addf %mul3A_1519, %mul3A_1523 : vector<16xf32>
        %reduce_sum3A_1525 = arith.constant true
        %reduce_sum3A_1526 = vector.broadcast %reduce_sum3A_1525 : i1 to vector<16xi1>
        %reduce_sum3A_1527 = tpu.scan <sum>, %add3A_1524 masked %reduce_sum3A_1526 : vector<16xf32>, vector<16xi1> -> vector<16xf32>
        %reduce_sum3A_1528 = vector.extract %reduce_sum3A_1527[15] : f32 from vector<16xf32>
        %eq3A = vector.broadcast %scan3A_892 : i32 to vector<16xi32>
        %eq3A_1529 = arith.cmpi eq, %iota3A, %eq3A : vector<16xi32>
        %broadcast_in_dim3A_1530 = vector.broadcast %reduce_sum3A_1515 : f32 to vector<16xf32>
        %select_n3A = arith.select %eq3A_1529, %broadcast_in_dim3A_1530, %scan3A_893 : vector<16xi1>, vector<16xf32>
        %eq3A_1531 = vector.broadcast %scan3A_892 : i32 to vector<16xi32>
        %eq3A_1532 = arith.cmpi eq, %iota3A, %eq3A_1531 : vector<16xi32>
        %broadcast_in_dim3A_1533 = vector.broadcast %reduce_sum3A_1528 : f32 to vector<16xf32>
        %select_n3A_1534 = arith.select %eq3A_1532, %broadcast_in_dim3A_1533, %scan3A_894 : vector<16xi1>, vector<16xf32>
        scf.yield %select_n3A, %select_n3A_1534 : vector<16xf32>, vector<16xf32>
      }
      %scan3A_580 = arith.constant 16 : i32
      %mul3A_581 = arith.constant 16 : i32
      %mul3A_582 = arith.muli %add3A_291, %mul3A_581 : i32
      %swap3A = arith.index_cast %mul3A_582 : i32 to index
      %swap3A_583 = tpu.vector_load %arg9[%swap3A] {strides = array<i32>} : memref<512xf32, #tpu.memory_space<vmem>>, vector<16xf32>,
      tpu.vector_store %arg9[%swap3A], %scan3A_579#0 {strides = array<i32>} : memref<512xf32, #tpu.memory_space<vmem>>, vector<16xf32>,
      %mul3A_584 = arith.constant 16 : i32
      %mul3A_585 = arith.muli %add3A_291, %mul3A_584 : i32
      %swap3A_586 = arith.index_cast %mul3A_585 : i32 to index
      %swap3A_587 = tpu.vector_load %arg10[%swap3A_586] {strides = array<i32>} : memref<512xf32, #tpu.memory_space<vmem>>, vector<16xf32>,
      tpu.vector_store %arg10[%swap3A_586], %scan3A_579#1 {strides = array<i32>} : memref<512xf32, #tpu.memory_space<vmem>>, vector<16xf32>,
      %mul3A_588 = arith.constant 2 : i32
      %mul3A_589 = arith.muli %scan3A_286, %mul3A_588 : i32
      %add3A_590 = arith.constant 1 : i32
      %add3A_591 = arith.addi %mul3A_589, %add3A_590 : i32
      %add3A_592 = arith.constant 1 : i32
      %add3A_593 = arith.addi %add3A_591, %add3A_592 : i32
      %rem3A_594 = arith.constant 32 : i32
      %rem3A_595 = arith.remsi %add3A_593, %rem3A_594 : i32
      %mul3A_596 = arith.constant 16 : i32
      %mul3A_597 = arith.muli %rem3A_595, %mul3A_596 : i32
      %add3A_598 = arith.addi %mul3A_2, %mul3A_597 : i32
      %mul3A_599 = arith.constant 56 : i32
      %mul3A_600 = arith.muli %add3A_598, %mul3A_599 : i32
      "tpu.region"() ({
        %run_scoped3A_892 = tpu.sem_alloc : memref<!tpu.dma_semaphore, #tpu.memory_space<semaphore_mem>>
        %dma_start3A_893 = tpu.memref_slice %arg3[%mul3A_600] : memref<917504xi32, #tpu.memory_space<hbm>> -> memref<896xi32, #tpu.memory_space<hbm>>
        %dma_start3A_894 = tpu.memref_slice %arg3[%mul3A_600] : memref<917504xi32, #tpu.memory_space<hbm>> -> memref<896xi32, #tpu.memory_space<hbm>>
        tpu.enqueue_dma source(%dma_start3A_894 : memref<896xi32, #tpu.memory_space<hbm>>) target(%arg11 : memref<896xi32, #tpu.memory_space<vmem>>) target_semaphore(%run_scoped3A_892 : memref<!tpu.dma_semaphore, #tpu.memory_space<semaphore_mem>>)
        %dma_wait3A_895 = tpu.memref_slice %arg3[%mul3A_600] : memref<917504xi32, #tpu.memory_space<hbm>> -> memref<896xi32, #tpu.memory_space<hbm>>
        %dma_wait3A_896 = tpu.memref_slice %arg3[%mul3A_600] : memref<917504xi32, #tpu.memory_space<hbm>> -> memref<896xi32, #tpu.memory_space<hbm>>
        tpu.wait_dma2 semaphore(%run_scoped3A_892 : memref<!tpu.dma_semaphore, #tpu.memory_space<semaphore_mem>>) src(%dma_wait3A_896 : memref<896xi32, #tpu.memory_space<hbm>>) dst(%arg11 : memref<896xi32, #tpu.memory_space<vmem>>)
        tpu.yield
      }) : () -> ()
      "tpu.region"() ({
        %run_scoped3A_892 = tpu.sem_alloc : memref<!tpu.dma_semaphore, #tpu.memory_space<semaphore_mem>>
        %dma_start3A_893 = tpu.memref_slice %arg2[%add3A_598] : memref<16384xi32, #tpu.memory_space<hbm>> -> memref<16xi32, #tpu.memory_space<hbm>>
        %dma_start3A_894 = tpu.memref_slice %arg2[%add3A_598] : memref<16384xi32, #tpu.memory_space<hbm>> -> memref<16xi32, #tpu.memory_space<hbm>>
        tpu.enqueue_dma source(%dma_start3A_894 : memref<16xi32, #tpu.memory_space<hbm>>) target(%arg15 : memref<16xi32, #tpu.memory_space<vmem>>) target_semaphore(%run_scoped3A_892 : memref<!tpu.dma_semaphore, #tpu.memory_space<semaphore_mem>>)
        %dma_wait3A_895 = tpu.memref_slice %arg2[%add3A_598] : memref<16384xi32, #tpu.memory_space<hbm>> -> memref<16xi32, #tpu.memory_space<hbm>>
        %dma_wait3A_896 = tpu.memref_slice %arg2[%add3A_598] : memref<16384xi32, #tpu.memory_space<hbm>> -> memref<16xi32, #tpu.memory_space<hbm>>
        tpu.wait_dma2 semaphore(%run_scoped3A_892 : memref<!tpu.dma_semaphore, #tpu.memory_space<semaphore_mem>>) src(%dma_wait3A_896 : memref<16xi32, #tpu.memory_space<hbm>>) dst(%arg15 : memref<16xi32, #tpu.memory_space<vmem>>)
        tpu.yield
      }) : () -> ()
      "tpu.region"() ({
        %run_scoped3A_892 = tpu.sem_alloc : memref<!tpu.dma_semaphore, #tpu.memory_space<semaphore_mem>>
        %dma_start3A_893 = tpu.memref_slice %arg4[%add3A_598] : memref<16384xi32, #tpu.memory_space<hbm>> -> memref<16xi32, #tpu.memory_space<hbm>>
        %dma_start3A_894 = tpu.memref_slice %arg4[%add3A_598] : memref<16384xi32, #tpu.memory_space<hbm>> -> memref<16xi32, #tpu.memory_space<hbm>>
        tpu.enqueue_dma source(%dma_start3A_894 : memref<16xi32, #tpu.memory_space<hbm>>) target(%arg17 : memref<16xi32, #tpu.memory_space<vmem>>) target_semaphore(%run_scoped3A_892 : memref<!tpu.dma_semaphore, #tpu.memory_space<semaphore_mem>>)
        %dma_wait3A_895 = tpu.memref_slice %arg4[%add3A_598] : memref<16384xi32, #tpu.memory_space<hbm>> -> memref<16xi32, #tpu.memory_space<hbm>>
        %dma_wait3A_896 = tpu.memref_slice %arg4[%add3A_598] : memref<16384xi32, #tpu.memory_space<hbm>> -> memref<16xi32, #tpu.memory_space<hbm>>
        tpu.wait_dma2 semaphore(%run_scoped3A_892 : memref<!tpu.dma_semaphore, #tpu.memory_space<semaphore_mem>>) src(%dma_wait3A_896 : memref<16xi32, #tpu.memory_space<hbm>>) dst(%arg17 : memref<16xi32, #tpu.memory_space<vmem>>)
        tpu.yield
      }) : () -> ()
      "tpu.region"() ({
        %run_scoped3A_892 = tpu.sem_alloc : memref<!tpu.dma_semaphore, #tpu.memory_space<semaphore_mem>>
        %dma_start3A_893 = tpu.memref_slice %arg5[%add3A_598] : memref<16384xi32, #tpu.memory_space<hbm>> -> memref<16xi32, #tpu.memory_space<hbm>>
        %dma_start3A_894 = tpu.memref_slice %arg5[%add3A_598] : memref<16384xi32, #tpu.memory_space<hbm>> -> memref<16xi32, #tpu.memory_space<hbm>>
        tpu.enqueue_dma source(%dma_start3A_894 : memref<16xi32, #tpu.memory_space<hbm>>) target(%arg19 : memref<16xi32, #tpu.memory_space<vmem>>) target_semaphore(%run_scoped3A_892 : memref<!tpu.dma_semaphore, #tpu.memory_space<semaphore_mem>>)
        %dma_wait3A_895 = tpu.memref_slice %arg5[%add3A_598] : memref<16384xi32, #tpu.memory_space<hbm>> -> memref<16xi32, #tpu.memory_space<hbm>>
        %dma_wait3A_896 = tpu.memref_slice %arg5[%add3A_598] : memref<16384xi32, #tpu.memory_space<hbm>> -> memref<16xi32, #tpu.memory_space<hbm>>
        tpu.wait_dma2 semaphore(%run_scoped3A_892 : memref<!tpu.dma_semaphore, #tpu.memory_space<semaphore_mem>>) src(%dma_wait3A_896 : memref<16xi32, #tpu.memory_space<hbm>>) dst(%arg19 : memref<16xi32, #tpu.memory_space<vmem>>)
        tpu.yield
      }) : () -> ()
      %dma_start3A_601 = arith.constant 0 : i32
      %dma_start3A_602 = arith.constant 0 : i32
      %dma_start3A_603 = tpu.memref_slice %arg6[%dma_start3A_601, %dma_start3A_602] : memref<1000000x32xf32, #tpu.memory_space<hbm>> -> memref<1000000x32xf32, #tpu.memory_space<hbm>>
      tpu.enqueue_indirect_dma source(%dma_start3A_603 : memref<1000000x32xf32, #tpu.memory_space<hbm>>) target(%arg21 : memref<16x32xf32, #tpu.memory_space<vmem>>) offsets(%arg15 : memref<16xi32, #tpu.memory_space<vmem>>) semaphore(%arg27 : memref<!tpu.dma_semaphore, #tpu.memory_space<semaphore_mem>>)
      %dma_start3A_604 = arith.constant 0 : i32
      %dma_start3A_605 = arith.constant 0 : i32
      %dma_start3A_606 = tpu.memref_slice %arg7[%dma_start3A_604, %dma_start3A_605] : memref<1000000x32xf32, #tpu.memory_space<hbm>> -> memref<1000000x32xf32, #tpu.memory_space<hbm>>
      tpu.enqueue_indirect_dma source(%dma_start3A_606 : memref<1000000x32xf32, #tpu.memory_space<hbm>>) target(%arg23 : memref<16x32xf32, #tpu.memory_space<vmem>>) offsets(%arg17 : memref<16xi32, #tpu.memory_space<vmem>>) semaphore(%arg27 : memref<!tpu.dma_semaphore, #tpu.memory_space<semaphore_mem>>)
      %dma_start3A_607 = arith.constant 0 : i32
      %dma_start3A_608 = arith.constant 0 : i32
      %dma_start3A_609 = tpu.memref_slice %arg7[%dma_start3A_607, %dma_start3A_608] : memref<1000000x32xf32, #tpu.memory_space<hbm>> -> memref<1000000x32xf32, #tpu.memory_space<hbm>>
      tpu.enqueue_indirect_dma source(%dma_start3A_609 : memref<1000000x32xf32, #tpu.memory_space<hbm>>) target(%arg25 : memref<16x32xf32, #tpu.memory_space<vmem>>) offsets(%arg19 : memref<16xi32, #tpu.memory_space<vmem>>) semaphore(%arg27 : memref<!tpu.dma_semaphore, #tpu.memory_space<semaphore_mem>>)
      %dma_start3A_610 = arith.constant 0 : i32
      %dma_start3A_611 = arith.constant 0 : i32
      %dma_start3A_612 = tpu.memref_slice %arg13[%dma_start3A_610, %dma_start3A_611] : memref<800x32xf32, #tpu.memory_space<vmem>> -> memref<50x32xf32, #tpu.memory_space<vmem>>
      %dma_start3A_613 = arith.constant 0 : i32
      %dma_start3A_614 = tpu.memref_slice %arg11[%dma_start3A_613] : memref<896xi32, #tpu.memory_space<vmem>> -> memref<50xi32, #tpu.memory_space<vmem>>
      %dma_start3A_615 = arith.constant 0 : i32
      %dma_start3A_616 = arith.constant 0 : i32
      %dma_start3A_617 = tpu.memref_slice %arg7[%dma_start3A_615, %dma_start3A_616] : memref<1000000x32xf32, #tpu.memory_space<hbm>> -> memref<1000000x32xf32, #tpu.memory_space<hbm>>
      tpu.enqueue_indirect_dma source(%dma_start3A_617 : memref<1000000x32xf32, #tpu.memory_space<hbm>>) target(%dma_start3A_612 : memref<50x32xf32, #tpu.memory_space<vmem>>) offsets(%dma_start3A_614 : memref<50xi32, #tpu.memory_space<vmem>>) semaphore(%arg27 : memref<!tpu.dma_semaphore, #tpu.memory_space<semaphore_mem>>)
      %dma_start3A_618 = arith.constant 50 : i32
      %dma_start3A_619 = arith.constant 0 : i32
      %dma_start3A_620 = tpu.memref_slice %arg13[%dma_start3A_618, %dma_start3A_619] : memref<800x32xf32, #tpu.memory_space<vmem>> -> memref<50x32xf32, #tpu.memory_space<vmem>>
      %dma_start3A_621 = arith.constant 56 : i32
      %dma_start3A_622 = tpu.memref_slice %arg11[%dma_start3A_621] : memref<896xi32, #tpu.memory_space<vmem>> -> memref<50xi32, #tpu.memory_space<vmem>>
      %dma_start3A_623 = arith.constant 0 : i32
      %dma_start3A_624 = arith.constant 0 : i32
      %dma_start3A_625 = tpu.memref_slice %arg7[%dma_start3A_623, %dma_start3A_624] : memref<1000000x32xf32, #tpu.memory_space<hbm>> -> memref<1000000x32xf32, #tpu.memory_space<hbm>>
      tpu.enqueue_indirect_dma source(%dma_start3A_625 : memref<1000000x32xf32, #tpu.memory_space<hbm>>) target(%dma_start3A_620 : memref<50x32xf32, #tpu.memory_space<vmem>>) offsets(%dma_start3A_622 : memref<50xi32, #tpu.memory_space<vmem>>) semaphore(%arg27 : memref<!tpu.dma_semaphore, #tpu.memory_space<semaphore_mem>>)
      %dma_start3A_626 = arith.constant 100 : i32
      %dma_start3A_627 = arith.constant 0 : i32
      %dma_start3A_628 = tpu.memref_slice %arg13[%dma_start3A_626, %dma_start3A_627] : memref<800x32xf32, #tpu.memory_space<vmem>> -> memref<50x32xf32, #tpu.memory_space<vmem>>
      %dma_start3A_629 = arith.constant 112 : i32
      %dma_start3A_630 = tpu.memref_slice %arg11[%dma_start3A_629] : memref<896xi32, #tpu.memory_space<vmem>> -> memref<50xi32, #tpu.memory_space<vmem>>
      %dma_start3A_631 = arith.constant 0 : i32
      %dma_start3A_632 = arith.constant 0 : i32
      %dma_start3A_633 = tpu.memref_slice %arg7[%dma_start3A_631, %dma_start3A_632] : memref<1000000x32xf32, #tpu.memory_space<hbm>> -> memref<1000000x32xf32, #tpu.memory_space<hbm>>
      tpu.enqueue_indirect_dma source(%dma_start3A_633 : memref<1000000x32xf32, #tpu.memory_space<hbm>>) target(%dma_start3A_628 : memref<50x32xf32, #tpu.memory_space<vmem>>) offsets(%dma_start3A_630 : memref<50xi32, #tpu.memory_space<vmem>>) semaphore(%arg27 : memref<!tpu.dma_semaphore, #tpu.memory_space<semaphore_mem>>)
      %dma_start3A_634 = arith.constant 150 : i32
      %dma_start3A_635 = arith.constant 0 : i32
      %dma_start3A_636 = tpu.memref_slice %arg13[%dma_start3A_634, %dma_start3A_635] : memref<800x32xf32, #tpu.memory_space<vmem>> -> memref<50x32xf32, #tpu.memory_space<vmem>>
      %dma_start3A_637 = arith.constant 168 : i32
      %dma_start3A_638 = tpu.memref_slice %arg11[%dma_start3A_637] : memref<896xi32, #tpu.memory_space<vmem>> -> memref<50xi32, #tpu.memory_space<vmem>>
      %dma_start3A_639 = arith.constant 0 : i32
      %dma_start3A_640 = arith.constant 0 : i32
      %dma_start3A_641 = tpu.memref_slice %arg7[%dma_start3A_639, %dma_start3A_640] : memref<1000000x32xf32, #tpu.memory_space<hbm>> -> memref<1000000x32xf32, #tpu.memory_space<hbm>>
      tpu.enqueue_indirect_dma source(%dma_start3A_641 : memref<1000000x32xf32, #tpu.memory_space<hbm>>) target(%dma_start3A_636 : memref<50x32xf32, #tpu.memory_space<vmem>>) offsets(%dma_start3A_638 : memref<50xi32, #tpu.memory_space<vmem>>) semaphore(%arg27 : memref<!tpu.dma_semaphore, #tpu.memory_space<semaphore_mem>>)
      %dma_start3A_642 = arith.constant 200 : i32
      %dma_start3A_643 = arith.constant 0 : i32
      %dma_start3A_644 = tpu.memref_slice %arg13[%dma_start3A_642, %dma_start3A_643] : memref<800x32xf32, #tpu.memory_space<vmem>> -> memref<50x32xf32, #tpu.memory_space<vmem>>
      %dma_start3A_645 = arith.constant 224 : i32
      %dma_start3A_646 = tpu.memref_slice %arg11[%dma_start3A_645] : memref<896xi32, #tpu.memory_space<vmem>> -> memref<50xi32, #tpu.memory_space<vmem>>
      %dma_start3A_647 = arith.constant 0 : i32
      %dma_start3A_648 = arith.constant 0 : i32
      %dma_start3A_649 = tpu.memref_slice %arg7[%dma_start3A_647, %dma_start3A_648] : memref<1000000x32xf32, #tpu.memory_space<hbm>> -> memref<1000000x32xf32, #tpu.memory_space<hbm>>
      tpu.enqueue_indirect_dma source(%dma_start3A_649 : memref<1000000x32xf32, #tpu.memory_space<hbm>>) target(%dma_start3A_644 : memref<50x32xf32, #tpu.memory_space<vmem>>) offsets(%dma_start3A_646 : memref<50xi32, #tpu.memory_space<vmem>>) semaphore(%arg27 : memref<!tpu.dma_semaphore, #tpu.memory_space<semaphore_mem>>)
      %dma_start3A_650 = arith.constant 250 : i32
      %dma_start3A_651 = arith.constant 0 : i32
      %dma_start3A_652 = tpu.memref_slice %arg13[%dma_start3A_650, %dma_start3A_651] : memref<800x32xf32, #tpu.memory_space<vmem>> -> memref<50x32xf32, #tpu.memory_space<vmem>>
      %dma_start3A_653 = arith.constant 280 : i32
      %dma_start3A_654 = tpu.memref_slice %arg11[%dma_start3A_653] : memref<896xi32, #tpu.memory_space<vmem>> -> memref<50xi32, #tpu.memory_space<vmem>>
      %dma_start3A_655 = arith.constant 0 : i32
      %dma_start3A_656 = arith.constant 0 : i32
      %dma_start3A_657 = tpu.memref_slice %arg7[%dma_start3A_655, %dma_start3A_656] : memref<1000000x32xf32, #tpu.memory_space<hbm>> -> memref<1000000x32xf32, #tpu.memory_space<hbm>>
      tpu.enqueue_indirect_dma source(%dma_start3A_657 : memref<1000000x32xf32, #tpu.memory_space<hbm>>) target(%dma_start3A_652 : memref<50x32xf32, #tpu.memory_space<vmem>>) offsets(%dma_start3A_654 : memref<50xi32, #tpu.memory_space<vmem>>) semaphore(%arg27 : memref<!tpu.dma_semaphore, #tpu.memory_space<semaphore_mem>>)
      %dma_start3A_658 = arith.constant 300 : i32
      %dma_start3A_659 = arith.constant 0 : i32
      %dma_start3A_660 = tpu.memref_slice %arg13[%dma_start3A_658, %dma_start3A_659] : memref<800x32xf32, #tpu.memory_space<vmem>> -> memref<50x32xf32, #tpu.memory_space<vmem>>
      %dma_start3A_661 = arith.constant 336 : i32
      %dma_start3A_662 = tpu.memref_slice %arg11[%dma_start3A_661] : memref<896xi32, #tpu.memory_space<vmem>> -> memref<50xi32, #tpu.memory_space<vmem>>
      %dma_start3A_663 = arith.constant 0 : i32
      %dma_start3A_664 = arith.constant 0 : i32
      %dma_start3A_665 = tpu.memref_slice %arg7[%dma_start3A_663, %dma_start3A_664] : memref<1000000x32xf32, #tpu.memory_space<hbm>> -> memref<1000000x32xf32, #tpu.memory_space<hbm>>
      tpu.enqueue_indirect_dma source(%dma_start3A_665 : memref<1000000x32xf32, #tpu.memory_space<hbm>>) target(%dma_start3A_660 : memref<50x32xf32, #tpu.memory_space<vmem>>) offsets(%dma_start3A_662 : memref<50xi32, #tpu.memory_space<vmem>>) semaphore(%arg27 : memref<!tpu.dma_semaphore, #tpu.memory_space<semaphore_mem>>)
      %dma_start3A_666 = arith.constant 350 : i32
      %dma_start3A_667 = arith.constant 0 : i32
      %dma_start3A_668 = tpu.memref_slice %arg13[%dma_start3A_666, %dma_start3A_667] : memref<800x32xf32, #tpu.memory_space<vmem>> -> memref<50x32xf32, #tpu.memory_space<vmem>>
      %dma_start3A_669 = arith.constant 392 : i32
      %dma_start3A_670 = tpu.memref_slice %arg11[%dma_start3A_669] : memref<896xi32, #tpu.memory_space<vmem>> -> memref<50xi32, #tpu.memory_space<vmem>>
      %dma_start3A_671 = arith.constant 0 : i32
      %dma_start3A_672 = arith.constant 0 : i32
      %dma_start3A_673 = tpu.memref_slice %arg7[%dma_start3A_671, %dma_start3A_672] : memref<1000000x32xf32, #tpu.memory_space<hbm>> -> memref<1000000x32xf32, #tpu.memory_space<hbm>>
      tpu.enqueue_indirect_dma source(%dma_start3A_673 : memref<1000000x32xf32, #tpu.memory_space<hbm>>) target(%dma_start3A_668 : memref<50x32xf32, #tpu.memory_space<vmem>>) offsets(%dma_start3A_670 : memref<50xi32, #tpu.memory_space<vmem>>) semaphore(%arg27 : memref<!tpu.dma_semaphore, #tpu.memory_space<semaphore_mem>>)
      %dma_start3A_674 = arith.constant 400 : i32
      %dma_start3A_675 = arith.constant 0 : i32
      %dma_start3A_676 = tpu.memref_slice %arg13[%dma_start3A_674, %dma_start3A_675] : memref<800x32xf32, #tpu.memory_space<vmem>> -> memref<50x32xf32, #tpu.memory_space<vmem>>
      %dma_start3A_677 = arith.constant 448 : i32
      %dma_start3A_678 = tpu.memref_slice %arg11[%dma_start3A_677] : memref<896xi32, #tpu.memory_space<vmem>> -> memref<50xi32, #tpu.memory_space<vmem>>
      %dma_start3A_679 = arith.constant 0 : i32
      %dma_start3A_680 = arith.constant 0 : i32
      %dma_start3A_681 = tpu.memref_slice %arg7[%dma_start3A_679, %dma_start3A_680] : memref<1000000x32xf32, #tpu.memory_space<hbm>> -> memref<1000000x32xf32, #tpu.memory_space<hbm>>
      tpu.enqueue_indirect_dma source(%dma_start3A_681 : memref<1000000x32xf32, #tpu.memory_space<hbm>>) target(%dma_start3A_676 : memref<50x32xf32, #tpu.memory_space<vmem>>) offsets(%dma_start3A_678 : memref<50xi32, #tpu.memory_space<vmem>>) semaphore(%arg27 : memref<!tpu.dma_semaphore, #tpu.memory_space<semaphore_mem>>)
      %dma_start3A_682 = arith.constant 450 : i32
      %dma_start3A_683 = arith.constant 0 : i32
      %dma_start3A_684 = tpu.memref_slice %arg13[%dma_start3A_682, %dma_start3A_683] : memref<800x32xf32, #tpu.memory_space<vmem>> -> memref<50x32xf32, #tpu.memory_space<vmem>>
      %dma_start3A_685 = arith.constant 504 : i32
      %dma_start3A_686 = tpu.memref_slice %arg11[%dma_start3A_685] : memref<896xi32, #tpu.memory_space<vmem>> -> memref<50xi32, #tpu.memory_space<vmem>>
      %dma_start3A_687 = arith.constant 0 : i32
      %dma_start3A_688 = arith.constant 0 : i32
      %dma_start3A_689 = tpu.memref_slice %arg7[%dma_start3A_687, %dma_start3A_688] : memref<1000000x32xf32, #tpu.memory_space<hbm>> -> memref<1000000x32xf32, #tpu.memory_space<hbm>>
      tpu.enqueue_indirect_dma source(%dma_start3A_689 : memref<1000000x32xf32, #tpu.memory_space<hbm>>) target(%dma_start3A_684 : memref<50x32xf32, #tpu.memory_space<vmem>>) offsets(%dma_start3A_686 : memref<50xi32, #tpu.memory_space<vmem>>) semaphore(%arg27 : memref<!tpu.dma_semaphore, #tpu.memory_space<semaphore_mem>>)
      %dma_start3A_690 = arith.constant 500 : i32
      %dma_start3A_691 = arith.constant 0 : i32
      %dma_start3A_692 = tpu.memref_slice %arg13[%dma_start3A_690, %dma_start3A_691] : memref<800x32xf32, #tpu.memory_space<vmem>> -> memref<50x32xf32, #tpu.memory_space<vmem>>
      %dma_start3A_693 = arith.constant 560 : i32
      %dma_start3A_694 = tpu.memref_slice %arg11[%dma_start3A_693] : memref<896xi32, #tpu.memory_space<vmem>> -> memref<50xi32, #tpu.memory_space<vmem>>
      %dma_start3A_695 = arith.constant 0 : i32
      %dma_start3A_696 = arith.constant 0 : i32
      %dma_start3A_697 = tpu.memref_slice %arg7[%dma_start3A_695, %dma_start3A_696] : memref<1000000x32xf32, #tpu.memory_space<hbm>> -> memref<1000000x32xf32, #tpu.memory_space<hbm>>
      tpu.enqueue_indirect_dma source(%dma_start3A_697 : memref<1000000x32xf32, #tpu.memory_space<hbm>>) target(%dma_start3A_692 : memref<50x32xf32, #tpu.memory_space<vmem>>) offsets(%dma_start3A_694 : memref<50xi32, #tpu.memory_space<vmem>>) semaphore(%arg27 : memref<!tpu.dma_semaphore, #tpu.memory_space<semaphore_mem>>)
      %dma_start3A_698 = arith.constant 550 : i32
      %dma_start3A_699 = arith.constant 0 : i32
      %dma_start3A_700 = tpu.memref_slice %arg13[%dma_start3A_698, %dma_start3A_699] : memref<800x32xf32, #tpu.memory_space<vmem>> -> memref<50x32xf32, #tpu.memory_space<vmem>>
      %dma_start3A_701 = arith.constant 616 : i32
      %dma_start3A_702 = tpu.memref_slice %arg11[%dma_start3A_701] : memref<896xi32, #tpu.memory_space<vmem>> -> memref<50xi32, #tpu.memory_space<vmem>>
      %dma_start3A_703 = arith.constant 0 : i32
      %dma_start3A_704 = arith.constant 0 : i32
      %dma_start3A_705 = tpu.memref_slice %arg7[%dma_start3A_703, %dma_start3A_704] : memref<1000000x32xf32, #tpu.memory_space<hbm>> -> memref<1000000x32xf32, #tpu.memory_space<hbm>>
      tpu.enqueue_indirect_dma source(%dma_start3A_705 : memref<1000000x32xf32, #tpu.memory_space<hbm>>) target(%dma_start3A_700 : memref<50x32xf32, #tpu.memory_space<vmem>>) offsets(%dma_start3A_702 : memref<50xi32, #tpu.memory_space<vmem>>) semaphore(%arg27 : memref<!tpu.dma_semaphore, #tpu.memory_space<semaphore_mem>>)
      %dma_start3A_706 = arith.constant 600 : i32
      %dma_start3A_707 = arith.constant 0 : i32
      %dma_start3A_708 = tpu.memref_slice %arg13[%dma_start3A_706, %dma_start3A_707] : memref<800x32xf32, #tpu.memory_space<vmem>> -> memref<50x32xf32, #tpu.memory_space<vmem>>
      %dma_start3A_709 = arith.constant 672 : i32
      %dma_start3A_710 = tpu.memref_slice %arg11[%dma_start3A_709] : memref<896xi32, #tpu.memory_space<vmem>> -> memref<50xi32, #tpu.memory_space<vmem>>
      %dma_start3A_711 = arith.constant 0 : i32
      %dma_start3A_712 = arith.constant 0 : i32
      %dma_start3A_713 = tpu.memref_slice %arg7[%dma_start3A_711, %dma_start3A_712] : memref<1000000x32xf32, #tpu.memory_space<hbm>> -> memref<1000000x32xf32, #tpu.memory_space<hbm>>
      tpu.enqueue_indirect_dma source(%dma_start3A_713 : memref<1000000x32xf32, #tpu.memory_space<hbm>>) target(%dma_start3A_708 : memref<50x32xf32, #tpu.memory_space<vmem>>) offsets(%dma_start3A_710 : memref<50xi32, #tpu.memory_space<vmem>>) semaphore(%arg27 : memref<!tpu.dma_semaphore, #tpu.memory_space<semaphore_mem>>)
      %dma_start3A_714 = arith.constant 650 : i32
      %dma_start3A_715 = arith.constant 0 : i32
      %dma_start3A_716 = tpu.memref_slice %arg13[%dma_start3A_714, %dma_start3A_715] : memref<800x32xf32, #tpu.memory_space<vmem>> -> memref<50x32xf32, #tpu.memory_space<vmem>>
      %dma_start3A_717 = arith.constant 728 : i32
      %dma_start3A_718 = tpu.memref_slice %arg11[%dma_start3A_717] : memref<896xi32, #tpu.memory_space<vmem>> -> memref<50xi32, #tpu.memory_space<vmem>>
      %dma_start3A_719 = arith.constant 0 : i32
      %dma_start3A_720 = arith.constant 0 : i32
      %dma_start3A_721 = tpu.memref_slice %arg7[%dma_start3A_719, %dma_start3A_720] : memref<1000000x32xf32, #tpu.memory_space<hbm>> -> memref<1000000x32xf32, #tpu.memory_space<hbm>>
      tpu.enqueue_indirect_dma source(%dma_start3A_721 : memref<1000000x32xf32, #tpu.memory_space<hbm>>) target(%dma_start3A_716 : memref<50x32xf32, #tpu.memory_space<vmem>>) offsets(%dma_start3A_718 : memref<50xi32, #tpu.memory_space<vmem>>) semaphore(%arg27 : memref<!tpu.dma_semaphore, #tpu.memory_space<semaphore_mem>>)
      %dma_start3A_722 = arith.constant 700 : i32
      %dma_start3A_723 = arith.constant 0 : i32
      %dma_start3A_724 = tpu.memref_slice %arg13[%dma_start3A_722, %dma_start3A_723] : memref<800x32xf32, #tpu.memory_space<vmem>> -> memref<50x32xf32, #tpu.memory_space<vmem>>
      %dma_start3A_725 = arith.constant 784 : i32
      %dma_start3A_726 = tpu.memref_slice %arg11[%dma_start3A_725] : memref<896xi32, #tpu.memory_space<vmem>> -> memref<50xi32, #tpu.memory_space<vmem>>
      %dma_start3A_727 = arith.constant 0 : i32
      %dma_start3A_728 = arith.constant 0 : i32
      %dma_start3A_729 = tpu.memref_slice %arg7[%dma_start3A_727, %dma_start3A_728] : memref<1000000x32xf32, #tpu.memory_space<hbm>> -> memref<1000000x32xf32, #tpu.memory_space<hbm>>
      tpu.enqueue_indirect_dma source(%dma_start3A_729 : memref<1000000x32xf32, #tpu.memory_space<hbm>>) target(%dma_start3A_724 : memref<50x32xf32, #tpu.memory_space<vmem>>) offsets(%dma_start3A_726 : memref<50xi32, #tpu.memory_space<vmem>>) semaphore(%arg27 : memref<!tpu.dma_semaphore, #tpu.memory_space<semaphore_mem>>)
      %dma_start3A_730 = arith.constant 750 : i32
      %dma_start3A_731 = arith.constant 0 : i32
      %dma_start3A_732 = tpu.memref_slice %arg13[%dma_start3A_730, %dma_start3A_731] : memref<800x32xf32, #tpu.memory_space<vmem>> -> memref<50x32xf32, #tpu.memory_space<vmem>>
      %dma_start3A_733 = arith.constant 840 : i32
      %dma_start3A_734 = tpu.memref_slice %arg11[%dma_start3A_733] : memref<896xi32, #tpu.memory_space<vmem>> -> memref<50xi32, #tpu.memory_space<vmem>>
      %dma_start3A_735 = arith.constant 0 : i32
      %dma_start3A_736 = arith.constant 0 : i32
      %dma_start3A_737 = tpu.memref_slice %arg7[%dma_start3A_735, %dma_start3A_736] : memref<1000000x32xf32, #tpu.memory_space<hbm>> -> memref<1000000x32xf32, #tpu.memory_space<hbm>>
      tpu.enqueue_indirect_dma source(%dma_start3A_737 : memref<1000000x32xf32, #tpu.memory_space<hbm>>) target(%dma_start3A_732 : memref<50x32xf32, #tpu.memory_space<vmem>>) offsets(%dma_start3A_734 : memref<50xi32, #tpu.memory_space<vmem>>) semaphore(%arg27 : memref<!tpu.dma_semaphore, #tpu.memory_space<semaphore_mem>>)
      %dma_wait3A_738 = arith.constant 0 : i32
      %dma_wait3A_739 = arith.constant 0 : i32
      %dma_wait3A_740 = tpu.memref_slice %arg6[%dma_wait3A_738, %dma_wait3A_739] : memref<1000000x32xf32, #tpu.memory_space<hbm>> -> memref<1000000x32xf32, #tpu.memory_space<hbm>>
      tpu.wait_indirect_dma semaphore(%arg28 : memref<!tpu.dma_semaphore, #tpu.memory_space<semaphore_mem>>) src(%dma_wait3A_740 : memref<1000000x32xf32, #tpu.memory_space<hbm>>) dst(%arg22 : memref<16x32xf32, #tpu.memory_space<vmem>>)
      %dma_wait3A_741 = arith.constant 0 : i32
      %dma_wait3A_742 = arith.constant 0 : i32
      %dma_wait3A_743 = tpu.memref_slice %arg7[%dma_wait3A_741, %dma_wait3A_742] : memref<1000000x32xf32, #tpu.memory_space<hbm>> -> memref<1000000x32xf32, #tpu.memory_space<hbm>>
      tpu.wait_indirect_dma semaphore(%arg28 : memref<!tpu.dma_semaphore, #tpu.memory_space<semaphore_mem>>) src(%dma_wait3A_743 : memref<1000000x32xf32, #tpu.memory_space<hbm>>) dst(%arg24 : memref<16x32xf32, #tpu.memory_space<vmem>>)
      %dma_wait3A_744 = arith.constant 0 : i32
      %dma_wait3A_745 = arith.constant 0 : i32
      %dma_wait3A_746 = tpu.memref_slice %arg7[%dma_wait3A_744, %dma_wait3A_745] : memref<1000000x32xf32, #tpu.memory_space<hbm>> -> memref<1000000x32xf32, #tpu.memory_space<hbm>>
      tpu.wait_indirect_dma semaphore(%arg28 : memref<!tpu.dma_semaphore, #tpu.memory_space<semaphore_mem>>) src(%dma_wait3A_746 : memref<1000000x32xf32, #tpu.memory_space<hbm>>) dst(%arg26 : memref<16x32xf32, #tpu.memory_space<vmem>>)
      %dma_wait3A_747 = arith.constant 0 : i32
      %dma_wait3A_748 = arith.constant 0 : i32
      %dma_wait3A_749 = tpu.memref_slice %arg14[%dma_wait3A_747, %dma_wait3A_748] : memref<800x32xf32, #tpu.memory_space<vmem>> -> memref<50x32xf32, #tpu.memory_space<vmem>>
      %dma_wait3A_750 = arith.constant 0 : i32
      %dma_wait3A_751 = tpu.memref_slice %arg12[%dma_wait3A_750] : memref<896xi32, #tpu.memory_space<vmem>> -> memref<50xi32, #tpu.memory_space<vmem>>
      %dma_wait3A_752 = arith.constant 0 : i32
      %dma_wait3A_753 = arith.constant 0 : i32
      %dma_wait3A_754 = tpu.memref_slice %arg7[%dma_wait3A_752, %dma_wait3A_753] : memref<1000000x32xf32, #tpu.memory_space<hbm>> -> memref<1000000x32xf32, #tpu.memory_space<hbm>>
      tpu.wait_indirect_dma semaphore(%arg28 : memref<!tpu.dma_semaphore, #tpu.memory_space<semaphore_mem>>) src(%dma_wait3A_754 : memref<1000000x32xf32, #tpu.memory_space<hbm>>) dst(%dma_wait3A_749 : memref<50x32xf32, #tpu.memory_space<vmem>>)
      %dma_wait3A_755 = arith.constant 50 : i32
      %dma_wait3A_756 = arith.constant 0 : i32
      %dma_wait3A_757 = tpu.memref_slice %arg14[%dma_wait3A_755, %dma_wait3A_756] : memref<800x32xf32, #tpu.memory_space<vmem>> -> memref<50x32xf32, #tpu.memory_space<vmem>>
      %dma_wait3A_758 = arith.constant 56 : i32
      %dma_wait3A_759 = tpu.memref_slice %arg12[%dma_wait3A_758] : memref<896xi32, #tpu.memory_space<vmem>> -> memref<50xi32, #tpu.memory_space<vmem>>
      %dma_wait3A_760 = arith.constant 0 : i32
      %dma_wait3A_761 = arith.constant 0 : i32
      %dma_wait3A_762 = tpu.memref_slice %arg7[%dma_wait3A_760, %dma_wait3A_761] : memref<1000000x32xf32, #tpu.memory_space<hbm>> -> memref<1000000x32xf32, #tpu.memory_space<hbm>>
      tpu.wait_indirect_dma semaphore(%arg28 : memref<!tpu.dma_semaphore, #tpu.memory_space<semaphore_mem>>) src(%dma_wait3A_762 : memref<1000000x32xf32, #tpu.memory_space<hbm>>) dst(%dma_wait3A_757 : memref<50x32xf32, #tpu.memory_space<vmem>>)
      %dma_wait3A_763 = arith.constant 100 : i32
      %dma_wait3A_764 = arith.constant 0 : i32
      %dma_wait3A_765 = tpu.memref_slice %arg14[%dma_wait3A_763, %dma_wait3A_764] : memref<800x32xf32, #tpu.memory_space<vmem>> -> memref<50x32xf32, #tpu.memory_space<vmem>>
      %dma_wait3A_766 = arith.constant 112 : i32
      %dma_wait3A_767 = tpu.memref_slice %arg12[%dma_wait3A_766] : memref<896xi32, #tpu.memory_space<vmem>> -> memref<50xi32, #tpu.memory_space<vmem>>
      %dma_wait3A_768 = arith.constant 0 : i32
      %dma_wait3A_769 = arith.constant 0 : i32
      %dma_wait3A_770 = tpu.memref_slice %arg7[%dma_wait3A_768, %dma_wait3A_769] : memref<1000000x32xf32, #tpu.memory_space<hbm>> -> memref<1000000x32xf32, #tpu.memory_space<hbm>>
      tpu.wait_indirect_dma semaphore(%arg28 : memref<!tpu.dma_semaphore, #tpu.memory_space<semaphore_mem>>) src(%dma_wait3A_770 : memref<1000000x32xf32, #tpu.memory_space<hbm>>) dst(%dma_wait3A_765 : memref<50x32xf32, #tpu.memory_space<vmem>>)
      %dma_wait3A_771 = arith.constant 150 : i32
      %dma_wait3A_772 = arith.constant 0 : i32
      %dma_wait3A_773 = tpu.memref_slice %arg14[%dma_wait3A_771, %dma_wait3A_772] : memref<800x32xf32, #tpu.memory_space<vmem>> -> memref<50x32xf32, #tpu.memory_space<vmem>>
      %dma_wait3A_774 = arith.constant 168 : i32
      %dma_wait3A_775 = tpu.memref_slice %arg12[%dma_wait3A_774] : memref<896xi32, #tpu.memory_space<vmem>> -> memref<50xi32, #tpu.memory_space<vmem>>
      %dma_wait3A_776 = arith.constant 0 : i32
      %dma_wait3A_777 = arith.constant 0 : i32
      %dma_wait3A_778 = tpu.memref_slice %arg7[%dma_wait3A_776, %dma_wait3A_777] : memref<1000000x32xf32, #tpu.memory_space<hbm>> -> memref<1000000x32xf32, #tpu.memory_space<hbm>>
      tpu.wait_indirect_dma semaphore(%arg28 : memref<!tpu.dma_semaphore, #tpu.memory_space<semaphore_mem>>) src(%dma_wait3A_778 : memref<1000000x32xf32, #tpu.memory_space<hbm>>) dst(%dma_wait3A_773 : memref<50x32xf32, #tpu.memory_space<vmem>>)
      %dma_wait3A_779 = arith.constant 200 : i32
      %dma_wait3A_780 = arith.constant 0 : i32
      %dma_wait3A_781 = tpu.memref_slice %arg14[%dma_wait3A_779, %dma_wait3A_780] : memref<800x32xf32, #tpu.memory_space<vmem>> -> memref<50x32xf32, #tpu.memory_space<vmem>>
      %dma_wait3A_782 = arith.constant 224 : i32
      %dma_wait3A_783 = tpu.memref_slice %arg12[%dma_wait3A_782] : memref<896xi32, #tpu.memory_space<vmem>> -> memref<50xi32, #tpu.memory_space<vmem>>
      %dma_wait3A_784 = arith.constant 0 : i32
      %dma_wait3A_785 = arith.constant 0 : i32
      %dma_wait3A_786 = tpu.memref_slice %arg7[%dma_wait3A_784, %dma_wait3A_785] : memref<1000000x32xf32, #tpu.memory_space<hbm>> -> memref<1000000x32xf32, #tpu.memory_space<hbm>>
      tpu.wait_indirect_dma semaphore(%arg28 : memref<!tpu.dma_semaphore, #tpu.memory_space<semaphore_mem>>) src(%dma_wait3A_786 : memref<1000000x32xf32, #tpu.memory_space<hbm>>) dst(%dma_wait3A_781 : memref<50x32xf32, #tpu.memory_space<vmem>>)
      %dma_wait3A_787 = arith.constant 250 : i32
      %dma_wait3A_788 = arith.constant 0 : i32
      %dma_wait3A_789 = tpu.memref_slice %arg14[%dma_wait3A_787, %dma_wait3A_788] : memref<800x32xf32, #tpu.memory_space<vmem>> -> memref<50x32xf32, #tpu.memory_space<vmem>>
      %dma_wait3A_790 = arith.constant 280 : i32
      %dma_wait3A_791 = tpu.memref_slice %arg12[%dma_wait3A_790] : memref<896xi32, #tpu.memory_space<vmem>> -> memref<50xi32, #tpu.memory_space<vmem>>
      %dma_wait3A_792 = arith.constant 0 : i32
      %dma_wait3A_793 = arith.constant 0 : i32
      %dma_wait3A_794 = tpu.memref_slice %arg7[%dma_wait3A_792, %dma_wait3A_793] : memref<1000000x32xf32, #tpu.memory_space<hbm>> -> memref<1000000x32xf32, #tpu.memory_space<hbm>>
      tpu.wait_indirect_dma semaphore(%arg28 : memref<!tpu.dma_semaphore, #tpu.memory_space<semaphore_mem>>) src(%dma_wait3A_794 : memref<1000000x32xf32, #tpu.memory_space<hbm>>) dst(%dma_wait3A_789 : memref<50x32xf32, #tpu.memory_space<vmem>>)
      %dma_wait3A_795 = arith.constant 300 : i32
      %dma_wait3A_796 = arith.constant 0 : i32
      %dma_wait3A_797 = tpu.memref_slice %arg14[%dma_wait3A_795, %dma_wait3A_796] : memref<800x32xf32, #tpu.memory_space<vmem>> -> memref<50x32xf32, #tpu.memory_space<vmem>>
      %dma_wait3A_798 = arith.constant 336 : i32
      %dma_wait3A_799 = tpu.memref_slice %arg12[%dma_wait3A_798] : memref<896xi32, #tpu.memory_space<vmem>> -> memref<50xi32, #tpu.memory_space<vmem>>
      %dma_wait3A_800 = arith.constant 0 : i32
      %dma_wait3A_801 = arith.constant 0 : i32
      %dma_wait3A_802 = tpu.memref_slice %arg7[%dma_wait3A_800, %dma_wait3A_801] : memref<1000000x32xf32, #tpu.memory_space<hbm>> -> memref<1000000x32xf32, #tpu.memory_space<hbm>>
      tpu.wait_indirect_dma semaphore(%arg28 : memref<!tpu.dma_semaphore, #tpu.memory_space<semaphore_mem>>) src(%dma_wait3A_802 : memref<1000000x32xf32, #tpu.memory_space<hbm>>) dst(%dma_wait3A_797 : memref<50x32xf32, #tpu.memory_space<vmem>>)
      %dma_wait3A_803 = arith.constant 350 : i32
      %dma_wait3A_804 = arith.constant 0 : i32
      %dma_wait3A_805 = tpu.memref_slice %arg14[%dma_wait3A_803, %dma_wait3A_804] : memref<800x32xf32, #tpu.memory_space<vmem>> -> memref<50x32xf32, #tpu.memory_space<vmem>>
      %dma_wait3A_806 = arith.constant 392 : i32
      %dma_wait3A_807 = tpu.memref_slice %arg12[%dma_wait3A_806] : memref<896xi32, #tpu.memory_space<vmem>> -> memref<50xi32, #tpu.memory_space<vmem>>
      %dma_wait3A_808 = arith.constant 0 : i32
      %dma_wait3A_809 = arith.constant 0 : i32
      %dma_wait3A_810 = tpu.memref_slice %arg7[%dma_wait3A_808, %dma_wait3A_809] : memref<1000000x32xf32, #tpu.memory_space<hbm>> -> memref<1000000x32xf32, #tpu.memory_space<hbm>>
      tpu.wait_indirect_dma semaphore(%arg28 : memref<!tpu.dma_semaphore, #tpu.memory_space<semaphore_mem>>) src(%dma_wait3A_810 : memref<1000000x32xf32, #tpu.memory_space<hbm>>) dst(%dma_wait3A_805 : memref<50x32xf32, #tpu.memory_space<vmem>>)
      %dma_wait3A_811 = arith.constant 400 : i32
      %dma_wait3A_812 = arith.constant 0 : i32
      %dma_wait3A_813 = tpu.memref_slice %arg14[%dma_wait3A_811, %dma_wait3A_812] : memref<800x32xf32, #tpu.memory_space<vmem>> -> memref<50x32xf32, #tpu.memory_space<vmem>>
      %dma_wait3A_814 = arith.constant 448 : i32
      %dma_wait3A_815 = tpu.memref_slice %arg12[%dma_wait3A_814] : memref<896xi32, #tpu.memory_space<vmem>> -> memref<50xi32, #tpu.memory_space<vmem>>
      %dma_wait3A_816 = arith.constant 0 : i32
      %dma_wait3A_817 = arith.constant 0 : i32
      %dma_wait3A_818 = tpu.memref_slice %arg7[%dma_wait3A_816, %dma_wait3A_817] : memref<1000000x32xf32, #tpu.memory_space<hbm>> -> memref<1000000x32xf32, #tpu.memory_space<hbm>>
      tpu.wait_indirect_dma semaphore(%arg28 : memref<!tpu.dma_semaphore, #tpu.memory_space<semaphore_mem>>) src(%dma_wait3A_818 : memref<1000000x32xf32, #tpu.memory_space<hbm>>) dst(%dma_wait3A_813 : memref<50x32xf32, #tpu.memory_space<vmem>>)
      %dma_wait3A_819 = arith.constant 450 : i32
      %dma_wait3A_820 = arith.constant 0 : i32
      %dma_wait3A_821 = tpu.memref_slice %arg14[%dma_wait3A_819, %dma_wait3A_820] : memref<800x32xf32, #tpu.memory_space<vmem>> -> memref<50x32xf32, #tpu.memory_space<vmem>>
      %dma_wait3A_822 = arith.constant 504 : i32
      %dma_wait3A_823 = tpu.memref_slice %arg12[%dma_wait3A_822] : memref<896xi32, #tpu.memory_space<vmem>> -> memref<50xi32, #tpu.memory_space<vmem>>
      %dma_wait3A_824 = arith.constant 0 : i32
      %dma_wait3A_825 = arith.constant 0 : i32
      %dma_wait3A_826 = tpu.memref_slice %arg7[%dma_wait3A_824, %dma_wait3A_825] : memref<1000000x32xf32, #tpu.memory_space<hbm>> -> memref<1000000x32xf32, #tpu.memory_space<hbm>>
      tpu.wait_indirect_dma semaphore(%arg28 : memref<!tpu.dma_semaphore, #tpu.memory_space<semaphore_mem>>) src(%dma_wait3A_826 : memref<1000000x32xf32, #tpu.memory_space<hbm>>) dst(%dma_wait3A_821 : memref<50x32xf32, #tpu.memory_space<vmem>>)
      %dma_wait3A_827 = arith.constant 500 : i32
      %dma_wait3A_828 = arith.constant 0 : i32
      %dma_wait3A_829 = tpu.memref_slice %arg14[%dma_wait3A_827, %dma_wait3A_828] : memref<800x32xf32, #tpu.memory_space<vmem>> -> memref<50x32xf32, #tpu.memory_space<vmem>>
      %dma_wait3A_830 = arith.constant 560 : i32
      %dma_wait3A_831 = tpu.memref_slice %arg12[%dma_wait3A_830] : memref<896xi32, #tpu.memory_space<vmem>> -> memref<50xi32, #tpu.memory_space<vmem>>
      %dma_wait3A_832 = arith.constant 0 : i32
      %dma_wait3A_833 = arith.constant 0 : i32
      %dma_wait3A_834 = tpu.memref_slice %arg7[%dma_wait3A_832, %dma_wait3A_833] : memref<1000000x32xf32, #tpu.memory_space<hbm>> -> memref<1000000x32xf32, #tpu.memory_space<hbm>>
      tpu.wait_indirect_dma semaphore(%arg28 : memref<!tpu.dma_semaphore, #tpu.memory_space<semaphore_mem>>) src(%dma_wait3A_834 : memref<1000000x32xf32, #tpu.memory_space<hbm>>) dst(%dma_wait3A_829 : memref<50x32xf32, #tpu.memory_space<vmem>>)
      %dma_wait3A_835 = arith.constant 550 : i32
      %dma_wait3A_836 = arith.constant 0 : i32
      %dma_wait3A_837 = tpu.memref_slice %arg14[%dma_wait3A_835, %dma_wait3A_836] : memref<800x32xf32, #tpu.memory_space<vmem>> -> memref<50x32xf32, #tpu.memory_space<vmem>>
      %dma_wait3A_838 = arith.constant 616 : i32
      %dma_wait3A_839 = tpu.memref_slice %arg12[%dma_wait3A_838] : memref<896xi32, #tpu.memory_space<vmem>> -> memref<50xi32, #tpu.memory_space<vmem>>
      %dma_wait3A_840 = arith.constant 0 : i32
      %dma_wait3A_841 = arith.constant 0 : i32
      %dma_wait3A_842 = tpu.memref_slice %arg7[%dma_wait3A_840, %dma_wait3A_841] : memref<1000000x32xf32, #tpu.memory_space<hbm>> -> memref<1000000x32xf32, #tpu.memory_space<hbm>>
      tpu.wait_indirect_dma semaphore(%arg28 : memref<!tpu.dma_semaphore, #tpu.memory_space<semaphore_mem>>) src(%dma_wait3A_842 : memref<1000000x32xf32, #tpu.memory_space<hbm>>) dst(%dma_wait3A_837 : memref<50x32xf32, #tpu.memory_space<vmem>>)
      %dma_wait3A_843 = arith.constant 600 : i32
      %dma_wait3A_844 = arith.constant 0 : i32
      %dma_wait3A_845 = tpu.memref_slice %arg14[%dma_wait3A_843, %dma_wait3A_844] : memref<800x32xf32, #tpu.memory_space<vmem>> -> memref<50x32xf32, #tpu.memory_space<vmem>>
      %dma_wait3A_846 = arith.constant 672 : i32
      %dma_wait3A_847 = tpu.memref_slice %arg12[%dma_wait3A_846] : memref<896xi32, #tpu.memory_space<vmem>> -> memref<50xi32, #tpu.memory_space<vmem>>
      %dma_wait3A_848 = arith.constant 0 : i32
      %dma_wait3A_849 = arith.constant 0 : i32
      %dma_wait3A_850 = tpu.memref_slice %arg7[%dma_wait3A_848, %dma_wait3A_849] : memref<1000000x32xf32, #tpu.memory_space<hbm>> -> memref<1000000x32xf32, #tpu.memory_space<hbm>>
      tpu.wait_indirect_dma semaphore(%arg28 : memref<!tpu.dma_semaphore, #tpu.memory_space<semaphore_mem>>) src(%dma_wait3A_850 : memref<1000000x32xf32, #tpu.memory_space<hbm>>) dst(%dma_wait3A_845 : memref<50x32xf32, #tpu.memory_space<vmem>>)
      %dma_wait3A_851 = arith.constant 650 : i32
      %dma_wait3A_852 = arith.constant 0 : i32
      %dma_wait3A_853 = tpu.memref_slice %arg14[%dma_wait3A_851, %dma_wait3A_852] : memref<800x32xf32, #tpu.memory_space<vmem>> -> memref<50x32xf32, #tpu.memory_space<vmem>>
      %dma_wait3A_854 = arith.constant 728 : i32
      %dma_wait3A_855 = tpu.memref_slice %arg12[%dma_wait3A_854] : memref<896xi32, #tpu.memory_space<vmem>> -> memref<50xi32, #tpu.memory_space<vmem>>
      %dma_wait3A_856 = arith.constant 0 : i32
      %dma_wait3A_857 = arith.constant 0 : i32
      %dma_wait3A_858 = tpu.memref_slice %arg7[%dma_wait3A_856, %dma_wait3A_857] : memref<1000000x32xf32, #tpu.memory_space<hbm>> -> memref<1000000x32xf32, #tpu.memory_space<hbm>>
      tpu.wait_indirect_dma semaphore(%arg28 : memref<!tpu.dma_semaphore, #tpu.memory_space<semaphore_mem>>) src(%dma_wait3A_858 : memref<1000000x32xf32, #tpu.memory_space<hbm>>) dst(%dma_wait3A_853 : memref<50x32xf32, #tpu.memory_space<vmem>>)
      %dma_wait3A_859 = arith.constant 700 : i32
      %dma_wait3A_860 = arith.constant 0 : i32
      %dma_wait3A_861 = tpu.memref_slice %arg14[%dma_wait3A_859, %dma_wait3A_860] : memref<800x32xf32, #tpu.memory_space<vmem>> -> memref<50x32xf32, #tpu.memory_space<vmem>>
      %dma_wait3A_862 = arith.constant 784 : i32
      %dma_wait3A_863 = tpu.memref_slice %arg12[%dma_wait3A_862] : memref<896xi32, #tpu.memory_space<vmem>> -> memref<50xi32, #tpu.memory_space<vmem>>
      %dma_wait3A_864 = arith.constant 0 : i32
      %dma_wait3A_865 = arith.constant 0 : i32
      %dma_wait3A_866 = tpu.memref_slice %arg7[%dma_wait3A_864, %dma_wait3A_865] : memref<1000000x32xf32, #tpu.memory_space<hbm>> -> memref<1000000x32xf32, #tpu.memory_space<hbm>>
      tpu.wait_indirect_dma semaphore(%arg28 : memref<!tpu.dma_semaphore, #tpu.memory_space<semaphore_mem>>) src(%dma_wait3A_866 : memref<1000000x32xf32, #tpu.memory_space<hbm>>) dst(%dma_wait3A_861 : memref<50x32xf32, #tpu.memory_space<vmem>>)
      %dma_wait3A_867 = arith.constant 750 : i32
      %dma_wait3A_868 = arith.constant 0 : i32
      %dma_wait3A_869 = tpu.memref_slice %arg14[%dma_wait3A_867, %dma_wait3A_868] : memref<800x32xf32, #tpu.memory_space<vmem>> -> memref<50x32xf32, #tpu.memory_space<vmem>>
      %dma_wait3A_870 = arith.constant 840 : i32
      %dma_wait3A_871 = tpu.memref_slice %arg12[%dma_wait3A_870] : memref<896xi32, #tpu.memory_space<vmem>> -> memref<50xi32, #tpu.memory_space<vmem>>
      %dma_wait3A_872 = arith.constant 0 : i32
      %dma_wait3A_873 = arith.constant 0 : i32
      %dma_wait3A_874 = tpu.memref_slice %arg7[%dma_wait3A_872, %dma_wait3A_873] : memref<1000000x32xf32, #tpu.memory_space<hbm>> -> memref<1000000x32xf32, #tpu.memory_space<hbm>>
      tpu.wait_indirect_dma semaphore(%arg28 : memref<!tpu.dma_semaphore, #tpu.memory_space<semaphore_mem>>) src(%dma_wait3A_874 : memref<1000000x32xf32, #tpu.memory_space<hbm>>) dst(%dma_wait3A_869 : memref<50x32xf32, #tpu.memory_space<vmem>>)
      %broadcast_in_dim3A_875 = arith.constant 0.000000e+00 : f32
      %broadcast_in_dim3A_876 = vector.broadcast %broadcast_in_dim3A_875 : f32 to vector<16xf32>
      %scan3A_877 = arith.constant 0 : i32
      %scan3A_878 = arith.constant 16 : i32
      %scan3A_879 = arith.addi %scan3A_877, %scan3A_878 : i32
      %scan3A_880 = arith.constant 1 : i32
      %scan3A_881:2 = scf.for %scan3A_892 = %scan3A_877 to %scan3A_879 step %scan3A_880 iter_args(%scan3A_893 = %broadcast_in_dim3A_876, %scan3A_894 = %broadcast_in_dim3A_876) -> (vector<16xf32>, vector<16xf32>)  : i32 {
        %mul3A_895 = arith.constant 50 : i32
        %mul3A_896 = arith.muli %scan3A_892, %mul3A_895 : i32
        %get3A = arith.index_cast %mul3A_896 : i32 to index
        %get3A_897 = arith.constant 0 : index
        %get3A_898 = tpu.vector_load %arg14[%get3A, %get3A_897] {strides = array<i32>} : memref<800x32xf32, #tpu.memory_space<vmem>>, vector<16xf32>,
        %get3A_899 = arith.index_cast %mul3A_896 : i32 to index
        %get3A_900 = arith.constant 16 : index
        %get3A_901 = tpu.vector_load %arg14[%get3A_899, %get3A_900] {strides = array<i32>} : memref<800x32xf32, #tpu.memory_space<vmem>>, vector<16xf32>,
        %add3A_902 = arith.constant 1 : i32
        %add3A_903 = arith.addi %mul3A_896, %add3A_902 : i32
        %get3A_904 = arith.index_cast %add3A_903 : i32 to index
        %get3A_905 = arith.constant 0 : index
        %get3A_906 = tpu.vector_load %arg14[%get3A_904, %get3A_905] {strides = array<i32>} : memref<800x32xf32, #tpu.memory_space<vmem>>, vector<16xf32>,
        %add3A_907 = arith.addf %get3A_898, %get3A_906 : vector<16xf32>
        %add3A_908 = arith.constant 1 : i32
        %add3A_909 = arith.addi %mul3A_896, %add3A_908 : i32
        %get3A_910 = arith.index_cast %add3A_909 : i32 to index
        %get3A_911 = arith.constant 16 : index
        %get3A_912 = tpu.vector_load %arg14[%get3A_910, %get3A_911] {strides = array<i32>} : memref<800x32xf32, #tpu.memory_space<vmem>>, vector<16xf32>,
        %add3A_913 = arith.addf %get3A_901, %get3A_912 : vector<16xf32>
        %add3A_914 = arith.constant 2 : i32
        %add3A_915 = arith.addi %mul3A_896, %add3A_914 : i32
        %get3A_916 = arith.index_cast %add3A_915 : i32 to index
        %get3A_917 = arith.constant 0 : index
        %get3A_918 = tpu.vector_load %arg14[%get3A_916, %get3A_917] {strides = array<i32>} : memref<800x32xf32, #tpu.memory_space<vmem>>, vector<16xf32>,
        %add3A_919 = arith.addf %add3A_907, %get3A_918 : vector<16xf32>
        %add3A_920 = arith.constant 2 : i32
        %add3A_921 = arith.addi %mul3A_896, %add3A_920 : i32
        %get3A_922 = arith.index_cast %add3A_921 : i32 to index
        %get3A_923 = arith.constant 16 : index
        %get3A_924 = tpu.vector_load %arg14[%get3A_922, %get3A_923] {strides = array<i32>} : memref<800x32xf32, #tpu.memory_space<vmem>>, vector<16xf32>,
        %add3A_925 = arith.addf %add3A_913, %get3A_924 : vector<16xf32>
        %add3A_926 = arith.constant 3 : i32
        %add3A_927 = arith.addi %mul3A_896, %add3A_926 : i32
        %get3A_928 = arith.index_cast %add3A_927 : i32 to index
        %get3A_929 = arith.constant 0 : index
        %get3A_930 = tpu.vector_load %arg14[%get3A_928, %get3A_929] {strides = array<i32>} : memref<800x32xf32, #tpu.memory_space<vmem>>, vector<16xf32>,
        %add3A_931 = arith.addf %add3A_919, %get3A_930 : vector<16xf32>
        %add3A_932 = arith.constant 3 : i32
        %add3A_933 = arith.addi %mul3A_896, %add3A_932 : i32
        %get3A_934 = arith.index_cast %add3A_933 : i32 to index
        %get3A_935 = arith.constant 16 : index
        %get3A_936 = tpu.vector_load %arg14[%get3A_934, %get3A_935] {strides = array<i32>} : memref<800x32xf32, #tpu.memory_space<vmem>>, vector<16xf32>,
        %add3A_937 = arith.addf %add3A_925, %get3A_936 : vector<16xf32>
        %add3A_938 = arith.constant 4 : i32
        %add3A_939 = arith.addi %mul3A_896, %add3A_938 : i32
        %get3A_940 = arith.index_cast %add3A_939 : i32 to index
        %get3A_941 = arith.constant 0 : index
        %get3A_942 = tpu.vector_load %arg14[%get3A_940, %get3A_941] {strides = array<i32>} : memref<800x32xf32, #tpu.memory_space<vmem>>, vector<16xf32>,
        %add3A_943 = arith.addf %add3A_931, %get3A_942 : vector<16xf32>
        %add3A_944 = arith.constant 4 : i32
        %add3A_945 = arith.addi %mul3A_896, %add3A_944 : i32
        %get3A_946 = arith.index_cast %add3A_945 : i32 to index
        %get3A_947 = arith.constant 16 : index
        %get3A_948 = tpu.vector_load %arg14[%get3A_946, %get3A_947] {strides = array<i32>} : memref<800x32xf32, #tpu.memory_space<vmem>>, vector<16xf32>,
        %add3A_949 = arith.addf %add3A_937, %get3A_948 : vector<16xf32>
        %add3A_950 = arith.constant 5 : i32
        %add3A_951 = arith.addi %mul3A_896, %add3A_950 : i32
        %get3A_952 = arith.index_cast %add3A_951 : i32 to index
        %get3A_953 = arith.constant 0 : index
        %get3A_954 = tpu.vector_load %arg14[%get3A_952, %get3A_953] {strides = array<i32>} : memref<800x32xf32, #tpu.memory_space<vmem>>, vector<16xf32>,
        %add3A_955 = arith.addf %add3A_943, %get3A_954 : vector<16xf32>
        %add3A_956 = arith.constant 5 : i32
        %add3A_957 = arith.addi %mul3A_896, %add3A_956 : i32
        %get3A_958 = arith.index_cast %add3A_957 : i32 to index
        %get3A_959 = arith.constant 16 : index
        %get3A_960 = tpu.vector_load %arg14[%get3A_958, %get3A_959] {strides = array<i32>} : memref<800x32xf32, #tpu.memory_space<vmem>>, vector<16xf32>,
        %add3A_961 = arith.addf %add3A_949, %get3A_960 : vector<16xf32>
        %add3A_962 = arith.constant 6 : i32
        %add3A_963 = arith.addi %mul3A_896, %add3A_962 : i32
        %get3A_964 = arith.index_cast %add3A_963 : i32 to index
        %get3A_965 = arith.constant 0 : index
        %get3A_966 = tpu.vector_load %arg14[%get3A_964, %get3A_965] {strides = array<i32>} : memref<800x32xf32, #tpu.memory_space<vmem>>, vector<16xf32>,
        %add3A_967 = arith.addf %add3A_955, %get3A_966 : vector<16xf32>
        %add3A_968 = arith.constant 6 : i32
        %add3A_969 = arith.addi %mul3A_896, %add3A_968 : i32
        %get3A_970 = arith.index_cast %add3A_969 : i32 to index
        %get3A_971 = arith.constant 16 : index
        %get3A_972 = tpu.vector_load %arg14[%get3A_970, %get3A_971] {strides = array<i32>} : memref<800x32xf32, #tpu.memory_space<vmem>>, vector<16xf32>,
        %add3A_973 = arith.addf %add3A_961, %get3A_972 : vector<16xf32>
        %add3A_974 = arith.constant 7 : i32
        %add3A_975 = arith.addi %mul3A_896, %add3A_974 : i32
        %get3A_976 = arith.index_cast %add3A_975 : i32 to index
        %get3A_977 = arith.constant 0 : index
        %get3A_978 = tpu.vector_load %arg14[%get3A_976, %get3A_977] {strides = array<i32>} : memref<800x32xf32, #tpu.memory_space<vmem>>, vector<16xf32>,
        %add3A_979 = arith.addf %add3A_967, %get3A_978 : vector<16xf32>
        %add3A_980 = arith.constant 7 : i32
        %add3A_981 = arith.addi %mul3A_896, %add3A_980 : i32
        %get3A_982 = arith.index_cast %add3A_981 : i32 to index
        %get3A_983 = arith.constant 16 : index
        %get3A_984 = tpu.vector_load %arg14[%get3A_982, %get3A_983] {strides = array<i32>} : memref<800x32xf32, #tpu.memory_space<vmem>>, vector<16xf32>,
        %add3A_985 = arith.addf %add3A_973, %get3A_984 : vector<16xf32>
        %add3A_986 = arith.constant 8 : i32
        %add3A_987 = arith.addi %mul3A_896, %add3A_986 : i32
        %get3A_988 = arith.index_cast %add3A_987 : i32 to index
        %get3A_989 = arith.constant 0 : index
        %get3A_990 = tpu.vector_load %arg14[%get3A_988, %get3A_989] {strides = array<i32>} : memref<800x32xf32, #tpu.memory_space<vmem>>, vector<16xf32>,
        %add3A_991 = arith.addf %add3A_979, %get3A_990 : vector<16xf32>
        %add3A_992 = arith.constant 8 : i32
        %add3A_993 = arith.addi %mul3A_896, %add3A_992 : i32
        %get3A_994 = arith.index_cast %add3A_993 : i32 to index
        %get3A_995 = arith.constant 16 : index
        %get3A_996 = tpu.vector_load %arg14[%get3A_994, %get3A_995] {strides = array<i32>} : memref<800x32xf32, #tpu.memory_space<vmem>>, vector<16xf32>,
        %add3A_997 = arith.addf %add3A_985, %get3A_996 : vector<16xf32>
        %add3A_998 = arith.constant 9 : i32
        %add3A_999 = arith.addi %mul3A_896, %add3A_998 : i32
        %get3A_1000 = arith.index_cast %add3A_999 : i32 to index
        %get3A_1001 = arith.constant 0 : index
        %get3A_1002 = tpu.vector_load %arg14[%get3A_1000, %get3A_1001] {strides = array<i32>} : memref<800x32xf32, #tpu.memory_space<vmem>>, vector<16xf32>,
        %add3A_1003 = arith.addf %add3A_991, %get3A_1002 : vector<16xf32>
        %add3A_1004 = arith.constant 9 : i32
        %add3A_1005 = arith.addi %mul3A_896, %add3A_1004 : i32
        %get3A_1006 = arith.index_cast %add3A_1005 : i32 to index
        %get3A_1007 = arith.constant 16 : index
        %get3A_1008 = tpu.vector_load %arg14[%get3A_1006, %get3A_1007] {strides = array<i32>} : memref<800x32xf32, #tpu.memory_space<vmem>>, vector<16xf32>,
        %add3A_1009 = arith.addf %add3A_997, %get3A_1008 : vector<16xf32>
        %add3A_1010 = arith.constant 10 : i32
        %add3A_1011 = arith.addi %mul3A_896, %add3A_1010 : i32
        %get3A_1012 = arith.index_cast %add3A_1011 : i32 to index
        %get3A_1013 = arith.constant 0 : index
        %get3A_1014 = tpu.vector_load %arg14[%get3A_1012, %get3A_1013] {strides = array<i32>} : memref<800x32xf32, #tpu.memory_space<vmem>>, vector<16xf32>,
        %add3A_1015 = arith.addf %add3A_1003, %get3A_1014 : vector<16xf32>
        %add3A_1016 = arith.constant 10 : i32
        %add3A_1017 = arith.addi %mul3A_896, %add3A_1016 : i32
        %get3A_1018 = arith.index_cast %add3A_1017 : i32 to index
        %get3A_1019 = arith.constant 16 : index
        %get3A_1020 = tpu.vector_load %arg14[%get3A_1018, %get3A_1019] {strides = array<i32>} : memref<800x32xf32, #tpu.memory_space<vmem>>, vector<16xf32>,
        %add3A_1021 = arith.addf %add3A_1009, %get3A_1020 : vector<16xf32>
        %add3A_1022 = arith.constant 11 : i32
        %add3A_1023 = arith.addi %mul3A_896, %add3A_1022 : i32
        %get3A_1024 = arith.index_cast %add3A_1023 : i32 to index
        %get3A_1025 = arith.constant 0 : index
        %get3A_1026 = tpu.vector_load %arg14[%get3A_1024, %get3A_1025] {strides = array<i32>} : memref<800x32xf32, #tpu.memory_space<vmem>>, vector<16xf32>,
        %add3A_1027 = arith.addf %add3A_1015, %get3A_1026 : vector<16xf32>
        %add3A_1028 = arith.constant 11 : i32
        %add3A_1029 = arith.addi %mul3A_896, %add3A_1028 : i32
        %get3A_1030 = arith.index_cast %add3A_1029 : i32 to index
        %get3A_1031 = arith.constant 16 : index
        %get3A_1032 = tpu.vector_load %arg14[%get3A_1030, %get3A_1031] {strides = array<i32>} : memref<800x32xf32, #tpu.memory_space<vmem>>, vector<16xf32>,
        %add3A_1033 = arith.addf %add3A_1021, %get3A_1032 : vector<16xf32>
        %add3A_1034 = arith.constant 12 : i32
        %add3A_1035 = arith.addi %mul3A_896, %add3A_1034 : i32
        %get3A_1036 = arith.index_cast %add3A_1035 : i32 to index
        %get3A_1037 = arith.constant 0 : index
        %get3A_1038 = tpu.vector_load %arg14[%get3A_1036, %get3A_1037] {strides = array<i32>} : memref<800x32xf32, #tpu.memory_space<vmem>>, vector<16xf32>,
        %add3A_1039 = arith.addf %add3A_1027, %get3A_1038 : vector<16xf32>
        %add3A_1040 = arith.constant 12 : i32
        %add3A_1041 = arith.addi %mul3A_896, %add3A_1040 : i32
        %get3A_1042 = arith.index_cast %add3A_1041 : i32 to index
        %get3A_1043 = arith.constant 16 : index
        %get3A_1044 = tpu.vector_load %arg14[%get3A_1042, %get3A_1043] {strides = array<i32>} : memref<800x32xf32, #tpu.memory_space<vmem>>, vector<16xf32>,
        %add3A_1045 = arith.addf %add3A_1033, %get3A_1044 : vector<16xf32>
        %add3A_1046 = arith.constant 13 : i32
        %add3A_1047 = arith.addi %mul3A_896, %add3A_1046 : i32
        %get3A_1048 = arith.index_cast %add3A_1047 : i32 to index
        %get3A_1049 = arith.constant 0 : index
        %get3A_1050 = tpu.vector_load %arg14[%get3A_1048, %get3A_1049] {strides = array<i32>} : memref<800x32xf32, #tpu.memory_space<vmem>>, vector<16xf32>,
        %add3A_1051 = arith.addf %add3A_1039, %get3A_1050 : vector<16xf32>
        %add3A_1052 = arith.constant 13 : i32
        %add3A_1053 = arith.addi %mul3A_896, %add3A_1052 : i32
        %get3A_1054 = arith.index_cast %add3A_1053 : i32 to index
        %get3A_1055 = arith.constant 16 : index
        %get3A_1056 = tpu.vector_load %arg14[%get3A_1054, %get3A_1055] {strides = array<i32>} : memref<800x32xf32, #tpu.memory_space<vmem>>, vector<16xf32>,
        %add3A_1057 = arith.addf %add3A_1045, %get3A_1056 : vector<16xf32>
        %add3A_1058 = arith.constant 14 : i32
        %add3A_1059 = arith.addi %mul3A_896, %add3A_1058 : i32
        %get3A_1060 = arith.index_cast %add3A_1059 : i32 to index
        %get3A_1061 = arith.constant 0 : index
        %get3A_1062 = tpu.vector_load %arg14[%get3A_1060, %get3A_1061] {strides = array<i32>} : memref<800x32xf32, #tpu.memory_space<vmem>>, vector<16xf32>,
        %add3A_1063 = arith.addf %add3A_1051, %get3A_1062 : vector<16xf32>
        %add3A_1064 = arith.constant 14 : i32
        %add3A_1065 = arith.addi %mul3A_896, %add3A_1064 : i32
        %get3A_1066 = arith.index_cast %add3A_1065 : i32 to index
        %get3A_1067 = arith.constant 16 : index
        %get3A_1068 = tpu.vector_load %arg14[%get3A_1066, %get3A_1067] {strides = array<i32>} : memref<800x32xf32, #tpu.memory_space<vmem>>, vector<16xf32>,
        %add3A_1069 = arith.addf %add3A_1057, %get3A_1068 : vector<16xf32>
        %add3A_1070 = arith.constant 15 : i32
        %add3A_1071 = arith.addi %mul3A_896, %add3A_1070 : i32
        %get3A_1072 = arith.index_cast %add3A_1071 : i32 to index
        %get3A_1073 = arith.constant 0 : index
        %get3A_1074 = tpu.vector_load %arg14[%get3A_1072, %get3A_1073] {strides = array<i32>} : memref<800x32xf32, #tpu.memory_space<vmem>>, vector<16xf32>,
        %add3A_1075 = arith.addf %add3A_1063, %get3A_1074 : vector<16xf32>
        %add3A_1076 = arith.constant 15 : i32
        %add3A_1077 = arith.addi %mul3A_896, %add3A_1076 : i32
        %get3A_1078 = arith.index_cast %add3A_1077 : i32 to index
        %get3A_1079 = arith.constant 16 : index
        %get3A_1080 = tpu.vector_load %arg14[%get3A_1078, %get3A_1079] {strides = array<i32>} : memref<800x32xf32, #tpu.memory_space<vmem>>, vector<16xf32>,
        %add3A_1081 = arith.addf %add3A_1069, %get3A_1080 : vector<16xf32>
        %add3A_1082 = arith.constant 16 : i32
        %add3A_1083 = arith.addi %mul3A_896, %add3A_1082 : i32
        %get3A_1084 = arith.index_cast %add3A_1083 : i32 to index
        %get3A_1085 = arith.constant 0 : index
        %get3A_1086 = tpu.vector_load %arg14[%get3A_1084, %get3A_1085] {strides = array<i32>} : memref<800x32xf32, #tpu.memory_space<vmem>>, vector<16xf32>,
        %add3A_1087 = arith.addf %add3A_1075, %get3A_1086 : vector<16xf32>
        %add3A_1088 = arith.constant 16 : i32
        %add3A_1089 = arith.addi %mul3A_896, %add3A_1088 : i32
        %get3A_1090 = arith.index_cast %add3A_1089 : i32 to index
        %get3A_1091 = arith.constant 16 : index
        %get3A_1092 = tpu.vector_load %arg14[%get3A_1090, %get3A_1091] {strides = array<i32>} : memref<800x32xf32, #tpu.memory_space<vmem>>, vector<16xf32>,
        %add3A_1093 = arith.addf %add3A_1081, %get3A_1092 : vector<16xf32>
        %add3A_1094 = arith.constant 17 : i32
        %add3A_1095 = arith.addi %mul3A_896, %add3A_1094 : i32
        %get3A_1096 = arith.index_cast %add3A_1095 : i32 to index
        %get3A_1097 = arith.constant 0 : index
        %get3A_1098 = tpu.vector_load %arg14[%get3A_1096, %get3A_1097] {strides = array<i32>} : memref<800x32xf32, #tpu.memory_space<vmem>>, vector<16xf32>,
        %add3A_1099 = arith.addf %add3A_1087, %get3A_1098 : vector<16xf32>
        %add3A_1100 = arith.constant 17 : i32
        %add3A_1101 = arith.addi %mul3A_896, %add3A_1100 : i32
        %get3A_1102 = arith.index_cast %add3A_1101 : i32 to index
        %get3A_1103 = arith.constant 16 : index
        %get3A_1104 = tpu.vector_load %arg14[%get3A_1102, %get3A_1103] {strides = array<i32>} : memref<800x32xf32, #tpu.memory_space<vmem>>, vector<16xf32>,
        %add3A_1105 = arith.addf %add3A_1093, %get3A_1104 : vector<16xf32>
        %add3A_1106 = arith.constant 18 : i32
        %add3A_1107 = arith.addi %mul3A_896, %add3A_1106 : i32
        %get3A_1108 = arith.index_cast %add3A_1107 : i32 to index
        %get3A_1109 = arith.constant 0 : index
        %get3A_1110 = tpu.vector_load %arg14[%get3A_1108, %get3A_1109] {strides = array<i32>} : memref<800x32xf32, #tpu.memory_space<vmem>>, vector<16xf32>,
        %add3A_1111 = arith.addf %add3A_1099, %get3A_1110 : vector<16xf32>
        %add3A_1112 = arith.constant 18 : i32
        %add3A_1113 = arith.addi %mul3A_896, %add3A_1112 : i32
        %get3A_1114 = arith.index_cast %add3A_1113 : i32 to index
        %get3A_1115 = arith.constant 16 : index
        %get3A_1116 = tpu.vector_load %arg14[%get3A_1114, %get3A_1115] {strides = array<i32>} : memref<800x32xf32, #tpu.memory_space<vmem>>, vector<16xf32>,
        %add3A_1117 = arith.addf %add3A_1105, %get3A_1116 : vector<16xf32>
        %add3A_1118 = arith.constant 19 : i32
        %add3A_1119 = arith.addi %mul3A_896, %add3A_1118 : i32
        %get3A_1120 = arith.index_cast %add3A_1119 : i32 to index
        %get3A_1121 = arith.constant 0 : index
        %get3A_1122 = tpu.vector_load %arg14[%get3A_1120, %get3A_1121] {strides = array<i32>} : memref<800x32xf32, #tpu.memory_space<vmem>>, vector<16xf32>,
        %add3A_1123 = arith.addf %add3A_1111, %get3A_1122 : vector<16xf32>
        %add3A_1124 = arith.constant 19 : i32
        %add3A_1125 = arith.addi %mul3A_896, %add3A_1124 : i32
        %get3A_1126 = arith.index_cast %add3A_1125 : i32 to index
        %get3A_1127 = arith.constant 16 : index
        %get3A_1128 = tpu.vector_load %arg14[%get3A_1126, %get3A_1127] {strides = array<i32>} : memref<800x32xf32, #tpu.memory_space<vmem>>, vector<16xf32>,
        %add3A_1129 = arith.addf %add3A_1117, %get3A_1128 : vector<16xf32>
        %add3A_1130 = arith.constant 20 : i32
        %add3A_1131 = arith.addi %mul3A_896, %add3A_1130 : i32
        %get3A_1132 = arith.index_cast %add3A_1131 : i32 to index
        %get3A_1133 = arith.constant 0 : index
        %get3A_1134 = tpu.vector_load %arg14[%get3A_1132, %get3A_1133] {strides = array<i32>} : memref<800x32xf32, #tpu.memory_space<vmem>>, vector<16xf32>,
        %add3A_1135 = arith.addf %add3A_1123, %get3A_1134 : vector<16xf32>
        %add3A_1136 = arith.constant 20 : i32
        %add3A_1137 = arith.addi %mul3A_896, %add3A_1136 : i32
        %get3A_1138 = arith.index_cast %add3A_1137 : i32 to index
        %get3A_1139 = arith.constant 16 : index
        %get3A_1140 = tpu.vector_load %arg14[%get3A_1138, %get3A_1139] {strides = array<i32>} : memref<800x32xf32, #tpu.memory_space<vmem>>, vector<16xf32>,
        %add3A_1141 = arith.addf %add3A_1129, %get3A_1140 : vector<16xf32>
        %add3A_1142 = arith.constant 21 : i32
        %add3A_1143 = arith.addi %mul3A_896, %add3A_1142 : i32
        %get3A_1144 = arith.index_cast %add3A_1143 : i32 to index
        %get3A_1145 = arith.constant 0 : index
        %get3A_1146 = tpu.vector_load %arg14[%get3A_1144, %get3A_1145] {strides = array<i32>} : memref<800x32xf32, #tpu.memory_space<vmem>>, vector<16xf32>,
        %add3A_1147 = arith.addf %add3A_1135, %get3A_1146 : vector<16xf32>
        %add3A_1148 = arith.constant 21 : i32
        %add3A_1149 = arith.addi %mul3A_896, %add3A_1148 : i32
        %get3A_1150 = arith.index_cast %add3A_1149 : i32 to index
        %get3A_1151 = arith.constant 16 : index
        %get3A_1152 = tpu.vector_load %arg14[%get3A_1150, %get3A_1151] {strides = array<i32>} : memref<800x32xf32, #tpu.memory_space<vmem>>, vector<16xf32>,
        %add3A_1153 = arith.addf %add3A_1141, %get3A_1152 : vector<16xf32>
        %add3A_1154 = arith.constant 22 : i32
        %add3A_1155 = arith.addi %mul3A_896, %add3A_1154 : i32
        %get3A_1156 = arith.index_cast %add3A_1155 : i32 to index
        %get3A_1157 = arith.constant 0 : index
        %get3A_1158 = tpu.vector_load %arg14[%get3A_1156, %get3A_1157] {strides = array<i32>} : memref<800x32xf32, #tpu.memory_space<vmem>>, vector<16xf32>,
        %add3A_1159 = arith.addf %add3A_1147, %get3A_1158 : vector<16xf32>
        %add3A_1160 = arith.constant 22 : i32
        %add3A_1161 = arith.addi %mul3A_896, %add3A_1160 : i32
        %get3A_1162 = arith.index_cast %add3A_1161 : i32 to index
        %get3A_1163 = arith.constant 16 : index
        %get3A_1164 = tpu.vector_load %arg14[%get3A_1162, %get3A_1163] {strides = array<i32>} : memref<800x32xf32, #tpu.memory_space<vmem>>, vector<16xf32>,
        %add3A_1165 = arith.addf %add3A_1153, %get3A_1164 : vector<16xf32>
        %add3A_1166 = arith.constant 23 : i32
        %add3A_1167 = arith.addi %mul3A_896, %add3A_1166 : i32
        %get3A_1168 = arith.index_cast %add3A_1167 : i32 to index
        %get3A_1169 = arith.constant 0 : index
        %get3A_1170 = tpu.vector_load %arg14[%get3A_1168, %get3A_1169] {strides = array<i32>} : memref<800x32xf32, #tpu.memory_space<vmem>>, vector<16xf32>,
        %add3A_1171 = arith.addf %add3A_1159, %get3A_1170 : vector<16xf32>
        %add3A_1172 = arith.constant 23 : i32
        %add3A_1173 = arith.addi %mul3A_896, %add3A_1172 : i32
        %get3A_1174 = arith.index_cast %add3A_1173 : i32 to index
        %get3A_1175 = arith.constant 16 : index
        %get3A_1176 = tpu.vector_load %arg14[%get3A_1174, %get3A_1175] {strides = array<i32>} : memref<800x32xf32, #tpu.memory_space<vmem>>, vector<16xf32>,
        %add3A_1177 = arith.addf %add3A_1165, %get3A_1176 : vector<16xf32>
        %add3A_1178 = arith.constant 24 : i32
        %add3A_1179 = arith.addi %mul3A_896, %add3A_1178 : i32
        %get3A_1180 = arith.index_cast %add3A_1179 : i32 to index
        %get3A_1181 = arith.constant 0 : index
        %get3A_1182 = tpu.vector_load %arg14[%get3A_1180, %get3A_1181] {strides = array<i32>} : memref<800x32xf32, #tpu.memory_space<vmem>>, vector<16xf32>,
        %add3A_1183 = arith.addf %add3A_1171, %get3A_1182 : vector<16xf32>
        %add3A_1184 = arith.constant 24 : i32
        %add3A_1185 = arith.addi %mul3A_896, %add3A_1184 : i32
        %get3A_1186 = arith.index_cast %add3A_1185 : i32 to index
        %get3A_1187 = arith.constant 16 : index
        %get3A_1188 = tpu.vector_load %arg14[%get3A_1186, %get3A_1187] {strides = array<i32>} : memref<800x32xf32, #tpu.memory_space<vmem>>, vector<16xf32>,
        %add3A_1189 = arith.addf %add3A_1177, %get3A_1188 : vector<16xf32>
        %add3A_1190 = arith.constant 25 : i32
        %add3A_1191 = arith.addi %mul3A_896, %add3A_1190 : i32
        %get3A_1192 = arith.index_cast %add3A_1191 : i32 to index
        %get3A_1193 = arith.constant 0 : index
        %get3A_1194 = tpu.vector_load %arg14[%get3A_1192, %get3A_1193] {strides = array<i32>} : memref<800x32xf32, #tpu.memory_space<vmem>>, vector<16xf32>,
        %add3A_1195 = arith.addf %add3A_1183, %get3A_1194 : vector<16xf32>
        %add3A_1196 = arith.constant 25 : i32
        %add3A_1197 = arith.addi %mul3A_896, %add3A_1196 : i32
        %get3A_1198 = arith.index_cast %add3A_1197 : i32 to index
        %get3A_1199 = arith.constant 16 : index
        %get3A_1200 = tpu.vector_load %arg14[%get3A_1198, %get3A_1199] {strides = array<i32>} : memref<800x32xf32, #tpu.memory_space<vmem>>, vector<16xf32>,
        %add3A_1201 = arith.addf %add3A_1189, %get3A_1200 : vector<16xf32>
        %add3A_1202 = arith.constant 26 : i32
        %add3A_1203 = arith.addi %mul3A_896, %add3A_1202 : i32
        %get3A_1204 = arith.index_cast %add3A_1203 : i32 to index
        %get3A_1205 = arith.constant 0 : index
        %get3A_1206 = tpu.vector_load %arg14[%get3A_1204, %get3A_1205] {strides = array<i32>} : memref<800x32xf32, #tpu.memory_space<vmem>>, vector<16xf32>,
        %add3A_1207 = arith.addf %add3A_1195, %get3A_1206 : vector<16xf32>
        %add3A_1208 = arith.constant 26 : i32
        %add3A_1209 = arith.addi %mul3A_896, %add3A_1208 : i32
        %get3A_1210 = arith.index_cast %add3A_1209 : i32 to index
        %get3A_1211 = arith.constant 16 : index
        %get3A_1212 = tpu.vector_load %arg14[%get3A_1210, %get3A_1211] {strides = array<i32>} : memref<800x32xf32, #tpu.memory_space<vmem>>, vector<16xf32>,
        %add3A_1213 = arith.addf %add3A_1201, %get3A_1212 : vector<16xf32>
        %add3A_1214 = arith.constant 27 : i32
        %add3A_1215 = arith.addi %mul3A_896, %add3A_1214 : i32
        %get3A_1216 = arith.index_cast %add3A_1215 : i32 to index
        %get3A_1217 = arith.constant 0 : index
        %get3A_1218 = tpu.vector_load %arg14[%get3A_1216, %get3A_1217] {strides = array<i32>} : memref<800x32xf32, #tpu.memory_space<vmem>>, vector<16xf32>,
        %add3A_1219 = arith.addf %add3A_1207, %get3A_1218 : vector<16xf32>
        %add3A_1220 = arith.constant 27 : i32
        %add3A_1221 = arith.addi %mul3A_896, %add3A_1220 : i32
        %get3A_1222 = arith.index_cast %add3A_1221 : i32 to index
        %get3A_1223 = arith.constant 16 : index
        %get3A_1224 = tpu.vector_load %arg14[%get3A_1222, %get3A_1223] {strides = array<i32>} : memref<800x32xf32, #tpu.memory_space<vmem>>, vector<16xf32>,
        %add3A_1225 = arith.addf %add3A_1213, %get3A_1224 : vector<16xf32>
        %add3A_1226 = arith.constant 28 : i32
        %add3A_1227 = arith.addi %mul3A_896, %add3A_1226 : i32
        %get3A_1228 = arith.index_cast %add3A_1227 : i32 to index
        %get3A_1229 = arith.constant 0 : index
        %get3A_1230 = tpu.vector_load %arg14[%get3A_1228, %get3A_1229] {strides = array<i32>} : memref<800x32xf32, #tpu.memory_space<vmem>>, vector<16xf32>,
        %add3A_1231 = arith.addf %add3A_1219, %get3A_1230 : vector<16xf32>
        %add3A_1232 = arith.constant 28 : i32
        %add3A_1233 = arith.addi %mul3A_896, %add3A_1232 : i32
        %get3A_1234 = arith.index_cast %add3A_1233 : i32 to index
        %get3A_1235 = arith.constant 16 : index
        %get3A_1236 = tpu.vector_load %arg14[%get3A_1234, %get3A_1235] {strides = array<i32>} : memref<800x32xf32, #tpu.memory_space<vmem>>, vector<16xf32>,
        %add3A_1237 = arith.addf %add3A_1225, %get3A_1236 : vector<16xf32>
        %add3A_1238 = arith.constant 29 : i32
        %add3A_1239 = arith.addi %mul3A_896, %add3A_1238 : i32
        %get3A_1240 = arith.index_cast %add3A_1239 : i32 to index
        %get3A_1241 = arith.constant 0 : index
        %get3A_1242 = tpu.vector_load %arg14[%get3A_1240, %get3A_1241] {strides = array<i32>} : memref<800x32xf32, #tpu.memory_space<vmem>>, vector<16xf32>,
        %add3A_1243 = arith.addf %add3A_1231, %get3A_1242 : vector<16xf32>
        %add3A_1244 = arith.constant 29 : i32
        %add3A_1245 = arith.addi %mul3A_896, %add3A_1244 : i32
        %get3A_1246 = arith.index_cast %add3A_1245 : i32 to index
        %get3A_1247 = arith.constant 16 : index
        %get3A_1248 = tpu.vector_load %arg14[%get3A_1246, %get3A_1247] {strides = array<i32>} : memref<800x32xf32, #tpu.memory_space<vmem>>, vector<16xf32>,
        %add3A_1249 = arith.addf %add3A_1237, %get3A_1248 : vector<16xf32>
        %add3A_1250 = arith.constant 30 : i32
        %add3A_1251 = arith.addi %mul3A_896, %add3A_1250 : i32
        %get3A_1252 = arith.index_cast %add3A_1251 : i32 to index
        %get3A_1253 = arith.constant 0 : index
        %get3A_1254 = tpu.vector_load %arg14[%get3A_1252, %get3A_1253] {strides = array<i32>} : memref<800x32xf32, #tpu.memory_space<vmem>>, vector<16xf32>,
        %add3A_1255 = arith.addf %add3A_1243, %get3A_1254 : vector<16xf32>
        %add3A_1256 = arith.constant 30 : i32
        %add3A_1257 = arith.addi %mul3A_896, %add3A_1256 : i32
        %get3A_1258 = arith.index_cast %add3A_1257 : i32 to index
        %get3A_1259 = arith.constant 16 : index
        %get3A_1260 = tpu.vector_load %arg14[%get3A_1258, %get3A_1259] {strides = array<i32>} : memref<800x32xf32, #tpu.memory_space<vmem>>, vector<16xf32>,
        %add3A_1261 = arith.addf %add3A_1249, %get3A_1260 : vector<16xf32>
        %add3A_1262 = arith.constant 31 : i32
        %add3A_1263 = arith.addi %mul3A_896, %add3A_1262 : i32
        %get3A_1264 = arith.index_cast %add3A_1263 : i32 to index
        %get3A_1265 = arith.constant 0 : index
        %get3A_1266 = tpu.vector_load %arg14[%get3A_1264, %get3A_1265] {strides = array<i32>} : memref<800x32xf32, #tpu.memory_space<vmem>>, vector<16xf32>,
        %add3A_1267 = arith.addf %add3A_1255, %get3A_1266 : vector<16xf32>
        %add3A_1268 = arith.constant 31 : i32
        %add3A_1269 = arith.addi %mul3A_896, %add3A_1268 : i32
        %get3A_1270 = arith.index_cast %add3A_1269 : i32 to index
        %get3A_1271 = arith.constant 16 : index
        %get3A_1272 = tpu.vector_load %arg14[%get3A_1270, %get3A_1271] {strides = array<i32>} : memref<800x32xf32, #tpu.memory_space<vmem>>, vector<16xf32>,
        %add3A_1273 = arith.addf %add3A_1261, %get3A_1272 : vector<16xf32>
        %add3A_1274 = arith.constant 32 : i32
        %add3A_1275 = arith.addi %mul3A_896, %add3A_1274 : i32
        %get3A_1276 = arith.index_cast %add3A_1275 : i32 to index
        %get3A_1277 = arith.constant 0 : index
        %get3A_1278 = tpu.vector_load %arg14[%get3A_1276, %get3A_1277] {strides = array<i32>} : memref<800x32xf32, #tpu.memory_space<vmem>>, vector<16xf32>,
        %add3A_1279 = arith.addf %add3A_1267, %get3A_1278 : vector<16xf32>
        %add3A_1280 = arith.constant 32 : i32
        %add3A_1281 = arith.addi %mul3A_896, %add3A_1280 : i32
        %get3A_1282 = arith.index_cast %add3A_1281 : i32 to index
        %get3A_1283 = arith.constant 16 : index
        %get3A_1284 = tpu.vector_load %arg14[%get3A_1282, %get3A_1283] {strides = array<i32>} : memref<800x32xf32, #tpu.memory_space<vmem>>, vector<16xf32>,
        %add3A_1285 = arith.addf %add3A_1273, %get3A_1284 : vector<16xf32>
        %add3A_1286 = arith.constant 33 : i32
        %add3A_1287 = arith.addi %mul3A_896, %add3A_1286 : i32
        %get3A_1288 = arith.index_cast %add3A_1287 : i32 to index
        %get3A_1289 = arith.constant 0 : index
        %get3A_1290 = tpu.vector_load %arg14[%get3A_1288, %get3A_1289] {strides = array<i32>} : memref<800x32xf32, #tpu.memory_space<vmem>>, vector<16xf32>,
        %add3A_1291 = arith.addf %add3A_1279, %get3A_1290 : vector<16xf32>
        %add3A_1292 = arith.constant 33 : i32
        %add3A_1293 = arith.addi %mul3A_896, %add3A_1292 : i32
        %get3A_1294 = arith.index_cast %add3A_1293 : i32 to index
        %get3A_1295 = arith.constant 16 : index
        %get3A_1296 = tpu.vector_load %arg14[%get3A_1294, %get3A_1295] {strides = array<i32>} : memref<800x32xf32, #tpu.memory_space<vmem>>, vector<16xf32>,
        %add3A_1297 = arith.addf %add3A_1285, %get3A_1296 : vector<16xf32>
        %add3A_1298 = arith.constant 34 : i32
        %add3A_1299 = arith.addi %mul3A_896, %add3A_1298 : i32
        %get3A_1300 = arith.index_cast %add3A_1299 : i32 to index
        %get3A_1301 = arith.constant 0 : index
        %get3A_1302 = tpu.vector_load %arg14[%get3A_1300, %get3A_1301] {strides = array<i32>} : memref<800x32xf32, #tpu.memory_space<vmem>>, vector<16xf32>,
        %add3A_1303 = arith.addf %add3A_1291, %get3A_1302 : vector<16xf32>
        %add3A_1304 = arith.constant 34 : i32
        %add3A_1305 = arith.addi %mul3A_896, %add3A_1304 : i32
        %get3A_1306 = arith.index_cast %add3A_1305 : i32 to index
        %get3A_1307 = arith.constant 16 : index
        %get3A_1308 = tpu.vector_load %arg14[%get3A_1306, %get3A_1307] {strides = array<i32>} : memref<800x32xf32, #tpu.memory_space<vmem>>, vector<16xf32>,
        %add3A_1309 = arith.addf %add3A_1297, %get3A_1308 : vector<16xf32>
        %add3A_1310 = arith.constant 35 : i32
        %add3A_1311 = arith.addi %mul3A_896, %add3A_1310 : i32
        %get3A_1312 = arith.index_cast %add3A_1311 : i32 to index
        %get3A_1313 = arith.constant 0 : index
        %get3A_1314 = tpu.vector_load %arg14[%get3A_1312, %get3A_1313] {strides = array<i32>} : memref<800x32xf32, #tpu.memory_space<vmem>>, vector<16xf32>,
        %add3A_1315 = arith.addf %add3A_1303, %get3A_1314 : vector<16xf32>
        %add3A_1316 = arith.constant 35 : i32
        %add3A_1317 = arith.addi %mul3A_896, %add3A_1316 : i32
        %get3A_1318 = arith.index_cast %add3A_1317 : i32 to index
        %get3A_1319 = arith.constant 16 : index
        %get3A_1320 = tpu.vector_load %arg14[%get3A_1318, %get3A_1319] {strides = array<i32>} : memref<800x32xf32, #tpu.memory_space<vmem>>, vector<16xf32>,
        %add3A_1321 = arith.addf %add3A_1309, %get3A_1320 : vector<16xf32>
        %add3A_1322 = arith.constant 36 : i32
        %add3A_1323 = arith.addi %mul3A_896, %add3A_1322 : i32
        %get3A_1324 = arith.index_cast %add3A_1323 : i32 to index
        %get3A_1325 = arith.constant 0 : index
        %get3A_1326 = tpu.vector_load %arg14[%get3A_1324, %get3A_1325] {strides = array<i32>} : memref<800x32xf32, #tpu.memory_space<vmem>>, vector<16xf32>,
        %add3A_1327 = arith.addf %add3A_1315, %get3A_1326 : vector<16xf32>
        %add3A_1328 = arith.constant 36 : i32
        %add3A_1329 = arith.addi %mul3A_896, %add3A_1328 : i32
        %get3A_1330 = arith.index_cast %add3A_1329 : i32 to index
        %get3A_1331 = arith.constant 16 : index
        %get3A_1332 = tpu.vector_load %arg14[%get3A_1330, %get3A_1331] {strides = array<i32>} : memref<800x32xf32, #tpu.memory_space<vmem>>, vector<16xf32>,
        %add3A_1333 = arith.addf %add3A_1321, %get3A_1332 : vector<16xf32>
        %add3A_1334 = arith.constant 37 : i32
        %add3A_1335 = arith.addi %mul3A_896, %add3A_1334 : i32
        %get3A_1336 = arith.index_cast %add3A_1335 : i32 to index
        %get3A_1337 = arith.constant 0 : index
        %get3A_1338 = tpu.vector_load %arg14[%get3A_1336, %get3A_1337] {strides = array<i32>} : memref<800x32xf32, #tpu.memory_space<vmem>>, vector<16xf32>,
        %add3A_1339 = arith.addf %add3A_1327, %get3A_1338 : vector<16xf32>
        %add3A_1340 = arith.constant 37 : i32
        %add3A_1341 = arith.addi %mul3A_896, %add3A_1340 : i32
        %get3A_1342 = arith.index_cast %add3A_1341 : i32 to index
        %get3A_1343 = arith.constant 16 : index
        %get3A_1344 = tpu.vector_load %arg14[%get3A_1342, %get3A_1343] {strides = array<i32>} : memref<800x32xf32, #tpu.memory_space<vmem>>, vector<16xf32>,
        %add3A_1345 = arith.addf %add3A_1333, %get3A_1344 : vector<16xf32>
        %add3A_1346 = arith.constant 38 : i32
        %add3A_1347 = arith.addi %mul3A_896, %add3A_1346 : i32
        %get3A_1348 = arith.index_cast %add3A_1347 : i32 to index
        %get3A_1349 = arith.constant 0 : index
        %get3A_1350 = tpu.vector_load %arg14[%get3A_1348, %get3A_1349] {strides = array<i32>} : memref<800x32xf32, #tpu.memory_space<vmem>>, vector<16xf32>,
        %add3A_1351 = arith.addf %add3A_1339, %get3A_1350 : vector<16xf32>
        %add3A_1352 = arith.constant 38 : i32
        %add3A_1353 = arith.addi %mul3A_896, %add3A_1352 : i32
        %get3A_1354 = arith.index_cast %add3A_1353 : i32 to index
        %get3A_1355 = arith.constant 16 : index
        %get3A_1356 = tpu.vector_load %arg14[%get3A_1354, %get3A_1355] {strides = array<i32>} : memref<800x32xf32, #tpu.memory_space<vmem>>, vector<16xf32>,
        %add3A_1357 = arith.addf %add3A_1345, %get3A_1356 : vector<16xf32>
        %add3A_1358 = arith.constant 39 : i32
        %add3A_1359 = arith.addi %mul3A_896, %add3A_1358 : i32
        %get3A_1360 = arith.index_cast %add3A_1359 : i32 to index
        %get3A_1361 = arith.constant 0 : index
        %get3A_1362 = tpu.vector_load %arg14[%get3A_1360, %get3A_1361] {strides = array<i32>} : memref<800x32xf32, #tpu.memory_space<vmem>>, vector<16xf32>,
        %add3A_1363 = arith.addf %add3A_1351, %get3A_1362 : vector<16xf32>
        %add3A_1364 = arith.constant 39 : i32
        %add3A_1365 = arith.addi %mul3A_896, %add3A_1364 : i32
        %get3A_1366 = arith.index_cast %add3A_1365 : i32 to index
        %get3A_1367 = arith.constant 16 : index
        %get3A_1368 = tpu.vector_load %arg14[%get3A_1366, %get3A_1367] {strides = array<i32>} : memref<800x32xf32, #tpu.memory_space<vmem>>, vector<16xf32>,
        %add3A_1369 = arith.addf %add3A_1357, %get3A_1368 : vector<16xf32>
        %add3A_1370 = arith.constant 40 : i32
        %add3A_1371 = arith.addi %mul3A_896, %add3A_1370 : i32
        %get3A_1372 = arith.index_cast %add3A_1371 : i32 to index
        %get3A_1373 = arith.constant 0 : index
        %get3A_1374 = tpu.vector_load %arg14[%get3A_1372, %get3A_1373] {strides = array<i32>} : memref<800x32xf32, #tpu.memory_space<vmem>>, vector<16xf32>,
        %add3A_1375 = arith.addf %add3A_1363, %get3A_1374 : vector<16xf32>
        %add3A_1376 = arith.constant 40 : i32
        %add3A_1377 = arith.addi %mul3A_896, %add3A_1376 : i32
        %get3A_1378 = arith.index_cast %add3A_1377 : i32 to index
        %get3A_1379 = arith.constant 16 : index
        %get3A_1380 = tpu.vector_load %arg14[%get3A_1378, %get3A_1379] {strides = array<i32>} : memref<800x32xf32, #tpu.memory_space<vmem>>, vector<16xf32>,
        %add3A_1381 = arith.addf %add3A_1369, %get3A_1380 : vector<16xf32>
        %add3A_1382 = arith.constant 41 : i32
        %add3A_1383 = arith.addi %mul3A_896, %add3A_1382 : i32
        %get3A_1384 = arith.index_cast %add3A_1383 : i32 to index
        %get3A_1385 = arith.constant 0 : index
        %get3A_1386 = tpu.vector_load %arg14[%get3A_1384, %get3A_1385] {strides = array<i32>} : memref<800x32xf32, #tpu.memory_space<vmem>>, vector<16xf32>,
        %add3A_1387 = arith.addf %add3A_1375, %get3A_1386 : vector<16xf32>
        %add3A_1388 = arith.constant 41 : i32
        %add3A_1389 = arith.addi %mul3A_896, %add3A_1388 : i32
        %get3A_1390 = arith.index_cast %add3A_1389 : i32 to index
        %get3A_1391 = arith.constant 16 : index
        %get3A_1392 = tpu.vector_load %arg14[%get3A_1390, %get3A_1391] {strides = array<i32>} : memref<800x32xf32, #tpu.memory_space<vmem>>, vector<16xf32>,
        %add3A_1393 = arith.addf %add3A_1381, %get3A_1392 : vector<16xf32>
        %add3A_1394 = arith.constant 42 : i32
        %add3A_1395 = arith.addi %mul3A_896, %add3A_1394 : i32
        %get3A_1396 = arith.index_cast %add3A_1395 : i32 to index
        %get3A_1397 = arith.constant 0 : index
        %get3A_1398 = tpu.vector_load %arg14[%get3A_1396, %get3A_1397] {strides = array<i32>} : memref<800x32xf32, #tpu.memory_space<vmem>>, vector<16xf32>,
        %add3A_1399 = arith.addf %add3A_1387, %get3A_1398 : vector<16xf32>
        %add3A_1400 = arith.constant 42 : i32
        %add3A_1401 = arith.addi %mul3A_896, %add3A_1400 : i32
        %get3A_1402 = arith.index_cast %add3A_1401 : i32 to index
        %get3A_1403 = arith.constant 16 : index
        %get3A_1404 = tpu.vector_load %arg14[%get3A_1402, %get3A_1403] {strides = array<i32>} : memref<800x32xf32, #tpu.memory_space<vmem>>, vector<16xf32>,
        %add3A_1405 = arith.addf %add3A_1393, %get3A_1404 : vector<16xf32>
        %add3A_1406 = arith.constant 43 : i32
        %add3A_1407 = arith.addi %mul3A_896, %add3A_1406 : i32
        %get3A_1408 = arith.index_cast %add3A_1407 : i32 to index
        %get3A_1409 = arith.constant 0 : index
        %get3A_1410 = tpu.vector_load %arg14[%get3A_1408, %get3A_1409] {strides = array<i32>} : memref<800x32xf32, #tpu.memory_space<vmem>>, vector<16xf32>,
        %add3A_1411 = arith.addf %add3A_1399, %get3A_1410 : vector<16xf32>
        %add3A_1412 = arith.constant 43 : i32
        %add3A_1413 = arith.addi %mul3A_896, %add3A_1412 : i32
        %get3A_1414 = arith.index_cast %add3A_1413 : i32 to index
        %get3A_1415 = arith.constant 16 : index
        %get3A_1416 = tpu.vector_load %arg14[%get3A_1414, %get3A_1415] {strides = array<i32>} : memref<800x32xf32, #tpu.memory_space<vmem>>, vector<16xf32>,
        %add3A_1417 = arith.addf %add3A_1405, %get3A_1416 : vector<16xf32>
        %add3A_1418 = arith.constant 44 : i32
        %add3A_1419 = arith.addi %mul3A_896, %add3A_1418 : i32
        %get3A_1420 = arith.index_cast %add3A_1419 : i32 to index
        %get3A_1421 = arith.constant 0 : index
        %get3A_1422 = tpu.vector_load %arg14[%get3A_1420, %get3A_1421] {strides = array<i32>} : memref<800x32xf32, #tpu.memory_space<vmem>>, vector<16xf32>,
        %add3A_1423 = arith.addf %add3A_1411, %get3A_1422 : vector<16xf32>
        %add3A_1424 = arith.constant 44 : i32
        %add3A_1425 = arith.addi %mul3A_896, %add3A_1424 : i32
        %get3A_1426 = arith.index_cast %add3A_1425 : i32 to index
        %get3A_1427 = arith.constant 16 : index
        %get3A_1428 = tpu.vector_load %arg14[%get3A_1426, %get3A_1427] {strides = array<i32>} : memref<800x32xf32, #tpu.memory_space<vmem>>, vector<16xf32>,
        %add3A_1429 = arith.addf %add3A_1417, %get3A_1428 : vector<16xf32>
        %add3A_1430 = arith.constant 45 : i32
        %add3A_1431 = arith.addi %mul3A_896, %add3A_1430 : i32
        %get3A_1432 = arith.index_cast %add3A_1431 : i32 to index
        %get3A_1433 = arith.constant 0 : index
        %get3A_1434 = tpu.vector_load %arg14[%get3A_1432, %get3A_1433] {strides = array<i32>} : memref<800x32xf32, #tpu.memory_space<vmem>>, vector<16xf32>,
        %add3A_1435 = arith.addf %add3A_1423, %get3A_1434 : vector<16xf32>
        %add3A_1436 = arith.constant 45 : i32
        %add3A_1437 = arith.addi %mul3A_896, %add3A_1436 : i32
        %get3A_1438 = arith.index_cast %add3A_1437 : i32 to index
        %get3A_1439 = arith.constant 16 : index
        %get3A_1440 = tpu.vector_load %arg14[%get3A_1438, %get3A_1439] {strides = array<i32>} : memref<800x32xf32, #tpu.memory_space<vmem>>, vector<16xf32>,
        %add3A_1441 = arith.addf %add3A_1429, %get3A_1440 : vector<16xf32>
        %add3A_1442 = arith.constant 46 : i32
        %add3A_1443 = arith.addi %mul3A_896, %add3A_1442 : i32
        %get3A_1444 = arith.index_cast %add3A_1443 : i32 to index
        %get3A_1445 = arith.constant 0 : index
        %get3A_1446 = tpu.vector_load %arg14[%get3A_1444, %get3A_1445] {strides = array<i32>} : memref<800x32xf32, #tpu.memory_space<vmem>>, vector<16xf32>,
        %add3A_1447 = arith.addf %add3A_1435, %get3A_1446 : vector<16xf32>
        %add3A_1448 = arith.constant 46 : i32
        %add3A_1449 = arith.addi %mul3A_896, %add3A_1448 : i32
        %get3A_1450 = arith.index_cast %add3A_1449 : i32 to index
        %get3A_1451 = arith.constant 16 : index
        %get3A_1452 = tpu.vector_load %arg14[%get3A_1450, %get3A_1451] {strides = array<i32>} : memref<800x32xf32, #tpu.memory_space<vmem>>, vector<16xf32>,
        %add3A_1453 = arith.addf %add3A_1441, %get3A_1452 : vector<16xf32>
        %add3A_1454 = arith.constant 47 : i32
        %add3A_1455 = arith.addi %mul3A_896, %add3A_1454 : i32
        %get3A_1456 = arith.index_cast %add3A_1455 : i32 to index
        %get3A_1457 = arith.constant 0 : index
        %get3A_1458 = tpu.vector_load %arg14[%get3A_1456, %get3A_1457] {strides = array<i32>} : memref<800x32xf32, #tpu.memory_space<vmem>>, vector<16xf32>,
        %add3A_1459 = arith.addf %add3A_1447, %get3A_1458 : vector<16xf32>
        %add3A_1460 = arith.constant 47 : i32
        %add3A_1461 = arith.addi %mul3A_896, %add3A_1460 : i32
        %get3A_1462 = arith.index_cast %add3A_1461 : i32 to index
        %get3A_1463 = arith.constant 16 : index
        %get3A_1464 = tpu.vector_load %arg14[%get3A_1462, %get3A_1463] {strides = array<i32>} : memref<800x32xf32, #tpu.memory_space<vmem>>, vector<16xf32>,
        %add3A_1465 = arith.addf %add3A_1453, %get3A_1464 : vector<16xf32>
        %add3A_1466 = arith.constant 48 : i32
        %add3A_1467 = arith.addi %mul3A_896, %add3A_1466 : i32
        %get3A_1468 = arith.index_cast %add3A_1467 : i32 to index
        %get3A_1469 = arith.constant 0 : index
        %get3A_1470 = tpu.vector_load %arg14[%get3A_1468, %get3A_1469] {strides = array<i32>} : memref<800x32xf32, #tpu.memory_space<vmem>>, vector<16xf32>,
        %add3A_1471 = arith.addf %add3A_1459, %get3A_1470 : vector<16xf32>
        %add3A_1472 = arith.constant 48 : i32
        %add3A_1473 = arith.addi %mul3A_896, %add3A_1472 : i32
        %get3A_1474 = arith.index_cast %add3A_1473 : i32 to index
        %get3A_1475 = arith.constant 16 : index
        %get3A_1476 = tpu.vector_load %arg14[%get3A_1474, %get3A_1475] {strides = array<i32>} : memref<800x32xf32, #tpu.memory_space<vmem>>, vector<16xf32>,
        %add3A_1477 = arith.addf %add3A_1465, %get3A_1476 : vector<16xf32>
        %add3A_1478 = arith.constant 49 : i32
        %add3A_1479 = arith.addi %mul3A_896, %add3A_1478 : i32
        %get3A_1480 = arith.index_cast %add3A_1479 : i32 to index
        %get3A_1481 = arith.constant 0 : index
        %get3A_1482 = tpu.vector_load %arg14[%get3A_1480, %get3A_1481] {strides = array<i32>} : memref<800x32xf32, #tpu.memory_space<vmem>>, vector<16xf32>,
        %add3A_1483 = arith.addf %add3A_1471, %get3A_1482 : vector<16xf32>
        %add3A_1484 = arith.constant 49 : i32
        %add3A_1485 = arith.addi %mul3A_896, %add3A_1484 : i32
        %get3A_1486 = arith.index_cast %add3A_1485 : i32 to index
        %get3A_1487 = arith.constant 16 : index
        %get3A_1488 = tpu.vector_load %arg14[%get3A_1486, %get3A_1487] {strides = array<i32>} : memref<800x32xf32, #tpu.memory_space<vmem>>, vector<16xf32>,
        %add3A_1489 = arith.addf %add3A_1477, %get3A_1488 : vector<16xf32>
        %get3A_1490 = arith.index_cast %scan3A_892 : i32 to index
        %get3A_1491 = arith.constant 0 : index
        %get3A_1492 = tpu.vector_load %arg22[%get3A_1490, %get3A_1491] {strides = array<i32>} : memref<16x32xf32, #tpu.memory_space<vmem>>, vector<16xf32>,
        %mul3A_1493 = arith.constant 2.000000e-02 : f32
        %mul3A_1494 = vector.broadcast %mul3A_1493 : f32 to vector<16xf32>
        %mul3A_1495 = arith.mulf %add3A_1483, %mul3A_1494 : vector<16xf32>
        %add3A_1496 = arith.addf %get3A_1492, %mul3A_1495 : vector<16xf32>
        %get3A_1497 = arith.index_cast %scan3A_892 : i32 to index
        %get3A_1498 = arith.constant 16 : index
        %get3A_1499 = tpu.vector_load %arg22[%get3A_1497, %get3A_1498] {strides = array<i32>} : memref<16x32xf32, #tpu.memory_space<vmem>>, vector<16xf32>,
        %mul3A_1500 = arith.constant 2.000000e-02 : f32
        %mul3A_1501 = vector.broadcast %mul3A_1500 : f32 to vector<16xf32>
        %mul3A_1502 = arith.mulf %add3A_1489, %mul3A_1501 : vector<16xf32>
        %add3A_1503 = arith.addf %get3A_1499, %mul3A_1502 : vector<16xf32>
        %get3A_1504 = arith.index_cast %scan3A_892 : i32 to index
        %get3A_1505 = arith.constant 0 : index
        %get3A_1506 = tpu.vector_load %arg24[%get3A_1504, %get3A_1505] {strides = array<i32>} : memref<16x32xf32, #tpu.memory_space<vmem>>, vector<16xf32>,
        %mul3A_1507 = arith.mulf %add3A_1496, %get3A_1506 : vector<16xf32>
        %get3A_1508 = arith.index_cast %scan3A_892 : i32 to index
        %get3A_1509 = arith.constant 16 : index
        %get3A_1510 = tpu.vector_load %arg24[%get3A_1508, %get3A_1509] {strides = array<i32>} : memref<16x32xf32, #tpu.memory_space<vmem>>, vector<16xf32>,
        %mul3A_1511 = arith.mulf %add3A_1503, %get3A_1510 : vector<16xf32>
        %add3A_1512 = arith.addf %mul3A_1507, %mul3A_1511 : vector<16xf32>
        %reduce_sum3A = arith.constant true
        %reduce_sum3A_1513 = vector.broadcast %reduce_sum3A : i1 to vector<16xi1>
        %reduce_sum3A_1514 = tpu.scan <sum>, %add3A_1512 masked %reduce_sum3A_1513 : vector<16xf32>, vector<16xi1> -> vector<16xf32>
        %reduce_sum3A_1515 = vector.extract %reduce_sum3A_1514[15] : f32 from vector<16xf32>
        %get3A_1516 = arith.index_cast %scan3A_892 : i32 to index
        %get3A_1517 = arith.constant 0 : index
        %get3A_1518 = tpu.vector_load %arg26[%get3A_1516, %get3A_1517] {strides = array<i32>} : memref<16x32xf32, #tpu.memory_space<vmem>>, vector<16xf32>,
        %mul3A_1519 = arith.mulf %add3A_1496, %get3A_1518 : vector<16xf32>
        %get3A_1520 = arith.index_cast %scan3A_892 : i32 to index
        %get3A_1521 = arith.constant 16 : index
        %get3A_1522 = tpu.vector_load %arg26[%get3A_1520, %get3A_1521] {strides = array<i32>} : memref<16x32xf32, #tpu.memory_space<vmem>>, vector<16xf32>,
        %mul3A_1523 = arith.mulf %add3A_1503, %get3A_1522 : vector<16xf32>
        %add3A_1524 = arith.addf %mul3A_1519, %mul3A_1523 : vector<16xf32>
        %reduce_sum3A_1525 = arith.constant true
        %reduce_sum3A_1526 = vector.broadcast %reduce_sum3A_1525 : i1 to vector<16xi1>
        %reduce_sum3A_1527 = tpu.scan <sum>, %add3A_1524 masked %reduce_sum3A_1526 : vector<16xf32>, vector<16xi1> -> vector<16xf32>
        %reduce_sum3A_1528 = vector.extract %reduce_sum3A_1527[15] : f32 from vector<16xf32>
        %eq3A = vector.broadcast %scan3A_892 : i32 to vector<16xi32>
        %eq3A_1529 = arith.cmpi eq, %iota3A, %eq3A : vector<16xi32>
        %broadcast_in_dim3A_1530 = vector.broadcast %reduce_sum3A_1515 : f32 to vector<16xf32>
        %select_n3A = arith.select %eq3A_1529, %broadcast_in_dim3A_1530, %scan3A_893 : vector<16xi1>, vector<16xf32>
        %eq3A_1531 = vector.broadcast %scan3A_892 : i32 to vector<16xi32>
        %eq3A_1532 = arith.cmpi eq, %iota3A, %eq3A_1531 : vector<16xi32>
        %broadcast_in_dim3A_1533 = vector.broadcast %reduce_sum3A_1528 : f32 to vector<16xf32>
        %select_n3A_1534 = arith.select %eq3A_1532, %broadcast_in_dim3A_1533, %scan3A_894 : vector<16xi1>, vector<16xf32>
        scf.yield %select_n3A, %select_n3A_1534 : vector<16xf32>, vector<16xf32>
      }
      %scan3A_882 = arith.constant 16 : i32
      %mul3A_883 = arith.constant 16 : i32
      %mul3A_884 = arith.muli %add3A_591, %mul3A_883 : i32
      %swap3A_885 = arith.index_cast %mul3A_884 : i32 to index
      %swap3A_886 = tpu.vector_load %arg9[%swap3A_885] {strides = array<i32>} : memref<512xf32, #tpu.memory_space<vmem>>, vector<16xf32>,
      tpu.vector_store %arg9[%swap3A_885], %scan3A_881#0 {strides = array<i32>} : memref<512xf32, #tpu.memory_space<vmem>>, vector<16xf32>,
      %mul3A_887 = arith.constant 16 : i32
      %mul3A_888 = arith.muli %add3A_591, %mul3A_887 : i32
      %swap3A_889 = arith.index_cast %mul3A_888 : i32 to index
      %swap3A_890 = tpu.vector_load %arg10[%swap3A_889] {strides = array<i32>} : memref<512xf32, #tpu.memory_space<vmem>>, vector<16xf32>,
      tpu.vector_store %arg10[%swap3A_889], %scan3A_881#1 {strides = array<i32>} : memref<512xf32, #tpu.memory_space<vmem>>, vector<16xf32>,
      %scan3A_891 = arith.constant 0 : i32
      scf.yield %scan3A_891 : i32
    }
    %scan3A_148 = arith.constant 16 : i32
    %dma_wait3A = arith.constant 0 : i32
    %dma_wait3A_149 = arith.constant 0 : i32
    %dma_wait3A_150 = tpu.memref_slice %arg6[%dma_wait3A, %dma_wait3A_149] : memref<1000000x32xf32, #tpu.memory_space<hbm>> -> memref<1000000x32xf32, #tpu.memory_space<hbm>>
    tpu.wait_indirect_dma semaphore(%arg27 : memref<!tpu.dma_semaphore, #tpu.memory_space<semaphore_mem>>) src(%dma_wait3A_150 : memref<1000000x32xf32, #tpu.memory_space<hbm>>) dst(%arg21 : memref<16x32xf32, #tpu.memory_space<vmem>>)
    %dma_wait3A_151 = arith.constant 0 : i32
    %dma_wait3A_152 = arith.constant 0 : i32
    %dma_wait3A_153 = tpu.memref_slice %arg7[%dma_wait3A_151, %dma_wait3A_152] : memref<1000000x32xf32, #tpu.memory_space<hbm>> -> memref<1000000x32xf32, #tpu.memory_space<hbm>>
    tpu.wait_indirect_dma semaphore(%arg27 : memref<!tpu.dma_semaphore, #tpu.memory_space<semaphore_mem>>) src(%dma_wait3A_153 : memref<1000000x32xf32, #tpu.memory_space<hbm>>) dst(%arg23 : memref<16x32xf32, #tpu.memory_space<vmem>>)
    %dma_wait3A_154 = arith.constant 0 : i32
    %dma_wait3A_155 = arith.constant 0 : i32
    %dma_wait3A_156 = tpu.memref_slice %arg7[%dma_wait3A_154, %dma_wait3A_155] : memref<1000000x32xf32, #tpu.memory_space<hbm>> -> memref<1000000x32xf32, #tpu.memory_space<hbm>>
    tpu.wait_indirect_dma semaphore(%arg27 : memref<!tpu.dma_semaphore, #tpu.memory_space<semaphore_mem>>) src(%dma_wait3A_156 : memref<1000000x32xf32, #tpu.memory_space<hbm>>) dst(%arg25 : memref<16x32xf32, #tpu.memory_space<vmem>>)
    %dma_wait3A_157 = arith.constant 0 : i32
    %dma_wait3A_158 = arith.constant 0 : i32
    %dma_wait3A_159 = tpu.memref_slice %arg13[%dma_wait3A_157, %dma_wait3A_158] : memref<800x32xf32, #tpu.memory_space<vmem>> -> memref<50x32xf32, #tpu.memory_space<vmem>>
    %dma_wait3A_160 = arith.constant 0 : i32
    %dma_wait3A_161 = tpu.memref_slice %arg11[%dma_wait3A_160] : memref<896xi32, #tpu.memory_space<vmem>> -> memref<50xi32, #tpu.memory_space<vmem>>
    %dma_wait3A_162 = arith.constant 0 : i32
    %dma_wait3A_163 = arith.constant 0 : i32
    %dma_wait3A_164 = tpu.memref_slice %arg7[%dma_wait3A_162, %dma_wait3A_163] : memref<1000000x32xf32, #tpu.memory_space<hbm>> -> memref<1000000x32xf32, #tpu.memory_space<hbm>>
    tpu.wait_indirect_dma semaphore(%arg27 : memref<!tpu.dma_semaphore, #tpu.memory_space<semaphore_mem>>) src(%dma_wait3A_164 : memref<1000000x32xf32, #tpu.memory_space<hbm>>) dst(%dma_wait3A_159 : memref<50x32xf32, #tpu.memory_space<vmem>>)
    %dma_wait3A_165 = arith.constant 50 : i32
    %dma_wait3A_166 = arith.constant 0 : i32
    %dma_wait3A_167 = tpu.memref_slice %arg13[%dma_wait3A_165, %dma_wait3A_166] : memref<800x32xf32, #tpu.memory_space<vmem>> -> memref<50x32xf32, #tpu.memory_space<vmem>>
    %dma_wait3A_168 = arith.constant 56 : i32
    %dma_wait3A_169 = tpu.memref_slice %arg11[%dma_wait3A_168] : memref<896xi32, #tpu.memory_space<vmem>> -> memref<50xi32, #tpu.memory_space<vmem>>
    %dma_wait3A_170 = arith.constant 0 : i32
    %dma_wait3A_171 = arith.constant 0 : i32
    %dma_wait3A_172 = tpu.memref_slice %arg7[%dma_wait3A_170, %dma_wait3A_171] : memref<1000000x32xf32, #tpu.memory_space<hbm>> -> memref<1000000x32xf32, #tpu.memory_space<hbm>>
    tpu.wait_indirect_dma semaphore(%arg27 : memref<!tpu.dma_semaphore, #tpu.memory_space<semaphore_mem>>) src(%dma_wait3A_172 : memref<1000000x32xf32, #tpu.memory_space<hbm>>) dst(%dma_wait3A_167 : memref<50x32xf32, #tpu.memory_space<vmem>>)
    %dma_wait3A_173 = arith.constant 100 : i32
    %dma_wait3A_174 = arith.constant 0 : i32
    %dma_wait3A_175 = tpu.memref_slice %arg13[%dma_wait3A_173, %dma_wait3A_174] : memref<800x32xf32, #tpu.memory_space<vmem>> -> memref<50x32xf32, #tpu.memory_space<vmem>>
    %dma_wait3A_176 = arith.constant 112 : i32
    %dma_wait3A_177 = tpu.memref_slice %arg11[%dma_wait3A_176] : memref<896xi32, #tpu.memory_space<vmem>> -> memref<50xi32, #tpu.memory_space<vmem>>
    %dma_wait3A_178 = arith.constant 0 : i32
    %dma_wait3A_179 = arith.constant 0 : i32
    %dma_wait3A_180 = tpu.memref_slice %arg7[%dma_wait3A_178, %dma_wait3A_179] : memref<1000000x32xf32, #tpu.memory_space<hbm>> -> memref<1000000x32xf32, #tpu.memory_space<hbm>>
    tpu.wait_indirect_dma semaphore(%arg27 : memref<!tpu.dma_semaphore, #tpu.memory_space<semaphore_mem>>) src(%dma_wait3A_180 : memref<1000000x32xf32, #tpu.memory_space<hbm>>) dst(%dma_wait3A_175 : memref<50x32xf32, #tpu.memory_space<vmem>>)
    %dma_wait3A_181 = arith.constant 150 : i32
    %dma_wait3A_182 = arith.constant 0 : i32
    %dma_wait3A_183 = tpu.memref_slice %arg13[%dma_wait3A_181, %dma_wait3A_182] : memref<800x32xf32, #tpu.memory_space<vmem>> -> memref<50x32xf32, #tpu.memory_space<vmem>>
    %dma_wait3A_184 = arith.constant 168 : i32
    %dma_wait3A_185 = tpu.memref_slice %arg11[%dma_wait3A_184] : memref<896xi32, #tpu.memory_space<vmem>> -> memref<50xi32, #tpu.memory_space<vmem>>
    %dma_wait3A_186 = arith.constant 0 : i32
    %dma_wait3A_187 = arith.constant 0 : i32
    %dma_wait3A_188 = tpu.memref_slice %arg7[%dma_wait3A_186, %dma_wait3A_187] : memref<1000000x32xf32, #tpu.memory_space<hbm>> -> memref<1000000x32xf32, #tpu.memory_space<hbm>>
    tpu.wait_indirect_dma semaphore(%arg27 : memref<!tpu.dma_semaphore, #tpu.memory_space<semaphore_mem>>) src(%dma_wait3A_188 : memref<1000000x32xf32, #tpu.memory_space<hbm>>) dst(%dma_wait3A_183 : memref<50x32xf32, #tpu.memory_space<vmem>>)
    %dma_wait3A_189 = arith.constant 200 : i32
    %dma_wait3A_190 = arith.constant 0 : i32
    %dma_wait3A_191 = tpu.memref_slice %arg13[%dma_wait3A_189, %dma_wait3A_190] : memref<800x32xf32, #tpu.memory_space<vmem>> -> memref<50x32xf32, #tpu.memory_space<vmem>>
    %dma_wait3A_192 = arith.constant 224 : i32
    %dma_wait3A_193 = tpu.memref_slice %arg11[%dma_wait3A_192] : memref<896xi32, #tpu.memory_space<vmem>> -> memref<50xi32, #tpu.memory_space<vmem>>
    %dma_wait3A_194 = arith.constant 0 : i32
    %dma_wait3A_195 = arith.constant 0 : i32
    %dma_wait3A_196 = tpu.memref_slice %arg7[%dma_wait3A_194, %dma_wait3A_195] : memref<1000000x32xf32, #tpu.memory_space<hbm>> -> memref<1000000x32xf32, #tpu.memory_space<hbm>>
    tpu.wait_indirect_dma semaphore(%arg27 : memref<!tpu.dma_semaphore, #tpu.memory_space<semaphore_mem>>) src(%dma_wait3A_196 : memref<1000000x32xf32, #tpu.memory_space<hbm>>) dst(%dma_wait3A_191 : memref<50x32xf32, #tpu.memory_space<vmem>>)
    %dma_wait3A_197 = arith.constant 250 : i32
    %dma_wait3A_198 = arith.constant 0 : i32
    %dma_wait3A_199 = tpu.memref_slice %arg13[%dma_wait3A_197, %dma_wait3A_198] : memref<800x32xf32, #tpu.memory_space<vmem>> -> memref<50x32xf32, #tpu.memory_space<vmem>>
    %dma_wait3A_200 = arith.constant 280 : i32
    %dma_wait3A_201 = tpu.memref_slice %arg11[%dma_wait3A_200] : memref<896xi32, #tpu.memory_space<vmem>> -> memref<50xi32, #tpu.memory_space<vmem>>
    %dma_wait3A_202 = arith.constant 0 : i32
    %dma_wait3A_203 = arith.constant 0 : i32
    %dma_wait3A_204 = tpu.memref_slice %arg7[%dma_wait3A_202, %dma_wait3A_203] : memref<1000000x32xf32, #tpu.memory_space<hbm>> -> memref<1000000x32xf32, #tpu.memory_space<hbm>>
    tpu.wait_indirect_dma semaphore(%arg27 : memref<!tpu.dma_semaphore, #tpu.memory_space<semaphore_mem>>) src(%dma_wait3A_204 : memref<1000000x32xf32, #tpu.memory_space<hbm>>) dst(%dma_wait3A_199 : memref<50x32xf32, #tpu.memory_space<vmem>>)
    %dma_wait3A_205 = arith.constant 300 : i32
    %dma_wait3A_206 = arith.constant 0 : i32
    %dma_wait3A_207 = tpu.memref_slice %arg13[%dma_wait3A_205, %dma_wait3A_206] : memref<800x32xf32, #tpu.memory_space<vmem>> -> memref<50x32xf32, #tpu.memory_space<vmem>>
    %dma_wait3A_208 = arith.constant 336 : i32
    %dma_wait3A_209 = tpu.memref_slice %arg11[%dma_wait3A_208] : memref<896xi32, #tpu.memory_space<vmem>> -> memref<50xi32, #tpu.memory_space<vmem>>
    %dma_wait3A_210 = arith.constant 0 : i32
    %dma_wait3A_211 = arith.constant 0 : i32
    %dma_wait3A_212 = tpu.memref_slice %arg7[%dma_wait3A_210, %dma_wait3A_211] : memref<1000000x32xf32, #tpu.memory_space<hbm>> -> memref<1000000x32xf32, #tpu.memory_space<hbm>>
    tpu.wait_indirect_dma semaphore(%arg27 : memref<!tpu.dma_semaphore, #tpu.memory_space<semaphore_mem>>) src(%dma_wait3A_212 : memref<1000000x32xf32, #tpu.memory_space<hbm>>) dst(%dma_wait3A_207 : memref<50x32xf32, #tpu.memory_space<vmem>>)
    %dma_wait3A_213 = arith.constant 350 : i32
    %dma_wait3A_214 = arith.constant 0 : i32
    %dma_wait3A_215 = tpu.memref_slice %arg13[%dma_wait3A_213, %dma_wait3A_214] : memref<800x32xf32, #tpu.memory_space<vmem>> -> memref<50x32xf32, #tpu.memory_space<vmem>>
    %dma_wait3A_216 = arith.constant 392 : i32
    %dma_wait3A_217 = tpu.memref_slice %arg11[%dma_wait3A_216] : memref<896xi32, #tpu.memory_space<vmem>> -> memref<50xi32, #tpu.memory_space<vmem>>
    %dma_wait3A_218 = arith.constant 0 : i32
    %dma_wait3A_219 = arith.constant 0 : i32
    %dma_wait3A_220 = tpu.memref_slice %arg7[%dma_wait3A_218, %dma_wait3A_219] : memref<1000000x32xf32, #tpu.memory_space<hbm>> -> memref<1000000x32xf32, #tpu.memory_space<hbm>>
    tpu.wait_indirect_dma semaphore(%arg27 : memref<!tpu.dma_semaphore, #tpu.memory_space<semaphore_mem>>) src(%dma_wait3A_220 : memref<1000000x32xf32, #tpu.memory_space<hbm>>) dst(%dma_wait3A_215 : memref<50x32xf32, #tpu.memory_space<vmem>>)
    %dma_wait3A_221 = arith.constant 400 : i32
    %dma_wait3A_222 = arith.constant 0 : i32
    %dma_wait3A_223 = tpu.memref_slice %arg13[%dma_wait3A_221, %dma_wait3A_222] : memref<800x32xf32, #tpu.memory_space<vmem>> -> memref<50x32xf32, #tpu.memory_space<vmem>>
    %dma_wait3A_224 = arith.constant 448 : i32
    %dma_wait3A_225 = tpu.memref_slice %arg11[%dma_wait3A_224] : memref<896xi32, #tpu.memory_space<vmem>> -> memref<50xi32, #tpu.memory_space<vmem>>
    %dma_wait3A_226 = arith.constant 0 : i32
    %dma_wait3A_227 = arith.constant 0 : i32
    %dma_wait3A_228 = tpu.memref_slice %arg7[%dma_wait3A_226, %dma_wait3A_227] : memref<1000000x32xf32, #tpu.memory_space<hbm>> -> memref<1000000x32xf32, #tpu.memory_space<hbm>>
    tpu.wait_indirect_dma semaphore(%arg27 : memref<!tpu.dma_semaphore, #tpu.memory_space<semaphore_mem>>) src(%dma_wait3A_228 : memref<1000000x32xf32, #tpu.memory_space<hbm>>) dst(%dma_wait3A_223 : memref<50x32xf32, #tpu.memory_space<vmem>>)
    %dma_wait3A_229 = arith.constant 450 : i32
    %dma_wait3A_230 = arith.constant 0 : i32
    %dma_wait3A_231 = tpu.memref_slice %arg13[%dma_wait3A_229, %dma_wait3A_230] : memref<800x32xf32, #tpu.memory_space<vmem>> -> memref<50x32xf32, #tpu.memory_space<vmem>>
    %dma_wait3A_232 = arith.constant 504 : i32
    %dma_wait3A_233 = tpu.memref_slice %arg11[%dma_wait3A_232] : memref<896xi32, #tpu.memory_space<vmem>> -> memref<50xi32, #tpu.memory_space<vmem>>
    %dma_wait3A_234 = arith.constant 0 : i32
    %dma_wait3A_235 = arith.constant 0 : i32
    %dma_wait3A_236 = tpu.memref_slice %arg7[%dma_wait3A_234, %dma_wait3A_235] : memref<1000000x32xf32, #tpu.memory_space<hbm>> -> memref<1000000x32xf32, #tpu.memory_space<hbm>>
    tpu.wait_indirect_dma semaphore(%arg27 : memref<!tpu.dma_semaphore, #tpu.memory_space<semaphore_mem>>) src(%dma_wait3A_236 : memref<1000000x32xf32, #tpu.memory_space<hbm>>) dst(%dma_wait3A_231 : memref<50x32xf32, #tpu.memory_space<vmem>>)
    %dma_wait3A_237 = arith.constant 500 : i32
    %dma_wait3A_238 = arith.constant 0 : i32
    %dma_wait3A_239 = tpu.memref_slice %arg13[%dma_wait3A_237, %dma_wait3A_238] : memref<800x32xf32, #tpu.memory_space<vmem>> -> memref<50x32xf32, #tpu.memory_space<vmem>>
    %dma_wait3A_240 = arith.constant 560 : i32
    %dma_wait3A_241 = tpu.memref_slice %arg11[%dma_wait3A_240] : memref<896xi32, #tpu.memory_space<vmem>> -> memref<50xi32, #tpu.memory_space<vmem>>
    %dma_wait3A_242 = arith.constant 0 : i32
    %dma_wait3A_243 = arith.constant 0 : i32
    %dma_wait3A_244 = tpu.memref_slice %arg7[%dma_wait3A_242, %dma_wait3A_243] : memref<1000000x32xf32, #tpu.memory_space<hbm>> -> memref<1000000x32xf32, #tpu.memory_space<hbm>>
    tpu.wait_indirect_dma semaphore(%arg27 : memref<!tpu.dma_semaphore, #tpu.memory_space<semaphore_mem>>) src(%dma_wait3A_244 : memref<1000000x32xf32, #tpu.memory_space<hbm>>) dst(%dma_wait3A_239 : memref<50x32xf32, #tpu.memory_space<vmem>>)
    %dma_wait3A_245 = arith.constant 550 : i32
    %dma_wait3A_246 = arith.constant 0 : i32
    %dma_wait3A_247 = tpu.memref_slice %arg13[%dma_wait3A_245, %dma_wait3A_246] : memref<800x32xf32, #tpu.memory_space<vmem>> -> memref<50x32xf32, #tpu.memory_space<vmem>>
    %dma_wait3A_248 = arith.constant 616 : i32
    %dma_wait3A_249 = tpu.memref_slice %arg11[%dma_wait3A_248] : memref<896xi32, #tpu.memory_space<vmem>> -> memref<50xi32, #tpu.memory_space<vmem>>
    %dma_wait3A_250 = arith.constant 0 : i32
    %dma_wait3A_251 = arith.constant 0 : i32
    %dma_wait3A_252 = tpu.memref_slice %arg7[%dma_wait3A_250, %dma_wait3A_251] : memref<1000000x32xf32, #tpu.memory_space<hbm>> -> memref<1000000x32xf32, #tpu.memory_space<hbm>>
    tpu.wait_indirect_dma semaphore(%arg27 : memref<!tpu.dma_semaphore, #tpu.memory_space<semaphore_mem>>) src(%dma_wait3A_252 : memref<1000000x32xf32, #tpu.memory_space<hbm>>) dst(%dma_wait3A_247 : memref<50x32xf32, #tpu.memory_space<vmem>>)
    %dma_wait3A_253 = arith.constant 600 : i32
    %dma_wait3A_254 = arith.constant 0 : i32
    %dma_wait3A_255 = tpu.memref_slice %arg13[%dma_wait3A_253, %dma_wait3A_254] : memref<800x32xf32, #tpu.memory_space<vmem>> -> memref<50x32xf32, #tpu.memory_space<vmem>>
    %dma_wait3A_256 = arith.constant 672 : i32
    %dma_wait3A_257 = tpu.memref_slice %arg11[%dma_wait3A_256] : memref<896xi32, #tpu.memory_space<vmem>> -> memref<50xi32, #tpu.memory_space<vmem>>
    %dma_wait3A_258 = arith.constant 0 : i32
    %dma_wait3A_259 = arith.constant 0 : i32
    %dma_wait3A_260 = tpu.memref_slice %arg7[%dma_wait3A_258, %dma_wait3A_259] : memref<1000000x32xf32, #tpu.memory_space<hbm>> -> memref<1000000x32xf32, #tpu.memory_space<hbm>>
    tpu.wait_indirect_dma semaphore(%arg27 : memref<!tpu.dma_semaphore, #tpu.memory_space<semaphore_mem>>) src(%dma_wait3A_260 : memref<1000000x32xf32, #tpu.memory_space<hbm>>) dst(%dma_wait3A_255 : memref<50x32xf32, #tpu.memory_space<vmem>>)
    %dma_wait3A_261 = arith.constant 650 : i32
    %dma_wait3A_262 = arith.constant 0 : i32
    %dma_wait3A_263 = tpu.memref_slice %arg13[%dma_wait3A_261, %dma_wait3A_262] : memref<800x32xf32, #tpu.memory_space<vmem>> -> memref<50x32xf32, #tpu.memory_space<vmem>>
    %dma_wait3A_264 = arith.constant 728 : i32
    %dma_wait3A_265 = tpu.memref_slice %arg11[%dma_wait3A_264] : memref<896xi32, #tpu.memory_space<vmem>> -> memref<50xi32, #tpu.memory_space<vmem>>
    %dma_wait3A_266 = arith.constant 0 : i32
    %dma_wait3A_267 = arith.constant 0 : i32
    %dma_wait3A_268 = tpu.memref_slice %arg7[%dma_wait3A_266, %dma_wait3A_267] : memref<1000000x32xf32, #tpu.memory_space<hbm>> -> memref<1000000x32xf32, #tpu.memory_space<hbm>>
    tpu.wait_indirect_dma semaphore(%arg27 : memref<!tpu.dma_semaphore, #tpu.memory_space<semaphore_mem>>) src(%dma_wait3A_268 : memref<1000000x32xf32, #tpu.memory_space<hbm>>) dst(%dma_wait3A_263 : memref<50x32xf32, #tpu.memory_space<vmem>>)
    %dma_wait3A_269 = arith.constant 700 : i32
    %dma_wait3A_270 = arith.constant 0 : i32
    %dma_wait3A_271 = tpu.memref_slice %arg13[%dma_wait3A_269, %dma_wait3A_270] : memref<800x32xf32, #tpu.memory_space<vmem>> -> memref<50x32xf32, #tpu.memory_space<vmem>>
    %dma_wait3A_272 = arith.constant 784 : i32
    %dma_wait3A_273 = tpu.memref_slice %arg11[%dma_wait3A_272] : memref<896xi32, #tpu.memory_space<vmem>> -> memref<50xi32, #tpu.memory_space<vmem>>
    %dma_wait3A_274 = arith.constant 0 : i32
    %dma_wait3A_275 = arith.constant 0 : i32
    %dma_wait3A_276 = tpu.memref_slice %arg7[%dma_wait3A_274, %dma_wait3A_275] : memref<1000000x32xf32, #tpu.memory_space<hbm>> -> memref<1000000x32xf32, #tpu.memory_space<hbm>>
    tpu.wait_indirect_dma semaphore(%arg27 : memref<!tpu.dma_semaphore, #tpu.memory_space<semaphore_mem>>) src(%dma_wait3A_276 : memref<1000000x32xf32, #tpu.memory_space<hbm>>) dst(%dma_wait3A_271 : memref<50x32xf32, #tpu.memory_space<vmem>>)
    %dma_wait3A_277 = arith.constant 750 : i32
    %dma_wait3A_278 = arith.constant 0 : i32
    %dma_wait3A_279 = tpu.memref_slice %arg13[%dma_wait3A_277, %dma_wait3A_278] : memref<800x32xf32, #tpu.memory_space<vmem>> -> memref<50x32xf32, #tpu.memory_space<vmem>>
    %dma_wait3A_280 = arith.constant 840 : i32
    %dma_wait3A_281 = tpu.memref_slice %arg11[%dma_wait3A_280] : memref<896xi32, #tpu.memory_space<vmem>> -> memref<50xi32, #tpu.memory_space<vmem>>
    %dma_wait3A_282 = arith.constant 0 : i32
    %dma_wait3A_283 = arith.constant 0 : i32
    %dma_wait3A_284 = tpu.memref_slice %arg7[%dma_wait3A_282, %dma_wait3A_283] : memref<1000000x32xf32, #tpu.memory_space<hbm>> -> memref<1000000x32xf32, #tpu.memory_space<hbm>>
    tpu.wait_indirect_dma semaphore(%arg27 : memref<!tpu.dma_semaphore, #tpu.memory_space<semaphore_mem>>) src(%dma_wait3A_284 : memref<1000000x32xf32, #tpu.memory_space<hbm>>) dst(%dma_wait3A_279 : memref<50x32xf32, #tpu.memory_space<vmem>>)
    %run_scoped3A = arith.constant 0 : i32
    "tpu.region"() ({
      %run_scoped3A_286 = tpu.sem_alloc : memref<!tpu.dma_semaphore, #tpu.memory_space<semaphore_mem>>
      %dma_start3A_287 = tpu.memref_slice %arg8[%run_scoped3A, %mul3A_2] : memref<2x16384xf32, #tpu.memory_space<hbm>> -> memref<1x512xf32, #tpu.memory_space<hbm>>
      %dma_start3A_288 = tpu.memref_squeeze %dma_start3A_287 : memref<1x512xf32, #tpu.memory_space<hbm>> -> memref<512xf32, #tpu.memory_space<hbm>>
      %dma_start3A_289 = tpu.memref_slice %arg8[%run_scoped3A, %mul3A_2] : memref<2x16384xf32, #tpu.memory_space<hbm>> -> memref<1x512xf32, #tpu.memory_space<hbm>>
      %dma_start3A_290 = tpu.memref_squeeze %dma_start3A_289 : memref<1x512xf32, #tpu.memory_space<hbm>> -> memref<512xf32, #tpu.memory_space<hbm>>
      tpu.enqueue_dma source(%arg9 : memref<512xf32, #tpu.memory_space<vmem>>) target(%dma_start3A_290 : memref<512xf32, #tpu.memory_space<hbm>>) target_semaphore(%run_scoped3A_286 : memref<!tpu.dma_semaphore, #tpu.memory_space<semaphore_mem>>)
      %dma_wait3A_291 = tpu.memref_slice %arg8[%run_scoped3A, %mul3A_2] : memref<2x16384xf32, #tpu.memory_space<hbm>> -> memref<1x512xf32, #tpu.memory_space<hbm>>
      %dma_wait3A_292 = tpu.memref_squeeze %dma_wait3A_291 : memref<1x512xf32, #tpu.memory_space<hbm>> -> memref<512xf32, #tpu.memory_space<hbm>>
      %dma_wait3A_293 = tpu.memref_slice %arg8[%run_scoped3A, %mul3A_2] : memref<2x16384xf32, #tpu.memory_space<hbm>> -> memref<1x512xf32, #tpu.memory_space<hbm>>
      %dma_wait3A_294 = tpu.memref_squeeze %dma_wait3A_293 : memref<1x512xf32, #tpu.memory_space<hbm>> -> memref<512xf32, #tpu.memory_space<hbm>>
      tpu.wait_dma2 semaphore(%run_scoped3A_286 : memref<!tpu.dma_semaphore, #tpu.memory_space<semaphore_mem>>) src(%arg9 : memref<512xf32, #tpu.memory_space<vmem>>) dst(%dma_wait3A_294 : memref<512xf32, #tpu.memory_space<hbm>>)
      tpu.yield
    }) : () -> ()
    %run_scoped3A_285 = arith.constant 1 : i32
    "tpu.region"() ({
      %run_scoped3A_286 = tpu.sem_alloc : memref<!tpu.dma_semaphore, #tpu.memory_space<semaphore_mem>>
      %dma_start3A_287 = tpu.memref_slice %arg8[%run_scoped3A_285, %mul3A_2] : memref<2x16384xf32, #tpu.memory_space<hbm>> -> memref<1x512xf32, #tpu.memory_space<hbm>>
      %dma_start3A_288 = tpu.memref_squeeze %dma_start3A_287 : memref<1x512xf32, #tpu.memory_space<hbm>> -> memref<512xf32, #tpu.memory_space<hbm>>
      %dma_start3A_289 = tpu.memref_slice %arg8[%run_scoped3A_285, %mul3A_2] : memref<2x16384xf32, #tpu.memory_space<hbm>> -> memref<1x512xf32, #tpu.memory_space<hbm>>
      %dma_start3A_290 = tpu.memref_squeeze %dma_start3A_289 : memref<1x512xf32, #tpu.memory_space<hbm>> -> memref<512xf32, #tpu.memory_space<hbm>>
      tpu.enqueue_dma source(%arg10 : memref<512xf32, #tpu.memory_space<vmem>>) target(%dma_start3A_290 : memref<512xf32, #tpu.memory_space<hbm>>) target_semaphore(%run_scoped3A_286 : memref<!tpu.dma_semaphore, #tpu.memory_space<semaphore_mem>>)
      %dma_wait3A_291 = tpu.memref_slice %arg8[%run_scoped3A_285, %mul3A_2] : memref<2x16384xf32, #tpu.memory_space<hbm>> -> memref<1x512xf32, #tpu.memory_space<hbm>>
      %dma_wait3A_292 = tpu.memref_squeeze %dma_wait3A_291 : memref<1x512xf32, #tpu.memory_space<hbm>> -> memref<512xf32, #tpu.memory_space<hbm>>
      %dma_wait3A_293 = tpu.memref_slice %arg8[%run_scoped3A_285, %mul3A_2] : memref<2x16384xf32, #tpu.memory_space<hbm>> -> memref<1x512xf32, #tpu.memory_space<hbm>>
      %dma_wait3A_294 = tpu.memref_squeeze %dma_wait3A_293 : memref<1x512xf32, #tpu.memory_space<hbm>> -> memref<512xf32, #tpu.memory_space<hbm>>
      tpu.wait_dma2 semaphore(%run_scoped3A_286 : memref<!tpu.dma_semaphore, #tpu.memory_space<semaphore_mem>>) src(%arg10 : memref<512xf32, #tpu.memory_space<vmem>>) dst(%dma_wait3A_294 : memref<512xf32, #tpu.memory_space<hbm>>)
      tpu.yield
    }) : () -> ()
    return
  }
}

</mosaic_0001>

<sc_bundles>
// kernel: _run.4.cloned.1.call-start
scs
__scs_entry_jumppad:
0x0: {  	(pc) =	sbr.rel $0x88, $3  }
0x1: {  	(tag) =	ssettag $0x0;
	lr =	simm.s32 $0x1  }
0x2: {  	[smem:$0x3F9A] =	sst lr;
	_ =	strace $0xD0000000  }
0x3: {  	_ = 	snop  }
0x4: {  	_ = 	snop  }
0x5: {  	_ = 	snop  }
0x6: {  	_ = 	snop  }
0x7: {  	_ = 	snop  }
__scs_overlays_trampoline_lowered:
0x8: {  	[smem:$0x3FA9] =	sst s0  }
0x9: {  	[smem:$0x3FAA] =	sst s1  }
0xa: {  	[smem:$0x3FAB] =	sst s2  }
0xb: {  	[smem:$0x3FAC] =	sst s3  }
0xc: {  	[smem:$0x3FAD] =	sst s4  }
0xd: {  	[smem:$0x3FAE] =	sst s5  }
0xe: {  	[smem:$0x3FAF] =	sst s6  }
0xf: {  	[smem:$0x3FB0] =	sst s7  }
0x10: {  	[smem:$0x3FB1] =	sst s8  }
0x11: {  	[smem:$0x3FB2] =	sst s9;
	s0 =	simm.s32 @!p0 $0x0  }
0x12: {  	s1 =	sld [smem:$0x3F98];
	s0 =	simm.s32 @p0 $0x1  }
0x13: {  	[smem:$0x3FB3] =	sst s0;
	s0 =	simm.s32 @!p1 $0x0  }
0x14: {  	s2 =	sld [smem:$0x3F97];
	s0 =	simm.s32 @p1 $0x1  }
0x15: {  	[smem:$0x3FB4] =	sst s0;
	s0 =	simm.s32 @!p2 $0x0  }
0x16: {  	s3 =	sld [smem:$0x3FDB];
	s0 =	simm.s32 @p2 $0x1  }
0x17: {  	s4 =	simm.s32 $0x1BF5;
	[smem:$0x3FB6] =	sst s0  }
0x18: {  	s0 =	sld [smem:$0x3F99];
	_ =	swait.ge [sflag:s4], $0x0  }
0x19: {  	s7 =	sld [smem:$0x3F9A]  }
0x1a: {  	s8 =	sadd.s32 $0xFFFFE003, lr  }
0x1b: {  	s9 =	sadd.s32 $0xFFFFFEF7, lr;
	s5 =	simm.s32 $0xFFFFFFFF;
	p2 =	slt.u32 s8, $0xFFFFF086  }
0x1c: {  	p1 =	slt.u32 s9, $0xF7A;
	s5 =	simm.s32 @!p2 $0x0  }
0x1d: {  	s5 =	simm.s32 @p1 $0x1;
	p0 =	seq.s32 s7, s2  }
0x1e: {  	s7 =	smul.u32 @!p0 $0xF7A, s2;
	p2 =	seq.s32 @!p0 s5, $0x0  }
0x1f: {  	s9 =	smul.u32 $0xF7A, s1;
	s8 =	simm.s32 @!p0 $0x1BF5;
	p2 =	por !p2, p0  }
0x20: {  	[sflag:s8] =	ssyncset.s32 @!p0 $0xFFFFF086;
	s6 =	sadd.s32 @!p0 s3, s7;
	s7 =	simm.s32 @!p0 $0x108  }
0x21: {  	s3 =	sadd.s32 s3, s9;
	s6 =	sadd.s32 @!p0 $0x88, s6;
	s7 =	simm.s32 @p2 $0x1082  }
0x22: {  	[simem:s7], [sflag:s8] =	dma.local @!p0 [hbm:s6], $0xF7A  }
0x23: {  	s9 =	sor.u32 $0xD0000000, s2;
	s6 =	simm.s32 $0x108;
	_ =	swait.ge @!p0 [sflag:s8], $0x0  }
0x24: {  	s3 =	sadd.s32 $0x88, s3;
	s6 =	simm.s32 @!p1 $0x1082;
	[sflag:s4] =	ssyncset.s32 $0xFFFFF086  }
0x25: {  	[simem:s6], [sflag:s4] =	dma.local [hbm:s3], $0xF7A  }
0x26: {  	[smem:$0x3F9A] =	sst s1;
	(tag) =	ssettag s2;
	_ =	strace s9  }
0x27: {  	s1 =	sld [smem:$0x3FAA]  }
0x28: {  	s2 =	sld [smem:$0x3FAB]  }
0x29: {  	s4 =	sld [smem:$0x3FAD]  }
0x2a: {  	p0 =	seq.s32 s5, $0x0;
	s5 =	sld [smem:$0x3FAE]  }
0x2b: {  	s6 =	sld [smem:$0x3FAF]  }
0x2c: {  	s7 =	sld [smem:$0x3FB0]  }
0x2d: {  	s3 =	simm.s32 $0x108;
	s8 =	sld [smem:$0x3FB1]  }
0x2e: {  	s3 =	simm.s32 @!p0 $0x1082;
	s9 =	sld [smem:$0x3FB2]  }
0x2f: {  	lr =	sadd.s32 s0, s3;
	s0 =	sld [smem:$0x3FA9]  }
0x30: {  	s3 =	sld [smem:$0x3FAC]  }
0x31: {  	[smem:$0x3FB5] =	sst s10  }
0x32: {  	s10 =	sld [smem:$0x3FB3];
	_ =	sdelay $0x3  }
0x33: {  	p0 =	seq.s32 s10, $0x1;
	s10 =	sld [smem:$0x3FB5];
	_ =	sdelay $0x3  }
0x34: {  	[smem:$0x3FB5] =	sst s10  }
0x35: {  	s10 =	sld [smem:$0x3FB4];
	_ =	sdelay $0x3  }
0x36: {  	p1 =	seq.s32 s10, $0x1;
	s10 =	sld [smem:$0x3FB5];
	_ =	sdelay $0x3  }
0x37: {  	[smem:$0x3FB5] =	sst s10  }
0x38: {  	s10 =	sld [smem:$0x3FB6]  }
0x39: {  	_ = 	snop;
	(pc) =	sbr.ind lr, $3  }
0x3a: {  	_ = 	snop  }
0x3b: {  	_ = 	snop  }
0x3c: {  	p2 =	seq.s32 s10, $0x1;
	s10 =	sld [smem:$0x3FB5]  }
0x3d: {  	_ =	shalt  }
0x3e: {  	_ =	shalt  }
0x3f: {  	_ =	shalt  }
0x40: {  	_ =	shalt  }
0x41: {  	_ =	shalt  }
0x42: {  	_ =	shalt  }
0x43: {  	_ =	shalt  }
0x44: {  	_ =	shalt  }
0x45: {  	_ =	shalt  }
0x46: {  	_ =	shalt  }
0x47: {  	_ =	shalt  }
0x48: {  	_ =	shalt  }
0x49: {  	_ =	shalt  }
0x4a: {  	_ =	shalt  }
0x4b: {  	_ =	shalt  }
0x4c: {  	_ =	shalt  }
0x4d: {  	_ =	shalt  }
0x4e: {  	_ =	shalt  }
0x4f: {  	_ =	shalt  }
0x50: {  	_ =	shalt  }
0x51: {  	_ =	shalt  }
0x52: {  	_ =	shalt  }
0x53: {  	_ =	shalt  }
0x54: {  	_ =	shalt  }
0x55: {  	_ =	shalt  }
0x56: {  	_ =	shalt  }
0x57: {  	_ =	shalt  }
0x58: {  	_ =	shalt  }
0x59: {  	_ =	shalt  }
0x5a: {  	_ =	shalt  }
0x5b: {  	_ =	shalt  }
0x5c: {  	_ =	shalt  }
0x5d: {  	_ =	shalt  }
0x5e: {  	_ =	shalt  }
0x5f: {  	_ =	shalt  }
0x60: {  	_ =	shalt  }
0x61: {  	_ =	shalt  }
0x62: {  	_ =	shalt  }
0x63: {  	_ =	shalt  }
0x64: {  	_ =	shalt  }
0x65: {  	_ =	shalt  }
0x66: {  	_ =	shalt  }
0x67: {  	_ =	shalt  }
0x68: {  	_ =	shalt  }
0x69: {  	_ =	shalt  }
0x6a: {  	_ =	shalt  }
0x6b: {  	_ =	shalt  }
0x6c: {  	_ =	shalt  }
0x6d: {  	_ =	shalt  }
0x6e: {  	_ =	shalt  }
0x6f: {  	_ =	shalt  }
0x70: {  	_ =	shalt  }
0x71: {  	_ =	shalt  }
0x72: {  	_ =	shalt  }
0x73: {  	_ =	shalt  }
0x74: {  	_ =	shalt  }
0x75: {  	_ =	shalt  }
0x76: {  	_ =	shalt  }
0x77: {  	_ =	shalt  }
0x78: {  	_ =	shalt  }
0x79: {  	_ =	shalt  }
0x7a: {  	_ =	shalt  }
0x7b: {  	_ =	shalt  }
0x7c: {  	_ =	shalt  }
0x7d: {  	_ =	shalt  }
0x7e: {  	_ =	shalt  }
0x7f: {  	_ =	shalt  }
0x80: {  	_ =	shalt  }
0x81: {  	_ =	shalt  }
0x82: {  	_ =	shalt  }
0x83: {  	_ =	shalt  }
0x84: {  	_ =	shalt  }
0x85: {  	_ =	shalt  }
0x86: {  	_ =	shalt  }
0x87: {  	_ =	shalt  }
.Lfunc_end0:
.L_simem_size_0:
called_computation_lowered:
.L_overlay_start_0:
0x88: {  	s2 =	sld [smem:$0x3FD9]  }
0x89: {  	s3 =	sld [smem:$0x3FFE];
	_ =	sdelay $0x1  }
0x8a: {  	s1 =	srdreg.scid  }
0x8b: {  	s0 =	sand.u32 $0x1, s1  }
0x8c: {  	s17 =	sshll.u32 s0, $0xA;
	s2 =	sadd.s32 s3, s2  }
0x8d: {  	s2 =	sadd.s32 s2, s17  }
0x8e: {  	[smem:$0x3FC1] =	sst s2  }
0x8f: {  	_ = 	snop  }
0x90: {  	s2 =	sld [smem:$0x3FC5]  }
0x91: {  	s18 =	sld [smem:$0x3FC4];
	(tm) =	ssettm $0x1  }
0x92: {  	s4 =	sld [smem:$0x3FFB];
	_ =	sdelay $0x3  }
0x93: {  	_ =	strace s4  }
0x94: {  	s4 =	sld [smem:$0x3FFC];
	_ =	sdelay $0x3  }
0x95: {  	_ =	strace s4  }
0x96: {  	s4 =	sld [smem:$0x3FFD];
	_ =	sdelay $0x3  }
0x97: {  	_ =	strace s4  }
0x98: {  	_ =	strace $0x8FFFFFFF  }
0x99: {  	s19 =	sld [smem:$0x3FDB];
	_ =	sdelay $0x1  }
0x9a: {  	s5 =	simm.s32 $_scs_section_size  }
0x9b: {  	s6 =	simm.s32 $_size__tile_overlayer_lowered;
	s7 =	simm.s32 $_tile_overlayer_lowered  }
0x9c: {  	s22 =	simm.s32 $0x1BFF;
	s21 =	sshll.u32 s7, $0x1;
	s4 =	sadd.s32 s5, s19  }
0x9d: {  	s8 =	simm.s32 $0x0;
	s20 =	sshll.u32 s6, $0x1;
	s6 =	sadd.s32 s21, s4  }
0x9e: {  	[timem:s8], [sflag:s22] =	dma.local [hbm:s6], s20  }
0x9f: {  	_ =	swait.ge [sflag:s22], s20  }
0xa0: {  	s5 =	ssub.s32 $0x0, s20;
	[sflag:s22] =	ssyncset.done $0x0  }
0xa1: {  	[sflag:s22] =	ssyncadd.s32 s5;
	_ =	sdelay $0x1  }
0xa2: {  	s23 =	simm.s32 $0x1B8B  }
0xa3: {  	_ =	swait.ge [sflag:s23], $0x1  }
0xa4: {  	[sflag:s23] =	ssyncset.done $0x0  }
0xa5: {  	s25 =	simm.s32 $0x1B8E;
	s24 =	sld [smem:$0x3FFE];
	[sflag:s23] =	ssyncadd.s32 $0xFFFFFFFF  }
0xa6: {  	s26 =	simm.s32 $execute0_lowered;
	[smem:$0x3FD2] =	sst s25  }
0xa7: {  	s6 =	sshll.u32 s26, $0x1;
	_ =	strace $0x80000046;
	[dreg:$0x1] =	wrdreg $0xFFFFFFFF  }
0xa8: {  	s28 =	simm.s32 $_size_execute0_lowered;
	s4 =	sadd.s32 s4, s6;
	[dreg:$0x0] =	wrdreg $0x0  }
0xa9: {  	s6 =	sshll.u32 s28, $0x1;
	[dreg:$0x2] =	wrdreg s4  }
0xaa: {  	[dreg:$0x3] =	wrdreg s6  }
0xab: {  	[dreg:$0x4] =	wrdreg $0xC0  }
0xac: {  	_ =	task [dreg:s8], $0x5FFFF  }
0xad: {  	[dreg:$0x1] =	wrdreg $0xFFFFFFFF  }
0xae: {  	[dreg:$0x0] =	wrdreg $0x60  }
0xaf: {  	[dreg:$0x2] =	wrdreg s2  }
0xb0: {  	[dreg:$0x3] =	wrdreg s18  }
0xb1: {  	[dreg:$0x4] =	wrdreg s24  }
0xb2: {  	[dreg:$0x5] =	wrdreg $0x9  }
0xb3: {  	_ =	task.clear_ibuf [dreg:s8], $0x6FFFF;
	_ =	strace $0x90000046  }
0xb4: {  	s29 =	simm.s32 $0x9;
	_ =	strace $0x80000048  }
0xb5: {  	_ =	swait.ge [sflag:s29], $0x1  }
0xb6: {  	[sflag:s29] =	ssyncadd.s32 $0xFFFFFFFF  }
0xb7: {  	_ =	strace $0x90000048  }
0xb8: {  	_ =	sfence  }
0xb9: {  	s30 =	sld [smem:$0x0];
	_ =	sdelay $0x2  }
0xba: {  	s31 =	sshll.u32 s1, $0xD;
	s1 =	sshrl.u32 s1, $0x2  }
0xbb: {  	s3 =	sand.u32 $0x4000, s31;
	s1 =	sadd.s32 s1, s30  }
0xbc: {  	s0 =	sor.u32 s3, s0;
	s1 =	sshll.u32 s1, $0x11  }
0xbd: {  	s0 =	sor.u32 s1, s0  }
0xbe: {  	s0 =	sadd.s32 $0x8F2B, s0  }
0xbf: {  	[sflag:s0] =	ssyncadd.remote.s32 $0x1  }
0xc0: {  	_ =	sfence.sel $0xFFFF  }
0xc1: {  	[dreg:$0x0] =	wrdreg $0xFFFFFFFF;
	(pc) =	sbr.abs _section_cstart, $3  }
0xc2: {  	[dreg:$0x1] =	wrdreg $0xFFFFFFFF  }
0xc3: {  	_ =	task.clear_ibuf [dreg:s8], $0x2FFFF;
	_ =	strace $0x9FFFFFFF  }
0xc4: {  	(tm) =	ssettm $0x7FFFFFFF  }
0xc5: {  	_ =	shalt  }
tec
execute0_lowered:
.L_overlay_start_1:
0x0: {  	(tag) =	ssettag $0x1  }
0x1: {  	v0 =	vlaneseq.u32  }
0x2: {  	v0 =	vmul.u32 $0x21, v0;
	_ =	sdelay $0x1  }
0x3: {  	s0 =	rddreg [dreg:$0x0];
	v1 =	vadd.s32 $0x210, v0  }
0x4: {  	s1 =	rddreg [dreg:$0x1];
	v2 =	vadd.s32 $0x420, v0;
	v3 =	vadd.s32 $0x630, v0;
	v4 =	vadd.s32 $0x840, v0  }
0x5: {  	s7 =	rddreg [dreg:$0x2];
	v5 =	vadd.s32 $0xA50, v0;
	v6 =	vadd.s32 $0xC60, v0;
	v7 =	vadd.s32 $0xE70, v0  }
0x6: {  	s2 =	rddreg [dreg:$0x3];
	s3 =	simm.s32 $0x0;
	s4 =	srdreg.scid;
	v8 =	vadd.s32 $0x1080, v0;
	v9 =	vadd.s32 $0x1290, v0;
	v10 =	vadd.s32 $0x14A0, v0  }
0x7: {  	s11 =	simm.s32 $0x2;
	s12 =	simm.s32 $0x4000;
	s13 =	simm.s32 $0x8200;
	v11 =	vadd.s32 $0x16B0, v0;
	v12 =	vadd.s32 $0x18C0, v0;
	v13 =	vadd.s32 $0x1AD0, v0  }
0x8: {  	s14 =	simm.s32 $0x1;
	s15 =	simm.s32 $0x0;
	[smem:$0x7FF] =	sst s3;
	v14 =	vadd.s32 $0x1CE0, v0;
	v15 =	vadd.s32 $0x1EF0, v0;
	v16 =	vadd.s32 $0x2100, v0  }
.Ltmp0:
0x9: {  	s6 =	sand.u32 $0x1, s4;
	s4 =	stileid.u32;
	v17 =	vadd.s32 $0x2310, v0;
	v18 =	vadd.s32 $0x2520, v0;
	v19 =	vadd.s32 $0x2730, v0;
	(pc) =	sbr.rel .LBB2_1-.Ltmp0, $4  }
0xa: {  	s5 =	sadd.s32 $0x800, s7;
	s7 =	sadd.s32 $0x3D1000, s7;
	s8 =	ssub.s32 $0x2, s6;
	v20 =	vadd.s32 $0x2940, v0;
	v21 =	vadd.s32 $0x2B50, v0;
	v22 =	vadd.s32 $0x2D60, v0  }
0xb: {  	_ =	strace $0x80000047;
	s10 =	sshll.u32 s4, $0x1;
	s9 =	sshrl.u32 s8, $0x1;
	v23 =	vadd.s32 $0x2F70, v0;
	v24 =	vadd.s32 $0x3180, v0;
	v25 =	vadd.s32 $0x3390, v0  }
0xc: {  	s6 =	sor.u32 s6, s10;
	s10 =	simm.s32 $0x7A1400;
	v26 =	vadd.s32 $0x35A0, v0;
	v27 =	vadd.s32 $0x37B0, v0;
	v28 =	vadd.s32 $0x39C0, v0;
	s8 =	ssub.s32 s8, s9  }
0xd: {  	v29 =	vadd.s32 $0x3BD0, v0;
	v30 =	vadd.s32 $0x3DE0, v0;
	v31 =	vadd.s32 $0x3FF0, v0;
	s9 =	simm.s32 $0x1000;
	p0 =	sne.s32 s6, $0x0;
	s8 =	smax.u32 s8, $0x1  }
.LBB2_9:
0xe: {  	s16 =	simm.s32 @!p0 $0x0;
	s17 =	simm.s32 @!p0 $0x8200;
	s18 =	simm.s32 @!p0 $0x1  }
0xf: {  	[tilespmem:s17], [sflag:$0x1] =	stream.linear.gather @!p0 [hbm4b:s1+s16], $0x800, $0x38;
	[tilespmem:$0xC200] =	vst v63  }
0x10: {  	s15 =	sadd.s32 $0x1, s15;
	_ =	swait.ge @!p0 [sflag:s18], $0x800  }
0x11: {  	p1 =	sne.s32 s15, s8;
	[sflag:s18] =	ssyncset.done @!p0 $0x0  }
.Ltmp1:
0x12: {  	[sflag:s18] =	ssyncadd.s32 @!p0 $0xFFFFF800;
	(pc) =	sbr.rel @!p1 .LBB2_10-.Ltmp1, $4  }
0x13: {  	[hbm4b:s7+s16] =	stream.linear.scatter @!p0 [tilespmem:s17], [sflag:$0x1], $0x800, $0x38;
	[tilespmem:$0xC200] =	vst v63  }
0x14: {  	_ =	swait.ge @!p0 [sflag:s18], $0x800  }
0x15: {  	[sflag:s18] =	ssyncset.done @!p0 $0x0  }
0x16: {  	[sflag:s18] =	ssyncadd.s32 @!p0 $0xFFFFF800  }
.LBB2_1:
.Ltmp2:
0x17: {  	(pc) =	sbr.rel .LBB2_2-.Ltmp2, $2  }
0x18: {  	_ =	sdelay $0x2  }
0x19: {  	s16 =	simm.s32 $0x0  }
.LBB2_8:
0x1a: {  	s16 =	sadd.s32 $0x1, s16  }
0x1b: {  	p1 =	sne.s32 s16, $0x3E  }
.Ltmp3:
0x1c: {  	_ = 	snop;
	(pc) =	sbr.rel @!p1 .LBB2_9-.Ltmp3, $1  }
0x1d: {  	_ =	sdelay $0x3  }
.LBB2_2:
0x1e: {  	s17 =	sshll.u32 s16, $0x5  }
0x1f: {  	s17 =	sor.u32 s6, s17  }
0x20: {  	p1 =	sgt.u32 s17, $0x7A0  }
.Ltmp4:
0x21: {  	_ = 	snop;
	(pc) =	sbr.rel @p1 .LBB2_8-.Ltmp4, $1  }
0x22: {  	_ =	sdelay $0x3  }
0x23: {  	s18 =	sshll.u32 s17, $0x9  }
0x24: {  	s21 =	simm.s32 $0x0;
	s18 =	sadd.s32 s0, s18  }
0x25: {  	[tilespmem:s21], [sflag:$0x2] =	stream.strided.gather [hbm4b:s18+s9], $0x4000, s10, s9, $0x38;
	[tilespmem:$0xC200] =	vst v63  }
0x26: {  	_ =	swait.ge [sflag:s11], $0x4000  }
0x27: {  	s31 =	sand.u32 $0x3000, s21;
	s19 =	sand.u32 $0x380, s21;
	[sflag:s11] =	ssyncset.done $0x0  }
0x28: {  	s22 =	sor.u32 s19, s31;
	[sflag:s11] =	ssyncadd.s32 $0xFFFFC000  }
0x29: {  	v33 =	vadd.s32 s21, v0;
	v32 =	vld [tilespmem:s22+$0x0];
	_ =	sdelay $0x4  }
0x2a: {  	[tilespmem:v33+s12+$0x0] =	vst.idx.msk $0xffff, v32  }
0x2b: {  	v62 =	vadd.s32 s21, v1;
	v32 =	vld [tilespmem:s22+$0x10];
	_ =	sdelay $0x4  }
0x2c: {  	[tilespmem:v62+s12+$0x0] =	vst.idx.msk $0xffff, v32  }
0x2d: {  	v63 =	vadd.s32 s21, v2;
	v32 =	vld [tilespmem:s22+$0x20];
	_ =	sdelay $0x4  }
0x2e: {  	[tilespmem:v63+s12+$0x0] =	vst.idx.msk $0xffff, v32  }
0x2f: {  	v36 =	vadd.s32 s21, v3;
	v32 =	vld [tilespmem:s22+$0x30];
	_ =	sdelay $0x4  }
0x30: {  	[tilespmem:v36+s12+$0x0] =	vst.idx.msk $0xffff, v32  }
0x31: {  	v37 =	vadd.s32 s21, v4;
	v32 =	vld [tilespmem:s22+$0x40];
	_ =	sdelay $0x4  }
0x32: {  	[tilespmem:v37+s12+$0x0] =	vst.idx.msk $0xffff, v32  }
0x33: {  	v38 =	vadd.s32 s21, v5;
	v32 =	vld [tilespmem:s22+$0x50];
	_ =	sdelay $0x4  }
0x34: {  	[tilespmem:v38+s12+$0x0] =	vst.idx.msk $0xffff, v32  }
0x35: {  	v39 =	vadd.s32 s21, v6;
	v32 =	vld [tilespmem:s22+$0x60];
	_ =	sdelay $0x4  }
0x36: {  	[tilespmem:v39+s12+$0x0] =	vst.idx.msk $0xffff, v32  }
0x37: {  	v40 =	vadd.s32 s21, v7;
	v32 =	vld [tilespmem:s22+$0x70];
	_ =	sdelay $0x4  }
0x38: {  	[tilespmem:v40+s12+$0x0] =	vst.idx.msk $0xffff, v32  }
0x39: {  	v41 =	vadd.s32 s21, v8;
	v32 =	vld [tilespmem:s22+$0x400];
	_ =	sdelay $0x4  }
0x3a: {  	[tilespmem:v41+s12+$0x0] =	vst.idx.msk $0xffff, v32  }
0x3b: {  	v42 =	vadd.s32 s21, v9;
	v32 =	vld [tilespmem:s22+$0x410];
	_ =	sdelay $0x4  }
0x3c: {  	[tilespmem:v42+s12+$0x0] =	vst.idx.msk $0xffff, v32  }
0x3d: {  	v43 =	vadd.s32 s21, v10;
	v32 =	vld [tilespmem:s22+$0x420];
	_ =	sdelay $0x4  }
0x3e: {  	[tilespmem:v43+s12+$0x0] =	vst.idx.msk $0xffff, v32  }
0x3f: {  	v44 =	vadd.s32 s21, v11;
	v32 =	vld [tilespmem:s22+$0x430];
	_ =	sdelay $0x4  }
0x40: {  	[tilespmem:v44+s12+$0x0] =	vst.idx.msk $0xffff, v32  }
0x41: {  	v45 =	vadd.s32 s21, v12;
	v32 =	vld [tilespmem:s22+$0x440];
	_ =	sdelay $0x4  }
0x42: {  	[tilespmem:v45+s12+$0x0] =	vst.idx.msk $0xffff, v32  }
0x43: {  	v46 =	vadd.s32 s21, v13;
	v32 =	vld [tilespmem:s22+$0x450];
	_ =	sdelay $0x4  }
0x44: {  	[tilespmem:v46+s12+$0x0] =	vst.idx.msk $0xffff, v32  }
0x45: {  	v47 =	vadd.s32 s21, v14;
	v32 =	vld [tilespmem:s22+$0x460];
	_ =	sdelay $0x4  }
0x46: {  	[tilespmem:v47+s12+$0x0] =	vst.idx.msk $0xffff, v32  }
0x47: {  	v48 =	vadd.s32 s21, v15;
	v32 =	vld [tilespmem:s22+$0x470];
	_ =	sdelay $0x4  }
0x48: {  	[tilespmem:v48+s12+$0x0] =	vst.idx.msk $0xffff, v32  }
0x49: {  	v49 =	vadd.s32 s21, v16;
	v32 =	vld [tilespmem:s22+$0x800];
	_ =	sdelay $0x4  }
0x4a: {  	[tilespmem:v49+s12+$0x0] =	vst.idx.msk $0xffff, v32  }
0x4b: {  	v50 =	vadd.s32 s21, v17;
	v32 =	vld [tilespmem:s22+$0x810];
	_ =	sdelay $0x4  }
0x4c: {  	[tilespmem:v50+s12+$0x0] =	vst.idx.msk $0xffff, v32  }
0x4d: {  	v51 =	vadd.s32 s21, v18;
	v32 =	vld [tilespmem:s22+$0x820];
	_ =	sdelay $0x4  }
0x4e: {  	[tilespmem:v51+s12+$0x0] =	vst.idx.msk $0xffff, v32  }
0x4f: {  	v52 =	vadd.s32 s21, v19;
	v32 =	vld [tilespmem:s22+$0x830];
	_ =	sdelay $0x4  }
0x50: {  	[tilespmem:v52+s12+$0x0] =	vst.idx.msk $0xffff, v32  }
0x51: {  	v53 =	vadd.s32 s21, v20;
	v32 =	vld [tilespmem:s22+$0x840];
	_ =	sdelay $0x4  }
0x52: {  	[tilespmem:v53+s12+$0x0] =	vst.idx.msk $0xffff, v32  }
0x53: {  	v54 =	vadd.s32 s21, v21;
	v32 =	vld [tilespmem:s22+$0x850];
	_ =	sdelay $0x4  }
0x54: {  	[tilespmem:v54+s12+$0x0] =	vst.idx.msk $0xffff, v32  }
0x55: {  	v55 =	vadd.s32 s21, v22;
	v32 =	vld [tilespmem:s22+$0x860];
	_ =	sdelay $0x4  }
0x56: {  	[tilespmem:v55+s12+$0x0] =	vst.idx.msk $0xffff, v32  }
0x57: {  	v56 =	vadd.s32 s21, v23;
	v32 =	vld [tilespmem:s22+$0x870];
	_ =	sdelay $0x4  }
0x58: {  	[tilespmem:v56+s12+$0x0] =	vst.idx.msk $0xffff, v32  }
0x59: {  	v57 =	vadd.s32 s21, v24;
	v32 =	vld [tilespmem:s22+$0xC00];
	_ =	sdelay $0x4  }
0x5a: {  	[tilespmem:v57+s12+$0x0] =	vst.idx.msk $0xffff, v32  }
0x5b: {  	v58 =	vadd.s32 s21, v25;
	v32 =	vld [tilespmem:s22+$0xC10];
	_ =	sdelay $0x4  }
0x5c: {  	[tilespmem:v58+s12+$0x0] =	vst.idx.msk $0xffff, v32  }
0x5d: {  	v59 =	vadd.s32 s21, v26;
	v32 =	vld [tilespmem:s22+$0xC20];
	_ =	sdelay $0x4  }
0x5e: {  	[tilespmem:v59+s12+$0x0] =	vst.idx.msk $0xffff, v32  }
0x5f: {  	v60 =	vadd.s32 s21, v27;
	v32 =	vld [tilespmem:s22+$0xC30];
	_ =	sdelay $0x4  }
0x60: {  	[tilespmem:v60+s12+$0x0] =	vst.idx.msk $0xffff, v32  }
0x61: {  	v61 =	vadd.s32 s21, v28;
	v32 =	vld [tilespmem:s22+$0xC40];
	_ =	sdelay $0x4  }
0x62: {  	[tilespmem:v61+s12+$0x0] =	vst.idx.msk $0xffff, v32  }
0x63: {  	v62 =	vadd.s32 s21, v29;
	v32 =	vld [tilespmem:s22+$0xC50];
	_ =	sdelay $0x4  }
0x64: {  	[tilespmem:v62+s12+$0x0] =	vst.idx.msk $0xffff, v32  }
0x65: {  	v63 =	vadd.s32 s21, v30;
	v32 =	vld [tilespmem:s22+$0xC60];
	_ =	sdelay $0x4  }
0x66: {  	[tilespmem:v63+s12+$0x0] =	vst.idx.msk $0xffff, v32  }
0x67: {  	v33 =	vadd.s32 s21, v31;
	v32 =	vld [tilespmem:s22+$0xC70];
	_ =	sdelay $0x2  }
0x68: {  	s20 =	simm.s32 $0x200;
	s18 =	simm.s32 $0x1;
	s19 =	simm.s32 $0x80  }
0x69: {  	s23 =	sand.u32 $0x380, s19;
	s21 =	simm.s32 $0x2;
	s22 =	sand.u32 $0x3000, s20  }
.LBB2_4:
0x6a: {  	p1 =	sne.s32 s21, $0x1F;
	s22 =	sor.u32 s23, s22;
	[tilespmem:v33+s12+$0x0] =	vst.idx.msk $0xffff, v32  }
0x6b: {  	v33 =	vadd.s32 s18, v0;
	v32 =	vld [tilespmem:s22+$0x0];
	_ =	sdelay $0x4  }
0x6c: {  	[tilespmem:v33+s12+$0x0] =	vst.idx.msk $0xffff, v32  }
0x6d: {  	v33 =	vadd.s32 s18, v1;
	v32 =	vld [tilespmem:s22+$0x10];
	_ =	sdelay $0x4  }
0x6e: {  	[tilespmem:v33+s12+$0x0] =	vst.idx.msk $0xffff, v32  }
0x6f: {  	v33 =	vadd.s32 s18, v2;
	v32 =	vld [tilespmem:s22+$0x20];
	_ =	sdelay $0x4  }
0x70: {  	[tilespmem:v33+s12+$0x0] =	vst.idx.msk $0xffff, v32  }
0x71: {  	v33 =	vadd.s32 s18, v3;
	v32 =	vld [tilespmem:s22+$0x30];
	_ =	sdelay $0x4  }
0x72: {  	[tilespmem:v33+s12+$0x0] =	vst.idx.msk $0xffff, v32  }
0x73: {  	v33 =	vadd.s32 s18, v4;
	v32 =	vld [tilespmem:s22+$0x40];
	_ =	sdelay $0x4  }
0x74: {  	[tilespmem:v33+s12+$0x0] =	vst.idx.msk $0xffff, v32  }
0x75: {  	v33 =	vadd.s32 s18, v5;
	v32 =	vld [tilespmem:s22+$0x50];
	_ =	sdelay $0x4  }
0x76: {  	[tilespmem:v33+s12+$0x0] =	vst.idx.msk $0xffff, v32  }
0x77: {  	v33 =	vadd.s32 s18, v6;
	v32 =	vld [tilespmem:s22+$0x60];
	_ =	sdelay $0x4  }
0x78: {  	[tilespmem:v33+s12+$0x0] =	vst.idx.msk $0xffff, v32  }
0x79: {  	v33 =	vadd.s32 s18, v7;
	v32 =	vld [tilespmem:s22+$0x70];
	_ =	sdelay $0x4  }
0x7a: {  	[tilespmem:v33+s12+$0x0] =	vst.idx.msk $0xffff, v32  }
0x7b: {  	v33 =	vadd.s32 s18, v8;
	v32 =	vld [tilespmem:s22+$0x400];
	_ =	sdelay $0x4  }
0x7c: {  	[tilespmem:v33+s12+$0x0] =	vst.idx.msk $0xffff, v32  }
0x7d: {  	v33 =	vadd.s32 s18, v9;
	v32 =	vld [tilespmem:s22+$0x410];
	_ =	sdelay $0x4  }
0x7e: {  	[tilespmem:v33+s12+$0x0] =	vst.idx.msk $0xffff, v32  }
0x7f: {  	v33 =	vadd.s32 s18, v10;
	v32 =	vld [tilespmem:s22+$0x420];
	_ =	sdelay $0x4  }
0x80: {  	[tilespmem:v33+s12+$0x0] =	vst.idx.msk $0xffff, v32  }
0x81: {  	v33 =	vadd.s32 s18, v11;
	v32 =	vld [tilespmem:s22+$0x430];
	_ =	sdelay $0x4  }
0x82: {  	[tilespmem:v33+s12+$0x0] =	vst.idx.msk $0xffff, v32  }
0x83: {  	v33 =	vadd.s32 s18, v12;
	v32 =	vld [tilespmem:s22+$0x440];
	_ =	sdelay $0x4  }
0x84: {  	[tilespmem:v33+s12+$0x0] =	vst.idx.msk $0xffff, v32  }
0x85: {  	v33 =	vadd.s32 s18, v13;
	v32 =	vld [tilespmem:s22+$0x450];
	_ =	sdelay $0x4  }
0x86: {  	[tilespmem:v33+s12+$0x0] =	vst.idx.msk $0xffff, v32  }
0x87: {  	v33 =	vadd.s32 s18, v14;
	v32 =	vld [tilespmem:s22+$0x460];
	_ =	sdelay $0x4  }
0x88: {  	[tilespmem:v33+s12+$0x0] =	vst.idx.msk $0xffff, v32  }
0x89: {  	v33 =	vadd.s32 s18, v15;
	v32 =	vld [tilespmem:s22+$0x470];
	_ =	sdelay $0x4  }
0x8a: {  	[tilespmem:v33+s12+$0x0] =	vst.idx.msk $0xffff, v32  }
0x8b: {  	v33 =	vadd.s32 s18, v16;
	v32 =	vld [tilespmem:s22+$0x800];
	_ =	sdelay $0x4  }
0x8c: {  	[tilespmem:v33+s12+$0x0] =	vst.idx.msk $0xffff, v32  }
0x8d: {  	v33 =	vadd.s32 s18, v17;
	v32 =	vld [tilespmem:s22+$0x810];
	_ =	sdelay $0x4  }
0x8e: {  	[tilespmem:v33+s12+$0x0] =	vst.idx.msk $0xffff, v32  }
0x8f: {  	v33 =	vadd.s32 s18, v18;
	v32 =	vld [tilespmem:s22+$0x820];
	_ =	sdelay $0x4  }
0x90: {  	[tilespmem:v33+s12+$0x0] =	vst.idx.msk $0xffff, v32  }
0x91: {  	v33 =	vadd.s32 s18, v19;
	v32 =	vld [tilespmem:s22+$0x830];
	_ =	sdelay $0x4  }
0x92: {  	[tilespmem:v33+s12+$0x0] =	vst.idx.msk $0xffff, v32  }
0x93: {  	v33 =	vadd.s32 s18, v20;
	v32 =	vld [tilespmem:s22+$0x840];
	_ =	sdelay $0x4  }
0x94: {  	[tilespmem:v33+s12+$0x0] =	vst.idx.msk $0xffff, v32  }
0x95: {  	v33 =	vadd.s32 s18, v21;
	v32 =	vld [tilespmem:s22+$0x850];
	_ =	sdelay $0x4  }
0x96: {  	[tilespmem:v33+s12+$0x0] =	vst.idx.msk $0xffff, v32  }
0x97: {  	v33 =	vadd.s32 s18, v22;
	v32 =	vld [tilespmem:s22+$0x860];
	_ =	sdelay $0x4  }
0x98: {  	[tilespmem:v33+s12+$0x0] =	vst.idx.msk $0xffff, v32  }
0x99: {  	v33 =	vadd.s32 s18, v23;
	v32 =	vld [tilespmem:s22+$0x870];
	_ =	sdelay $0x4  }
0x9a: {  	[tilespmem:v33+s12+$0x0] =	vst.idx.msk $0xffff, v32  }
0x9b: {  	v33 =	vadd.s32 s18, v24;
	v32 =	vld [tilespmem:s22+$0xC00];
	_ =	sdelay $0x4  }
0x9c: {  	[tilespmem:v33+s12+$0x0] =	vst.idx.msk $0xffff, v32  }
0x9d: {  	v33 =	vadd.s32 s18, v25;
	v32 =	vld [tilespmem:s22+$0xC10];
	_ =	sdelay $0x4  }
0x9e: {  	[tilespmem:v33+s12+$0x0] =	vst.idx.msk $0xffff, v32  }
0x9f: {  	v33 =	vadd.s32 s18, v26;
	v32 =	vld [tilespmem:s22+$0xC20];
	_ =	sdelay $0x4  }
0xa0: {  	[tilespmem:v33+s12+$0x0] =	vst.idx.msk $0xffff, v32  }
0xa1: {  	v33 =	vadd.s32 s18, v27;
	v32 =	vld [tilespmem:s22+$0xC30];
	_ =	sdelay $0x4  }
0xa2: {  	[tilespmem:v33+s12+$0x0] =	vst.idx.msk $0xffff, v32  }
0xa3: {  	v33 =	vadd.s32 s18, v28;
	v32 =	vld [tilespmem:s22+$0xC40];
	_ =	sdelay $0x4  }
0xa4: {  	[tilespmem:v33+s12+$0x0] =	vst.idx.msk $0xffff, v32  }
0xa5: {  	v33 =	vadd.s32 s18, v29;
	v32 =	vld [tilespmem:s22+$0xC50];
	_ =	sdelay $0x4  }
0xa6: {  	[tilespmem:v33+s12+$0x0] =	vst.idx.msk $0xffff, v32  }
0xa7: {  	v33 =	vadd.s32 s18, v30;
	v32 =	vld [tilespmem:s22+$0xC60];
	_ =	sdelay $0x4  }
0xa8: {  	[tilespmem:v33+s12+$0x0] =	vst.idx.msk $0xffff, v32  }
.Ltmp5:
0xa9: {  	v33 =	vadd.s32 s18, v31;
	s18 =	smov.u32 s21;
	v32 =	vld [tilespmem:s22+$0xC70];
	(pc) =	sbr.rel @p1 .LBB2_4-.Ltmp5, $3  }
0xaa: {  	_ =	sdelay $0x1  }
0xab: {  	s19 =	sadd.s32 $0x80, s19;
	s20 =	sadd.s32 $0x200, s20  }
0xac: {  	s23 =	sand.u32 $0x380, s19;
	s21 =	sadd.s32 $0x1, s21;
	s22 =	sand.u32 $0x3000, s20  }
0xad: {  	_ =	sdelay $0x3  }
0xae: {  	s19 =	sor.u32 s23, s22;
	[tilespmem:v33+s12+$0x0] =	vst.idx.msk $0xffff, v32  }
0xaf: {  	v60 =	vadd.s32 s18, v0;
	v32 =	vld [tilespmem:s19+$0x0];
	_ =	sdelay $0x4  }
0xb0: {  	[tilespmem:v60+s12+$0x0] =	vst.idx.msk $0xffff, v32  }
0xb1: {  	v61 =	vadd.s32 s18, v1;
	v32 =	vld [tilespmem:s19+$0x10];
	_ =	sdelay $0x4  }
0xb2: {  	[tilespmem:v61+s12+$0x0] =	vst.idx.msk $0xffff, v32  }
0xb3: {  	v62 =	vadd.s32 s18, v2;
	v32 =	vld [tilespmem:s19+$0x20];
	_ =	sdelay $0x4  }
0xb4: {  	[tilespmem:v62+s12+$0x0] =	vst.idx.msk $0xffff, v32  }
0xb5: {  	v63 =	vadd.s32 s18, v3;
	v32 =	vld [tilespmem:s19+$0x30];
	_ =	sdelay $0x4  }
0xb6: {  	[tilespmem:v63+s12+$0x0] =	vst.idx.msk $0xffff, v32  }
0xb7: {  	v36 =	vadd.s32 s18, v4;
	v32 =	vld [tilespmem:s19+$0x40];
	_ =	sdelay $0x4  }
0xb8: {  	[tilespmem:v36+s12+$0x0] =	vst.idx.msk $0xffff, v32  }
0xb9: {  	v37 =	vadd.s32 s18, v5;
	v32 =	vld [tilespmem:s19+$0x50];
	_ =	sdelay $0x4  }
0xba: {  	[tilespmem:v37+s12+$0x0] =	vst.idx.msk $0xffff, v32  }
0xbb: {  	v38 =	vadd.s32 s18, v6;
	v32 =	vld [tilespmem:s19+$0x60];
	_ =	sdelay $0x4  }
0xbc: {  	[tilespmem:v38+s12+$0x0] =	vst.idx.msk $0xffff, v32  }
0xbd: {  	v39 =	vadd.s32 s18, v7;
	v32 =	vld [tilespmem:s19+$0x70];
	_ =	sdelay $0x4  }
0xbe: {  	[tilespmem:v39+s12+$0x0] =	vst.idx.msk $0xffff, v32  }
0xbf: {  	v40 =	vadd.s32 s18, v8;
	v32 =	vld [tilespmem:s19+$0x400];
	_ =	sdelay $0x4  }
0xc0: {  	[tilespmem:v40+s12+$0x0] =	vst.idx.msk $0xffff, v32  }
0xc1: {  	v41 =	vadd.s32 s18, v9;
	v32 =	vld [tilespmem:s19+$0x410];
	_ =	sdelay $0x4  }
0xc2: {  	[tilespmem:v41+s12+$0x0] =	vst.idx.msk $0xffff, v32  }
0xc3: {  	v42 =	vadd.s32 s18, v10;
	v32 =	vld [tilespmem:s19+$0x420];
	_ =	sdelay $0x4  }
0xc4: {  	[tilespmem:v42+s12+$0x0] =	vst.idx.msk $0xffff, v32  }
0xc5: {  	v43 =	vadd.s32 s18, v11;
	v32 =	vld [tilespmem:s19+$0x430];
	_ =	sdelay $0x4  }
0xc6: {  	[tilespmem:v43+s12+$0x0] =	vst.idx.msk $0xffff, v32  }
0xc7: {  	v44 =	vadd.s32 s18, v12;
	v32 =	vld [tilespmem:s19+$0x440];
	_ =	sdelay $0x4  }
0xc8: {  	[tilespmem:v44+s12+$0x0] =	vst.idx.msk $0xffff, v32  }
0xc9: {  	v45 =	vadd.s32 s18, v13;
	v32 =	vld [tilespmem:s19+$0x450];
	_ =	sdelay $0x4  }
0xca: {  	[tilespmem:v45+s12+$0x0] =	vst.idx.msk $0xffff, v32  }
0xcb: {  	v46 =	vadd.s32 s18, v14;
	v32 =	vld [tilespmem:s19+$0x460];
	_ =	sdelay $0x4  }
0xcc: {  	[tilespmem:v46+s12+$0x0] =	vst.idx.msk $0xffff, v32  }
0xcd: {  	v47 =	vadd.s32 s18, v15;
	v32 =	vld [tilespmem:s19+$0x470];
	_ =	sdelay $0x4  }
0xce: {  	[tilespmem:v47+s12+$0x0] =	vst.idx.msk $0xffff, v32  }
0xcf: {  	v48 =	vadd.s32 s18, v16;
	v32 =	vld [tilespmem:s19+$0x800];
	_ =	sdelay $0x4  }
0xd0: {  	[tilespmem:v48+s12+$0x0] =	vst.idx.msk $0xffff, v32  }
0xd1: {  	v49 =	vadd.s32 s18, v17;
	v32 =	vld [tilespmem:s19+$0x810];
	_ =	sdelay $0x4  }
0xd2: {  	[tilespmem:v49+s12+$0x0] =	vst.idx.msk $0xffff, v32  }
0xd3: {  	v50 =	vadd.s32 s18, v18;
	v32 =	vld [tilespmem:s19+$0x820];
	_ =	sdelay $0x4  }
0xd4: {  	[tilespmem:v50+s12+$0x0] =	vst.idx.msk $0xffff, v32  }
0xd5: {  	v51 =	vadd.s32 s18, v19;
	v32 =	vld [tilespmem:s19+$0x830];
	_ =	sdelay $0x4  }
0xd6: {  	[tilespmem:v51+s12+$0x0] =	vst.idx.msk $0xffff, v32  }
0xd7: {  	v52 =	vadd.s32 s18, v20;
	v32 =	vld [tilespmem:s19+$0x840];
	_ =	sdelay $0x4  }
0xd8: {  	[tilespmem:v52+s12+$0x0] =	vst.idx.msk $0xffff, v32  }
0xd9: {  	v53 =	vadd.s32 s18, v21;
	v32 =	vld [tilespmem:s19+$0x850];
	_ =	sdelay $0x4  }
0xda: {  	[tilespmem:v53+s12+$0x0] =	vst.idx.msk $0xffff, v32  }
0xdb: {  	v54 =	vadd.s32 s18, v22;
	v32 =	vld [tilespmem:s19+$0x860];
	_ =	sdelay $0x4  }
0xdc: {  	[tilespmem:v54+s12+$0x0] =	vst.idx.msk $0xffff, v32  }
0xdd: {  	v55 =	vadd.s32 s18, v23;
	v32 =	vld [tilespmem:s19+$0x870];
	_ =	sdelay $0x4  }
0xde: {  	[tilespmem:v55+s12+$0x0] =	vst.idx.msk $0xffff, v32  }
0xdf: {  	v56 =	vadd.s32 s18, v24;
	v32 =	vld [tilespmem:s19+$0xC00];
	_ =	sdelay $0x4  }
0xe0: {  	[tilespmem:v56+s12+$0x0] =	vst.idx.msk $0xffff, v32  }
0xe1: {  	v57 =	vadd.s32 s18, v25;
	v32 =	vld [tilespmem:s19+$0xC10];
	_ =	sdelay $0x4  }
0xe2: {  	[tilespmem:v57+s12+$0x0] =	vst.idx.msk $0xffff, v32  }
0xe3: {  	v58 =	vadd.s32 s18, v26;
	v32 =	vld [tilespmem:s19+$0xC20];
	_ =	sdelay $0x4  }
0xe4: {  	[tilespmem:v58+s12+$0x0] =	vst.idx.msk $0xffff, v32  }
0xe5: {  	v59 =	vadd.s32 s18, v27;
	v32 =	vld [tilespmem:s19+$0xC30];
	_ =	sdelay $0x4  }
0xe6: {  	[tilespmem:v59+s12+$0x0] =	vst.idx.msk $0xffff, v32  }
0xe7: {  	v60 =	vadd.s32 s18, v28;
	v32 =	vld [tilespmem:s19+$0xC40];
	_ =	sdelay $0x4  }
0xe8: {  	[tilespmem:v60+s12+$0x0] =	vst.idx.msk $0xffff, v32  }
0xe9: {  	v61 =	vadd.s32 s18, v29;
	v32 =	vld [tilespmem:s19+$0xC50];
	_ =	sdelay $0x4  }
0xea: {  	[tilespmem:v61+s12+$0x0] =	vst.idx.msk $0xffff, v32  }
0xeb: {  	v62 =	vadd.s32 s18, v30;
	v32 =	vld [tilespmem:s19+$0xC60];
	_ =	sdelay $0x4  }
0xec: {  	[tilespmem:v62+s12+$0x0] =	vst.idx.msk $0xffff, v32  }
0xed: {  	v63 =	vadd.s32 s18, v31;
	v32 =	vld [tilespmem:s19+$0xC70];
	_ =	sdelay $0x4  }
0xee: {  	s31 =	simm.s32 $0x0;
	[tilespmem:v63+s12+$0x0] =	vst.idx.msk $0xffff, v32  }
0xef: {  	v32 =	vld [tilespmem:s31+$0x4000];
	_ =	sdelay $0x3  }
0xf0: {  	s18 =	simm.s32 $0x8240  }
0xf1: {  	[tilespmem:s18+$0xFFFFFFC0] =	vst v32  }
0xf2: {  	v32 =	vld [tilespmem:s31+$0x4010];
	_ =	sdelay $0x4  }
0xf3: {  	[tilespmem:s18+$0xFFFFFFD0] =	vst v32  }
0xf4: {  	v32 =	vld [tilespmem:s31+$0x4021];
	_ =	sdelay $0x4  }
0xf5: {  	[tilespmem:s18+$0xFFFFFFE0] =	vst v32  }
0xf6: {  	v32 =	vld [tilespmem:s31+$0x4031];
	_ =	sdelay $0x4  }
0xf7: {  	[tilespmem:s18+$0xFFFFFFF0] =	vst v32  }
0xf8: {  	v32 =	vld [tilespmem:s31+$0x4042];
	_ =	sdelay $0x4  }
0xf9: {  	[tilespmem:s18+$0x0] =	vst v32  }
0xfa: {  	v32 =	vld [tilespmem:s31+$0x4052];
	_ =	sdelay $0x4  }
0xfb: {  	[tilespmem:s18+$0x10] =	vst v32  }
0xfc: {  	v32 =	vld [tilespmem:s31+$0x4063];
	_ =	sdelay $0x4  }
0xfd: {  	[tilespmem:s18+$0x20] =	vst v32  }
0xfe: {  	v32 =	vld [tilespmem:s31+$0x4073];
	_ =	sdelay $0x4  }
0xff: {  	s20 =	simm.s32 $0x420;
	s19 =	simm.s32 $0x84;
	[tilespmem:s18+$0x30] =	vst v32  }
.LBB2_6:
0x100: {  	p1 =	sne.s32 s20, $0x105F0;
	v32 =	vld [tilespmem:s19+$0x4000];
	_ =	sdelay $0x3  }
0x101: {  	s18 =	sadd.s32 $0x80, s18  }
0x102: {  	[tilespmem:s18+$0xFFFFFFC0] =	vst v32  }
0x103: {  	v32 =	vld [tilespmem:s19+$0x4010];
	_ =	sdelay $0x4  }
0x104: {  	[tilespmem:s18+$0xFFFFFFD0] =	vst v32  }
0x105: {  	v32 =	vld [tilespmem:s19+$0x4021];
	_ =	sdelay $0x4  }
0x106: {  	[tilespmem:s18+$0xFFFFFFE0] =	vst v32  }
0x107: {  	v32 =	vld [tilespmem:s19+$0x4031];
	_ =	sdelay $0x4  }
0x108: {  	[tilespmem:s18+$0xFFFFFFF0] =	vst v32  }
0x109: {  	v32 =	vld [tilespmem:s19+$0x4042];
	_ =	sdelay $0x4  }
0x10a: {  	[tilespmem:s18+$0x0] =	vst v32  }
0x10b: {  	v32 =	vld [tilespmem:s19+$0x4052];
	_ =	sdelay $0x4  }
0x10c: {  	[tilespmem:s18+$0x10] =	vst v32  }
0x10d: {  	v32 =	vld [tilespmem:s19+$0x4063];
	_ =	sdelay $0x4  }
0x10e: {  	[tilespmem:s18+$0x20] =	vst v32  }
0x10f: {  	v32 =	vld [tilespmem:s19+$0x4073]  }
.Ltmp6:
0x110: {  	(pc) =	sbr.rel @p1 .LBB2_6-.Ltmp6, $2  }
0x111: {  	_ =	sdelay $0x2  }
0x112: {  	s19 =	sshra.s32 s20, $0x2;
	s20 =	sadd.s32 $0x210, s20;
	[tilespmem:s18+$0x30] =	vst v32  }
0x113: {  	v32 =	vld [tilespmem:s19+$0x4000];
	_ =	sdelay $0x3  }
0x114: {  	s18 =	sadd.s32 $0x80, s18  }
0x115: {  	[tilespmem:s18+$0xFFFFFFC0] =	vst v32  }
0x116: {  	v32 =	vld [tilespmem:s19+$0x4010];
	_ =	sdelay $0x4  }
0x117: {  	[tilespmem:s18+$0xFFFFFFD0] =	vst v32  }
0x118: {  	v32 =	vld [tilespmem:s19+$0x4021];
	_ =	sdelay $0x4  }
0x119: {  	[tilespmem:s18+$0xFFFFFFE0] =	vst v32  }
0x11a: {  	v32 =	vld [tilespmem:s19+$0x4031];
	_ =	sdelay $0x4  }
0x11b: {  	[tilespmem:s18+$0xFFFFFFF0] =	vst v32  }
0x11c: {  	v32 =	vld [tilespmem:s19+$0x4042];
	_ =	sdelay $0x4  }
0x11d: {  	[tilespmem:s18+$0x0] =	vst v32  }
0x11e: {  	v32 =	vld [tilespmem:s19+$0x4052];
	_ =	sdelay $0x4  }
0x11f: {  	[tilespmem:s18+$0x10] =	vst v32  }
0x120: {  	v32 =	vld [tilespmem:s19+$0x4063];
	_ =	sdelay $0x4  }
0x121: {  	[tilespmem:s18+$0x20] =	vst v32  }
0x122: {  	v32 =	vld [tilespmem:s19+$0x4073];
	_ =	sdelay $0x3  }
0x123: {  	s17 =	sshll.u32 s17, $0xB  }
.Ltmp7:
0x124: {  	s17 =	sadd.s32 s5, s17;
	[tilespmem:s18+$0x30] =	vst v32;
	(pc) =	sbr.rel .LBB2_8-.Ltmp7, $4  }
0x125: {  	[hbm4b:s17+s3] =	stream.linear.scatter [tilespmem:s13], [sflag:$0x1], $0x4000, $0x38;
	[tilespmem:$0xC200] =	vst v63  }
0x126: {  	_ =	swait.ge [sflag:s14], $0x4000  }
0x127: {  	[sflag:s14] =	ssyncset.done $0x0  }
0x128: {  	[sflag:s14] =	ssyncadd.s32 $0xFFFFC000  }
.LBB2_10:
0x129: {  	_ =	sfence.sel $0x180000  }
0x12a: {  	[bflag:$0x0] =	sbarrier.arrive $0xFFFF  }
0x12b: {  	p0 =	sne.s32 s4, $0x0;
	_ =	strace $0x90000047  }
0x12c: {  	s0 =	sadd.s32 @!p0 $0x100000, s2;
	[bflag:$0x2] =	sbarrier.arrive $0xFFFF  }
0x12d: {  	[sflag:s0] =	ssyncadd.tile.s32 @!p0 $0x1;
	_ =	shalt  }
.Lfunc_end2:
_tile_overlayer_lowered:
.L_overlay_start_2:
0x12e: {  	(tag) =	ssettag $0x2  }
0x12f: {  	s0 =	rddreg [dreg:$0x0];
	s2 =	stileid.u32  }
0x130: {  	s1 =	rddreg [dreg:$0x1];
	p0 =	sne.s32 s2, $0x0  }
0x131: {  	s3 =	rddreg [dreg:$0x2];
	[bflag:$0x3] =	sbarrier.arrive $0xFFFF;
	s2 =	simm.s32 @!p0 $0x1C01  }
0x132: {  	[timem:s3], [sflag:s2] =	dma.local @!p0 [hbm:s0], s1  }
0x133: {  	s0 =	simm.s32 @!p0 $0x1  }
0x134: {  	_ =	swait.ge @!p0 [sflag:s0], s1  }
0x135: {  	s1 =	ssub.s32 @!p0 $0x0, s1;
	[sflag:s0] =	ssyncset.done @!p0 $0x0  }
0x136: {  	[sflag:s0] =	ssyncadd.s32 @!p0 s1  }
0x137: {  	[bflag:$0x3] =	sbarrier.arrive $0xFFFF  }
0x138: {  	_ =	shalt  }

// kernel: _run.7.cloned.1.call-start
scs
__scs_entry_jumppad:
0x0: {  	(pc) =	sbr.rel $0x88, $3  }
0x1: {  	(tag) =	ssettag $0x0;
	lr =	simm.s32 $0x1  }
0x2: {  	[smem:$0x3F9A] =	sst lr;
	_ =	strace $0xD0000000  }
0x3: {  	_ = 	snop  }
0x4: {  	_ = 	snop  }
0x5: {  	_ = 	snop  }
0x6: {  	_ = 	snop  }
0x7: {  	_ = 	snop  }
__scs_overlays_trampoline_lowered:
0x8: {  	[smem:$0x3FA9] =	sst s0  }
0x9: {  	[smem:$0x3FAA] =	sst s1  }
0xa: {  	[smem:$0x3FAB] =	sst s2  }
0xb: {  	[smem:$0x3FAC] =	sst s3  }
0xc: {  	[smem:$0x3FAD] =	sst s4  }
0xd: {  	[smem:$0x3FAE] =	sst s5  }
0xe: {  	[smem:$0x3FAF] =	sst s6  }
0xf: {  	[smem:$0x3FB0] =	sst s7  }
0x10: {  	[smem:$0x3FB1] =	sst s8  }
0x11: {  	[smem:$0x3FB2] =	sst s9;
	s0 =	simm.s32 @!p0 $0x0  }
0x12: {  	s1 =	sld [smem:$0x3F98];
	s0 =	simm.s32 @p0 $0x1  }
0x13: {  	[smem:$0x3FB3] =	sst s0;
	s0 =	simm.s32 @!p1 $0x0  }
0x14: {  	s2 =	sld [smem:$0x3F97];
	s0 =	simm.s32 @p1 $0x1  }
0x15: {  	[smem:$0x3FB4] =	sst s0;
	s0 =	simm.s32 @!p2 $0x0  }
0x16: {  	s3 =	sld [smem:$0x3FDB];
	s0 =	simm.s32 @p2 $0x1  }
0x17: {  	s4 =	simm.s32 $0x1BF5;
	[smem:$0x3FB6] =	sst s0  }
0x18: {  	s0 =	sld [smem:$0x3F99];
	_ =	swait.ge [sflag:s4], $0x0  }
0x19: {  	s7 =	sld [smem:$0x3F9A]  }
0x1a: {  	s8 =	sadd.s32 $0xFFFFE003, lr  }
0x1b: {  	s9 =	sadd.s32 $0xFFFFFEF7, lr;
	s5 =	simm.s32 $0xFFFFFFFF;
	p2 =	slt.u32 s8, $0xFFFFF086  }
0x1c: {  	p1 =	slt.u32 s9, $0xF7A;
	s5 =	simm.s32 @!p2 $0x0  }
0x1d: {  	s5 =	simm.s32 @p1 $0x1;
	p0 =	seq.s32 s7, s2  }
0x1e: {  	s7 =	smul.u32 @!p0 $0xF7A, s2;
	p2 =	seq.s32 @!p0 s5, $0x0  }
0x1f: {  	s9 =	smul.u32 $0xF7A, s1;
	s8 =	simm.s32 @!p0 $0x1BF5;
	p2 =	por !p2, p0  }
0x20: {  	[sflag:s8] =	ssyncset.s32 @!p0 $0xFFFFF086;
	s6 =	sadd.s32 @!p0 s3, s7;
	s7 =	simm.s32 @!p0 $0x108  }
0x21: {  	s3 =	sadd.s32 s3, s9;
	s6 =	sadd.s32 @!p0 $0x88, s6;
	s7 =	simm.s32 @p2 $0x1082  }
0x22: {  	[simem:s7], [sflag:s8] =	dma.local @!p0 [hbm:s6], $0xF7A  }
0x23: {  	s9 =	sor.u32 $0xD0000000, s2;
	s6 =	simm.s32 $0x108;
	_ =	swait.ge @!p0 [sflag:s8], $0x0  }
0x24: {  	s3 =	sadd.s32 $0x88, s3;
	s6 =	simm.s32 @!p1 $0x1082;
	[sflag:s4] =	ssyncset.s32 $0xFFFFF086  }
0x25: {  	[simem:s6], [sflag:s4] =	dma.local [hbm:s3], $0xF7A  }
0x26: {  	[smem:$0x3F9A] =	sst s1;
	(tag) =	ssettag s2;
	_ =	strace s9  }
0x27: {  	s1 =	sld [smem:$0x3FAA]  }
0x28: {  	s2 =	sld [smem:$0x3FAB]  }
0x29: {  	s4 =	sld [smem:$0x3FAD]  }
0x2a: {  	p0 =	seq.s32 s5, $0x0;
	s5 =	sld [smem:$0x3FAE]  }
0x2b: {  	s6 =	sld [smem:$0x3FAF]  }
0x2c: {  	s7 =	sld [smem:$0x3FB0]  }
0x2d: {  	s3 =	simm.s32 $0x108;
	s8 =	sld [smem:$0x3FB1]  }
0x2e: {  	s3 =	simm.s32 @!p0 $0x1082;
	s9 =	sld [smem:$0x3FB2]  }
0x2f: {  	lr =	sadd.s32 s0, s3;
	s0 =	sld [smem:$0x3FA9]  }
0x30: {  	s3 =	sld [smem:$0x3FAC]  }
0x31: {  	[smem:$0x3FB5] =	sst s10  }
0x32: {  	s10 =	sld [smem:$0x3FB3];
	_ =	sdelay $0x3  }
0x33: {  	p0 =	seq.s32 s10, $0x1;
	s10 =	sld [smem:$0x3FB5];
	_ =	sdelay $0x3  }
0x34: {  	[smem:$0x3FB5] =	sst s10  }
0x35: {  	s10 =	sld [smem:$0x3FB4];
	_ =	sdelay $0x3  }
0x36: {  	p1 =	seq.s32 s10, $0x1;
	s10 =	sld [smem:$0x3FB5];
	_ =	sdelay $0x3  }
0x37: {  	[smem:$0x3FB5] =	sst s10  }
0x38: {  	s10 =	sld [smem:$0x3FB6]  }
0x39: {  	_ = 	snop;
	(pc) =	sbr.ind lr, $3  }
0x3a: {  	_ = 	snop  }
0x3b: {  	_ = 	snop  }
0x3c: {  	p2 =	seq.s32 s10, $0x1;
	s10 =	sld [smem:$0x3FB5]  }
0x3d: {  	_ =	shalt  }
0x3e: {  	_ =	shalt  }
0x3f: {  	_ =	shalt  }
0x40: {  	_ =	shalt  }
0x41: {  	_ =	shalt  }
0x42: {  	_ =	shalt  }
0x43: {  	_ =	shalt  }
0x44: {  	_ =	shalt  }
0x45: {  	_ =	shalt  }
0x46: {  	_ =	shalt  }
0x47: {  	_ =	shalt  }
0x48: {  	_ =	shalt  }
0x49: {  	_ =	shalt  }
0x4a: {  	_ =	shalt  }
0x4b: {  	_ =	shalt  }
0x4c: {  	_ =	shalt  }
0x4d: {  	_ =	shalt  }
0x4e: {  	_ =	shalt  }
0x4f: {  	_ =	shalt  }
0x50: {  	_ =	shalt  }
0x51: {  	_ =	shalt  }
0x52: {  	_ =	shalt  }
0x53: {  	_ =	shalt  }
0x54: {  	_ =	shalt  }
0x55: {  	_ =	shalt  }
0x56: {  	_ =	shalt  }
0x57: {  	_ =	shalt  }
0x58: {  	_ =	shalt  }
0x59: {  	_ =	shalt  }
0x5a: {  	_ =	shalt  }
0x5b: {  	_ =	shalt  }
0x5c: {  	_ =	shalt  }
0x5d: {  	_ =	shalt  }
0x5e: {  	_ =	shalt  }
0x5f: {  	_ =	shalt  }
0x60: {  	_ =	shalt  }
0x61: {  	_ =	shalt  }
0x62: {  	_ =	shalt  }
0x63: {  	_ =	shalt  }
0x64: {  	_ =	shalt  }
0x65: {  	_ =	shalt  }
0x66: {  	_ =	shalt  }
0x67: {  	_ =	shalt  }
0x68: {  	_ =	shalt  }
0x69: {  	_ =	shalt  }
0x6a: {  	_ =	shalt  }
0x6b: {  	_ =	shalt  }
0x6c: {  	_ =	shalt  }
0x6d: {  	_ =	shalt  }
0x6e: {  	_ =	shalt  }
0x6f: {  	_ =	shalt  }
0x70: {  	_ =	shalt  }
0x71: {  	_ =	shalt  }
0x72: {  	_ =	shalt  }
0x73: {  	_ =	shalt  }
0x74: {  	_ =	shalt  }
0x75: {  	_ =	shalt  }
0x76: {  	_ =	shalt  }
0x77: {  	_ =	shalt  }
0x78: {  	_ =	shalt  }
0x79: {  	_ =	shalt  }
0x7a: {  	_ =	shalt  }
0x7b: {  	_ =	shalt  }
0x7c: {  	_ =	shalt  }
0x7d: {  	_ =	shalt  }
0x7e: {  	_ =	shalt  }
0x7f: {  	_ =	shalt  }
0x80: {  	_ =	shalt  }
0x81: {  	_ =	shalt  }
0x82: {  	_ =	shalt  }
0x83: {  	_ =	shalt  }
0x84: {  	_ =	shalt  }
0x85: {  	_ =	shalt  }
0x86: {  	_ =	shalt  }
0x87: {  	_ =	shalt  }
.Lfunc_end0:
.L_simem_size_0:
called_computation.1_lowered:
.L_overlay_start_0:
0x88: {  	s2 =	sld [smem:$0x3FD9]  }
0x89: {  	s3 =	sld [smem:$0x3FFE];
	_ =	sdelay $0x1  }
0x8a: {  	s1 =	srdreg.scid  }
0x8b: {  	s0 =	sand.u32 $0x1, s1  }
0x8c: {  	s17 =	sshll.u32 s0, $0xA;
	s2 =	sadd.s32 s3, s2  }
0x8d: {  	s2 =	sadd.s32 s2, s17  }
0x8e: {  	[smem:$0x3FC1] =	sst s2  }
0x8f: {  	_ = 	snop  }
0x90: {  	s2 =	sld [smem:$0x3FC9]  }
0x91: {  	s18 =	sld [smem:$0x3FC8]  }
0x92: {  	s4 =	sld [smem:$0x3FC7]  }
0x93: {  	s5 =	sld [smem:$0x3FC6];
	(tm) =	ssettm $0x1  }
0x94: {  	s6 =	sld [smem:$0x3FFB];
	_ =	sdelay $0x3  }
0x95: {  	_ =	strace s6  }
0x96: {  	s6 =	sld [smem:$0x3FFC];
	_ =	sdelay $0x3  }
0x97: {  	_ =	strace s6  }
0x98: {  	s6 =	sld [smem:$0x3FFD];
	_ =	sdelay $0x3  }
0x99: {  	_ =	strace s6  }
0x9a: {  	_ =	strace $0x8FFFFFFF  }
0x9b: {  	s19 =	sld [smem:$0x3FDB];
	_ =	sdelay $0x1  }
0x9c: {  	s7 =	simm.s32 $_scs_section_size  }
0x9d: {  	s8 =	simm.s32 $_size__tile_overlayer_lowered;
	s9 =	simm.s32 $_tile_overlayer_lowered  }
0x9e: {  	s22 =	simm.s32 $0x1BFF;
	s21 =	sshll.u32 s9, $0x1;
	s6 =	sadd.s32 s7, s19  }
0x9f: {  	s10 =	simm.s32 $0x0;
	s20 =	sshll.u32 s8, $0x1;
	s8 =	sadd.s32 s21, s6  }
0xa0: {  	[timem:s10], [sflag:s22] =	dma.local [hbm:s8], s20  }
0xa1: {  	_ =	swait.ge [sflag:s22], s20  }
0xa2: {  	s7 =	ssub.s32 $0x0, s20;
	[sflag:s22] =	ssyncset.done $0x0  }
0xa3: {  	[sflag:s22] =	ssyncadd.s32 s7;
	_ =	sdelay $0x1  }
0xa4: {  	s23 =	simm.s32 $0x1B8B  }
0xa5: {  	_ =	swait.ge [sflag:s23], $0x1  }
0xa6: {  	[sflag:s23] =	ssyncset.done $0x0  }
0xa7: {  	s25 =	simm.s32 $0x1B8E;
	s24 =	sld [smem:$0x3FFE];
	[sflag:s23] =	ssyncadd.s32 $0xFFFFFFFF  }
0xa8: {  	s26 =	simm.s32 $execute0_lowered;
	[smem:$0x3FD2] =	sst s25  }
0xa9: {  	s8 =	sshll.u32 s26, $0x1;
	_ =	strace $0x80000049;
	[dreg:$0x1] =	wrdreg $0xFFFFFFFF  }
0xaa: {  	s28 =	simm.s32 $_size_execute0_lowered;
	s6 =	sadd.s32 s6, s8;
	[dreg:$0x0] =	wrdreg $0x0  }
0xab: {  	s8 =	sshll.u32 s28, $0x1;
	[dreg:$0x2] =	wrdreg s6  }
0xac: {  	[dreg:$0x3] =	wrdreg s8  }
0xad: {  	[dreg:$0x4] =	wrdreg $0xC0  }
0xae: {  	_ =	task [dreg:s10], $0x5FFFF  }
0xaf: {  	[dreg:$0x1] =	wrdreg $0xFFFFFFFF  }
0xb0: {  	[dreg:$0x0] =	wrdreg $0x60  }
0xb1: {  	[dreg:$0x2] =	wrdreg s2  }
0xb2: {  	[dreg:$0x3] =	wrdreg s18  }
0xb3: {  	[dreg:$0x4] =	wrdreg s4  }
0xb4: {  	[dreg:$0x5] =	wrdreg s5  }
0xb5: {  	[dreg:$0x6] =	wrdreg s24  }
0xb6: {  	[dreg:$0x7] =	wrdreg $0x9  }
0xb7: {  	_ =	task.clear_ibuf [dreg:s10], $0x8FFFF;
	_ =	strace $0x90000049  }
0xb8: {  	s29 =	simm.s32 $0x9;
	_ =	strace $0x8000004B  }
0xb9: {  	_ =	swait.ge [sflag:s29], $0x1  }
0xba: {  	[sflag:s29] =	ssyncadd.s32 $0xFFFFFFFF  }
0xbb: {  	_ =	strace $0x9000004B  }
0xbc: {  	_ =	sfence  }
0xbd: {  	s30 =	sld [smem:$0x0];
	_ =	sdelay $0x2  }
0xbe: {  	s31 =	sshll.u32 s1, $0xD;
	s1 =	sshrl.u32 s1, $0x2  }
0xbf: {  	s3 =	sand.u32 $0x4000, s31;
	s1 =	sadd.s32 s1, s30  }
0xc0: {  	s0 =	sor.u32 s3, s0;
	s1 =	sshll.u32 s1, $0x11  }
0xc1: {  	s0 =	sor.u32 s1, s0  }
0xc2: {  	s0 =	sadd.s32 $0x8F2B, s0  }
0xc3: {  	[sflag:s0] =	ssyncadd.remote.s32 $0x1  }
0xc4: {  	_ =	sfence.sel $0xFFFF  }
0xc5: {  	[dreg:$0x0] =	wrdreg $0xFFFFFFFF;
	(pc) =	sbr.abs _section_cstart, $3  }
0xc6: {  	[dreg:$0x1] =	wrdreg $0xFFFFFFFF  }
0xc7: {  	_ =	task.clear_ibuf [dreg:s10], $0x2FFFF;
	_ =	strace $0x9FFFFFFF  }
0xc8: {  	(tm) =	ssettm $0x7FFFFFFF  }
0xc9: {  	_ =	shalt  }
tec
execute0_lowered:
.L_overlay_start_1:
0x0: {  	(tag) =	ssettag $0x1  }
0x1: {  	s1 =	rddreg [dreg:$0x0]  }
0x2: {  	s2 =	rddreg [dreg:$0x1]  }
0x3: {  	s3 =	rddreg [dreg:$0x2]  }
0x4: {  	s4 =	rddreg [dreg:$0x3]  }
0x5: {  	s0 =	rddreg [dreg:$0x4];
	s12 =	simm.s32 $0x0  }
0x6: {  	s5 =	srdreg.scid;
	s6 =	stileid.u32;
	s17 =	simm.s32 $0x400  }
0x7: {  	s18 =	simm.s32 $0x3;
	s19 =	simm.s32 $0xD300;
	s20 =	simm.s32 $0xD320  }
0x8: {  	s21 =	simm.s32 $0xD340;
	s28 =	simm.s32 $0xD350;
	s29 =	simm.s32 $0x1  }
0x9: {  	s30 =	simm.s32 $0x2;
	[smem:$0x7FF] =	sst s12;
	s7 =	sadd.s32 $0x800, s0  }
0xa: {  	s5 =	sand.u32 $0x1, s5;
	s6 =	sshll.u32 s6, $0x1;
	s8 =	sadd.s32 $0x1313600, s0  }
0xb: {  	_ =	strace $0x8000004A;
	s6 =	sor.u32 s5, s6;
	s5 =	ssub.s32 $0x2, s5  }
0xc: {  	s10 =	sshll.u32 s6, $0x6;
	s9 =	sshrl.u32 s5, $0x1;
	s11 =	smul.u32 $0xE00, s6  }
0xd: {  	s0 =	sadd.s32 s10, s0;
	s5 =	ssub.s32 s5, s9;
	s23 =	sadd.s32 s1, s10  }
0xe: {  	s9 =	sshll.u32 s6, $0x9;
	s24 =	sadd.s32 s3, s10;
	[dreg:$0x7] =	wrdreg s23  }
0xf: {  	s25 =	sadd.s32 s4, s10;
	s6 =	simm.s32 $0x68C0;
	[dreg:$0x8] =	wrdreg s24  }
0x10: {  	s22 =	sadd.s32 s2, s11;
	[dreg:$0x9] =	wrdreg s25;
	s26 =	sadd.s32 $0x3D1200, s0  }
0x11: {  	s0 =	sadd.s32 $0x3D1A00, s0;
	s31 =	smax.u32 s5, $0x1;
	[dreg:$0x6] =	wrdreg s22  }
0x12: {  	s23 =	simm.s32 $0x780;
	s24 =	simm.s32 $0xD310;
	[dreg:$0xa] =	wrdreg s26  }
0x13: {  	s25 =	simm.s32 $0xD330;
	s5 =	simm.s32 $0x0;
	[dreg:$0xb] =	wrdreg s0  }
0x14: {  	v0 =	vlaneseq.u32;
	[dreg:$0xc] =	wrdreg s31;
	s22 =	simm.s32 $0x10;
	s26 =	simm.s32 $0x32  }
.LBB2_1:
0x15: {  	[dreg:$0xd] =	wrdreg s5  }
0x16: {  	s0 =	rddreg [dreg:$0x6]  }
0x17: {  	[tilespmem:s17], [sflag:$0x3] =	stream.linear.gather [hbm4b:s0+s12], $0x380, $0x38;
	[tilespmem:$0xDF60] =	vst v63  }
0x18: {  	_ =	swait.ge [sflag:s18], $0x380  }
0x19: {  	[sflag:s18] =	ssyncset.done $0x0  }
0x1a: {  	s11 =	rddreg [dreg:$0x7];
	[sflag:s18] =	ssyncadd.s32 $0xFFFFFC80  }
0x1b: {  	[tilespmem:s19], [sflag:$0x3] =	stream.linear.gather [hbm4b:s11+s12], $0x10, $0x38;
	[tilespmem:$0xDF60] =	vst v63  }
0x1c: {  	_ =	swait.ge [sflag:s18], $0x10  }
0x1d: {  	[sflag:s18] =	ssyncset.done $0x0  }
0x1e: {  	s13 =	rddreg [dreg:$0x8];
	[sflag:s18] =	ssyncadd.s32 $0xFFFFFFF0  }
0x1f: {  	[tilespmem:s20], [sflag:$0x3] =	stream.linear.gather [hbm4b:s13+s12], $0x10, $0x38;
	[tilespmem:$0xDF60] =	vst v63  }
0x20: {  	_ =	swait.ge [sflag:s18], $0x10  }
0x21: {  	[sflag:s18] =	ssyncset.done $0x0  }
0x22: {  	s14 =	rddreg [dreg:$0x9];
	[sflag:s18] =	ssyncadd.s32 $0xFFFFFFF0  }
0x23: {  	[tilespmem:s21], [sflag:$0x3] =	stream.linear.gather [hbm4b:s14+s12], $0x10, $0x38;
	[tilespmem:$0xDF60] =	vst v63  }
0x24: {  	_ =	swait.ge [sflag:s18], $0x10  }
0x25: {  	[sflag:s18] =	ssyncset.done $0x0  }
0x26: {  	s15 =	simm.s32 $0xD360;
	[sflag:s18] =	ssyncadd.s32 $0xFFFFFFF0  }
0x27: {  	[tilespmem:s15], [sflag:$0x1] =	stream.indirect.gather [hbm4b:s7+s22], $0x20, s19, s22, $0xb8;
	[tilespmem:$0xDF60] =	vst v63  }
0x28: {  	s16 =	simm.s32 $0xD760  }
0x29: {  	[tilespmem:s16], [sflag:$0x1] =	stream.indirect.gather [hbm4b:s8+s22], $0x20, s20, s22, $0xb8;
	[tilespmem:$0xDF60] =	vst v63  }
0x2a: {  	s5 =	simm.s32 $0xDB60  }
0x2b: {  	[tilespmem:s5], [sflag:$0x1] =	stream.indirect.gather [hbm4b:s8+s22], $0x20, s21, s22, $0xb8;
	[tilespmem:$0xDF60] =	vst v63  }
0x2c: {  	s10 =	simm.s32 $0xB00  }
0x2d: {  	[tilespmem:s10], [sflag:$0x1] =	stream.indirect.gather [hbm4b:s8+s26], $0x20, s17, s26, $0xb8;
	[tilespmem:$0xDF60] =	vst v63  }
0x2e: {  	s11 =	simm.s32 $0x438;
	s12 =	simm.s32 $0x1140  }
0x2f: {  	[tilespmem:s12], [sflag:$0x1] =	stream.indirect.gather [hbm4b:s8+s26], $0x20, s11, s26, $0xb8;
	[tilespmem:$0xDF60] =	vst v63  }
0x30: {  	s13 =	simm.s32 $0x470;
	s14 =	simm.s32 $0x1780  }
0x31: {  	[tilespmem:s14], [sflag:$0x1] =	stream.indirect.gather [hbm4b:s8+s26], $0x20, s13, s26, $0xb8;
	[tilespmem:$0xDF60] =	vst v63  }
0x32: {  	s15 =	simm.s32 $0x4A8;
	s16 =	simm.s32 $0x1DC0  }
0x33: {  	[tilespmem:s16], [sflag:$0x1] =	stream.indirect.gather [hbm4b:s8+s26], $0x20, s15, s26, $0xb8;
	[tilespmem:$0xDF60] =	vst v63  }
0x34: {  	s5 =	simm.s32 $0x4E0;
	s10 =	simm.s32 $0x2400  }
0x35: {  	[tilespmem:s10], [sflag:$0x1] =	stream.indirect.gather [hbm4b:s8+s26], $0x20, s5, s26, $0xb8;
	[tilespmem:$0xDF60] =	vst v63  }
0x36: {  	s11 =	simm.s32 $0x518;
	s12 =	simm.s32 $0x2A40  }
0x37: {  	[tilespmem:s12], [sflag:$0x1] =	stream.indirect.gather [hbm4b:s8+s26], $0x20, s11, s26, $0xb8;
	[tilespmem:$0xDF60] =	vst v63  }
0x38: {  	s13 =	simm.s32 $0x550;
	s14 =	simm.s32 $0x3080  }
0x39: {  	[tilespmem:s14], [sflag:$0x1] =	stream.indirect.gather [hbm4b:s8+s26], $0x20, s13, s26, $0xb8;
	[tilespmem:$0xDF60] =	vst v63  }
0x3a: {  	s15 =	simm.s32 $0x588;
	s16 =	simm.s32 $0x36C0  }
0x3b: {  	[tilespmem:s16], [sflag:$0x1] =	stream.indirect.gather [hbm4b:s8+s26], $0x20, s15, s26, $0xb8;
	[tilespmem:$0xDF60] =	vst v63  }
0x3c: {  	s5 =	simm.s32 $0x5C0;
	s10 =	simm.s32 $0x3D00  }
0x3d: {  	[tilespmem:s10], [sflag:$0x1] =	stream.indirect.gather [hbm4b:s8+s26], $0x20, s5, s26, $0xb8;
	[tilespmem:$0xDF60] =	vst v63  }
0x3e: {  	s11 =	simm.s32 $0x5F8;
	s12 =	simm.s32 $0x4340  }
0x3f: {  	[tilespmem:s12], [sflag:$0x1] =	stream.indirect.gather [hbm4b:s8+s26], $0x20, s11, s26, $0xb8;
	[tilespmem:$0xDF60] =	vst v63  }
0x40: {  	s13 =	simm.s32 $0x630;
	s14 =	simm.s32 $0x4980  }
0x41: {  	[tilespmem:s14], [sflag:$0x1] =	stream.indirect.gather [hbm4b:s8+s26], $0x20, s13, s26, $0xb8;
	[tilespmem:$0xDF60] =	vst v63  }
0x42: {  	s15 =	simm.s32 $0x668;
	s16 =	simm.s32 $0x4FC0  }
0x43: {  	[tilespmem:s16], [sflag:$0x1] =	stream.indirect.gather [hbm4b:s8+s26], $0x20, s15, s26, $0xb8;
	[tilespmem:$0xDF60] =	vst v63  }
0x44: {  	s10 =	simm.s32 $0x6A0;
	s11 =	simm.s32 $0x5600  }
0x45: {  	[tilespmem:s11], [sflag:$0x1] =	stream.indirect.gather [hbm4b:s8+s26], $0x20, s10, s26, $0xb8;
	[tilespmem:$0xDF60] =	vst v63  }
0x46: {  	s12 =	simm.s32 $0x6D8;
	s13 =	simm.s32 $0x5C40  }
0x47: {  	[tilespmem:s13], [sflag:$0x1] =	stream.indirect.gather [hbm4b:s8+s26], $0x20, s12, s26, $0xb8;
	[tilespmem:$0xDF60] =	vst v63  }
0x48: {  	s14 =	simm.s32 $0x710;
	s15 =	simm.s32 $0x6280  }
0x49: {  	[tilespmem:s15], [sflag:$0x1] =	stream.indirect.gather [hbm4b:s8+s26], $0x20, s14, s26, $0xb8;
	[tilespmem:$0xDF60] =	vst v63  }
0x4a: {  	s31 =	simm.s32 $0x0;
	s16 =	simm.s32 $0x748  }
0x4b: {  	[tilespmem:s6], [sflag:$0x1] =	stream.indirect.gather [hbm4b:s8+s26], $0x20, s16, s26, $0xb8;
	[tilespmem:$0xDF60] =	vst v63  }
.LBB2_2:
0x4c: {  	s5 =	sshll.u32 s31, $0x5  }
0x4d: {  	s0 =	sor.u32 $0x10, s5  }
0x4e: {  	s11 =	sor.u32 s9, s0  }
0x4f: {  	s10 =	smul.u32 $0x7, s11;
	_ =	sdelay $0x1  }
0x50: {  	s12 =	sadd.s32 s2, s10;
	s10 =	simm.s32 $0x0  }
0x51: {  	[tilespmem:s23], [sflag:$0x3] =	stream.linear.gather [hbm4b:s12+s10], $0x380, $0x38;
	[tilespmem:$0xDF60] =	vst v63  }
0x52: {  	_ =	swait.ge [sflag:s18], $0x380  }
0x53: {  	s11 =	sshrl.u32 s11, $0x3;
	[sflag:s18] =	ssyncset.done $0x0  }
0x54: {  	s14 =	sadd.s32 s1, s11;
	[sflag:s18] =	ssyncadd.s32 $0xFFFFFC80  }
0x55: {  	[tilespmem:s24], [sflag:$0x3] =	stream.linear.gather [hbm4b:s14+s10], $0x10, $0x38;
	[tilespmem:$0xDF60] =	vst v63  }
0x56: {  	_ =	swait.ge [sflag:s18], $0x10  }
0x57: {  	[sflag:s18] =	ssyncset.done $0x0  }
0x58: {  	s15 =	sadd.s32 s3, s11;
	[sflag:s18] =	ssyncadd.s32 $0xFFFFFFF0  }
0x59: {  	[tilespmem:s25], [sflag:$0x3] =	stream.linear.gather [hbm4b:s15+s10], $0x10, $0x38;
	[tilespmem:$0xDF60] =	vst v63  }
0x5a: {  	_ =	swait.ge [sflag:s18], $0x10  }
0x5b: {  	[sflag:s18] =	ssyncset.done $0x0  }
0x5c: {  	s11 =	sadd.s32 s4, s11;
	[sflag:s18] =	ssyncadd.s32 $0xFFFFFFF0  }
0x5d: {  	[tilespmem:s28], [sflag:$0x3] =	stream.linear.gather [hbm4b:s11+s10], $0x10, $0x38;
	[tilespmem:$0xDF60] =	vst v63  }
0x5e: {  	_ =	swait.ge [sflag:s18], $0x10  }
0x5f: {  	[sflag:s18] =	ssyncset.done $0x0  }
0x60: {  	s16 =	simm.s32 $0xD560;
	[sflag:s18] =	ssyncadd.s32 $0xFFFFFFF0  }
0x61: {  	[tilespmem:s16], [sflag:$0x2] =	stream.indirect.gather [hbm4b:s7+s22], $0x20, s24, s22, $0xb8;
	[tilespmem:$0xDF60] =	vst v63  }
0x62: {  	s12 =	simm.s32 $0xD960  }
0x63: {  	[tilespmem:s12], [sflag:$0x2] =	stream.indirect.gather [hbm4b:s8+s22], $0x20, s25, s22, $0xb8;
	[tilespmem:$0xDF60] =	vst v63  }
0x64: {  	s13 =	simm.s32 $0xDD60  }
0x65: {  	[tilespmem:s13], [sflag:$0x2] =	stream.indirect.gather [hbm4b:s8+s22], $0x20, s28, s22, $0xb8;
	[tilespmem:$0xDF60] =	vst v63  }
0x66: {  	s14 =	simm.s32 $0x6F00  }
0x67: {  	[tilespmem:s14], [sflag:$0x2] =	stream.indirect.gather [hbm4b:s8+s26], $0x20, s23, s26, $0xb8;
	[tilespmem:$0xDF60] =	vst v63  }
0x68: {  	s15 =	simm.s32 $0x7B8;
	s16 =	simm.s32 $0x7540  }
0x69: {  	[tilespmem:s16], [sflag:$0x2] =	stream.indirect.gather [hbm4b:s8+s26], $0x20, s15, s26, $0xb8;
	[tilespmem:$0xDF60] =	vst v63  }
0x6a: {  	s13 =	simm.s32 $0x7F0;
	s14 =	simm.s32 $0x7B80  }
0x6b: {  	[tilespmem:s14], [sflag:$0x2] =	stream.indirect.gather [hbm4b:s8+s26], $0x20, s13, s26, $0xb8;
	[tilespmem:$0xDF60] =	vst v63  }
0x6c: {  	s15 =	simm.s32 $0x828;
	s16 =	simm.s32 $0x81C0  }
0x6d: {  	[tilespmem:s16], [sflag:$0x2] =	stream.indirect.gather [hbm4b:s8+s26], $0x20, s15, s26, $0xb8;
	[tilespmem:$0xDF60] =	vst v63  }
0x6e: {  	s13 =	simm.s32 $0x860;
	s14 =	simm.s32 $0x8800  }
0x6f: {  	[tilespmem:s14], [sflag:$0x2] =	stream.indirect.gather [hbm4b:s8+s26], $0x20, s13, s26, $0xb8;
	[tilespmem:$0xDF60] =	vst v63  }
0x70: {  	s15 =	simm.s32 $0x898;
	s16 =	simm.s32 $0x8E40  }
0x71: {  	[tilespmem:s16], [sflag:$0x2] =	stream.indirect.gather [hbm4b:s8+s26], $0x20, s15, s26, $0xb8;
	[tilespmem:$0xDF60] =	vst v63  }
0x72: {  	s13 =	simm.s32 $0x8D0;
	s14 =	simm.s32 $0x9480  }
0x73: {  	[tilespmem:s14], [sflag:$0x2] =	stream.indirect.gather [hbm4b:s8+s26], $0x20, s13, s26, $0xb8;
	[tilespmem:$0xDF60] =	vst v63  }
0x74: {  	s15 =	simm.s32 $0x908;
	s16 =	simm.s32 $0x9AC0  }
0x75: {  	[tilespmem:s16], [sflag:$0x2] =	stream.indirect.gather [hbm4b:s8+s26], $0x20, s15, s26, $0xb8;
	[tilespmem:$0xDF60] =	vst v63  }
0x76: {  	s13 =	simm.s32 $0x940;
	s14 =	simm.s32 $0xA100  }
0x77: {  	[tilespmem:s14], [sflag:$0x2] =	stream.indirect.gather [hbm4b:s8+s26], $0x20, s13, s26, $0xb8;
	[tilespmem:$0xDF60] =	vst v63  }
0x78: {  	s15 =	simm.s32 $0x978;
	s16 =	simm.s32 $0xA740  }
0x79: {  	[tilespmem:s16], [sflag:$0x2] =	stream.indirect.gather [hbm4b:s8+s26], $0x20, s15, s26, $0xb8;
	[tilespmem:$0xDF60] =	vst v63  }
0x7a: {  	s13 =	simm.s32 $0x9B0;
	s14 =	simm.s32 $0xAD80  }
0x7b: {  	[tilespmem:s14], [sflag:$0x2] =	stream.indirect.gather [hbm4b:s8+s26], $0x20, s13, s26, $0xb8;
	[tilespmem:$0xDF60] =	vst v63  }
0x7c: {  	s15 =	simm.s32 $0x9E8;
	s16 =	simm.s32 $0xB3C0  }
0x7d: {  	[tilespmem:s16], [sflag:$0x2] =	stream.indirect.gather [hbm4b:s8+s26], $0x20, s15, s26, $0xb8;
	[tilespmem:$0xDF60] =	vst v63  }
0x7e: {  	s13 =	simm.s32 $0xA20;
	s14 =	simm.s32 $0xBA00  }
0x7f: {  	[tilespmem:s14], [sflag:$0x2] =	stream.indirect.gather [hbm4b:s8+s26], $0x20, s13, s26, $0xb8;
	[tilespmem:$0xDF60] =	vst v63  }
0x80: {  	s15 =	simm.s32 $0xA58;
	s16 =	simm.s32 $0xC040  }
0x81: {  	[tilespmem:s16], [sflag:$0x2] =	stream.indirect.gather [hbm4b:s8+s26], $0x20, s15, s26, $0xb8;
	[tilespmem:$0xDF60] =	vst v63  }
0x82: {  	s12 =	simm.s32 $0xA90;
	s13 =	simm.s32 $0xC680  }
0x83: {  	[tilespmem:s13], [sflag:$0x2] =	stream.indirect.gather [hbm4b:s8+s26], $0x20, s12, s26, $0xb8;
	[tilespmem:$0xDF60] =	vst v63  }
0x84: {  	s14 =	simm.s32 $0xAC8;
	s15 =	simm.s32 $0xCCC0  }
0x85: {  	[tilespmem:s15], [sflag:$0x2] =	stream.indirect.gather [hbm4b:s8+s26], $0x20, s14, s26, $0xb8;
	[tilespmem:$0xDF60] =	vst v63  }
0x86: {  	_ =	swait.ge [sflag:s29], $0x200  }
0x87: {  	[sflag:s29] =	ssyncset.done $0x0  }
0x88: {  	[sflag:s29] =	ssyncadd.s32 $0xFFFFFE00  }
0x89: {  	_ =	swait.ge [sflag:s29], $0x200  }
0x8a: {  	[sflag:s29] =	ssyncset.done $0x0  }
0x8b: {  	[sflag:s29] =	ssyncadd.s32 $0xFFFFFE00  }
0x8c: {  	_ =	swait.ge [sflag:s29], $0x200  }
0x8d: {  	[sflag:s29] =	ssyncset.done $0x0  }
0x8e: {  	[sflag:s29] =	ssyncadd.s32 $0xFFFFFE00  }
0x8f: {  	_ =	swait.ge [sflag:s29], $0x640  }
0x90: {  	[sflag:s29] =	ssyncset.done $0x0  }
0x91: {  	[sflag:s29] =	ssyncadd.s32 $0xFFFFF9C0  }
0x92: {  	_ =	swait.ge [sflag:s29], $0x640  }
0x93: {  	[sflag:s29] =	ssyncset.done $0x0  }
0x94: {  	[sflag:s29] =	ssyncadd.s32 $0xFFFFF9C0  }
0x95: {  	_ =	swait.ge [sflag:s29], $0x640  }
0x96: {  	[sflag:s29] =	ssyncset.done $0x0  }
0x97: {  	[sflag:s29] =	ssyncadd.s32 $0xFFFFF9C0  }
0x98: {  	_ =	swait.ge [sflag:s29], $0x640  }
0x99: {  	[sflag:s29] =	ssyncset.done $0x0  }
0x9a: {  	[sflag:s29] =	ssyncadd.s32 $0xFFFFF9C0  }
0x9b: {  	_ =	swait.ge [sflag:s29], $0x640  }
0x9c: {  	[sflag:s29] =	ssyncset.done $0x0  }
0x9d: {  	[sflag:s29] =	ssyncadd.s32 $0xFFFFF9C0  }
0x9e: {  	_ =	swait.ge [sflag:s29], $0x640  }
0x9f: {  	[sflag:s29] =	ssyncset.done $0x0  }
0xa0: {  	[sflag:s29] =	ssyncadd.s32 $0xFFFFF9C0  }
0xa1: {  	_ =	swait.ge [sflag:s29], $0x640  }
0xa2: {  	[sflag:s29] =	ssyncset.done $0x0  }
0xa3: {  	[sflag:s29] =	ssyncadd.s32 $0xFFFFF9C0  }
0xa4: {  	_ =	swait.ge [sflag:s29], $0x640  }
0xa5: {  	[sflag:s29] =	ssyncset.done $0x0  }
0xa6: {  	[sflag:s29] =	ssyncadd.s32 $0xFFFFF9C0  }
0xa7: {  	_ =	swait.ge [sflag:s29], $0x640  }
0xa8: {  	[sflag:s29] =	ssyncset.done $0x0  }
0xa9: {  	[sflag:s29] =	ssyncadd.s32 $0xFFFFF9C0  }
0xaa: {  	_ =	swait.ge [sflag:s29], $0x640  }
0xab: {  	[sflag:s29] =	ssyncset.done $0x0  }
0xac: {  	[sflag:s29] =	ssyncadd.s32 $0xFFFFF9C0  }
0xad: {  	_ =	swait.ge [sflag:s29], $0x640  }
0xae: {  	[sflag:s29] =	ssyncset.done $0x0  }
0xaf: {  	[sflag:s29] =	ssyncadd.s32 $0xFFFFF9C0  }
0xb0: {  	_ =	swait.ge [sflag:s29], $0x640  }
0xb1: {  	[sflag:s29] =	ssyncset.done $0x0  }
0xb2: {  	[sflag:s29] =	ssyncadd.s32 $0xFFFFF9C0  }
0xb3: {  	_ =	swait.ge [sflag:s29], $0x640  }
0xb4: {  	[sflag:s29] =	ssyncset.done $0x0  }
0xb5: {  	[sflag:s29] =	ssyncadd.s32 $0xFFFFF9C0  }
0xb6: {  	_ =	swait.ge [sflag:s29], $0x640  }
0xb7: {  	[sflag:s29] =	ssyncset.done $0x0  }
0xb8: {  	[sflag:s29] =	ssyncadd.s32 $0xFFFFF9C0  }
0xb9: {  	_ =	swait.ge [sflag:s29], $0x640  }
0xba: {  	[sflag:s29] =	ssyncset.done $0x0  }
0xbb: {  	[sflag:s29] =	ssyncadd.s32 $0xFFFFF9C0  }
0xbc: {  	_ =	swait.ge [sflag:s29], $0x640  }
0xbd: {  	[sflag:s29] =	ssyncset.done $0x0  }
0xbe: {  	s16 =	simm.s32 $0xE20;
	[sflag:s29] =	ssyncadd.s32 $0xFFFFF9C0  }
0xbf: {  	v1 =	vld [tilespmem:s16+$0xFFFFFCE0]  }
0xc0: {  	v2 =	vld [tilespmem:s16+$0xFFFFFCF0]  }
0xc1: {  	v3 =	vld [tilespmem:s16+$0xFFFFFD00]  }
0xc2: {  	v4 =	vld [tilespmem:s16+$0xFFFFFD10]  }
0xc3: {  	v5 =	vld [tilespmem:s16+$0xFFFFFD20]  }
0xc4: {  	v6 =	vld [tilespmem:s16+$0xFFFFFD30]  }
0xc5: {  	v7 =	vld [tilespmem:s16+$0xFFFFFD40]  }
0xc6: {  	v8 =	vld [tilespmem:s16+$0xFFFFFD50]  }
0xc7: {  	v9 =	vld [tilespmem:s16+$0xFFFFFD60];
	v1 =	vadd.f32 v3, v1;
	v2 =	vadd.f32 v4, v2  }
0xc8: {  	v3 =	vld [tilespmem:s16+$0xFFFFFD70]  }
0xc9: {  	v4 =	vld [tilespmem:s16+$0xFFFFFD80];
	v1 =	vadd.f32 v5, v1;
	v2 =	vadd.f32 v6, v2  }
0xca: {  	v5 =	vld [tilespmem:s16+$0xFFFFFD90]  }
0xcb: {  	v6 =	vld [tilespmem:s16+$0xFFFFFDA0];
	v1 =	vadd.f32 v7, v1;
	v2 =	vadd.f32 v8, v2  }
0xcc: {  	v7 =	vld [tilespmem:s16+$0xFFFFFDB0]  }
0xcd: {  	v8 =	vld [tilespmem:s16+$0xFFFFFDC0];
	v1 =	vadd.f32 v9, v1;
	v2 =	vadd.f32 v3, v2  }
0xce: {  	v3 =	vld [tilespmem:s16+$0xFFFFFDD0]  }
0xcf: {  	v9 =	vld [tilespmem:s16+$0xFFFFFDE0];
	v1 =	vadd.f32 v4, v1;
	v2 =	vadd.f32 v5, v2  }
0xd0: {  	v4 =	vld [tilespmem:s16+$0xFFFFFDF0]  }
0xd1: {  	v5 =	vld [tilespmem:s16+$0xFFFFFE00];
	v1 =	vadd.f32 v6, v1;
	v2 =	vadd.f32 v7, v2  }
0xd2: {  	v6 =	vld [tilespmem:s16+$0xFFFFFE10]  }
0xd3: {  	v7 =	vld [tilespmem:s16+$0xFFFFFE20];
	v1 =	vadd.f32 v8, v1;
	v2 =	vadd.f32 v3, v2  }
0xd4: {  	v3 =	vld [tilespmem:s16+$0xFFFFFE30]  }
0xd5: {  	v8 =	vld [tilespmem:s16+$0xFFFFFE40];
	v1 =	vadd.f32 v9, v1;
	v2 =	vadd.f32 v4, v2  }
0xd6: {  	v4 =	vld [tilespmem:s16+$0xFFFFFE50]  }
0xd7: {  	v9 =	vld [tilespmem:s16+$0xFFFFFE60];
	v1 =	vadd.f32 v5, v1;
	v2 =	vadd.f32 v6, v2  }
0xd8: {  	v5 =	vld [tilespmem:s16+$0xFFFFFE70]  }
0xd9: {  	v6 =	vld [tilespmem:s16+$0xFFFFFE80];
	v1 =	vadd.f32 v7, v1;
	v2 =	vadd.f32 v3, v2  }
0xda: {  	v3 =	vld [tilespmem:s16+$0xFFFFFE90]  }
0xdb: {  	v7 =	vld [tilespmem:s16+$0xFFFFFEA0];
	v1 =	vadd.f32 v8, v1;
	v2 =	vadd.f32 v4, v2  }
0xdc: {  	v4 =	vld [tilespmem:s16+$0xFFFFFEB0]  }
0xdd: {  	v8 =	vld [tilespmem:s16+$0xFFFFFEC0];
	v1 =	vadd.f32 v9, v1;
	v2 =	vadd.f32 v5, v2  }
0xde: {  	v5 =	vld [tilespmem:s16+$0xFFFFFED0]  }
0xdf: {  	v9 =	vld [tilespmem:s16+$0xFFFFFEE0];
	v1 =	vadd.f32 v6, v1;
	v2 =	vadd.f32 v3, v2  }
0xe0: {  	v3 =	vld [tilespmem:s16+$0xFFFFFEF0]  }
0xe1: {  	v6 =	vld [tilespmem:s16+$0xFFFFFF00];
	v1 =	vadd.f32 v7, v1;
	v2 =	vadd.f32 v4, v2  }
0xe2: {  	v4 =	vld [tilespmem:s16+$0xFFFFFF10]  }
0xe3: {  	v7 =	vld [tilespmem:s16+$0xFFFFFF20];
	v1 =	vadd.f32 v8, v1;
	v2 =	vadd.f32 v5, v2  }
0xe4: {  	v5 =	vld [tilespmem:s16+$0xFFFFFF30]  }
0xe5: {  	v8 =	vld [tilespmem:s16+$0xFFFFFF40];
	v1 =	vadd.f32 v9, v1;
	v2 =	vadd.f32 v3, v2  }
0xe6: {  	v3 =	vld [tilespmem:s16+$0xFFFFFF50]  }
0xe7: {  	v9 =	vld [tilespmem:s16+$0xFFFFFF60];
	v1 =	vadd.f32 v6, v1;
	v2 =	vadd.f32 v4, v2  }
0xe8: {  	v4 =	vld [tilespmem:s16+$0xFFFFFF70]  }
0xe9: {  	v6 =	vld [tilespmem:s16+$0xFFFFFF80];
	v1 =	vadd.f32 v7, v1;
	v2 =	vadd.f32 v5, v2  }
0xea: {  	v5 =	vld [tilespmem:s16+$0xFFFFFF90]  }
0xeb: {  	v7 =	vld [tilespmem:s16+$0xFFFFFFA0];
	v1 =	vadd.f32 v8, v1;
	v2 =	vadd.f32 v3, v2  }
0xec: {  	v3 =	vld [tilespmem:s16+$0xFFFFFFB0]  }
0xed: {  	v8 =	vld [tilespmem:s16+$0xFFFFFFC0];
	v1 =	vadd.f32 v9, v1;
	v2 =	vadd.f32 v4, v2  }
0xee: {  	v4 =	vld [tilespmem:s16+$0xFFFFFFD0]  }
0xef: {  	v9 =	vld [tilespmem:s16+$0xFFFFFFE0];
	v1 =	vadd.f32 v6, v1;
	v2 =	vadd.f32 v5, v2  }
0xf0: {  	v5 =	vld [tilespmem:s16+$0xFFFFFFF0]  }
0xf1: {  	v6 =	vld [tilespmem:s16+$0x0];
	v1 =	vadd.f32 v7, v1;
	v2 =	vadd.f32 v3, v2  }
0xf2: {  	v3 =	vld [tilespmem:s16+$0x10]  }
0xf3: {  	v7 =	vld [tilespmem:s16+$0x20];
	v1 =	vadd.f32 v8, v1;
	v2 =	vadd.f32 v4, v2  }
0xf4: {  	v4 =	vld [tilespmem:s16+$0x30]  }
0xf5: {  	v8 =	vld [tilespmem:s16+$0x40];
	v1 =	vadd.f32 v9, v1;
	v2 =	vadd.f32 v5, v2  }
0xf6: {  	v5 =	vld [tilespmem:s16+$0x50]  }
0xf7: {  	v9 =	vld [tilespmem:s16+$0x60];
	v1 =	vadd.f32 v6, v1;
	v2 =	vadd.f32 v3, v2  }
0xf8: {  	v3 =	vld [tilespmem:s16+$0x70]  }
0xf9: {  	v6 =	vld [tilespmem:s16+$0x80];
	v1 =	vadd.f32 v7, v1;
	v2 =	vadd.f32 v4, v2  }
0xfa: {  	v4 =	vld [tilespmem:s16+$0x90]  }
0xfb: {  	v7 =	vld [tilespmem:s16+$0xA0];
	v1 =	vadd.f32 v8, v1;
	v2 =	vadd.f32 v5, v2  }
0xfc: {  	v5 =	vld [tilespmem:s16+$0xB0]  }
0xfd: {  	v8 =	vld [tilespmem:s16+$0xC0];
	v1 =	vadd.f32 v9, v1;
	v2 =	vadd.f32 v3, v2  }
0xfe: {  	v3 =	vld [tilespmem:s16+$0xD0]  }
0xff: {  	v9 =	vld [tilespmem:s16+$0xE0];
	v1 =	vadd.f32 v6, v1;
	v2 =	vadd.f32 v4, v2  }
0x100: {  	v4 =	vld [tilespmem:s16+$0xF0]  }
0x101: {  	v6 =	vld [tilespmem:s16+$0x100];
	v1 =	vadd.f32 v7, v1;
	v2 =	vadd.f32 v5, v2  }
0x102: {  	v5 =	vld [tilespmem:s16+$0x110]  }
0x103: {  	v7 =	vld [tilespmem:s16+$0x120];
	v1 =	vadd.f32 v8, v1;
	v2 =	vadd.f32 v3, v2  }
0x104: {  	v3 =	vld [tilespmem:s16+$0x130]  }
0x105: {  	v8 =	vld [tilespmem:s16+$0x140];
	v1 =	vadd.f32 v9, v1;
	v2 =	vadd.f32 v4, v2  }
0x106: {  	v4 =	vld [tilespmem:s16+$0x150]  }
0x107: {  	v9 =	vld [tilespmem:s16+$0x160];
	v1 =	vadd.f32 v6, v1;
	v2 =	vadd.f32 v5, v2  }
0x108: {  	v5 =	vld [tilespmem:s16+$0x170]  }
0x109: {  	v6 =	vld [tilespmem:s16+$0x180];
	v1 =	vadd.f32 v7, v1;
	v2 =	vadd.f32 v3, v2  }
0x10a: {  	v3 =	vld [tilespmem:s16+$0x190]  }
0x10b: {  	v7 =	vld [tilespmem:s16+$0x1A0];
	v1 =	vadd.f32 v8, v1;
	v2 =	vadd.f32 v4, v2  }
0x10c: {  	v4 =	vld [tilespmem:s16+$0x1B0]  }
0x10d: {  	v8 =	vld [tilespmem:s16+$0x1C0];
	v1 =	vadd.f32 v9, v1;
	v2 =	vadd.f32 v5, v2  }
0x10e: {  	v5 =	vld [tilespmem:s16+$0x1D0]  }
0x10f: {  	v9 =	vld [tilespmem:s16+$0x1E0];
	v1 =	vadd.f32 v6, v1;
	v2 =	vadd.f32 v3, v2  }
0x110: {  	v3 =	vld [tilespmem:s16+$0x1F0]  }
0x111: {  	v6 =	vld [tilespmem:s16+$0x200];
	v1 =	vadd.f32 v7, v1;
	v2 =	vadd.f32 v4, v2  }
0x112: {  	v4 =	vld [tilespmem:s16+$0x210]  }
0x113: {  	v7 =	vld [tilespmem:s16+$0x220];
	v1 =	vadd.f32 v8, v1;
	v2 =	vadd.f32 v5, v2  }
0x114: {  	v5 =	vld [tilespmem:s16+$0x230]  }
0x115: {  	v8 =	vld [tilespmem:s16+$0x240];
	v1 =	vadd.f32 v9, v1;
	v2 =	vadd.f32 v3, v2  }
0x116: {  	v3 =	vld [tilespmem:s16+$0x250]  }
0x117: {  	v9 =	vld [tilespmem:s16+$0x260];
	v1 =	vadd.f32 v6, v1;
	v2 =	vadd.f32 v4, v2  }
0x118: {  	v4 =	vld [tilespmem:s16+$0x270]  }
0x119: {  	v6 =	vld [tilespmem:s16+$0x280];
	v1 =	vadd.f32 v7, v1;
	v2 =	vadd.f32 v5, v2  }
0x11a: {  	v5 =	vld [tilespmem:s16+$0x290]  }
0x11b: {  	v7 =	vld [tilespmem:s16+$0x2A0];
	v1 =	vadd.f32 v8, v1;
	v2 =	vadd.f32 v3, v2  }
0x11c: {  	v3 =	vld [tilespmem:s16+$0x2B0]  }
0x11d: {  	v8 =	vld [tilespmem:s16+$0x2C0];
	v1 =	vadd.f32 v9, v1;
	v2 =	vadd.f32 v4, v2  }
0x11e: {  	v4 =	vld [tilespmem:s16+$0x2D0]  }
0x11f: {  	v9 =	vld [tilespmem:s16+$0x2E0];
	v1 =	vadd.f32 v6, v1;
	v2 =	vadd.f32 v5, v2  }
0x120: {  	v5 =	vld [tilespmem:s16+$0x2F0]  }
0x121: {  	v6 =	vld [tilespmem:s16+$0x300];
	v1 =	vadd.f32 v7, v1;
	v2 =	vadd.f32 v3, v2  }
0x122: {  	s13 =	simm.s32 $0xD370;
	v7 =	vld [tilespmem:s16+$0x310]  }
0x123: {  	s15 =	simm.s32 $0x1460;
	v12 =	vld [tilespmem:s13+$0x0];
	v1 =	vadd.f32 v8, v1;
	v2 =	vadd.f32 v4, v2  }
0x124: {  	s12 =	simm.s32 $0xD770;
	v10 =	vld [tilespmem:s15+$0xFFFFFCF0]  }
0x125: {  	v3 =	vld [tilespmem:s12+$0xFFFFFFF0];
	v1 =	vadd.f32 v9, v1;
	v2 =	vadd.f32 v5, v2  }
0x126: {  	s14 =	simm.s32 $0xDB70;
	v8 =	vld [tilespmem:s13+$0xFFFFFFF0]  }
0x127: {  	v5 =	vld [tilespmem:s14+$0xFFFFFFF0];
	v1 =	vadd.f32 v6, v1;
	v2 =	vadd.f32 v7, v2  }
0x128: {  	v6 =	vld [tilespmem:s14+$0x0]  }
0x129: {  	v4 =	vld [tilespmem:s12+$0x0];
	v7 =	vmul.f32 $1.999999960e-02, v1;
	v2 =	vmul.f32 $1.999999960e-02, v2  }
0x12a: {  	v11 =	vld [tilespmem:s15+$0xFFFFFD00]  }
0x12b: {  	v9 =	vld [tilespmem:s15+$0xFFFFFCE0];
	v7 =	vadd.f32 v7, v8;
	v8 =	vadd.f32 v2, v12  }
0x12c: {  	s11 =	simm.s32 $0x1;
	s16 =	simm.s32 $0x2;
	v1 =	vimm.f32 $0.0e+00;
	v12 =	vld [tilespmem:s15+$0xFFFFFD10];
	v2 =	vimm.f32 $0.0e+00  }
.LBB2_3:
0x12d: {  	p0 =	sne.s32 s16, $0xF;
	v13 =	vld [tilespmem:s15+$0xFFFFFD20];
	v5 =	vmul.f32 v5, v7;
	v6 =	vmul.f32 v6, v8  }
0x12e: {  	v3 =	vmul.f32 v3, v7;
	v4 =	vmul.f32 v4, v8;
	v14 =	vld [tilespmem:s15+$0xFFFFFD30]  }
0x12f: {  	v7 =	vld [tilespmem:s15+$0xFFFFFD40];
	v5 =	vadd.f32 v6, v5  }
0x130: {  	v3 =	vadd.f32 v4, v3;
	v6 =	vld [tilespmem:s15+$0xFFFFFD50]  }
0x131: {  	v4 =	vadd.f32 v11, v9;
	v8 =	vadd.f32 v12, v10;
	v9 =	vld [tilespmem:s15+$0xFFFFFD60];
	(xrf2) =	vadd.scan.msk.f32 $0xffff, v5  }
0x132: {  	v5 =	vld [tilespmem:s15+$0xFFFFFD70]  }
0x133: {  	v4 =	vadd.f32 v13, v4;
	v8 =	vadd.f32 v14, v8;
	v10 =	vld [tilespmem:s15+$0xFFFFFD80]  }
0x134: {  	v11 =	vld [tilespmem:s15+$0xFFFFFD90];
	(xrf2) =	vadd.scan.msk.f32 $0xffff, v3  }
0x135: {  	v3 =	vadd.f32 v7, v4;
	v4 =	vadd.f32 v6, v8;
	v6 =	vld [tilespmem:s15+$0xFFFFFDA0]  }
0x136: {  	v7 =	vld [tilespmem:s15+$0xFFFFFDB0]  }
0x137: {  	v3 =	vadd.f32 v9, v3;
	v4 =	vadd.f32 v5, v4;
	v5 =	vld [tilespmem:s15+$0xFFFFFDC0]  }
0x138: {  	v8 =	vld [tilespmem:s15+$0xFFFFFDD0]  }
0x139: {  	v3 =	vadd.f32 v10, v3;
	v4 =	vadd.f32 v11, v4;
	v9 =	vld [tilespmem:s15+$0xFFFFFDE0]  }
0x13a: {  	v10 =	vld [tilespmem:s15+$0xFFFFFDF0]  }
0x13b: {  	v3 =	vadd.f32 v6, v3;
	v4 =	vadd.f32 v7, v4;
	v6 =	vld [tilespmem:s15+$0xFFFFFE00];
	v7, _, _ =	vpop (xrf2)  }
0x13c: {  	v12 =	vmov s10;
	s10 =	smov.u32 s11;
	s11 =	smov.u32 s16;
	v11 =	vld [tilespmem:s15+$0xFFFFFE10];
	v13 =	vbroadcast v7, $0xF  }
0x13d: {  	vm0 =	veq.s32 v12, v0;
	v3 =	vadd.f32 v5, v3;
	v4 =	vadd.f32 v8, v4;
	v5 =	vld [tilespmem:s15+$0xFFFFFE20]  }
0x13e: {  	v8 =	vld [tilespmem:s15+$0xFFFFFE30];
	v1 =	vsel vm0, v13, v1;
	v7, _, _ =	vpop (xrf2)  }
0x13f: {  	v3 =	vadd.f32 v9, v3;
	v4 =	vadd.f32 v10, v4;
	v9 =	vld [tilespmem:s15+$0xFFFFFE40];
	v7 =	vbroadcast v7, $0xF  }
0x140: {  	v10 =	vld [tilespmem:s15+$0xFFFFFE50]  }
0x141: {  	v3 =	vadd.f32 v6, v3;
	v4 =	vadd.f32 v11, v4;
	v6 =	vld [tilespmem:s15+$0xFFFFFE60];
	v2 =	vsel vm0, v7, v2  }
0x142: {  	v7 =	vld [tilespmem:s15+$0xFFFFFE70]  }
0x143: {  	v3 =	vadd.f32 v5, v3;
	v4 =	vadd.f32 v8, v4;
	v5 =	vld [tilespmem:s15+$0xFFFFFE80]  }
0x144: {  	v8 =	vld [tilespmem:s15+$0xFFFFFE90]  }
0x145: {  	v3 =	vadd.f32 v9, v3;
	v4 =	vadd.f32 v10, v4;
	v9 =	vld [tilespmem:s15+$0xFFFFFEA0]  }
0x146: {  	v10 =	vld [tilespmem:s15+$0xFFFFFEB0]  }
0x147: {  	v3 =	vadd.f32 v6, v3;
	v4 =	vadd.f32 v7, v4;
	v6 =	vld [tilespmem:s15+$0xFFFFFEC0]  }
0x148: {  	v7 =	vld [tilespmem:s15+$0xFFFFFED0]  }
0x149: {  	v3 =	vadd.f32 v5, v3;
	v4 =	vadd.f32 v8, v4;
	v5 =	vld [tilespmem:s15+$0xFFFFFEE0]  }
0x14a: {  	v8 =	vld [tilespmem:s15+$0xFFFFFEF0]  }
0x14b: {  	v3 =	vadd.f32 v9, v3;
	v4 =	vadd.f32 v10, v4;
	v9 =	vld [tilespmem:s15+$0xFFFFFF00]  }
0x14c: {  	v10 =	vld [tilespmem:s15+$0xFFFFFF10]  }
0x14d: {  	v3 =	vadd.f32 v6, v3;
	v4 =	vadd.f32 v7, v4;
	v6 =	vld [tilespmem:s15+$0xFFFFFF20]  }
0x14e: {  	v7 =	vld [tilespmem:s15+$0xFFFFFF30]  }
0x14f: {  	v3 =	vadd.f32 v5, v3;
	v4 =	vadd.f32 v8, v4;
	v5 =	vld [tilespmem:s15+$0xFFFFFF40]  }
0x150: {  	v8 =	vld [tilespmem:s15+$0xFFFFFF50]  }
0x151: {  	v3 =	vadd.f32 v9, v3;
	v4 =	vadd.f32 v10, v4;
	v9 =	vld [tilespmem:s15+$0xFFFFFF60]  }
0x152: {  	v10 =	vld [tilespmem:s15+$0xFFFFFF70]  }
0x153: {  	v3 =	vadd.f32 v6, v3;
	v4 =	vadd.f32 v7, v4;
	v6 =	vld [tilespmem:s15+$0xFFFFFF80]  }
0x154: {  	v7 =	vld [tilespmem:s15+$0xFFFFFF90]  }
0x155: {  	v3 =	vadd.f32 v5, v3;
	v4 =	vadd.f32 v8, v4;
	v5 =	vld [tilespmem:s15+$0xFFFFFFA0]  }
0x156: {  	v8 =	vld [tilespmem:s15+$0xFFFFFFB0]  }
0x157: {  	v3 =	vadd.f32 v9, v3;
	v4 =	vadd.f32 v10, v4;
	v9 =	vld [tilespmem:s15+$0xFFFFFFC0]  }
0x158: {  	v10 =	vld [tilespmem:s15+$0xFFFFFFD0]  }
0x159: {  	v3 =	vadd.f32 v6, v3;
	v4 =	vadd.f32 v7, v4;
	v6 =	vld [tilespmem:s15+$0xFFFFFFE0]  }
0x15a: {  	v7 =	vld [tilespmem:s15+$0xFFFFFFF0]  }
0x15b: {  	v3 =	vadd.f32 v5, v3;
	v4 =	vadd.f32 v8, v4;
	v5 =	vld [tilespmem:s15+$0x0]  }
0x15c: {  	v8 =	vld [tilespmem:s15+$0x10]  }
0x15d: {  	v3 =	vadd.f32 v9, v3;
	v4 =	vadd.f32 v10, v4;
	v9 =	vld [tilespmem:s15+$0x20]  }
0x15e: {  	v10 =	vld [tilespmem:s15+$0x30]  }
0x15f: {  	v3 =	vadd.f32 v6, v3;
	v4 =	vadd.f32 v7, v4;
	v6 =	vld [tilespmem:s15+$0x40]  }
0x160: {  	v7 =	vld [tilespmem:s15+$0x50]  }
0x161: {  	v3 =	vadd.f32 v5, v3;
	v4 =	vadd.f32 v8, v4;
	v5 =	vld [tilespmem:s15+$0x60]  }
0x162: {  	v8 =	vld [tilespmem:s15+$0x70]  }
0x163: {  	v3 =	vadd.f32 v9, v3;
	v4 =	vadd.f32 v10, v4;
	v9 =	vld [tilespmem:s15+$0x80]  }
0x164: {  	v10 =	vld [tilespmem:s15+$0x90]  }
0x165: {  	v3 =	vadd.f32 v6, v3;
	v4 =	vadd.f32 v7, v4;
	v6 =	vld [tilespmem:s15+$0xA0]  }
0x166: {  	v7 =	vld [tilespmem:s15+$0xB0]  }
0x167: {  	v3 =	vadd.f32 v5, v3;
	v4 =	vadd.f32 v8, v4;
	v5 =	vld [tilespmem:s15+$0xC0]  }
0x168: {  	v8 =	vld [tilespmem:s15+$0xD0]  }
0x169: {  	v3 =	vadd.f32 v9, v3;
	v4 =	vadd.f32 v10, v4;
	v9 =	vld [tilespmem:s15+$0xE0]  }
0x16a: {  	v10 =	vld [tilespmem:s15+$0xF0]  }
0x16b: {  	v3 =	vadd.f32 v6, v3;
	v4 =	vadd.f32 v7, v4;
	v6 =	vld [tilespmem:s15+$0x100]  }
0x16c: {  	v7 =	vld [tilespmem:s15+$0x110]  }
0x16d: {  	v3 =	vadd.f32 v5, v3;
	v4 =	vadd.f32 v8, v4;
	v5 =	vld [tilespmem:s15+$0x120]  }
0x16e: {  	v8 =	vld [tilespmem:s15+$0x130]  }
0x16f: {  	v3 =	vadd.f32 v9, v3;
	v4 =	vadd.f32 v10, v4;
	v9 =	vld [tilespmem:s15+$0x140]  }
0x170: {  	v10 =	vld [tilespmem:s15+$0x150]  }
0x171: {  	v3 =	vadd.f32 v6, v3;
	v4 =	vadd.f32 v7, v4;
	v6 =	vld [tilespmem:s15+$0x160]  }
0x172: {  	v7 =	vld [tilespmem:s15+$0x170]  }
0x173: {  	v3 =	vadd.f32 v5, v3;
	v4 =	vadd.f32 v8, v4;
	v5 =	vld [tilespmem:s15+$0x180]  }
0x174: {  	v8 =	vld [tilespmem:s15+$0x190]  }
0x175: {  	v3 =	vadd.f32 v9, v3;
	v4 =	vadd.f32 v10, v4;
	v9 =	vld [tilespmem:s15+$0x1A0]  }
0x176: {  	v10 =	vld [tilespmem:s15+$0x1B0]  }
0x177: {  	v3 =	vadd.f32 v6, v3;
	v4 =	vadd.f32 v7, v4;
	v6 =	vld [tilespmem:s15+$0x1C0]  }
0x178: {  	v7 =	vld [tilespmem:s15+$0x1D0]  }
0x179: {  	v3 =	vadd.f32 v5, v3;
	v4 =	vadd.f32 v8, v4;
	v5 =	vld [tilespmem:s15+$0x1E0]  }
0x17a: {  	v8 =	vld [tilespmem:s15+$0x1F0]  }
0x17b: {  	v3 =	vadd.f32 v9, v3;
	v4 =	vadd.f32 v10, v4;
	v9 =	vld [tilespmem:s15+$0x200]  }
0x17c: {  	v10 =	vld [tilespmem:s15+$0x210]  }
0x17d: {  	v3 =	vadd.f32 v6, v3;
	v4 =	vadd.f32 v7, v4;
	v6 =	vld [tilespmem:s15+$0x220]  }
0x17e: {  	v7 =	vld [tilespmem:s15+$0x230]  }
0x17f: {  	v3 =	vadd.f32 v5, v3;
	v4 =	vadd.f32 v8, v4;
	v5 =	vld [tilespmem:s15+$0x240]  }
0x180: {  	v8 =	vld [tilespmem:s15+$0x250]  }
0x181: {  	v3 =	vadd.f32 v9, v3;
	v4 =	vadd.f32 v10, v4;
	v9 =	vld [tilespmem:s15+$0x260]  }
0x182: {  	v10 =	vld [tilespmem:s15+$0x270]  }
0x183: {  	v3 =	vadd.f32 v6, v3;
	v4 =	vadd.f32 v7, v4;
	v6 =	vld [tilespmem:s15+$0x280]  }
0x184: {  	v7 =	vld [tilespmem:s15+$0x290]  }
0x185: {  	v3 =	vadd.f32 v5, v3;
	v4 =	vadd.f32 v8, v4;
	v5 =	vld [tilespmem:s15+$0x2A0]  }
0x186: {  	v8 =	vld [tilespmem:s15+$0x2B0]  }
0x187: {  	v3 =	vadd.f32 v9, v3;
	v4 =	vadd.f32 v10, v4;
	v9 =	vld [tilespmem:s15+$0x2C0]  }
0x188: {  	v10 =	vld [tilespmem:s15+$0x2D0]  }
0x189: {  	v3 =	vadd.f32 v6, v3;
	v4 =	vadd.f32 v7, v4;
	v6 =	vld [tilespmem:s15+$0x2E0]  }
0x18a: {  	v7 =	vld [tilespmem:s15+$0x2F0]  }
0x18b: {  	v3 =	vadd.f32 v5, v3;
	v4 =	vadd.f32 v8, v4;
	v5 =	vld [tilespmem:s15+$0x300]  }
0x18c: {  	s12 =	sadd.s32 $0x20, s12;
	v8 =	vld [tilespmem:s15+$0x310]  }
0x18d: {  	v9 =	vadd.f32 v9, v3;
	v10 =	vadd.f32 v10, v4;
	v3 =	vld [tilespmem:s12+$0xFFFFFFF0]  }
0x18e: {  	s13 =	sadd.s32 $0x20, s13;
	v4 =	vld [tilespmem:s12+$0x0]  }
0x18f: {  	v6 =	vadd.f32 v6, v9;
	v7 =	vadd.f32 v7, v10;
	v12 =	vld [tilespmem:s13+$0xFFFFFFF0]  }
0x190: {  	s14 =	sadd.s32 $0x20, s14;
	v13 =	vld [tilespmem:s13+$0x0]  }
0x191: {  	v10 =	vadd.f32 v5, v6;
	v7 =	vadd.f32 v8, v7;
	v5 =	vld [tilespmem:s14+$0xFFFFFFF0]  }
.Ltmp0:
0x192: {  	s15 =	sadd.s32 $0x640, s15;
	v6 =	vld [tilespmem:s14+$0x0];
	(pc) =	sbr.rel @p0 .LBB2_3-.Ltmp0, $4  }
0x193: {  	v8 =	vmul.f32 $1.999999960e-02, v10;
	v9 =	vld [tilespmem:s15+$0xFFFFFCE0];
	v14 =	vmul.f32 $1.999999960e-02, v7  }
0x194: {  	v10 =	vld [tilespmem:s15+$0xFFFFFCF0]  }
0x195: {  	v7 =	vadd.f32 v8, v12;
	v11 =	vld [tilespmem:s15+$0xFFFFFD00];
	v8 =	vadd.f32 v14, v13  }
0x196: {  	s16 =	sadd.s32 $0x1, s16;
	v12 =	vld [tilespmem:s15+$0xFFFFFD10]  }
0x197: {  	v13 =	vld [tilespmem:s15+$0xFFFFFD20]  }
0x198: {  	v14 =	vld [tilespmem:s15+$0xFFFFFD30]  }
0x199: {  	v15 =	vld [tilespmem:s15+$0xFFFFFD40]  }
0x19a: {  	v16 =	vld [tilespmem:s15+$0xFFFFFD50]  }
0x19b: {  	v9 =	vadd.f32 v11, v9;
	v11 =	vld [tilespmem:s15+$0xFFFFFD60];
	v10 =	vadd.f32 v12, v10  }
0x19c: {  	v12 =	vld [tilespmem:s15+$0xFFFFFD70]  }
0x19d: {  	v9 =	vadd.f32 v13, v9;
	v13 =	vld [tilespmem:s15+$0xFFFFFD80];
	v10 =	vadd.f32 v14, v10  }
0x19e: {  	v14 =	vld [tilespmem:s15+$0xFFFFFD90]  }
0x19f: {  	v48 =	vld [tilespmem:s15+$0xFFFFFDB0];
	v9 =	vadd.f32 v15, v9;
	v10 =	vadd.f32 v16, v10  }
0x1a0: {  	v15 =	vld [tilespmem:s15+$0xFFFFFDA0]  }
0x1a1: {  	v9 =	vadd.f32 v11, v9;
	v11 =	vld [tilespmem:s15+$0xFFFFFDC0];
	v10 =	vadd.f32 v12, v10  }
0x1a2: {  	v12 =	vld [tilespmem:s15+$0xFFFFFDD0]  }
0x1a3: {  	v9 =	vadd.f32 v13, v9;
	v13 =	vld [tilespmem:s15+$0xFFFFFDE0];
	v10 =	vadd.f32 v14, v10  }
0x1a4: {  	v14 =	vld [tilespmem:s15+$0xFFFFFDF0]  }
0x1a5: {  	v49 =	vld [tilespmem:s15+$0xFFFFFE10];
	v9 =	vadd.f32 v15, v9;
	v10 =	vadd.f32 v48, v10  }
0x1a6: {  	v15 =	vld [tilespmem:s15+$0xFFFFFE00]  }
0x1a7: {  	v9 =	vadd.f32 v11, v9;
	v11 =	vld [tilespmem:s15+$0xFFFFFE20];
	v10 =	vadd.f32 v12, v10  }
0x1a8: {  	v12 =	vld [tilespmem:s15+$0xFFFFFE30]  }
0x1a9: {  	v9 =	vadd.f32 v13, v9;
	v13 =	vld [tilespmem:s15+$0xFFFFFE40];
	v10 =	vadd.f32 v14, v10  }
0x1aa: {  	v14 =	vld [tilespmem:s15+$0xFFFFFE50]  }
0x1ab: {  	v50 =	vld [tilespmem:s15+$0xFFFFFE70];
	v9 =	vadd.f32 v15, v9;
	v10 =	vadd.f32 v49, v10  }
0x1ac: {  	v15 =	vld [tilespmem:s15+$0xFFFFFE60]  }
0x1ad: {  	v9 =	vadd.f32 v11, v9;
	v11 =	vld [tilespmem:s15+$0xFFFFFE80];
	v10 =	vadd.f32 v12, v10  }
0x1ae: {  	v12 =	vld [tilespmem:s15+$0xFFFFFE90]  }
0x1af: {  	v9 =	vadd.f32 v13, v9;
	v13 =	vld [tilespmem:s15+$0xFFFFFEA0];
	v10 =	vadd.f32 v14, v10  }
0x1b0: {  	v14 =	vld [tilespmem:s15+$0xFFFFFEB0]  }
0x1b1: {  	v51 =	vld [tilespmem:s15+$0xFFFFFED0];
	v9 =	vadd.f32 v15, v9;
	v10 =	vadd.f32 v50, v10  }
0x1b2: {  	v15 =	vld [tilespmem:s15+$0xFFFFFEC0]  }
0x1b3: {  	v9 =	vadd.f32 v11, v9;
	v11 =	vld [tilespmem:s15+$0xFFFFFEE0];
	v10 =	vadd.f32 v12, v10  }
0x1b4: {  	v12 =	vld [tilespmem:s15+$0xFFFFFEF0]  }
0x1b5: {  	v9 =	vadd.f32 v13, v9;
	v13 =	vld [tilespmem:s15+$0xFFFFFF00];
	v10 =	vadd.f32 v14, v10  }
0x1b6: {  	v14 =	vld [tilespmem:s15+$0xFFFFFF10]  }
0x1b7: {  	v52 =	vld [tilespmem:s15+$0xFFFFFF30];
	v9 =	vadd.f32 v15, v9;
	v10 =	vadd.f32 v51, v10  }
0x1b8: {  	v15 =	vld [tilespmem:s15+$0xFFFFFF20]  }
0x1b9: {  	v9 =	vadd.f32 v11, v9;
	v11 =	vld [tilespmem:s15+$0xFFFFFF40];
	v10 =	vadd.f32 v12, v10  }
0x1ba: {  	v12 =	vld [tilespmem:s15+$0xFFFFFF50]  }
0x1bb: {  	v9 =	vadd.f32 v13, v9;
	v13 =	vld [tilespmem:s15+$0xFFFFFF60];
	v10 =	vadd.f32 v14, v10  }
0x1bc: {  	v14 =	vld [tilespmem:s15+$0xFFFFFF70]  }
0x1bd: {  	v53 =	vld [tilespmem:s15+$0xFFFFFF90];
	v9 =	vadd.f32 v15, v9;
	v10 =	vadd.f32 v52, v10  }
0x1be: {  	v15 =	vld [tilespmem:s15+$0xFFFFFF80]  }
0x1bf: {  	v9 =	vadd.f32 v11, v9;
	v11 =	vld [tilespmem:s15+$0xFFFFFFA0];
	v10 =	vadd.f32 v12, v10  }
0x1c0: {  	v12 =	vld [tilespmem:s15+$0xFFFFFFB0]  }
0x1c1: {  	v9 =	vadd.f32 v13, v9;
	v13 =	vld [tilespmem:s15+$0xFFFFFFC0];
	v10 =	vadd.f32 v14, v10  }
0x1c2: {  	v14 =	vld [tilespmem:s15+$0xFFFFFFD0]  }
0x1c3: {  	v54 =	vld [tilespmem:s15+$0xFFFFFFF0];
	v9 =	vadd.f32 v15, v9;
	v10 =	vadd.f32 v53, v10  }
0x1c4: {  	v15 =	vld [tilespmem:s15+$0xFFFFFFE0]  }
0x1c5: {  	v9 =	vadd.f32 v11, v9;
	v11 =	vld [tilespmem:s15+$0x0];
	v10 =	vadd.f32 v12, v10  }
0x1c6: {  	v12 =	vld [tilespmem:s15+$0x10]  }
0x1c7: {  	v9 =	vadd.f32 v13, v9;
	v13 =	vld [tilespmem:s15+$0x20];
	v10 =	vadd.f32 v14, v10  }
0x1c8: {  	v14 =	vld [tilespmem:s15+$0x30]  }
0x1c9: {  	v55 =	vld [tilespmem:s15+$0x50];
	v9 =	vadd.f32 v15, v9;
	v10 =	vadd.f32 v54, v10  }
0x1ca: {  	v15 =	vld [tilespmem:s15+$0x40]  }
0x1cb: {  	v9 =	vadd.f32 v11, v9;
	v11 =	vld [tilespmem:s15+$0x60];
	v10 =	vadd.f32 v12, v10  }
0x1cc: {  	v12 =	vld [tilespmem:s15+$0x70]  }
0x1cd: {  	v9 =	vadd.f32 v13, v9;
	v13 =	vld [tilespmem:s15+$0x80];
	v10 =	vadd.f32 v14, v10  }
0x1ce: {  	v14 =	vld [tilespmem:s15+$0x90]  }
0x1cf: {  	v56 =	vld [tilespmem:s15+$0xB0];
	v9 =	vadd.f32 v15, v9;
	v10 =	vadd.f32 v55, v10  }
0x1d0: {  	v15 =	vld [tilespmem:s15+$0xA0]  }
0x1d1: {  	v9 =	vadd.f32 v11, v9;
	v11 =	vld [tilespmem:s15+$0xC0];
	v10 =	vadd.f32 v12, v10  }
0x1d2: {  	v12 =	vld [tilespmem:s15+$0xD0]  }
0x1d3: {  	v9 =	vadd.f32 v13, v9;
	v13 =	vld [tilespmem:s15+$0xE0];
	v10 =	vadd.f32 v14, v10  }
0x1d4: {  	v14 =	vld [tilespmem:s15+$0xF0]  }
0x1d5: {  	v57 =	vld [tilespmem:s15+$0x110];
	v9 =	vadd.f32 v15, v9;
	v10 =	vadd.f32 v56, v10  }
0x1d6: {  	v15 =	vld [tilespmem:s15+$0x100]  }
0x1d7: {  	v9 =	vadd.f32 v11, v9;
	v11 =	vld [tilespmem:s15+$0x120];
	v10 =	vadd.f32 v12, v10  }
0x1d8: {  	v12 =	vld [tilespmem:s15+$0x130]  }
0x1d9: {  	v9 =	vadd.f32 v13, v9;
	v13 =	vld [tilespmem:s15+$0x140];
	v10 =	vadd.f32 v14, v10  }
0x1da: {  	v14 =	vld [tilespmem:s15+$0x150]  }
0x1db: {  	v58 =	vld [tilespmem:s15+$0x170];
	v9 =	vadd.f32 v15, v9;
	v10 =	vadd.f32 v57, v10  }
0x1dc: {  	v15 =	vld [tilespmem:s15+$0x160]  }
0x1dd: {  	v9 =	vadd.f32 v11, v9;
	v11 =	vld [tilespmem:s15+$0x180];
	v10 =	vadd.f32 v12, v10  }
0x1de: {  	v12 =	vld [tilespmem:s15+$0x190]  }
0x1df: {  	v9 =	vadd.f32 v13, v9;
	v13 =	vld [tilespmem:s15+$0x1A0];
	v10 =	vadd.f32 v14, v10  }
0x1e0: {  	v14 =	vld [tilespmem:s15+$0x1B0]  }
0x1e1: {  	v59 =	vld [tilespmem:s15+$0x1D0];
	v9 =	vadd.f32 v15, v9;
	v10 =	vadd.f32 v58, v10  }
0x1e2: {  	v15 =	vld [tilespmem:s15+$0x1C0]  }
0x1e3: {  	v9 =	vadd.f32 v11, v9;
	v11 =	vld [tilespmem:s15+$0x1E0];
	v10 =	vadd.f32 v12, v10  }
0x1e4: {  	v12 =	vld [tilespmem:s15+$0x1F0]  }
0x1e5: {  	v9 =	vadd.f32 v13, v9;
	v13 =	vld [tilespmem:s15+$0x200];
	v10 =	vadd.f32 v14, v10  }
0x1e6: {  	v14 =	vld [tilespmem:s15+$0x210]  }
0x1e7: {  	v60 =	vld [tilespmem:s15+$0x230];
	v9 =	vadd.f32 v15, v9;
	v10 =	vadd.f32 v59, v10  }
0x1e8: {  	v15 =	vld [tilespmem:s15+$0x220]  }
0x1e9: {  	v9 =	vadd.f32 v11, v9;
	v11 =	vld [tilespmem:s15+$0x240];
	v10 =	vadd.f32 v12, v10  }
0x1ea: {  	v12 =	vld [tilespmem:s15+$0x250]  }
0x1eb: {  	v9 =	vadd.f32 v13, v9;
	v13 =	vld [tilespmem:s15+$0x260];
	v10 =	vadd.f32 v14, v10  }
0x1ec: {  	v14 =	vld [tilespmem:s15+$0x270]  }
0x1ed: {  	v61 =	vld [tilespmem:s15+$0x290];
	v9 =	vadd.f32 v15, v9;
	v10 =	vadd.f32 v60, v10  }
0x1ee: {  	v15 =	vld [tilespmem:s15+$0x280]  }
0x1ef: {  	v9 =	vadd.f32 v11, v9;
	v11 =	vld [tilespmem:s15+$0x2A0];
	v10 =	vadd.f32 v12, v10  }
0x1f0: {  	v12 =	vld [tilespmem:s15+$0x2B0]  }
0x1f1: {  	v9 =	vadd.f32 v13, v9;
	v13 =	vld [tilespmem:s15+$0x2C0];
	v10 =	vadd.f32 v14, v10  }
0x1f2: {  	v14 =	vld [tilespmem:s15+$0x2D0]  }
0x1f3: {  	v62 =	vld [tilespmem:s15+$0x2F0];
	v9 =	vadd.f32 v15, v9;
	v10 =	vadd.f32 v61, v10  }
0x1f4: {  	v15 =	vld [tilespmem:s15+$0x2E0]  }
0x1f5: {  	v9 =	vadd.f32 v11, v9;
	v11 =	vld [tilespmem:s15+$0x300];
	v10 =	vadd.f32 v12, v10  }
0x1f6: {  	v12 =	vld [tilespmem:s15+$0x310]  }
0x1f7: {  	s12 =	sadd.s32 $0x20, s12;
	v9 =	vadd.f32 v13, v9;
	v10 =	vadd.f32 v14, v10  }
0x1f8: {  	s13 =	sadd.s32 $0x20, s13;
	v63 =	vld [tilespmem:s12+$0x0]  }
0x1f9: {  	v14 =	vld [tilespmem:s13+$0xFFFFFFF0];
	v9 =	vadd.f32 v15, v9;
	v10 =	vadd.f32 v62, v10  }
0x1fa: {  	s16 =	sadd.s32 $0x20, s14;
	v15 =	vld [tilespmem:s13+$0x0]  }
0x1fb: {  	v9 =	vadd.f32 v11, v9;
	v11 =	vld [tilespmem:s16+$0xFFFFFFF0];
	v10 =	vadd.f32 v12, v10  }
0x1fc: {  	v5 =	vmul.f32 v5, v7;
	v12 =	vld [tilespmem:s16+$0x0]  }
0x1fd: {  	v13 =	vld [tilespmem:s12+$0xFFFFFFF0];
	v9 =	vmul.f32 $1.999999960e-02, v9;
	v10 =	vmul.f32 $1.999999960e-02, v10  }
0x1fe: {  	v6 =	vmul.f32 v6, v8;
	v3 =	vmul.f32 v3, v7  }
0x1ff: {  	v4 =	vmul.f32 v4, v8;
	v9 =	vadd.f32 v9, v14;
	v10 =	vadd.f32 v10, v15  }
0x200: {  	v5 =	vadd.f32 v6, v5  }
0x201: {  	v3 =	vadd.f32 v4, v3;
	v6 =	vmul.f32 v11, v9;
	v7 =	vmul.f32 v12, v10  }
0x202: {  	(xrf2) =	vadd.scan.msk.f32 $0xffff, v5;
	v4 =	vmul.f32 v13, v9;
	v8 =	vmul.f32 v63, v10  }
0x203: {  	(xrf2) =	vadd.scan.msk.f32 $0xffff, v3;
	v5 =	vadd.f32 v7, v6  }
0x204: {  	v3 =	vadd.f32 v8, v4  }
0x205: {  	(xrf2) =	vadd.scan.msk.f32 $0xffff, v5  }
0x206: {  	(xrf2) =	vadd.scan.msk.f32 $0xffff, v3;
	_ =	sdelay $0x5  }
0x207: {  	v3, _, _ =	vpop (xrf2)  }
0x208: {  	v4, _, _ =	vpop (xrf2)  }
0x209: {  	v6 =	vmov s10;
	v4 =	vbroadcast v4, $0xF  }
0x20a: {  	s14 =	sadd.s32 $0x20, s5;
	vm0 =	veq.s32 v6, v0;
	v3 =	vbroadcast v3, $0xF;
	v5, _, _ =	vpop (xrf2)  }
0x20b: {  	s10 =	sand.u32 $0x1E0, s14;
	v6 =	vmov s11;
	v2 =	vsel vm0, v4, v2;
	v7, _, _ =	vpop (xrf2);
	v4 =	vbroadcast v5, $0xF  }
0x20c: {  	s10 =	sor.u32 s9, s10;
	vm1 =	veq.s32 v6, v0;
	v1 =	vsel vm0, v3, v1;
	v7 =	vbroadcast v7, $0xF  }
0x20d: {  	s15 =	smul.u32 $0x7, s10;
	v1 =	vsel vm1, v4, v1  }
0x20e: {  	v2 =	vsel vm1, v7, v2;
	[tilespmem:s5+$0x200] =	vst v1  }
0x20f: {  	s11 =	sadd.s32 s2, s15;
	[tilespmem:s5+$0x0] =	vst v2;
	s5 =	simm.s32 $0x0  }
0x210: {  	[tilespmem:s17], [sflag:$0x3] =	stream.linear.gather [hbm4b:s11+s5], $0x380, $0x38;
	[tilespmem:$0xDF60] =	vst v63  }
0x211: {  	_ =	swait.ge [sflag:s18], $0x380  }
0x212: {  	s10 =	sshrl.u32 s10, $0x3;
	[sflag:s18] =	ssyncset.done $0x0  }
0x213: {  	s16 =	sadd.s32 s1, s10;
	[sflag:s18] =	ssyncadd.s32 $0xFFFFFC80  }
0x214: {  	[tilespmem:s19], [sflag:$0x3] =	stream.linear.gather [hbm4b:s16+s5], $0x10, $0x38;
	[tilespmem:$0xDF60] =	vst v63  }
0x215: {  	_ =	swait.ge [sflag:s18], $0x10  }
0x216: {  	[sflag:s18] =	ssyncset.done $0x0  }
0x217: {  	s12 =	sadd.s32 s3, s10;
	[sflag:s18] =	ssyncadd.s32 $0xFFFFFFF0  }
0x218: {  	[tilespmem:s20], [sflag:$0x3] =	stream.linear.gather [hbm4b:s12+s5], $0x10, $0x38;
	[tilespmem:$0xDF60] =	vst v63  }
0x219: {  	_ =	swait.ge [sflag:s18], $0x10  }
0x21a: {  	[sflag:s18] =	ssyncset.done $0x0  }
0x21b: {  	s10 =	sadd.s32 s4, s10;
	[sflag:s18] =	ssyncadd.s32 $0xFFFFFFF0  }
0x21c: {  	[tilespmem:s21], [sflag:$0x3] =	stream.linear.gather [hbm4b:s10+s5], $0x10, $0x38;
	[tilespmem:$0xDF60] =	vst v63  }
0x21d: {  	_ =	swait.ge [sflag:s18], $0x10  }
0x21e: {  	[sflag:s18] =	ssyncset.done $0x0  }
0x21f: {  	s13 =	simm.s32 $0xD360;
	[sflag:s18] =	ssyncadd.s32 $0xFFFFFFF0  }
0x220: {  	[tilespmem:s13], [sflag:$0x1] =	stream.indirect.gather [hbm4b:s7+s22], $0x20, s19, s22, $0xb8;
	[tilespmem:$0xDF60] =	vst v63  }
0x221: {  	s14 =	simm.s32 $0xD760  }
0x222: {  	[tilespmem:s14], [sflag:$0x1] =	stream.indirect.gather [hbm4b:s8+s22], $0x20, s20, s22, $0xb8;
	[tilespmem:$0xDF60] =	vst v63  }
0x223: {  	s15 =	simm.s32 $0xDB60  }
0x224: {  	[tilespmem:s15], [sflag:$0x1] =	stream.indirect.gather [hbm4b:s8+s22], $0x20, s21, s22, $0xb8;
	[tilespmem:$0xDF60] =	vst v63  }
0x225: {  	s16 =	simm.s32 $0xB00  }
0x226: {  	[tilespmem:s16], [sflag:$0x1] =	stream.indirect.gather [hbm4b:s8+s26], $0x20, s17, s26, $0xb8;
	[tilespmem:$0xDF60] =	vst v63  }
0x227: {  	s11 =	simm.s32 $0x438;
	s12 =	simm.s32 $0x1140  }
0x228: {  	[tilespmem:s12], [sflag:$0x1] =	stream.indirect.gather [hbm4b:s8+s26], $0x20, s11, s26, $0xb8;
	[tilespmem:$0xDF60] =	vst v63  }
0x229: {  	s13 =	simm.s32 $0x470;
	s14 =	simm.s32 $0x1780  }
0x22a: {  	[tilespmem:s14], [sflag:$0x1] =	stream.indirect.gather [hbm4b:s8+s26], $0x20, s13, s26, $0xb8;
	[tilespmem:$0xDF60] =	vst v63  }
0x22b: {  	s15 =	simm.s32 $0x4A8;
	s16 =	simm.s32 $0x1DC0  }
0x22c: {  	[tilespmem:s16], [sflag:$0x1] =	stream.indirect.gather [hbm4b:s8+s26], $0x20, s15, s26, $0xb8;
	[tilespmem:$0xDF60] =	vst v63  }
0x22d: {  	s11 =	simm.s32 $0x4E0;
	s12 =	simm.s32 $0x2400  }
0x22e: {  	[tilespmem:s12], [sflag:$0x1] =	stream.indirect.gather [hbm4b:s8+s26], $0x20, s11, s26, $0xb8;
	[tilespmem:$0xDF60] =	vst v63  }
0x22f: {  	s13 =	simm.s32 $0x518;
	s14 =	simm.s32 $0x2A40  }
0x230: {  	[tilespmem:s14], [sflag:$0x1] =	stream.indirect.gather [hbm4b:s8+s26], $0x20, s13, s26, $0xb8;
	[tilespmem:$0xDF60] =	vst v63  }
0x231: {  	s15 =	simm.s32 $0x550;
	s16 =	simm.s32 $0x3080  }
0x232: {  	[tilespmem:s16], [sflag:$0x1] =	stream.indirect.gather [hbm4b:s8+s26], $0x20, s15, s26, $0xb8;
	[tilespmem:$0xDF60] =	vst v63  }
0x233: {  	s11 =	simm.s32 $0x588;
	s12 =	simm.s32 $0x36C0  }
0x234: {  	[tilespmem:s12], [sflag:$0x1] =	stream.indirect.gather [hbm4b:s8+s26], $0x20, s11, s26, $0xb8;
	[tilespmem:$0xDF60] =	vst v63  }
0x235: {  	s13 =	simm.s32 $0x5C0;
	s14 =	simm.s32 $0x3D00  }
0x236: {  	[tilespmem:s14], [sflag:$0x1] =	stream.indirect.gather [hbm4b:s8+s26], $0x20, s13, s26, $0xb8;
	[tilespmem:$0xDF60] =	vst v63  }
0x237: {  	s15 =	simm.s32 $0x5F8;
	s16 =	simm.s32 $0x4340  }
0x238: {  	[tilespmem:s16], [sflag:$0x1] =	stream.indirect.gather [hbm4b:s8+s26], $0x20, s15, s26, $0xb8;
	[tilespmem:$0xDF60] =	vst v63  }
0x239: {  	s11 =	simm.s32 $0x630;
	s12 =	simm.s32 $0x4980  }
0x23a: {  	[tilespmem:s12], [sflag:$0x1] =	stream.indirect.gather [hbm4b:s8+s26], $0x20, s11, s26, $0xb8;
	[tilespmem:$0xDF60] =	vst v63  }
0x23b: {  	s13 =	simm.s32 $0x668;
	s14 =	simm.s32 $0x4FC0  }
0x23c: {  	[tilespmem:s14], [sflag:$0x1] =	stream.indirect.gather [hbm4b:s8+s26], $0x20, s13, s26, $0xb8;
	[tilespmem:$0xDF60] =	vst v63  }
0x23d: {  	s15 =	simm.s32 $0x6A0;
	s16 =	simm.s32 $0x5600  }
0x23e: {  	[tilespmem:s16], [sflag:$0x1] =	stream.indirect.gather [hbm4b:s8+s26], $0x20, s15, s26, $0xb8;
	[tilespmem:$0xDF60] =	vst v63  }
0x23f: {  	s11 =	simm.s32 $0x6D8;
	s12 =	simm.s32 $0x5C40  }
0x240: {  	[tilespmem:s12], [sflag:$0x1] =	stream.indirect.gather [hbm4b:s8+s26], $0x20, s11, s26, $0xb8;
	[tilespmem:$0xDF60] =	vst v63  }
0x241: {  	s13 =	simm.s32 $0x710;
	s14 =	simm.s32 $0x6280  }
0x242: {  	[tilespmem:s14], [sflag:$0x1] =	stream.indirect.gather [hbm4b:s8+s26], $0x20, s13, s26, $0xb8;
	[tilespmem:$0xDF60] =	vst v63  }
0x243: {  	s15 =	simm.s32 $0x748  }
0x244: {  	[tilespmem:s6], [sflag:$0x1] =	stream.indirect.gather [hbm4b:s8+s26], $0x20, s15, s26, $0xb8;
	[tilespmem:$0xDF60] =	vst v63  }
0x245: {  	_ =	swait.ge [sflag:s30], $0x200  }
0x246: {  	[sflag:s30] =	ssyncset.done $0x0  }
0x247: {  	[sflag:s30] =	ssyncadd.s32 $0xFFFFFE00  }
0x248: {  	_ =	swait.ge [sflag:s30], $0x200  }
0x249: {  	[sflag:s30] =	ssyncset.done $0x0  }
0x24a: {  	[sflag:s30] =	ssyncadd.s32 $0xFFFFFE00  }
0x24b: {  	_ =	swait.ge [sflag:s30], $0x200  }
0x24c: {  	[sflag:s30] =	ssyncset.done $0x0  }
0x24d: {  	[sflag:s30] =	ssyncadd.s32 $0xFFFFFE00  }
0x24e: {  	_ =	swait.ge [sflag:s30], $0x640  }
0x24f: {  	[sflag:s30] =	ssyncset.done $0x0  }
0x250: {  	[sflag:s30] =	ssyncadd.s32 $0xFFFFF9C0  }
0x251: {  	_ =	swait.ge [sflag:s30], $0x640  }
0x252: {  	[sflag:s30] =	ssyncset.done $0x0  }
0x253: {  	[sflag:s30] =	ssyncadd.s32 $0xFFFFF9C0  }
0x254: {  	_ =	swait.ge [sflag:s30], $0x640  }
0x255: {  	[sflag:s30] =	ssyncset.done $0x0  }
0x256: {  	[sflag:s30] =	ssyncadd.s32 $0xFFFFF9C0  }
0x257: {  	_ =	swait.ge [sflag:s30], $0x640  }
0x258: {  	[sflag:s30] =	ssyncset.done $0x0  }
0x259: {  	[sflag:s30] =	ssyncadd.s32 $0xFFFFF9C0  }
0x25a: {  	_ =	swait.ge [sflag:s30], $0x640  }
0x25b: {  	[sflag:s30] =	ssyncset.done $0x0  }
0x25c: {  	[sflag:s30] =	ssyncadd.s32 $0xFFFFF9C0  }
0x25d: {  	_ =	swait.ge [sflag:s30], $0x640  }
0x25e: {  	[sflag:s30] =	ssyncset.done $0x0  }
0x25f: {  	[sflag:s30] =	ssyncadd.s32 $0xFFFFF9C0  }
0x260: {  	_ =	swait.ge [sflag:s30], $0x640  }
0x261: {  	[sflag:s30] =	ssyncset.done $0x0  }
0x262: {  	[sflag:s30] =	ssyncadd.s32 $0xFFFFF9C0  }
0x263: {  	_ =	swait.ge [sflag:s30], $0x640  }
0x264: {  	[sflag:s30] =	ssyncset.done $0x0  }
0x265: {  	[sflag:s30] =	ssyncadd.s32 $0xFFFFF9C0  }
0x266: {  	_ =	swait.ge [sflag:s30], $0x640  }
0x267: {  	[sflag:s30] =	ssyncset.done $0x0  }
0x268: {  	[sflag:s30] =	ssyncadd.s32 $0xFFFFF9C0  }
0x269: {  	_ =	swait.ge [sflag:s30], $0x640  }
0x26a: {  	[sflag:s30] =	ssyncset.done $0x0  }
0x26b: {  	[sflag:s30] =	ssyncadd.s32 $0xFFFFF9C0  }
0x26c: {  	_ =	swait.ge [sflag:s30], $0x640  }
0x26d: {  	[sflag:s30] =	ssyncset.done $0x0  }
0x26e: {  	[sflag:s30] =	ssyncadd.s32 $0xFFFFF9C0  }
0x26f: {  	_ =	swait.ge [sflag:s30], $0x640  }
0x270: {  	[sflag:s30] =	ssyncset.done $0x0  }
0x271: {  	[sflag:s30] =	ssyncadd.s32 $0xFFFFF9C0  }
0x272: {  	_ =	swait.ge [sflag:s30], $0x640  }
0x273: {  	[sflag:s30] =	ssyncset.done $0x0  }
0x274: {  	[sflag:s30] =	ssyncadd.s32 $0xFFFFF9C0  }
0x275: {  	_ =	swait.ge [sflag:s30], $0x640  }
0x276: {  	[sflag:s30] =	ssyncset.done $0x0  }
0x277: {  	[sflag:s30] =	ssyncadd.s32 $0xFFFFF9C0  }
0x278: {  	_ =	swait.ge [sflag:s30], $0x640  }
0x279: {  	[sflag:s30] =	ssyncset.done $0x0  }
0x27a: {  	[sflag:s30] =	ssyncadd.s32 $0xFFFFF9C0  }
0x27b: {  	_ =	swait.ge [sflag:s30], $0x640  }
0x27c: {  	[sflag:s30] =	ssyncset.done $0x0  }
0x27d: {  	s16 =	simm.s32 $0x7220;
	[sflag:s30] =	ssyncadd.s32 $0xFFFFF9C0  }
0x27e: {  	v1 =	vld [tilespmem:s16+$0xFFFFFCE0]  }
0x27f: {  	v2 =	vld [tilespmem:s16+$0xFFFFFCF0]  }
0x280: {  	v3 =	vld [tilespmem:s16+$0xFFFFFD00]  }
0x281: {  	v4 =	vld [tilespmem:s16+$0xFFFFFD10]  }
0x282: {  	v5 =	vld [tilespmem:s16+$0xFFFFFD20]  }
0x283: {  	v6 =	vld [tilespmem:s16+$0xFFFFFD30]  }
0x284: {  	v7 =	vld [tilespmem:s16+$0xFFFFFD40]  }
0x285: {  	v8 =	vld [tilespmem:s16+$0xFFFFFD50]  }
0x286: {  	v9 =	vld [tilespmem:s16+$0xFFFFFD60];
	v1 =	vadd.f32 v3, v1;
	v2 =	vadd.f32 v4, v2  }
0x287: {  	v3 =	vld [tilespmem:s16+$0xFFFFFD70]  }
0x288: {  	v4 =	vld [tilespmem:s16+$0xFFFFFD80];
	v1 =	vadd.f32 v5, v1;
	v2 =	vadd.f32 v6, v2  }
0x289: {  	v5 =	vld [tilespmem:s16+$0xFFFFFD90]  }
0x28a: {  	v6 =	vld [tilespmem:s16+$0xFFFFFDA0];
	v1 =	vadd.f32 v7, v1;
	v2 =	vadd.f32 v8, v2  }
0x28b: {  	v7 =	vld [tilespmem:s16+$0xFFFFFDB0]  }
0x28c: {  	v8 =	vld [tilespmem:s16+$0xFFFFFDC0];
	v1 =	vadd.f32 v9, v1;
	v2 =	vadd.f32 v3, v2  }
0x28d: {  	v3 =	vld [tilespmem:s16+$0xFFFFFDD0]  }
0x28e: {  	v9 =	vld [tilespmem:s16+$0xFFFFFDE0];
	v1 =	vadd.f32 v4, v1;
	v2 =	vadd.f32 v5, v2  }
0x28f: {  	v4 =	vld [tilespmem:s16+$0xFFFFFDF0]  }
0x290: {  	v5 =	vld [tilespmem:s16+$0xFFFFFE00];
	v1 =	vadd.f32 v6, v1;
	v2 =	vadd.f32 v7, v2  }
0x291: {  	v6 =	vld [tilespmem:s16+$0xFFFFFE10]  }
0x292: {  	v7 =	vld [tilespmem:s16+$0xFFFFFE20];
	v1 =	vadd.f32 v8, v1;
	v2 =	vadd.f32 v3, v2  }
0x293: {  	v3 =	vld [tilespmem:s16+$0xFFFFFE30]  }
0x294: {  	v8 =	vld [tilespmem:s16+$0xFFFFFE40];
	v1 =	vadd.f32 v9, v1;
	v2 =	vadd.f32 v4, v2  }
0x295: {  	v4 =	vld [tilespmem:s16+$0xFFFFFE50]  }
0x296: {  	v9 =	vld [tilespmem:s16+$0xFFFFFE60];
	v1 =	vadd.f32 v5, v1;
	v2 =	vadd.f32 v6, v2  }
0x297: {  	v5 =	vld [tilespmem:s16+$0xFFFFFE70]  }
0x298: {  	v6 =	vld [tilespmem:s16+$0xFFFFFE80];
	v1 =	vadd.f32 v7, v1;
	v2 =	vadd.f32 v3, v2  }
0x299: {  	v3 =	vld [tilespmem:s16+$0xFFFFFE90]  }
0x29a: {  	v7 =	vld [tilespmem:s16+$0xFFFFFEA0];
	v1 =	vadd.f32 v8, v1;
	v2 =	vadd.f32 v4, v2  }
0x29b: {  	v4 =	vld [tilespmem:s16+$0xFFFFFEB0]  }
0x29c: {  	v8 =	vld [tilespmem:s16+$0xFFFFFEC0];
	v1 =	vadd.f32 v9, v1;
	v2 =	vadd.f32 v5, v2  }
0x29d: {  	v5 =	vld [tilespmem:s16+$0xFFFFFED0]  }
0x29e: {  	v9 =	vld [tilespmem:s16+$0xFFFFFEE0];
	v1 =	vadd.f32 v6, v1;
	v2 =	vadd.f32 v3, v2  }
0x29f: {  	v3 =	vld [tilespmem:s16+$0xFFFFFEF0]  }
0x2a0: {  	v6 =	vld [tilespmem:s16+$0xFFFFFF00];
	v1 =	vadd.f32 v7, v1;
	v2 =	vadd.f32 v4, v2  }
0x2a1: {  	v4 =	vld [tilespmem:s16+$0xFFFFFF10]  }
0x2a2: {  	v7 =	vld [tilespmem:s16+$0xFFFFFF20];
	v1 =	vadd.f32 v8, v1;
	v2 =	vadd.f32 v5, v2  }
0x2a3: {  	v5 =	vld [tilespmem:s16+$0xFFFFFF30]  }
0x2a4: {  	v8 =	vld [tilespmem:s16+$0xFFFFFF40];
	v1 =	vadd.f32 v9, v1;
	v2 =	vadd.f32 v3, v2  }
0x2a5: {  	v3 =	vld [tilespmem:s16+$0xFFFFFF50]  }
0x2a6: {  	v9 =	vld [tilespmem:s16+$0xFFFFFF60];
	v1 =	vadd.f32 v6, v1;
	v2 =	vadd.f32 v4, v2  }
0x2a7: {  	v4 =	vld [tilespmem:s16+$0xFFFFFF70]  }
0x2a8: {  	v6 =	vld [tilespmem:s16+$0xFFFFFF80];
	v1 =	vadd.f32 v7, v1;
	v2 =	vadd.f32 v5, v2  }
0x2a9: {  	v5 =	vld [tilespmem:s16+$0xFFFFFF90]  }
0x2aa: {  	v7 =	vld [tilespmem:s16+$0xFFFFFFA0];
	v1 =	vadd.f32 v8, v1;
	v2 =	vadd.f32 v3, v2  }
0x2ab: {  	v3 =	vld [tilespmem:s16+$0xFFFFFFB0]  }
0x2ac: {  	v8 =	vld [tilespmem:s16+$0xFFFFFFC0];
	v1 =	vadd.f32 v9, v1;
	v2 =	vadd.f32 v4, v2  }
0x2ad: {  	v4 =	vld [tilespmem:s16+$0xFFFFFFD0]  }
0x2ae: {  	v9 =	vld [tilespmem:s16+$0xFFFFFFE0];
	v1 =	vadd.f32 v6, v1;
	v2 =	vadd.f32 v5, v2  }
0x2af: {  	v5 =	vld [tilespmem:s16+$0xFFFFFFF0]  }
0x2b0: {  	v6 =	vld [tilespmem:s16+$0x0];
	v1 =	vadd.f32 v7, v1;
	v2 =	vadd.f32 v3, v2  }
0x2b1: {  	v3 =	vld [tilespmem:s16+$0x10]  }
0x2b2: {  	v7 =	vld [tilespmem:s16+$0x20];
	v1 =	vadd.f32 v8, v1;
	v2 =	vadd.f32 v4, v2  }
0x2b3: {  	v4 =	vld [tilespmem:s16+$0x30]  }
0x2b4: {  	v8 =	vld [tilespmem:s16+$0x40];
	v1 =	vadd.f32 v9, v1;
	v2 =	vadd.f32 v5, v2  }
0x2b5: {  	v5 =	vld [tilespmem:s16+$0x50]  }
0x2b6: {  	v9 =	vld [tilespmem:s16+$0x60];
	v1 =	vadd.f32 v6, v1;
	v2 =	vadd.f32 v3, v2  }
0x2b7: {  	v3 =	vld [tilespmem:s16+$0x70]  }
0x2b8: {  	v6 =	vld [tilespmem:s16+$0x80];
	v1 =	vadd.f32 v7, v1;
	v2 =	vadd.f32 v4, v2  }
0x2b9: {  	v4 =	vld [tilespmem:s16+$0x90]  }
0x2ba: {  	v7 =	vld [tilespmem:s16+$0xA0];
	v1 =	vadd.f32 v8, v1;
	v2 =	vadd.f32 v5, v2  }
0x2bb: {  	v5 =	vld [tilespmem:s16+$0xB0]  }
0x2bc: {  	v8 =	vld [tilespmem:s16+$0xC0];
	v1 =	vadd.f32 v9, v1;
	v2 =	vadd.f32 v3, v2  }
0x2bd: {  	v3 =	vld [tilespmem:s16+$0xD0]  }
0x2be: {  	v9 =	vld [tilespmem:s16+$0xE0];
	v1 =	vadd.f32 v6, v1;
	v2 =	vadd.f32 v4, v2  }
0x2bf: {  	v4 =	vld [tilespmem:s16+$0xF0]  }
0x2c0: {  	v6 =	vld [tilespmem:s16+$0x100];
	v1 =	vadd.f32 v7, v1;
	v2 =	vadd.f32 v5, v2  }
0x2c1: {  	v5 =	vld [tilespmem:s16+$0x110]  }
0x2c2: {  	v7 =	vld [tilespmem:s16+$0x120];
	v1 =	vadd.f32 v8, v1;
	v2 =	vadd.f32 v3, v2  }
0x2c3: {  	v3 =	vld [tilespmem:s16+$0x130]  }
0x2c4: {  	v8 =	vld [tilespmem:s16+$0x140];
	v1 =	vadd.f32 v9, v1;
	v2 =	vadd.f32 v4, v2  }
0x2c5: {  	v4 =	vld [tilespmem:s16+$0x150]  }
0x2c6: {  	v9 =	vld [tilespmem:s16+$0x160];
	v1 =	vadd.f32 v6, v1;
	v2 =	vadd.f32 v5, v2  }
0x2c7: {  	v5 =	vld [tilespmem:s16+$0x170]  }
0x2c8: {  	v6 =	vld [tilespmem:s16+$0x180];
	v1 =	vadd.f32 v7, v1;
	v2 =	vadd.f32 v3, v2  }
0x2c9: {  	v3 =	vld [tilespmem:s16+$0x190]  }
0x2ca: {  	v7 =	vld [tilespmem:s16+$0x1A0];
	v1 =	vadd.f32 v8, v1;
	v2 =	vadd.f32 v4, v2  }
0x2cb: {  	v4 =	vld [tilespmem:s16+$0x1B0]  }
0x2cc: {  	v8 =	vld [tilespmem:s16+$0x1C0];
	v1 =	vadd.f32 v9, v1;
	v2 =	vadd.f32 v5, v2  }
0x2cd: {  	v5 =	vld [tilespmem:s16+$0x1D0]  }
0x2ce: {  	v9 =	vld [tilespmem:s16+$0x1E0];
	v1 =	vadd.f32 v6, v1;
	v2 =	vadd.f32 v3, v2  }
0x2cf: {  	v3 =	vld [tilespmem:s16+$0x1F0]  }
0x2d0: {  	v6 =	vld [tilespmem:s16+$0x200];
	v1 =	vadd.f32 v7, v1;
	v2 =	vadd.f32 v4, v2  }
0x2d1: {  	v4 =	vld [tilespmem:s16+$0x210]  }
0x2d2: {  	v7 =	vld [tilespmem:s16+$0x220];
	v1 =	vadd.f32 v8, v1;
	v2 =	vadd.f32 v5, v2  }
0x2d3: {  	v5 =	vld [tilespmem:s16+$0x230]  }
0x2d4: {  	v8 =	vld [tilespmem:s16+$0x240];
	v1 =	vadd.f32 v9, v1;
	v2 =	vadd.f32 v3, v2  }
0x2d5: {  	v3 =	vld [tilespmem:s16+$0x250]  }
0x2d6: {  	v9 =	vld [tilespmem:s16+$0x260];
	v1 =	vadd.f32 v6, v1;
	v2 =	vadd.f32 v4, v2  }
0x2d7: {  	v4 =	vld [tilespmem:s16+$0x270]  }
0x2d8: {  	v6 =	vld [tilespmem:s16+$0x280];
	v1 =	vadd.f32 v7, v1;
	v2 =	vadd.f32 v5, v2  }
0x2d9: {  	v5 =	vld [tilespmem:s16+$0x290]  }
0x2da: {  	v7 =	vld [tilespmem:s16+$0x2A0];
	v1 =	vadd.f32 v8, v1;
	v2 =	vadd.f32 v3, v2  }
0x2db: {  	v3 =	vld [tilespmem:s16+$0x2B0]  }
0x2dc: {  	v8 =	vld [tilespmem:s16+$0x2C0];
	v1 =	vadd.f32 v9, v1;
	v2 =	vadd.f32 v4, v2  }
0x2dd: {  	v4 =	vld [tilespmem:s16+$0x2D0]  }
0x2de: {  	v9 =	vld [tilespmem:s16+$0x2E0];
	v1 =	vadd.f32 v6, v1;
	v2 =	vadd.f32 v5, v2  }
0x2df: {  	v5 =	vld [tilespmem:s16+$0x2F0]  }
0x2e0: {  	v6 =	vld [tilespmem:s16+$0x300];
	v1 =	vadd.f32 v7, v1;
	v2 =	vadd.f32 v3, v2  }
0x2e1: {  	s12 =	simm.s32 $0xD570;
	v7 =	vld [tilespmem:s16+$0x310]  }
0x2e2: {  	s14 =	simm.s32 $0x7860;
	v12 =	vld [tilespmem:s12+$0x0];
	v1 =	vadd.f32 v8, v1;
	v2 =	vadd.f32 v4, v2  }
0x2e3: {  	s11 =	simm.s32 $0xD970;
	v10 =	vld [tilespmem:s14+$0xFFFFFCF0]  }
0x2e4: {  	v3 =	vld [tilespmem:s11+$0xFFFFFFF0];
	v1 =	vadd.f32 v9, v1;
	v2 =	vadd.f32 v5, v2  }
0x2e5: {  	s13 =	simm.s32 $0xDD70;
	v8 =	vld [tilespmem:s12+$0xFFFFFFF0]  }
0x2e6: {  	v5 =	vld [tilespmem:s13+$0xFFFFFFF0];
	v1 =	vadd.f32 v6, v1;
	v2 =	vadd.f32 v7, v2  }
0x2e7: {  	v6 =	vld [tilespmem:s13+$0x0]  }
0x2e8: {  	v4 =	vld [tilespmem:s11+$0x0];
	v7 =	vmul.f32 $1.999999960e-02, v1;
	v2 =	vmul.f32 $1.999999960e-02, v2  }
0x2e9: {  	v11 =	vld [tilespmem:s14+$0xFFFFFD00]  }
0x2ea: {  	v9 =	vld [tilespmem:s14+$0xFFFFFCE0];
	v7 =	vadd.f32 v7, v8;
	v8 =	vadd.f32 v2, v12  }
0x2eb: {  	s10 =	simm.s32 $0x1;
	s15 =	simm.s32 $0x2;
	v1 =	vimm.f32 $0.0e+00;
	v12 =	vld [tilespmem:s14+$0xFFFFFD10];
	v2 =	vimm.f32 $0.0e+00  }
.LBB2_5:
0x2ec: {  	p0 =	sne.s32 s15, $0xF;
	v13 =	vld [tilespmem:s14+$0xFFFFFD20];
	v5 =	vmul.f32 v5, v7;
	v6 =	vmul.f32 v6, v8  }
0x2ed: {  	v3 =	vmul.f32 v3, v7;
	v4 =	vmul.f32 v4, v8;
	v14 =	vld [tilespmem:s14+$0xFFFFFD30]  }
0x2ee: {  	v7 =	vld [tilespmem:s14+$0xFFFFFD40];
	v5 =	vadd.f32 v6, v5  }
0x2ef: {  	v3 =	vadd.f32 v4, v3;
	v6 =	vld [tilespmem:s14+$0xFFFFFD50]  }
0x2f0: {  	v4 =	vadd.f32 v11, v9;
	v8 =	vadd.f32 v12, v10;
	v9 =	vld [tilespmem:s14+$0xFFFFFD60];
	(xrf2) =	vadd.scan.msk.f32 $0xffff, v5  }
0x2f1: {  	v5 =	vld [tilespmem:s14+$0xFFFFFD70]  }
0x2f2: {  	v4 =	vadd.f32 v13, v4;
	v8 =	vadd.f32 v14, v8;
	v10 =	vld [tilespmem:s14+$0xFFFFFD80]  }
0x2f3: {  	v11 =	vld [tilespmem:s14+$0xFFFFFD90];
	(xrf2) =	vadd.scan.msk.f32 $0xffff, v3  }
0x2f4: {  	v3 =	vadd.f32 v7, v4;
	v4 =	vadd.f32 v6, v8;
	v6 =	vld [tilespmem:s14+$0xFFFFFDA0]  }
0x2f5: {  	v7 =	vld [tilespmem:s14+$0xFFFFFDB0]  }
0x2f6: {  	v3 =	vadd.f32 v9, v3;
	v4 =	vadd.f32 v5, v4;
	v5 =	vld [tilespmem:s14+$0xFFFFFDC0]  }
0x2f7: {  	v8 =	vld [tilespmem:s14+$0xFFFFFDD0]  }
0x2f8: {  	v3 =	vadd.f32 v10, v3;
	v4 =	vadd.f32 v11, v4;
	v9 =	vld [tilespmem:s14+$0xFFFFFDE0]  }
0x2f9: {  	v10 =	vld [tilespmem:s14+$0xFFFFFDF0]  }
0x2fa: {  	v3 =	vadd.f32 v6, v3;
	v4 =	vadd.f32 v7, v4;
	v6 =	vld [tilespmem:s14+$0xFFFFFE00];
	v7, _, _ =	vpop (xrf2)  }
0x2fb: {  	v12 =	vmov s5;
	s5 =	smov.u32 s10;
	s10 =	smov.u32 s15;
	v11 =	vld [tilespmem:s14+$0xFFFFFE10];
	v13 =	vbroadcast v7, $0xF  }
0x2fc: {  	vm0 =	veq.s32 v12, v0;
	v3 =	vadd.f32 v5, v3;
	v4 =	vadd.f32 v8, v4;
	v5 =	vld [tilespmem:s14+$0xFFFFFE20]  }
0x2fd: {  	v8 =	vld [tilespmem:s14+$0xFFFFFE30];
	v1 =	vsel vm0, v13, v1;
	v7, _, _ =	vpop (xrf2)  }
0x2fe: {  	v3 =	vadd.f32 v9, v3;
	v4 =	vadd.f32 v10, v4;
	v9 =	vld [tilespmem:s14+$0xFFFFFE40];
	v7 =	vbroadcast v7, $0xF  }
0x2ff: {  	v10 =	vld [tilespmem:s14+$0xFFFFFE50]  }
0x300: {  	v3 =	vadd.f32 v6, v3;
	v4 =	vadd.f32 v11, v4;
	v6 =	vld [tilespmem:s14+$0xFFFFFE60];
	v2 =	vsel vm0, v7, v2  }
0x301: {  	v7 =	vld [tilespmem:s14+$0xFFFFFE70]  }
0x302: {  	v3 =	vadd.f32 v5, v3;
	v4 =	vadd.f32 v8, v4;
	v5 =	vld [tilespmem:s14+$0xFFFFFE80]  }
0x303: {  	v8 =	vld [tilespmem:s14+$0xFFFFFE90]  }
0x304: {  	v3 =	vadd.f32 v9, v3;
	v4 =	vadd.f32 v10, v4;
	v9 =	vld [tilespmem:s14+$0xFFFFFEA0]  }
0x305: {  	v10 =	vld [tilespmem:s14+$0xFFFFFEB0]  }
0x306: {  	v3 =	vadd.f32 v6, v3;
	v4 =	vadd.f32 v7, v4;
	v6 =	vld [tilespmem:s14+$0xFFFFFEC0]  }
0x307: {  	v7 =	vld [tilespmem:s14+$0xFFFFFED0]  }
0x308: {  	v3 =	vadd.f32 v5, v3;
	v4 =	vadd.f32 v8, v4;
	v5 =	vld [tilespmem:s14+$0xFFFFFEE0]  }
0x309: {  	v8 =	vld [tilespmem:s14+$0xFFFFFEF0]  }
0x30a: {  	v3 =	vadd.f32 v9, v3;
	v4 =	vadd.f32 v10, v4;
	v9 =	vld [tilespmem:s14+$0xFFFFFF00]  }
0x30b: {  	v10 =	vld [tilespmem:s14+$0xFFFFFF10]  }
0x30c: {  	v3 =	vadd.f32 v6, v3;
	v4 =	vadd.f32 v7, v4;
	v6 =	vld [tilespmem:s14+$0xFFFFFF20]  }
0x30d: {  	v7 =	vld [tilespmem:s14+$0xFFFFFF30]  }
0x30e: {  	v3 =	vadd.f32 v5, v3;
	v4 =	vadd.f32 v8, v4;
	v5 =	vld [tilespmem:s14+$0xFFFFFF40]  }
0x30f: {  	v8 =	vld [tilespmem:s14+$0xFFFFFF50]  }
0x310: {  	v3 =	vadd.f32 v9, v3;
	v4 =	vadd.f32 v10, v4;
	v9 =	vld [tilespmem:s14+$0xFFFFFF60]  }
0x311: {  	v10 =	vld [tilespmem:s14+$0xFFFFFF70]  }
0x312: {  	v3 =	vadd.f32 v6, v3;
	v4 =	vadd.f32 v7, v4;
	v6 =	vld [tilespmem:s14+$0xFFFFFF80]  }
0x313: {  	v7 =	vld [tilespmem:s14+$0xFFFFFF90]  }
0x314: {  	v3 =	vadd.f32 v5, v3;
	v4 =	vadd.f32 v8, v4;
	v5 =	vld [tilespmem:s14+$0xFFFFFFA0]  }
0x315: {  	v8 =	vld [tilespmem:s14+$0xFFFFFFB0]  }
0x316: {  	v3 =	vadd.f32 v9, v3;
	v4 =	vadd.f32 v10, v4;
	v9 =	vld [tilespmem:s14+$0xFFFFFFC0]  }
0x317: {  	v10 =	vld [tilespmem:s14+$0xFFFFFFD0]  }
0x318: {  	v3 =	vadd.f32 v6, v3;
	v4 =	vadd.f32 v7, v4;
	v6 =	vld [tilespmem:s14+$0xFFFFFFE0]  }
0x319: {  	v7 =	vld [tilespmem:s14+$0xFFFFFFF0]  }
0x31a: {  	v3 =	vadd.f32 v5, v3;
	v4 =	vadd.f32 v8, v4;
	v5 =	vld [tilespmem:s14+$0x0]  }
0x31b: {  	v8 =	vld [tilespmem:s14+$0x10]  }
0x31c: {  	v3 =	vadd.f32 v9, v3;
	v4 =	vadd.f32 v10, v4;
	v9 =	vld [tilespmem:s14+$0x20]  }
0x31d: {  	v10 =	vld [tilespmem:s14+$0x30]  }
0x31e: {  	v3 =	vadd.f32 v6, v3;
	v4 =	vadd.f32 v7, v4;
	v6 =	vld [tilespmem:s14+$0x40]  }
0x31f: {  	v7 =	vld [tilespmem:s14+$0x50]  }
0x320: {  	v3 =	vadd.f32 v5, v3;
	v4 =	vadd.f32 v8, v4;
	v5 =	vld [tilespmem:s14+$0x60]  }
0x321: {  	v8 =	vld [tilespmem:s14+$0x70]  }
0x322: {  	v3 =	vadd.f32 v9, v3;
	v4 =	vadd.f32 v10, v4;
	v9 =	vld [tilespmem:s14+$0x80]  }
0x323: {  	v10 =	vld [tilespmem:s14+$0x90]  }
0x324: {  	v3 =	vadd.f32 v6, v3;
	v4 =	vadd.f32 v7, v4;
	v6 =	vld [tilespmem:s14+$0xA0]  }
0x325: {  	v7 =	vld [tilespmem:s14+$0xB0]  }
0x326: {  	v3 =	vadd.f32 v5, v3;
	v4 =	vadd.f32 v8, v4;
	v5 =	vld [tilespmem:s14+$0xC0]  }
0x327: {  	v8 =	vld [tilespmem:s14+$0xD0]  }
0x328: {  	v3 =	vadd.f32 v9, v3;
	v4 =	vadd.f32 v10, v4;
	v9 =	vld [tilespmem:s14+$0xE0]  }
0x329: {  	v10 =	vld [tilespmem:s14+$0xF0]  }
0x32a: {  	v3 =	vadd.f32 v6, v3;
	v4 =	vadd.f32 v7, v4;
	v6 =	vld [tilespmem:s14+$0x100]  }
0x32b: {  	v7 =	vld [tilespmem:s14+$0x110]  }
0x32c: {  	v3 =	vadd.f32 v5, v3;
	v4 =	vadd.f32 v8, v4;
	v5 =	vld [tilespmem:s14+$0x120]  }
0x32d: {  	v8 =	vld [tilespmem:s14+$0x130]  }
0x32e: {  	v3 =	vadd.f32 v9, v3;
	v4 =	vadd.f32 v10, v4;
	v9 =	vld [tilespmem:s14+$0x140]  }
0x32f: {  	v10 =	vld [tilespmem:s14+$0x150]  }
0x330: {  	v3 =	vadd.f32 v6, v3;
	v4 =	vadd.f32 v7, v4;
	v6 =	vld [tilespmem:s14+$0x160]  }
0x331: {  	v7 =	vld [tilespmem:s14+$0x170]  }
0x332: {  	v3 =	vadd.f32 v5, v3;
	v4 =	vadd.f32 v8, v4;
	v5 =	vld [tilespmem:s14+$0x180]  }
0x333: {  	v8 =	vld [tilespmem:s14+$0x190]  }
0x334: {  	v3 =	vadd.f32 v9, v3;
	v4 =	vadd.f32 v10, v4;
	v9 =	vld [tilespmem:s14+$0x1A0]  }
0x335: {  	v10 =	vld [tilespmem:s14+$0x1B0]  }
0x336: {  	v3 =	vadd.f32 v6, v3;
	v4 =	vadd.f32 v7, v4;
	v6 =	vld [tilespmem:s14+$0x1C0]  }
0x337: {  	v7 =	vld [tilespmem:s14+$0x1D0]  }
0x338: {  	v3 =	vadd.f32 v5, v3;
	v4 =	vadd.f32 v8, v4;
	v5 =	vld [tilespmem:s14+$0x1E0]  }
0x339: {  	v8 =	vld [tilespmem:s14+$0x1F0]  }
0x33a: {  	v3 =	vadd.f32 v9, v3;
	v4 =	vadd.f32 v10, v4;
	v9 =	vld [tilespmem:s14+$0x200]  }
0x33b: {  	v10 =	vld [tilespmem:s14+$0x210]  }
0x33c: {  	v3 =	vadd.f32 v6, v3;
	v4 =	vadd.f32 v7, v4;
	v6 =	vld [tilespmem:s14+$0x220]  }
0x33d: {  	v7 =	vld [tilespmem:s14+$0x230]  }
0x33e: {  	v3 =	vadd.f32 v5, v3;
	v4 =	vadd.f32 v8, v4;
	v5 =	vld [tilespmem:s14+$0x240]  }
0x33f: {  	v8 =	vld [tilespmem:s14+$0x250]  }
0x340: {  	v3 =	vadd.f32 v9, v3;
	v4 =	vadd.f32 v10, v4;
	v9 =	vld [tilespmem:s14+$0x260]  }
0x341: {  	v10 =	vld [tilespmem:s14+$0x270]  }
0x342: {  	v3 =	vadd.f32 v6, v3;
	v4 =	vadd.f32 v7, v4;
	v6 =	vld [tilespmem:s14+$0x280]  }
0x343: {  	v7 =	vld [tilespmem:s14+$0x290]  }
0x344: {  	v3 =	vadd.f32 v5, v3;
	v4 =	vadd.f32 v8, v4;
	v5 =	vld [tilespmem:s14+$0x2A0]  }
0x345: {  	v8 =	vld [tilespmem:s14+$0x2B0]  }
0x346: {  	v3 =	vadd.f32 v9, v3;
	v4 =	vadd.f32 v10, v4;
	v9 =	vld [tilespmem:s14+$0x2C0]  }
0x347: {  	v10 =	vld [tilespmem:s14+$0x2D0]  }
0x348: {  	v3 =	vadd.f32 v6, v3;
	v4 =	vadd.f32 v7, v4;
	v6 =	vld [tilespmem:s14+$0x2E0]  }
0x349: {  	v7 =	vld [tilespmem:s14+$0x2F0]  }
0x34a: {  	v3 =	vadd.f32 v5, v3;
	v4 =	vadd.f32 v8, v4;
	v5 =	vld [tilespmem:s14+$0x300]  }
0x34b: {  	s11 =	sadd.s32 $0x20, s11;
	v8 =	vld [tilespmem:s14+$0x310]  }
0x34c: {  	v9 =	vadd.f32 v9, v3;
	v10 =	vadd.f32 v10, v4;
	v3 =	vld [tilespmem:s11+$0xFFFFFFF0]  }
0x34d: {  	s12 =	sadd.s32 $0x20, s12;
	v4 =	vld [tilespmem:s11+$0x0]  }
0x34e: {  	v6 =	vadd.f32 v6, v9;
	v7 =	vadd.f32 v7, v10;
	v12 =	vld [tilespmem:s12+$0xFFFFFFF0]  }
0x34f: {  	s13 =	sadd.s32 $0x20, s13;
	v13 =	vld [tilespmem:s12+$0x0]  }
0x350: {  	v10 =	vadd.f32 v5, v6;
	v7 =	vadd.f32 v8, v7;
	v5 =	vld [tilespmem:s13+$0xFFFFFFF0]  }
.Ltmp1:
0x351: {  	s14 =	sadd.s32 $0x640, s14;
	v6 =	vld [tilespmem:s13+$0x0];
	(pc) =	sbr.rel @p0 .LBB2_5-.Ltmp1, $4  }
0x352: {  	v8 =	vmul.f32 $1.999999960e-02, v10;
	v9 =	vld [tilespmem:s14+$0xFFFFFCE0];
	v14 =	vmul.f32 $1.999999960e-02, v7  }
0x353: {  	v10 =	vld [tilespmem:s14+$0xFFFFFCF0]  }
0x354: {  	v7 =	vadd.f32 v8, v12;
	v11 =	vld [tilespmem:s14+$0xFFFFFD00];
	v8 =	vadd.f32 v14, v13  }
0x355: {  	s15 =	sadd.s32 $0x1, s15;
	v12 =	vld [tilespmem:s14+$0xFFFFFD10]  }
0x356: {  	v13 =	vld [tilespmem:s14+$0xFFFFFD20]  }
0x357: {  	v14 =	vld [tilespmem:s14+$0xFFFFFD30]  }
0x358: {  	v15 =	vld [tilespmem:s14+$0xFFFFFD40]  }
0x359: {  	v16 =	vld [tilespmem:s14+$0xFFFFFD50]  }
0x35a: {  	v44 =	vld [tilespmem:s14+$0xFFFFFD60];
	v9 =	vadd.f32 v11, v9;
	v10 =	vadd.f32 v12, v10  }
0x35b: {  	v45 =	vld [tilespmem:s14+$0xFFFFFD70]  }
0x35c: {  	v46 =	vld [tilespmem:s14+$0xFFFFFD80];
	v9 =	vadd.f32 v13, v9;
	v10 =	vadd.f32 v14, v10  }
0x35d: {  	v47 =	vld [tilespmem:s14+$0xFFFFFD90]  }
0x35e: {  	v48 =	vld [tilespmem:s14+$0xFFFFFDA0];
	v9 =	vadd.f32 v15, v9;
	v10 =	vadd.f32 v16, v10  }
0x35f: {  	v49 =	vld [tilespmem:s14+$0xFFFFFDB0]  }
0x360: {  	v50 =	vld [tilespmem:s14+$0xFFFFFDC0];
	v9 =	vadd.f32 v44, v9;
	v10 =	vadd.f32 v45, v10  }
0x361: {  	v51 =	vld [tilespmem:s14+$0xFFFFFDD0]  }
0x362: {  	v52 =	vld [tilespmem:s14+$0xFFFFFDE0];
	v9 =	vadd.f32 v46, v9;
	v10 =	vadd.f32 v47, v10  }
0x363: {  	v53 =	vld [tilespmem:s14+$0xFFFFFDF0]  }
0x364: {  	v54 =	vld [tilespmem:s14+$0xFFFFFE00];
	v9 =	vadd.f32 v48, v9;
	v10 =	vadd.f32 v49, v10  }
0x365: {  	v55 =	vld [tilespmem:s14+$0xFFFFFE10]  }
0x366: {  	v56 =	vld [tilespmem:s14+$0xFFFFFE20];
	v9 =	vadd.f32 v50, v9;
	v10 =	vadd.f32 v51, v10  }
0x367: {  	v57 =	vld [tilespmem:s14+$0xFFFFFE30]  }
0x368: {  	v58 =	vld [tilespmem:s14+$0xFFFFFE40];
	v9 =	vadd.f32 v52, v9;
	v10 =	vadd.f32 v53, v10  }
0x369: {  	v59 =	vld [tilespmem:s14+$0xFFFFFE50]  }
0x36a: {  	v60 =	vld [tilespmem:s14+$0xFFFFFE60];
	v9 =	vadd.f32 v54, v9;
	v10 =	vadd.f32 v55, v10  }
0x36b: {  	v61 =	vld [tilespmem:s14+$0xFFFFFE70]  }
0x36c: {  	v62 =	vld [tilespmem:s14+$0xFFFFFE80];
	v9 =	vadd.f32 v56, v9;
	v10 =	vadd.f32 v57, v10  }
0x36d: {  	v63 =	vld [tilespmem:s14+$0xFFFFFE90]  }
0x36e: {  	v20 =	vld [tilespmem:s14+$0xFFFFFEA0];
	v9 =	vadd.f32 v58, v9;
	v10 =	vadd.f32 v59, v10  }
0x36f: {  	v21 =	vld [tilespmem:s14+$0xFFFFFEB0]  }
0x370: {  	v22 =	vld [tilespmem:s14+$0xFFFFFEC0];
	v9 =	vadd.f32 v60, v9;
	v10 =	vadd.f32 v61, v10  }
0x371: {  	v23 =	vld [tilespmem:s14+$0xFFFFFED0]  }
0x372: {  	v24 =	vld [tilespmem:s14+$0xFFFFFEE0];
	v9 =	vadd.f32 v62, v9;
	v10 =	vadd.f32 v63, v10  }
0x373: {  	v25 =	vld [tilespmem:s14+$0xFFFFFEF0]  }
0x374: {  	v26 =	vld [tilespmem:s14+$0xFFFFFF00];
	v9 =	vadd.f32 v20, v9;
	v10 =	vadd.f32 v21, v10  }
0x375: {  	v27 =	vld [tilespmem:s14+$0xFFFFFF10]  }
0x376: {  	v28 =	vld [tilespmem:s14+$0xFFFFFF20];
	v9 =	vadd.f32 v22, v9;
	v10 =	vadd.f32 v23, v10  }
0x377: {  	v29 =	vld [tilespmem:s14+$0xFFFFFF30]  }
0x378: {  	v30 =	vld [tilespmem:s14+$0xFFFFFF40];
	v9 =	vadd.f32 v24, v9;
	v10 =	vadd.f32 v25, v10  }
0x379: {  	v31 =	vld [tilespmem:s14+$0xFFFFFF50]  }
0x37a: {  	v32 =	vld [tilespmem:s14+$0xFFFFFF60];
	v9 =	vadd.f32 v26, v9;
	v10 =	vadd.f32 v27, v10  }
0x37b: {  	v33 =	vld [tilespmem:s14+$0xFFFFFF70]  }
0x37c: {  	v34 =	vld [tilespmem:s14+$0xFFFFFF80];
	v9 =	vadd.f32 v28, v9;
	v10 =	vadd.f32 v29, v10  }
0x37d: {  	v35 =	vld [tilespmem:s14+$0xFFFFFF90]  }
0x37e: {  	v36 =	vld [tilespmem:s14+$0xFFFFFFA0];
	v9 =	vadd.f32 v30, v9;
	v10 =	vadd.f32 v31, v10  }
0x37f: {  	v37 =	vld [tilespmem:s14+$0xFFFFFFB0]  }
0x380: {  	v38 =	vld [tilespmem:s14+$0xFFFFFFC0];
	v9 =	vadd.f32 v32, v9;
	v10 =	vadd.f32 v33, v10  }
0x381: {  	v39 =	vld [tilespmem:s14+$0xFFFFFFD0]  }
0x382: {  	v40 =	vld [tilespmem:s14+$0xFFFFFFE0];
	v9 =	vadd.f32 v34, v9;
	v10 =	vadd.f32 v35, v10  }
0x383: {  	v41 =	vld [tilespmem:s14+$0xFFFFFFF0]  }
0x384: {  	v42 =	vld [tilespmem:s14+$0x0];
	v9 =	vadd.f32 v36, v9;
	v10 =	vadd.f32 v37, v10  }
0x385: {  	v43 =	vld [tilespmem:s14+$0x10]  }
0x386: {  	v44 =	vld [tilespmem:s14+$0x20];
	v9 =	vadd.f32 v38, v9;
	v10 =	vadd.f32 v39, v10  }
0x387: {  	v45 =	vld [tilespmem:s14+$0x30]  }
0x388: {  	v46 =	vld [tilespmem:s14+$0x40];
	v9 =	vadd.f32 v40, v9;
	v10 =	vadd.f32 v41, v10  }
0x389: {  	v47 =	vld [tilespmem:s14+$0x50]  }
0x38a: {  	v48 =	vld [tilespmem:s14+$0x60];
	v9 =	vadd.f32 v42, v9;
	v10 =	vadd.f32 v43, v10  }
0x38b: {  	v49 =	vld [tilespmem:s14+$0x70]  }
0x38c: {  	v50 =	vld [tilespmem:s14+$0x80];
	v9 =	vadd.f32 v44, v9;
	v10 =	vadd.f32 v45, v10  }
0x38d: {  	v51 =	vld [tilespmem:s14+$0x90]  }
0x38e: {  	v52 =	vld [tilespmem:s14+$0xA0];
	v9 =	vadd.f32 v46, v9;
	v10 =	vadd.f32 v47, v10  }
0x38f: {  	v53 =	vld [tilespmem:s14+$0xB0]  }
0x390: {  	v54 =	vld [tilespmem:s14+$0xC0];
	v9 =	vadd.f32 v48, v9;
	v10 =	vadd.f32 v49, v10  }
0x391: {  	v55 =	vld [tilespmem:s14+$0xD0]  }
0x392: {  	v56 =	vld [tilespmem:s14+$0xE0];
	v9 =	vadd.f32 v50, v9;
	v10 =	vadd.f32 v51, v10  }
0x393: {  	v57 =	vld [tilespmem:s14+$0xF0]  }
0x394: {  	v58 =	vld [tilespmem:s14+$0x100];
	v9 =	vadd.f32 v52, v9;
	v10 =	vadd.f32 v53, v10  }
0x395: {  	v59 =	vld [tilespmem:s14+$0x110]  }
0x396: {  	v60 =	vld [tilespmem:s14+$0x120];
	v9 =	vadd.f32 v54, v9;
	v10 =	vadd.f32 v55, v10  }
0x397: {  	v61 =	vld [tilespmem:s14+$0x130]  }
0x398: {  	v62 =	vld [tilespmem:s14+$0x140];
	v9 =	vadd.f32 v56, v9;
	v10 =	vadd.f32 v57, v10  }
0x399: {  	v63 =	vld [tilespmem:s14+$0x150]  }
0x39a: {  	v20 =	vld [tilespmem:s14+$0x160];
	v9 =	vadd.f32 v58, v9;
	v10 =	vadd.f32 v59, v10  }
0x39b: {  	v21 =	vld [tilespmem:s14+$0x170]  }
0x39c: {  	v22 =	vld [tilespmem:s14+$0x180];
	v9 =	vadd.f32 v60, v9;
	v10 =	vadd.f32 v61, v10  }
0x39d: {  	v23 =	vld [tilespmem:s14+$0x190]  }
0x39e: {  	v24 =	vld [tilespmem:s14+$0x1A0];
	v9 =	vadd.f32 v62, v9;
	v10 =	vadd.f32 v63, v10  }
0x39f: {  	v25 =	vld [tilespmem:s14+$0x1B0]  }
0x3a0: {  	v26 =	vld [tilespmem:s14+$0x1C0];
	v9 =	vadd.f32 v20, v9;
	v10 =	vadd.f32 v21, v10  }
0x3a1: {  	v27 =	vld [tilespmem:s14+$0x1D0]  }
0x3a2: {  	v28 =	vld [tilespmem:s14+$0x1E0];
	v9 =	vadd.f32 v22, v9;
	v10 =	vadd.f32 v23, v10  }
0x3a3: {  	v29 =	vld [tilespmem:s14+$0x1F0]  }
0x3a4: {  	v30 =	vld [tilespmem:s14+$0x200];
	v9 =	vadd.f32 v24, v9;
	v10 =	vadd.f32 v25, v10  }
0x3a5: {  	v31 =	vld [tilespmem:s14+$0x210]  }
0x3a6: {  	v32 =	vld [tilespmem:s14+$0x220];
	v9 =	vadd.f32 v26, v9;
	v10 =	vadd.f32 v27, v10  }
0x3a7: {  	v33 =	vld [tilespmem:s14+$0x230]  }
0x3a8: {  	v34 =	vld [tilespmem:s14+$0x240];
	v9 =	vadd.f32 v28, v9;
	v10 =	vadd.f32 v29, v10  }
0x3a9: {  	v35 =	vld [tilespmem:s14+$0x250]  }
0x3aa: {  	v36 =	vld [tilespmem:s14+$0x260];
	v9 =	vadd.f32 v30, v9;
	v10 =	vadd.f32 v31, v10  }
0x3ab: {  	v37 =	vld [tilespmem:s14+$0x270]  }
0x3ac: {  	v38 =	vld [tilespmem:s14+$0x280];
	v9 =	vadd.f32 v32, v9;
	v10 =	vadd.f32 v33, v10  }
0x3ad: {  	v39 =	vld [tilespmem:s14+$0x290]  }
0x3ae: {  	v40 =	vld [tilespmem:s14+$0x2A0];
	v9 =	vadd.f32 v34, v9;
	v10 =	vadd.f32 v35, v10  }
0x3af: {  	v41 =	vld [tilespmem:s14+$0x2B0]  }
0x3b0: {  	v42 =	vld [tilespmem:s14+$0x2C0];
	v9 =	vadd.f32 v36, v9;
	v10 =	vadd.f32 v37, v10  }
0x3b1: {  	v43 =	vld [tilespmem:s14+$0x2D0]  }
0x3b2: {  	v44 =	vld [tilespmem:s14+$0x2E0];
	v9 =	vadd.f32 v38, v9;
	v10 =	vadd.f32 v39, v10  }
0x3b3: {  	v45 =	vld [tilespmem:s14+$0x2F0]  }
0x3b4: {  	v46 =	vld [tilespmem:s14+$0x300];
	v9 =	vadd.f32 v40, v9;
	v10 =	vadd.f32 v41, v10  }
0x3b5: {  	v47 =	vld [tilespmem:s14+$0x310]  }
0x3b6: {  	s11 =	sadd.s32 $0x20, s11;
	v9 =	vadd.f32 v42, v9;
	v10 =	vadd.f32 v43, v10  }
0x3b7: {  	s12 =	sadd.s32 $0x20, s12;
	v48 =	vld [tilespmem:s11+$0xFFFFFFF0]  }
0x3b8: {  	v49 =	vld [tilespmem:s12+$0xFFFFFFF0];
	v9 =	vadd.f32 v44, v9;
	v10 =	vadd.f32 v45, v10  }
0x3b9: {  	s16 =	sadd.s32 $0x20, s13;
	v50 =	vld [tilespmem:s12+$0x0]  }
0x3ba: {  	v51 =	vld [tilespmem:s16+$0xFFFFFFF0];
	v9 =	vadd.f32 v46, v9;
	v10 =	vadd.f32 v47, v10  }
0x3bb: {  	v52 =	vld [tilespmem:s16+$0x0]  }
0x3bc: {  	v53 =	vld [tilespmem:s11+$0x0];
	v9 =	vmul.f32 $1.999999960e-02, v9;
	v10 =	vmul.f32 $1.999999960e-02, v10  }
0x3bd: {  	v5 =	vmul.f32 v5, v7  }
0x3be: {  	v6 =	vmul.f32 v6, v8;
	v9 =	vadd.f32 v9, v49;
	v10 =	vadd.f32 v10, v50  }
0x3bf: {  	v3 =	vmul.f32 v3, v7;
	v4 =	vmul.f32 v4, v8  }
0x3c0: {  	v5 =	vadd.f32 v6, v5;
	v54 =	vmul.f32 v51, v9;
	v55 =	vmul.f32 v52, v10  }
0x3c1: {  	v3 =	vadd.f32 v4, v3;
	v56 =	vmul.f32 v48, v9;
	v57 =	vmul.f32 v53, v10  }
0x3c2: {  	(xrf2) =	vadd.scan.msk.f32 $0xffff, v5;
	v58 =	vadd.f32 v55, v54  }
0x3c3: {  	(xrf2) =	vadd.scan.msk.f32 $0xffff, v3;
	v3 =	vadd.f32 v57, v56  }
0x3c4: {  	(xrf2) =	vadd.scan.msk.f32 $0xffff, v58  }
0x3c5: {  	(xrf2) =	vadd.scan.msk.f32 $0xffff, v3;
	_ =	sdelay $0x6  }
0x3c6: {  	v3, _, _ =	vpop (xrf2)  }
0x3c7: {  	s31 =	sadd.s32 $0x1, s31;
	v60 =	vmov s5;
	v59, _, _ =	vpop (xrf2)  }
0x3c8: {  	p0 =	sne.s32 s31, $0x10;
	vm0 =	veq.s32 v60, v0;
	v3 =	vbroadcast v3, $0xF;
	v5, _, _ =	vpop (xrf2)  }
.Ltmp2:
0x3c9: {  	v62 =	vmov s10;
	v4 =	vbroadcast v59, $0xF;
	v61, _, _ =	vpop (xrf2);
	v63 =	vbroadcast v5, $0xF;
	(pc) =	sbr.rel @p0 .LBB2_2-.Ltmp2, $4  }
0x3ca: {  	vm1 =	veq.s32 v62, v0;
	v1 =	vsel vm0, v3, v1;
	v7 =	vbroadcast v61, $0xF  }
0x3cb: {  	v2 =	vsel vm0, v4, v2;
	v1 =	vsel vm1, v63, v1  }
0x3cc: {  	v2 =	vsel vm1, v7, v2;
	[tilespmem:s0+$0x200] =	vst v1  }
0x3cd: {  	[tilespmem:s0+$0x0] =	vst v2  }
0x3ce: {  	_ =	swait.ge [sflag:s29], $0x200  }
0x3cf: {  	[sflag:s29] =	ssyncset.done $0x0  }
0x3d0: {  	[sflag:s29] =	ssyncadd.s32 $0xFFFFFE00  }
0x3d1: {  	_ =	swait.ge [sflag:s29], $0x200  }
0x3d2: {  	[sflag:s29] =	ssyncset.done $0x0  }
0x3d3: {  	[sflag:s29] =	ssyncadd.s32 $0xFFFFFE00  }
0x3d4: {  	_ =	swait.ge [sflag:s29], $0x200  }
0x3d5: {  	[sflag:s29] =	ssyncset.done $0x0  }
0x3d6: {  	[sflag:s29] =	ssyncadd.s32 $0xFFFFFE00  }
0x3d7: {  	_ =	swait.ge [sflag:s29], $0x640  }
0x3d8: {  	[sflag:s29] =	ssyncset.done $0x0  }
0x3d9: {  	[sflag:s29] =	ssyncadd.s32 $0xFFFFF9C0  }
0x3da: {  	_ =	swait.ge [sflag:s29], $0x640  }
0x3db: {  	[sflag:s29] =	ssyncset.done $0x0  }
0x3dc: {  	[sflag:s29] =	ssyncadd.s32 $0xFFFFF9C0  }
0x3dd: {  	_ =	swait.ge [sflag:s29], $0x640  }
0x3de: {  	[sflag:s29] =	ssyncset.done $0x0  }
0x3df: {  	[sflag:s29] =	ssyncadd.s32 $0xFFFFF9C0  }
0x3e0: {  	_ =	swait.ge [sflag:s29], $0x640  }
0x3e1: {  	[sflag:s29] =	ssyncset.done $0x0  }
0x3e2: {  	[sflag:s29] =	ssyncadd.s32 $0xFFFFF9C0  }
0x3e3: {  	_ =	swait.ge [sflag:s29], $0x640  }
0x3e4: {  	[sflag:s29] =	ssyncset.done $0x0  }
0x3e5: {  	[sflag:s29] =	ssyncadd.s32 $0xFFFFF9C0  }
0x3e6: {  	_ =	swait.ge [sflag:s29], $0x640  }
0x3e7: {  	[sflag:s29] =	ssyncset.done $0x0  }
0x3e8: {  	[sflag:s29] =	ssyncadd.s32 $0xFFFFF9C0  }
0x3e9: {  	_ =	swait.ge [sflag:s29], $0x640  }
0x3ea: {  	[sflag:s29] =	ssyncset.done $0x0  }
0x3eb: {  	[sflag:s29] =	ssyncadd.s32 $0xFFFFF9C0  }
0x3ec: {  	_ =	swait.ge [sflag:s29], $0x640  }
0x3ed: {  	[sflag:s29] =	ssyncset.done $0x0  }
0x3ee: {  	[sflag:s29] =	ssyncadd.s32 $0xFFFFF9C0  }
0x3ef: {  	_ =	swait.ge [sflag:s29], $0x640  }
0x3f0: {  	[sflag:s29] =	ssyncset.done $0x0  }
0x3f1: {  	[sflag:s29] =	ssyncadd.s32 $0xFFFFF9C0  }
0x3f2: {  	_ =	swait.ge [sflag:s29], $0x640  }
0x3f3: {  	[sflag:s29] =	ssyncset.done $0x0  }
0x3f4: {  	[sflag:s29] =	ssyncadd.s32 $0xFFFFF9C0  }
0x3f5: {  	_ =	swait.ge [sflag:s29], $0x640  }
0x3f6: {  	[sflag:s29] =	ssyncset.done $0x0  }
0x3f7: {  	[sflag:s29] =	ssyncadd.s32 $0xFFFFF9C0  }
0x3f8: {  	_ =	swait.ge [sflag:s29], $0x640  }
0x3f9: {  	[sflag:s29] =	ssyncset.done $0x0  }
0x3fa: {  	[sflag:s29] =	ssyncadd.s32 $0xFFFFF9C0  }
0x3fb: {  	_ =	swait.ge [sflag:s29], $0x640  }
0x3fc: {  	[sflag:s29] =	ssyncset.done $0x0  }
0x3fd: {  	[sflag:s29] =	ssyncadd.s32 $0xFFFFF9C0  }
0x3fe: {  	_ =	swait.ge [sflag:s29], $0x640  }
0x3ff: {  	[sflag:s29] =	ssyncset.done $0x0  }
0x400: {  	[sflag:s29] =	ssyncadd.s32 $0xFFFFF9C0  }
0x401: {  	_ =	swait.ge [sflag:s29], $0x640  }
0x402: {  	[sflag:s29] =	ssyncset.done $0x0  }
0x403: {  	[sflag:s29] =	ssyncadd.s32 $0xFFFFF9C0  }
0x404: {  	_ =	swait.ge [sflag:s29], $0x640  }
0x405: {  	[sflag:s29] =	ssyncset.done $0x0  }
0x406: {  	s12 =	simm.s32 $0x0;
	s0 =	rddreg [dreg:$0xa];
	[sflag:s29] =	ssyncadd.s32 $0xFFFFF9C0  }
0x407: {  	[hbm4b:s0+s12] =	stream.linear.scatter [tilespmem:s12], [sflag:$0x3], $0x200, $0x38;
	[tilespmem:$0xDF60] =	vst v63  }
0x408: {  	_ =	swait.ge [sflag:s18], $0x200  }
0x409: {  	[sflag:s18] =	ssyncset.done $0x0  }
0x40a: {  	s5 =	simm.s32 $0x200;
	s15 =	rddreg [dreg:$0xb];
	[sflag:s18] =	ssyncadd.s32 $0xFFFFFE00  }
0x40b: {  	[hbm4b:s15+s12] =	stream.linear.scatter [tilespmem:s5], [sflag:$0x3], $0x200, $0x38;
	[tilespmem:$0xDF60] =	vst v63  }
0x40c: {  	_ =	swait.ge [sflag:s18], $0x200  }
0x40d: {  	s16 =	rddreg [dreg:$0xd]  }
0x40e: {  	s31 =	rddreg [dreg:$0xc];
	s5 =	sadd.s32 $0x1, s16  }
0x40f: {  	p0 =	sne.s32 s5, s31  }
.Ltmp3:
0x410: {  	_ = 	snop;
	(pc) =	sbr.rel @p0 .LBB2_1-.Ltmp3, $3  }
0x411: {  	_ =	sdelay $0x1  }
0x412: {  	[sflag:s18] =	ssyncset.done $0x0  }
0x413: {  	[sflag:s18] =	ssyncadd.s32 $0xFFFFFE00  }
0x414: {  	_ =	sfence.sel $0x180000  }
0x415: {  	[bflag:$0x0] =	sbarrier.arrive $0xFFFF  }
0x416: {  	_ =	strace $0x9000004A  }
0x417: {  	s0 =	stileid.u32;
	[bflag:$0x2] =	sbarrier.arrive $0xFFFF  }
0x418: {  	p0 =	sne.s32 s0, $0x0;
	s0 =	rddreg [dreg:$0x5]  }
0x419: {  	s0 =	sadd.s32 @!p0 $0x100000, s0  }
0x41a: {  	[sflag:s0] =	ssyncadd.tile.s32 @!p0 $0x1;
	_ =	shalt  }
.Lfunc_end2:
_tile_overlayer_lowered:
.L_overlay_start_2:
0x41b: {  	(tag) =	ssettag $0x2  }
0x41c: {  	s0 =	rddreg [dreg:$0x0];
	s2 =	stileid.u32  }
0x41d: {  	s1 =	rddreg [dreg:$0x1];
	p0 =	sne.s32 s2, $0x0  }
0x41e: {  	s3 =	rddreg [dreg:$0x2];
	[bflag:$0x3] =	sbarrier.arrive $0xFFFF;
	s2 =	simm.s32 @!p0 $0x1C03  }
0x41f: {  	[timem:s3], [sflag:s2] =	dma.local @!p0 [hbm:s0], s1  }
0x420: {  	s0 =	simm.s32 @!p0 $0x3  }
0x421: {  	_ =	swait.ge @!p0 [sflag:s0], s1  }
0x422: {  	s1 =	ssub.s32 @!p0 $0x0, s1;
	[sflag:s0] =	ssyncset.done @!p0 $0x0  }
0x423: {  	[sflag:s0] =	ssyncadd.s32 @!p0 s1  }
0x424: {  	[bflag:$0x3] =	sbarrier.arrive $0xFFFF  }
0x425: {  	_ =	shalt  }

</sc_bundles>
